<compile_context>
chip_gen: v7x
topology: tpu7x:2x2x1
jax: 0.10.2.dev20260603
libtpu: 0.0.44.dev20260713+nightly
codegen_flags: <defaults>
</compile_context>

<pallas_src>
import jax
import jax.numpy as jnp
from jax import lax
from jax.experimental import pallas as pl
from jax.experimental.pallas import tpu as pltpu
from jax.experimental.pallas import tpu_sc as plsc

N = 10000
E = 320000
H = 128

NC = 2
NS = 16
NW = NC * NS
CHUNK = 128
NCH = 40
NROUND = 4
K0 = 3
E_PAD = NS * NROUND * NCH * CHUNK
N_PAD = 10240
RPT = N_PAD // NS

_MESH = plsc.VectorSubcoreMesh(
    core_axis_name="c", subcore_axis_name="s", num_cores=NC, num_subcores=NS
)


def _agg_body(tab_hbm, src_hbm, dst_hbm, zer_hbm, out_hbm,
              src_v, dst_v, buf_a, buf_b, acc_sh, sem_a, sem_b):
    cid = lax.axis_index("c")
    sid = lax.axis_index("s")

    pltpu.sync_copy(zer_hbm, buf_a)
    for r in range(RPT // CHUNK):
        pltpu.sync_copy(buf_a, acc_sh.at[pl.ds(sid * RPT + r * CHUNK, CHUNK)])
    plsc.subcore_barrier()

    def run_round(r):
        pltpu.sync_copy(src_hbm.at[sid, pl.ds(r * NCH, NCH)], src_v)
        pltpu.sync_copy(dst_hbm.at[sid, pl.ds(r * NCH, NCH)], dst_v)

        pltpu.async_copy(tab_hbm.at[src_v.at[0]], buf_a, sem_a)

        def pair(i, _):
            pltpu.async_copy(tab_hbm.at[src_v.at[2 * i + 1]], buf_b, sem_b)
            pltpu.make_async_copy(tab_hbm.at[src_v.at[2 * i]], buf_a, sem_a).wait()
            pltpu.sync_copy(buf_a, acc_sh.at[dst_v.at[2 * i]], add=True)
            pltpu.async_copy(tab_hbm.at[src_v.at[2 * i + 2]], buf_a, sem_a)
            pltpu.make_async_copy(tab_hbm.at[src_v.at[2 * i + 1]], buf_b, sem_b).wait()
            pltpu.sync_copy(buf_b, acc_sh.at[dst_v.at[2 * i + 1]], add=True)
            return 0

        lax.fori_loop(0, NCH // 2 - 1, pair, 0)

        last = NCH - 2
        pltpu.async_copy(tab_hbm.at[src_v.at[last + 1]], buf_b, sem_b)
        pltpu.make_async_copy(tab_hbm.at[src_v.at[last]], buf_a, sem_a).wait()
        pltpu.sync_copy(buf_a, acc_sh.at[dst_v.at[last]], add=True)
        pltpu.make_async_copy(tab_hbm.at[src_v.at[last + 1]], buf_b, sem_b).wait()
        pltpu.sync_copy(buf_b, acc_sh.at[dst_v.at[last + 1]], add=True)

    @pl.when(cid == 0)
    def _():
        for r in range(K0):
            run_round(r)

    @pl.when(cid == 1)
    def _():
        for r in range(K0, NROUND):
            run_round(r)

    plsc.subcore_barrier()

    for r in range(RPT // CHUNK):
        off = sid * RPT + r * CHUNK
        pltpu.sync_copy(acc_sh.at[pl.ds(off, CHUNK)], buf_a)
        pltpu.sync_copy(buf_a, out_hbm.at[cid, pl.ds(off, CHUNK)])


def _cnt_body(one_hbm, dst_hbm, zer_hbm, out_hbm, dst_v, buf_a, acc_sh):
    cid = lax.axis_index("c")
    sid = lax.axis_index("s")

    pltpu.sync_copy(zer_hbm, buf_a)
    for r in range(RPT // CHUNK):
        pltpu.sync_copy(buf_a, acc_sh.at[pl.ds(sid * RPT + r * CHUNK, CHUNK)])
    plsc.subcore_barrier()

    pltpu.sync_copy(one_hbm, buf_a)

    def run_round(r):
        pltpu.sync_copy(dst_hbm.at[sid, pl.ds(r * NCH, NCH)], dst_v)

        def chunk(i, _):
            pltpu.sync_copy(buf_a, acc_sh.at[dst_v.at[i]], add=True)
            return 0

        lax.fori_loop(0, NCH, chunk, 0)

    @pl.when(cid == 0)
    def _():
        for r in range(K0):
            run_round(r)

    @pl.when(cid == 1)
    def _():
        for r in range(K0, NROUND):
            run_round(r)

    plsc.subcore_barrier()

    for r in range(RPT // CHUNK):
        off = sid * RPT + r * CHUNK
        pltpu.sync_copy(acc_sh.at[pl.ds(off, CHUNK)], buf_a)
        pltpu.sync_copy(buf_a, out_hbm.at[cid, pl.ds(off, CHUNK)])


_cnt_call = pl.kernel(
    _cnt_body,
    out_type=jax.ShapeDtypeStruct((NC, N_PAD, H), jnp.float32),
    mesh=_MESH,
    scratch_types=[
        pltpu.VMEM((NCH, CHUNK), jnp.int32),
        pltpu.VMEM((CHUNK, H), jnp.float32),
        pltpu.VMEM_SHARED((N_PAD, H), jnp.float32),
    ],
)


_agg_call = pl.kernel(
    _agg_body,
    out_type=jax.ShapeDtypeStruct((NC, N_PAD, H), jnp.float32),
    mesh=_MESH,
    scratch_types=[
        pltpu.VMEM((NCH, CHUNK), jnp.int32),
        pltpu.VMEM((NCH, CHUNK), jnp.int32),
        pltpu.VMEM((CHUNK, H), jnp.float32),
        pltpu.VMEM((CHUNK, H), jnp.float32),
        pltpu.VMEM_SHARED((N_PAD, H), jnp.float32),
        pltpu.SemaphoreType.DMA,
        pltpu.SemaphoreType.DMA,
    ],
)

BN = 1000
_GRID = (N // BN,)


def _dinv_block(cnt_ref):
    d = cnt_ref[0, :, 0] + cnt_ref[1, :, 0] + 1.0
    return lax.rsqrt(d)


def _tc1_body(cnt_ref, x_ref, w_ref, o_ref):
    dinv = _dinv_block(cnt_ref)
    s = jnp.dot(x_ref[...], w_ref[...], preferred_element_type=jnp.float32,
                precision=lax.Precision.HIGHEST)
    o_ref[...] = s * dinv[:, None]


def _tc2_body(cnt_ref, acc_ref, s_ref, b_ref, w_ref, o_ref):
    dinv = _dinv_block(cnt_ref)
    h = dinv[:, None] * (acc_ref[0] + acc_ref[1] + s_ref[...]) + b_ref[0]
    h = jnp.maximum(h, 0.0)
    o_ref[...] = jnp.dot(h, w_ref[...], preferred_element_type=jnp.float32,
                         precision=lax.Precision.HIGHEST) * dinv[:, None]


def _tc3_body(cnt_ref, acc_ref, s_ref, b_ref, o_ref):
    dinv = _dinv_block(cnt_ref)
    h = dinv[:, None] * (acc_ref[0] + acc_ref[1] + s_ref[...]) + b_ref[0]
    o_ref[...] = jnp.maximum(h, 0.0)


_CNT_SPEC = pl.BlockSpec((NC, BN, H), lambda i: (0, i, 0))
_ACC_SPEC = pl.BlockSpec((NC, BN, H), lambda i: (0, i, 0))
_ROW_SPEC = pl.BlockSpec((BN, H), lambda i: (i, 0))
_W_SPEC = pl.BlockSpec((H, H), lambda i: (0, 0))
_B_SPEC = pl.BlockSpec((1, H), lambda i: (0, 0))

_tc1 = pl.pallas_call(
    _tc1_body,
    grid=_GRID,
    in_specs=[_CNT_SPEC, _ROW_SPEC, _W_SPEC],
    out_specs=_ROW_SPEC,
    out_shape=jax.ShapeDtypeStruct((N, H), jnp.float32),
)

_tc2 = pl.pallas_call(
    _tc2_body,
    grid=_GRID,
    in_specs=[_CNT_SPEC, _ACC_SPEC, _ROW_SPEC, _B_SPEC, _W_SPEC],
    out_specs=_ROW_SPEC,
    out_shape=jax.ShapeDtypeStruct((N, H), jnp.float32),
)

_tc3 = pl.pallas_call(
    _tc3_body,
    grid=_GRID,
    in_specs=[_CNT_SPEC, _ACC_SPEC, _ROW_SPEC, _B_SPEC],
    out_specs=_ROW_SPEC,
    out_shape=jax.ShapeDtypeStruct((N, H), jnp.float32),
)


@jax.jit
def kernel(x, adj, W1, b1, W2, b2):
    pad = E_PAD - E
    src_r = jnp.concatenate(
        [adj[0], jnp.zeros((pad,), jnp.int32)]).reshape(NS, NROUND * NCH, CHUNK)
    pad_dst = N + (jnp.arange(pad, dtype=jnp.int32) % 128)
    dst_r = jnp.concatenate([adj[1], pad_dst]).reshape(NS, NROUND * NCH, CHUNK)
    zer = jnp.zeros((CHUNK, H), jnp.float32)

    one = jnp.ones((CHUNK, H), jnp.float32)
    cnt = _cnt_call(one, dst_r, zer)
    s1 = _tc1(cnt, x, W1)
    acc1 = _agg_call(s1, src_r, dst_r, zer)
    s2 = _tc2(cnt, acc1, s1, b1.reshape(1, H), W2)
    acc2 = _agg_call(s2, src_r, dst_r, zer)
    return _tc3(cnt, acc2, s2, b2.reshape(1, H))

# --- scband reference (transcript-rebuilt; emitter-appended) ---
"""Pipeline reference for scband-encoder-54107997995610 (READ-ONLY COPY).

The authoritative reference and input builder live on the scoring server;
editing this copy changes nothing except your own understanding.
"""

import jax, jax.numpy as jnp
import numpy as np

N = 10000
E = 320000
F_IN = 128
H = 128


def setup_inputs(seed: int = 0) -> dict:
    key = jax.random.key(seed)
    k1, k2, k3, k4 = jax.random.split(key, 4)
    x = jax.random.normal(k1, (N, F_IN), dtype=jnp.float32)
    adj = jax.random.randint(k2, (2, E), 0, N, dtype=jnp.int32)
    W1 = jax.random.normal(k3, (F_IN, H), dtype=jnp.float32) * (1.0 / np.sqrt(F_IN))
    b1 = jnp.zeros((H,), dtype=jnp.float32)
    W2 = jax.random.normal(k4, (H, H), dtype=jnp.float32) * (1.0 / np.sqrt(H))
    b2 = jnp.zeros((H,), dtype=jnp.float32)
    return {"x": x, "adj": adj, "W1": W1, "b1": b1, "W2": W2, "b2": b2}


def _gcn_layer(h, adj, W, b, num_nodes):
    # support = X W
    support = h @ W
    src = adj[0]
    dst = adj[1]
    # add self loops (standard GCN)
    loop = jnp.arange(num_nodes, dtype=src.dtype)
    src = jnp.concatenate([src, loop])
    dst = jnp.concatenate([dst, loop])
    # symmetric degree normalization D^-1/2 A D^-1/2
    deg = jnp.zeros((num_nodes,), dtype=support.dtype).at[dst].add(1.0)
    deg_inv_sqrt = 1.0 / jnp.sqrt(jnp.clip(deg, 1.0))
    norm = deg_inv_sqrt[src] * deg_inv_sqrt[dst]
    # gather messages from src, scale, scatter-add into dst
    msgs = support[src] * norm[:, None]
    out = jnp.zeros((num_nodes, support.shape[1]), dtype=support.dtype).at[dst].add(msgs)
    return out + b


def reference(x, adj, W1, b1, W2, b2):
    num_nodes = x.shape[0]
    h = jax.nn.relu(_gcn_layer(x, adj, W1, b1, num_nodes))
    # dropout is identity in eval mode
    h = jax.nn.relu(_gcn_layer(h, adj, W2, b2, num_nodes))
    return h

if __name__ == "__main__":
    import jax
    _d = setup_inputs()
    print(jax.jit(kernel)(*tuple(_d.values())))

</pallas_src>

<mosaic_0001>
#map = affine_map<(d0, d1) -> (0, 0)>
#map1 = affine_map<(d0, d1) -> (0, 0, 0)>
module attributes {stable_mosaic.version = 14 : i64} {
  func.func @_cnt_body(%arg0: i32, %arg1: i32, %arg2: memref<128x128xf32, #tpu.memory_space<hbm>>, %arg3: memref<16x160x128xi32, #tpu.memory_space<hbm>>, %arg4: memref<128x128xf32, #tpu.memory_space<hbm>>, %arg5: memref<2x10240x128xf32, #tpu.memory_space<hbm>>, %arg6: memref<40x128xi32, #tpu.memory_space<vmem>>, %arg7: memref<128x128xf32, #tpu.memory_space<vmem>>, %arg8: memref<10240x128xf32, #tpu.memory_space<vmem_shared>>) attributes {dimension_semantics = [#tpu.dimension_semantics<core_parallel>, #tpu.dimension_semantics<subcore_parallel>], iteration_bounds = array<i64: 2, 16>, scalar_prefetch = 0 : i64, scratch_operands = 3 : i64, tpu.core_type = #tpu.core_type<sc_vector_subcore>, window_params = [{transform_indices = #map}, {transform_indices = #map1}, {transform_indices = #map}, {transform_indices = #map1}]} {
    "tpu.region"() ({
      %run_scoped3A = tpu.sem_alloc : memref<!tpu.dma_semaphore, #tpu.memory_space<semaphore_mem>>
      tpu.enqueue_dma source(%arg4 : memref<128x128xf32, #tpu.memory_space<hbm>>) target(%arg7 : memref<128x128xf32, #tpu.memory_space<vmem>>) target_semaphore(%run_scoped3A : memref<!tpu.dma_semaphore, #tpu.memory_space<semaphore_mem>>)
      tpu.wait_dma2 semaphore(%run_scoped3A : memref<!tpu.dma_semaphore, #tpu.memory_space<semaphore_mem>>) src(%arg4 : memref<128x128xf32, #tpu.memory_space<hbm>>) dst(%arg7 : memref<128x128xf32, #tpu.memory_space<vmem>>)
      tpu.yield
    }) : () -> ()
    %mul3A = arith.constant 640 : i32
    %mul3A_0 = arith.muli %arg1, %mul3A : i32
    %add3A = arith.constant 0 : i32
    %add3A_1 = arith.addi %mul3A_0, %add3A : i32
    "tpu.region"() ({
      %run_scoped3A = tpu.sem_alloc : memref<!tpu.dma_semaphore, #tpu.memory_space<semaphore_mem>>
      %dma_start3A = arith.constant 0 : i32
      %dma_start3A_46 = tpu.memref_slice %arg8[%add3A_1, %dma_start3A] : memref<10240x128xf32, #tpu.memory_space<vmem_shared>> -> memref<128x128xf32, #tpu.memory_space<vmem_shared>>
      %dma_start3A_47 = arith.constant 0 : i32
      %dma_start3A_48 = tpu.memref_slice %arg8[%add3A_1, %dma_start3A_47] : memref<10240x128xf32, #tpu.memory_space<vmem_shared>> -> memref<128x128xf32, #tpu.memory_space<vmem_shared>>
      tpu.enqueue_dma source(%arg7 : memref<128x128xf32, #tpu.memory_space<vmem>>) target(%dma_start3A_48 : memref<128x128xf32, #tpu.memory_space<vmem_shared>>) target_semaphore(%run_scoped3A : memref<!tpu.dma_semaphore, #tpu.memory_space<semaphore_mem>>)
      %dma_wait3A = arith.constant 0 : i32
      %dma_wait3A_49 = tpu.memref_slice %arg8[%add3A_1, %dma_wait3A] : memref<10240x128xf32, #tpu.memory_space<vmem_shared>> -> memref<128x128xf32, #tpu.memory_space<vmem_shared>>
      %dma_wait3A_50 = arith.constant 0 : i32
      %dma_wait3A_51 = tpu.memref_slice %arg8[%add3A_1, %dma_wait3A_50] : memref<10240x128xf32, #tpu.memory_space<vmem_shared>> -> memref<128x128xf32, #tpu.memory_space<vmem_shared>>
      tpu.wait_dma2 semaphore(%run_scoped3A : memref<!tpu.dma_semaphore, #tpu.memory_space<semaphore_mem>>) src(%arg7 : memref<128x128xf32, #tpu.memory_space<vmem>>) dst(%dma_wait3A_51 : memref<128x128xf32, #tpu.memory_space<vmem_shared>>)
      tpu.yield
    }) : () -> ()
    %mul3A_2 = arith.constant 640 : i32
    %mul3A_3 = arith.muli %arg1, %mul3A_2 : i32
    %add3A_4 = arith.constant 128 : i32
    %add3A_5 = arith.addi %mul3A_3, %add3A_4 : i32
    "tpu.region"() ({
      %run_scoped3A = tpu.sem_alloc : memref<!tpu.dma_semaphore, #tpu.memory_space<semaphore_mem>>
      %dma_start3A = arith.constant 0 : i32
      %dma_start3A_46 = tpu.memref_slice %arg8[%add3A_5, %dma_start3A] : memref<10240x128xf32, #tpu.memory_space<vmem_shared>> -> memref<128x128xf32, #tpu.memory_space<vmem_shared>>
      %dma_start3A_47 = arith.constant 0 : i32
      %dma_start3A_48 = tpu.memref_slice %arg8[%add3A_5, %dma_start3A_47] : memref<10240x128xf32, #tpu.memory_space<vmem_shared>> -> memref<128x128xf32, #tpu.memory_space<vmem_shared>>
      tpu.enqueue_dma source(%arg7 : memref<128x128xf32, #tpu.memory_space<vmem>>) target(%dma_start3A_48 : memref<128x128xf32, #tpu.memory_space<vmem_shared>>) target_semaphore(%run_scoped3A : memref<!tpu.dma_semaphore, #tpu.memory_space<semaphore_mem>>)
      %dma_wait3A = arith.constant 0 : i32
      %dma_wait3A_49 = tpu.memref_slice %arg8[%add3A_5, %dma_wait3A] : memref<10240x128xf32, #tpu.memory_space<vmem_shared>> -> memref<128x128xf32, #tpu.memory_space<vmem_shared>>
      %dma_wait3A_50 = arith.constant 0 : i32
      %dma_wait3A_51 = tpu.memref_slice %arg8[%add3A_5, %dma_wait3A_50] : memref<10240x128xf32, #tpu.memory_space<vmem_shared>> -> memref<128x128xf32, #tpu.memory_space<vmem_shared>>
      tpu.wait_dma2 semaphore(%run_scoped3A : memref<!tpu.dma_semaphore, #tpu.memory_space<semaphore_mem>>) src(%arg7 : memref<128x128xf32, #tpu.memory_space<vmem>>) dst(%dma_wait3A_51 : memref<128x128xf32, #tpu.memory_space<vmem_shared>>)
      tpu.yield
    }) : () -> ()
    %mul3A_6 = arith.constant 640 : i32
    %mul3A_7 = arith.muli %arg1, %mul3A_6 : i32
    %add3A_8 = arith.constant 256 : i32
    %add3A_9 = arith.addi %mul3A_7, %add3A_8 : i32
    "tpu.region"() ({
      %run_scoped3A = tpu.sem_alloc : memref<!tpu.dma_semaphore, #tpu.memory_space<semaphore_mem>>
      %dma_start3A = arith.constant 0 : i32
      %dma_start3A_46 = tpu.memref_slice %arg8[%add3A_9, %dma_start3A] : memref<10240x128xf32, #tpu.memory_space<vmem_shared>> -> memref<128x128xf32, #tpu.memory_space<vmem_shared>>
      %dma_start3A_47 = arith.constant 0 : i32
      %dma_start3A_48 = tpu.memref_slice %arg8[%add3A_9, %dma_start3A_47] : memref<10240x128xf32, #tpu.memory_space<vmem_shared>> -> memref<128x128xf32, #tpu.memory_space<vmem_shared>>
      tpu.enqueue_dma source(%arg7 : memref<128x128xf32, #tpu.memory_space<vmem>>) target(%dma_start3A_48 : memref<128x128xf32, #tpu.memory_space<vmem_shared>>) target_semaphore(%run_scoped3A : memref<!tpu.dma_semaphore, #tpu.memory_space<semaphore_mem>>)
      %dma_wait3A = arith.constant 0 : i32
      %dma_wait3A_49 = tpu.memref_slice %arg8[%add3A_9, %dma_wait3A] : memref<10240x128xf32, #tpu.memory_space<vmem_shared>> -> memref<128x128xf32, #tpu.memory_space<vmem_shared>>
      %dma_wait3A_50 = arith.constant 0 : i32
      %dma_wait3A_51 = tpu.memref_slice %arg8[%add3A_9, %dma_wait3A_50] : memref<10240x128xf32, #tpu.memory_space<vmem_shared>> -> memref<128x128xf32, #tpu.memory_space<vmem_shared>>
      tpu.wait_dma2 semaphore(%run_scoped3A : memref<!tpu.dma_semaphore, #tpu.memory_space<semaphore_mem>>) src(%arg7 : memref<128x128xf32, #tpu.memory_space<vmem>>) dst(%dma_wait3A_51 : memref<128x128xf32, #tpu.memory_space<vmem_shared>>)
      tpu.yield
    }) : () -> ()
    %mul3A_10 = arith.constant 640 : i32
    %mul3A_11 = arith.muli %arg1, %mul3A_10 : i32
    %add3A_12 = arith.constant 384 : i32
    %add3A_13 = arith.addi %mul3A_11, %add3A_12 : i32
    "tpu.region"() ({
      %run_scoped3A = tpu.sem_alloc : memref<!tpu.dma_semaphore, #tpu.memory_space<semaphore_mem>>
      %dma_start3A = arith.constant 0 : i32
      %dma_start3A_46 = tpu.memref_slice %arg8[%add3A_13, %dma_start3A] : memref<10240x128xf32, #tpu.memory_space<vmem_shared>> -> memref<128x128xf32, #tpu.memory_space<vmem_shared>>
      %dma_start3A_47 = arith.constant 0 : i32
      %dma_start3A_48 = tpu.memref_slice %arg8[%add3A_13, %dma_start3A_47] : memref<10240x128xf32, #tpu.memory_space<vmem_shared>> -> memref<128x128xf32, #tpu.memory_space<vmem_shared>>
      tpu.enqueue_dma source(%arg7 : memref<128x128xf32, #tpu.memory_space<vmem>>) target(%dma_start3A_48 : memref<128x128xf32, #tpu.memory_space<vmem_shared>>) target_semaphore(%run_scoped3A : memref<!tpu.dma_semaphore, #tpu.memory_space<semaphore_mem>>)
      %dma_wait3A = arith.constant 0 : i32
      %dma_wait3A_49 = tpu.memref_slice %arg8[%add3A_13, %dma_wait3A] : memref<10240x128xf32, #tpu.memory_space<vmem_shared>> -> memref<128x128xf32, #tpu.memory_space<vmem_shared>>
      %dma_wait3A_50 = arith.constant 0 : i32
      %dma_wait3A_51 = tpu.memref_slice %arg8[%add3A_13, %dma_wait3A_50] : memref<10240x128xf32, #tpu.memory_space<vmem_shared>> -> memref<128x128xf32, #tpu.memory_space<vmem_shared>>
      tpu.wait_dma2 semaphore(%run_scoped3A : memref<!tpu.dma_semaphore, #tpu.memory_space<semaphore_mem>>) src(%arg7 : memref<128x128xf32, #tpu.memory_space<vmem>>) dst(%dma_wait3A_51 : memref<128x128xf32, #tpu.memory_space<vmem_shared>>)
      tpu.yield
    }) : () -> ()
    %mul3A_14 = arith.constant 640 : i32
    %mul3A_15 = arith.muli %arg1, %mul3A_14 : i32
    %add3A_16 = arith.constant 512 : i32
    %add3A_17 = arith.addi %mul3A_15, %add3A_16 : i32
    "tpu.region"() ({
      %run_scoped3A = tpu.sem_alloc : memref<!tpu.dma_semaphore, #tpu.memory_space<semaphore_mem>>
      %dma_start3A = arith.constant 0 : i32
      %dma_start3A_46 = tpu.memref_slice %arg8[%add3A_17, %dma_start3A] : memref<10240x128xf32, #tpu.memory_space<vmem_shared>> -> memref<128x128xf32, #tpu.memory_space<vmem_shared>>
      %dma_start3A_47 = arith.constant 0 : i32
      %dma_start3A_48 = tpu.memref_slice %arg8[%add3A_17, %dma_start3A_47] : memref<10240x128xf32, #tpu.memory_space<vmem_shared>> -> memref<128x128xf32, #tpu.memory_space<vmem_shared>>
      tpu.enqueue_dma source(%arg7 : memref<128x128xf32, #tpu.memory_space<vmem>>) target(%dma_start3A_48 : memref<128x128xf32, #tpu.memory_space<vmem_shared>>) target_semaphore(%run_scoped3A : memref<!tpu.dma_semaphore, #tpu.memory_space<semaphore_mem>>)
      %dma_wait3A = arith.constant 0 : i32
      %dma_wait3A_49 = tpu.memref_slice %arg8[%add3A_17, %dma_wait3A] : memref<10240x128xf32, #tpu.memory_space<vmem_shared>> -> memref<128x128xf32, #tpu.memory_space<vmem_shared>>
      %dma_wait3A_50 = arith.constant 0 : i32
      %dma_wait3A_51 = tpu.memref_slice %arg8[%add3A_17, %dma_wait3A_50] : memref<10240x128xf32, #tpu.memory_space<vmem_shared>> -> memref<128x128xf32, #tpu.memory_space<vmem_shared>>
      tpu.wait_dma2 semaphore(%run_scoped3A : memref<!tpu.dma_semaphore, #tpu.memory_space<semaphore_mem>>) src(%arg7 : memref<128x128xf32, #tpu.memory_space<vmem>>) dst(%dma_wait3A_51 : memref<128x128xf32, #tpu.memory_space<vmem_shared>>)
      tpu.yield
    }) : () -> ()
    %barrier3A = arith.constant 0 : index
    tpu.barrier barrier_id(%barrier3A)
    "tpu.region"() ({
      %run_scoped3A = tpu.sem_alloc : memref<!tpu.dma_semaphore, #tpu.memory_space<semaphore_mem>>
      tpu.enqueue_dma source(%arg2 : memref<128x128xf32, #tpu.memory_space<hbm>>) target(%arg7 : memref<128x128xf32, #tpu.memory_space<vmem>>) target_semaphore(%run_scoped3A : memref<!tpu.dma_semaphore, #tpu.memory_space<semaphore_mem>>)
      tpu.wait_dma2 semaphore(%run_scoped3A : memref<!tpu.dma_semaphore, #tpu.memory_space<semaphore_mem>>) src(%arg2 : memref<128x128xf32, #tpu.memory_space<hbm>>) dst(%arg7 : memref<128x128xf32, #tpu.memory_space<vmem>>)
      tpu.yield
    }) : () -> ()
    %eq3A = arith.constant 0 : i32
    %eq3A_18 = arith.cmpi eq, %arg0, %eq3A : i32
    %convert_element_type3A = arith.extui %eq3A_18 : i1 to i32
    %cond3A = arith.constant 0 : i32
    %cond3A_19 = arith.cmpi ne, %convert_element_type3A, %cond3A : i32
    scf.if %cond3A_19 {
      "tpu.region"() ({
        %run_scoped3A = tpu.sem_alloc : memref<!tpu.dma_semaphore, #tpu.memory_space<semaphore_mem>>
        %dma_start3A = arith.constant 0 : i32
        %dma_start3A_66 = arith.constant 0 : i32
        %dma_start3A_67 = tpu.memref_slice %arg3[%arg1, %dma_start3A, %dma_start3A_66] : memref<16x160x128xi32, #tpu.memory_space<hbm>> -> memref<1x40x128xi32, #tpu.memory_space<hbm>>
        %dma_start3A_68 = tpu.memref_squeeze %dma_start3A_67 : memref<1x40x128xi32, #tpu.memory_space<hbm>> -> memref<40x128xi32, #tpu.memory_space<hbm>>
        %dma_start3A_69 = arith.constant 0 : i32
        %dma_start3A_70 = arith.constant 0 : i32
        %dma_start3A_71 = tpu.memref_slice %arg3[%arg1, %dma_start3A_69, %dma_start3A_70] : memref<16x160x128xi32, #tpu.memory_space<hbm>> -> memref<1x40x128xi32, #tpu.memory_space<hbm>>
        %dma_start3A_72 = tpu.memref_squeeze %dma_start3A_71 : memref<1x40x128xi32, #tpu.memory_space<hbm>> -> memref<40x128xi32, #tpu.memory_space<hbm>>
        tpu.enqueue_dma source(%dma_start3A_72 : memref<40x128xi32, #tpu.memory_space<hbm>>) target(%arg6 : memref<40x128xi32, #tpu.memory_space<vmem>>) target_semaphore(%run_scoped3A : memref<!tpu.dma_semaphore, #tpu.memory_space<semaphore_mem>>)
        %dma_wait3A = arith.constant 0 : i32
        %dma_wait3A_73 = arith.constant 0 : i32
        %dma_wait3A_74 = tpu.memref_slice %arg3[%arg1, %dma_wait3A, %dma_wait3A_73] : memref<16x160x128xi32, #tpu.memory_space<hbm>> -> memref<1x40x128xi32, #tpu.memory_space<hbm>>
        %dma_wait3A_75 = tpu.memref_squeeze %dma_wait3A_74 : memref<1x40x128xi32, #tpu.memory_space<hbm>> -> memref<40x128xi32, #tpu.memory_space<hbm>>
        %dma_wait3A_76 = arith.constant 0 : i32
        %dma_wait3A_77 = arith.constant 0 : i32
        %dma_wait3A_78 = tpu.memref_slice %arg3[%arg1, %dma_wait3A_76, %dma_wait3A_77] : memref<16x160x128xi32, #tpu.memory_space<hbm>> -> memref<1x40x128xi32, #tpu.memory_space<hbm>>
        %dma_wait3A_79 = tpu.memref_squeeze %dma_wait3A_78 : memref<1x40x128xi32, #tpu.memory_space<hbm>> -> memref<40x128xi32, #tpu.memory_space<hbm>>
        tpu.wait_dma2 semaphore(%run_scoped3A : memref<!tpu.dma_semaphore, #tpu.memory_space<semaphore_mem>>) src(%dma_wait3A_79 : memref<40x128xi32, #tpu.memory_space<hbm>>) dst(%arg6 : memref<40x128xi32, #tpu.memory_space<vmem>>)
        tpu.yield
      }) : () -> ()
      %scan3A = arith.constant 0 : i32
      %scan3A_46 = arith.constant 0 : i32
      %scan3A_47 = arith.constant 40 : i32
      %scan3A_48 = arith.addi %scan3A_46, %scan3A_47 : i32
      %scan3A_49 = arith.constant 1 : i32
      %scan3A_50 = scf.for %scan3A_66 = %scan3A_46 to %scan3A_48 step %scan3A_49 iter_args(%scan3A_67 = %scan3A) -> (i32)  : i32 {
        "tpu.region"() ({
          %run_scoped3A = tpu.sem_alloc : memref<!tpu.dma_semaphore, #tpu.memory_space<semaphore_mem>>
          %dma_start3A = arith.constant 0 : i32
          %dma_start3A_69 = tpu.memref_slice %arg6[%scan3A_66, %dma_start3A] : memref<40x128xi32, #tpu.memory_space<vmem>> -> memref<1x128xi32, #tpu.memory_space<vmem>>
          %dma_start3A_70 = tpu.memref_squeeze %dma_start3A_69 : memref<1x128xi32, #tpu.memory_space<vmem>> -> memref<128xi32, #tpu.memory_space<vmem>>
          %dma_start3A_71 = arith.constant 0 : i32
          %dma_start3A_72 = arith.constant 0 : i32
          %dma_start3A_73 = tpu.memref_slice %arg8[%dma_start3A_71, %dma_start3A_72] : memref<10240x128xf32, #tpu.memory_space<vmem_shared>> -> memref<10240x128xf32, #tpu.memory_space<vmem_shared>>
          tpu.enqueue_indirect_dma source(%arg7 : memref<128x128xf32, #tpu.memory_space<vmem>>) target(%dma_start3A_73 : memref<10240x128xf32, #tpu.memory_space<vmem_shared>>) offsets(%dma_start3A_70 : memref<128xi32, #tpu.memory_space<vmem>>) semaphore(%run_scoped3A : memref<!tpu.dma_semaphore, #tpu.memory_space<semaphore_mem>>) {add = true}
          %dma_wait3A = arith.constant 0 : i32
          %dma_wait3A_74 = tpu.memref_slice %arg6[%scan3A_66, %dma_wait3A] : memref<40x128xi32, #tpu.memory_space<vmem>> -> memref<1x128xi32, #tpu.memory_space<vmem>>
          %dma_wait3A_75 = tpu.memref_squeeze %dma_wait3A_74 : memref<1x128xi32, #tpu.memory_space<vmem>> -> memref<128xi32, #tpu.memory_space<vmem>>
          %dma_wait3A_76 = arith.constant 0 : i32
          %dma_wait3A_77 = arith.constant 0 : i32
          %dma_wait3A_78 = tpu.memref_slice %arg8[%dma_wait3A_76, %dma_wait3A_77] : memref<10240x128xf32, #tpu.memory_space<vmem_shared>> -> memref<10240x128xf32, #tpu.memory_space<vmem_shared>>
          tpu.wait_indirect_dma semaphore(%run_scoped3A : memref<!tpu.dma_semaphore, #tpu.memory_space<semaphore_mem>>) src(%arg7 : memref<128x128xf32, #tpu.memory_space<vmem>>) dst(%dma_wait3A_78 : memref<10240x128xf32, #tpu.memory_space<vmem_shared>>)
          tpu.yield
        }) : () -> ()
        %scan3A_68 = arith.constant 0 : i32
        scf.yield %scan3A_68 : i32
      }
      %scan3A_51 = arith.constant 40 : i32
      "tpu.region"() ({
        %run_scoped3A = tpu.sem_alloc : memref<!tpu.dma_semaphore, #tpu.memory_space<semaphore_mem>>
        %dma_start3A = arith.constant 40 : i32
        %dma_start3A_66 = arith.constant 0 : i32
        %dma_start3A_67 = tpu.memref_slice %arg3[%arg1, %dma_start3A, %dma_start3A_66] : memref<16x160x128xi32, #tpu.memory_space<hbm>> -> memref<1x40x128xi32, #tpu.memory_space<hbm>>
        %dma_start3A_68 = tpu.memref_squeeze %dma_start3A_67 : memref<1x40x128xi32, #tpu.memory_space<hbm>> -> memref<40x128xi32, #tpu.memory_space<hbm>>
        %dma_start3A_69 = arith.constant 40 : i32
        %dma_start3A_70 = arith.constant 0 : i32
        %dma_start3A_71 = tpu.memref_slice %arg3[%arg1, %dma_start3A_69, %dma_start3A_70] : memref<16x160x128xi32, #tpu.memory_space<hbm>> -> memref<1x40x128xi32, #tpu.memory_space<hbm>>
        %dma_start3A_72 = tpu.memref_squeeze %dma_start3A_71 : memref<1x40x128xi32, #tpu.memory_space<hbm>> -> memref<40x128xi32, #tpu.memory_space<hbm>>
        tpu.enqueue_dma source(%dma_start3A_72 : memref<40x128xi32, #tpu.memory_space<hbm>>) target(%arg6 : memref<40x128xi32, #tpu.memory_space<vmem>>) target_semaphore(%run_scoped3A : memref<!tpu.dma_semaphore, #tpu.memory_space<semaphore_mem>>)
        %dma_wait3A = arith.constant 40 : i32
        %dma_wait3A_73 = arith.constant 0 : i32
        %dma_wait3A_74 = tpu.memref_slice %arg3[%arg1, %dma_wait3A, %dma_wait3A_73] : memref<16x160x128xi32, #tpu.memory_space<hbm>> -> memref<1x40x128xi32, #tpu.memory_space<hbm>>
        %dma_wait3A_75 = tpu.memref_squeeze %dma_wait3A_74 : memref<1x40x128xi32, #tpu.memory_space<hbm>> -> memref<40x128xi32, #tpu.memory_space<hbm>>
        %dma_wait3A_76 = arith.constant 40 : i32
        %dma_wait3A_77 = arith.constant 0 : i32
        %dma_wait3A_78 = tpu.memref_slice %arg3[%arg1, %dma_wait3A_76, %dma_wait3A_77] : memref<16x160x128xi32, #tpu.memory_space<hbm>> -> memref<1x40x128xi32, #tpu.memory_space<hbm>>
        %dma_wait3A_79 = tpu.memref_squeeze %dma_wait3A_78 : memref<1x40x128xi32, #tpu.memory_space<hbm>> -> memref<40x128xi32, #tpu.memory_space<hbm>>
        tpu.wait_dma2 semaphore(%run_scoped3A : memref<!tpu.dma_semaphore, #tpu.memory_space<semaphore_mem>>) src(%dma_wait3A_79 : memref<40x128xi32, #tpu.memory_space<hbm>>) dst(%arg6 : memref<40x128xi32, #tpu.memory_space<vmem>>)
        tpu.yield
      }) : () -> ()
      %scan3A_52 = arith.constant 0 : i32
      %scan3A_53 = arith.constant 0 : i32
      %scan3A_54 = arith.constant 40 : i32
      %scan3A_55 = arith.addi %scan3A_53, %scan3A_54 : i32
      %scan3A_56 = arith.constant 1 : i32
      %scan3A_57 = scf.for %scan3A_66 = %scan3A_53 to %scan3A_55 step %scan3A_56 iter_args(%scan3A_67 = %scan3A_52) -> (i32)  : i32 {
        "tpu.region"() ({
          %run_scoped3A = tpu.sem_alloc : memref<!tpu.dma_semaphore, #tpu.memory_space<semaphore_mem>>
          %dma_start3A = arith.constant 0 : i32
          %dma_start3A_69 = tpu.memref_slice %arg6[%scan3A_66, %dma_start3A] : memref<40x128xi32, #tpu.memory_space<vmem>> -> memref<1x128xi32, #tpu.memory_space<vmem>>
          %dma_start3A_70 = tpu.memref_squeeze %dma_start3A_69 : memref<1x128xi32, #tpu.memory_space<vmem>> -> memref<128xi32, #tpu.memory_space<vmem>>
          %dma_start3A_71 = arith.constant 0 : i32
          %dma_start3A_72 = arith.constant 0 : i32
          %dma_start3A_73 = tpu.memref_slice %arg8[%dma_start3A_71, %dma_start3A_72] : memref<10240x128xf32, #tpu.memory_space<vmem_shared>> -> memref<10240x128xf32, #tpu.memory_space<vmem_shared>>
          tpu.enqueue_indirect_dma source(%arg7 : memref<128x128xf32, #tpu.memory_space<vmem>>) target(%dma_start3A_73 : memref<10240x128xf32, #tpu.memory_space<vmem_shared>>) offsets(%dma_start3A_70 : memref<128xi32, #tpu.memory_space<vmem>>) semaphore(%run_scoped3A : memref<!tpu.dma_semaphore, #tpu.memory_space<semaphore_mem>>) {add = true}
          %dma_wait3A = arith.constant 0 : i32
          %dma_wait3A_74 = tpu.memref_slice %arg6[%scan3A_66, %dma_wait3A] : memref<40x128xi32, #tpu.memory_space<vmem>> -> memref<1x128xi32, #tpu.memory_space<vmem>>
          %dma_wait3A_75 = tpu.memref_squeeze %dma_wait3A_74 : memref<1x128xi32, #tpu.memory_space<vmem>> -> memref<128xi32, #tpu.memory_space<vmem>>
          %dma_wait3A_76 = arith.constant 0 : i32
          %dma_wait3A_77 = arith.constant 0 : i32
          %dma_wait3A_78 = tpu.memref_slice %arg8[%dma_wait3A_76, %dma_wait3A_77] : memref<10240x128xf32, #tpu.memory_space<vmem_shared>> -> memref<10240x128xf32, #tpu.memory_space<vmem_shared>>
          tpu.wait_indirect_dma semaphore(%run_scoped3A : memref<!tpu.dma_semaphore, #tpu.memory_space<semaphore_mem>>) src(%arg7 : memref<128x128xf32, #tpu.memory_space<vmem>>) dst(%dma_wait3A_78 : memref<10240x128xf32, #tpu.memory_space<vmem_shared>>)
          tpu.yield
        }) : () -> ()
        %scan3A_68 = arith.constant 0 : i32
        scf.yield %scan3A_68 : i32
      }
      %scan3A_58 = arith.constant 40 : i32
      "tpu.region"() ({
        %run_scoped3A = tpu.sem_alloc : memref<!tpu.dma_semaphore, #tpu.memory_space<semaphore_mem>>
        %dma_start3A = arith.constant 80 : i32
        %dma_start3A_66 = arith.constant 0 : i32
        %dma_start3A_67 = tpu.memref_slice %arg3[%arg1, %dma_start3A, %dma_start3A_66] : memref<16x160x128xi32, #tpu.memory_space<hbm>> -> memref<1x40x128xi32, #tpu.memory_space<hbm>>
        %dma_start3A_68 = tpu.memref_squeeze %dma_start3A_67 : memref<1x40x128xi32, #tpu.memory_space<hbm>> -> memref<40x128xi32, #tpu.memory_space<hbm>>
        %dma_start3A_69 = arith.constant 80 : i32
        %dma_start3A_70 = arith.constant 0 : i32
        %dma_start3A_71 = tpu.memref_slice %arg3[%arg1, %dma_start3A_69, %dma_start3A_70] : memref<16x160x128xi32, #tpu.memory_space<hbm>> -> memref<1x40x128xi32, #tpu.memory_space<hbm>>
        %dma_start3A_72 = tpu.memref_squeeze %dma_start3A_71 : memref<1x40x128xi32, #tpu.memory_space<hbm>> -> memref<40x128xi32, #tpu.memory_space<hbm>>
        tpu.enqueue_dma source(%dma_start3A_72 : memref<40x128xi32, #tpu.memory_space<hbm>>) target(%arg6 : memref<40x128xi32, #tpu.memory_space<vmem>>) target_semaphore(%run_scoped3A : memref<!tpu.dma_semaphore, #tpu.memory_space<semaphore_mem>>)
        %dma_wait3A = arith.constant 80 : i32
        %dma_wait3A_73 = arith.constant 0 : i32
        %dma_wait3A_74 = tpu.memref_slice %arg3[%arg1, %dma_wait3A, %dma_wait3A_73] : memref<16x160x128xi32, #tpu.memory_space<hbm>> -> memref<1x40x128xi32, #tpu.memory_space<hbm>>
        %dma_wait3A_75 = tpu.memref_squeeze %dma_wait3A_74 : memref<1x40x128xi32, #tpu.memory_space<hbm>> -> memref<40x128xi32, #tpu.memory_space<hbm>>
        %dma_wait3A_76 = arith.constant 80 : i32
        %dma_wait3A_77 = arith.constant 0 : i32
        %dma_wait3A_78 = tpu.memref_slice %arg3[%arg1, %dma_wait3A_76, %dma_wait3A_77] : memref<16x160x128xi32, #tpu.memory_space<hbm>> -> memref<1x40x128xi32, #tpu.memory_space<hbm>>
        %dma_wait3A_79 = tpu.memref_squeeze %dma_wait3A_78 : memref<1x40x128xi32, #tpu.memory_space<hbm>> -> memref<40x128xi32, #tpu.memory_space<hbm>>
        tpu.wait_dma2 semaphore(%run_scoped3A : memref<!tpu.dma_semaphore, #tpu.memory_space<semaphore_mem>>) src(%dma_wait3A_79 : memref<40x128xi32, #tpu.memory_space<hbm>>) dst(%arg6 : memref<40x128xi32, #tpu.memory_space<vmem>>)
        tpu.yield
      }) : () -> ()
      %scan3A_59 = arith.constant 0 : i32
      %scan3A_60 = arith.constant 0 : i32
      %scan3A_61 = arith.constant 40 : i32
      %scan3A_62 = arith.addi %scan3A_60, %scan3A_61 : i32
      %scan3A_63 = arith.constant 1 : i32
      %scan3A_64 = scf.for %scan3A_66 = %scan3A_60 to %scan3A_62 step %scan3A_63 iter_args(%scan3A_67 = %scan3A_59) -> (i32)  : i32 {
        "tpu.region"() ({
          %run_scoped3A = tpu.sem_alloc : memref<!tpu.dma_semaphore, #tpu.memory_space<semaphore_mem>>
          %dma_start3A = arith.constant 0 : i32
          %dma_start3A_69 = tpu.memref_slice %arg6[%scan3A_66, %dma_start3A] : memref<40x128xi32, #tpu.memory_space<vmem>> -> memref<1x128xi32, #tpu.memory_space<vmem>>
          %dma_start3A_70 = tpu.memref_squeeze %dma_start3A_69 : memref<1x128xi32, #tpu.memory_space<vmem>> -> memref<128xi32, #tpu.memory_space<vmem>>
          %dma_start3A_71 = arith.constant 0 : i32
          %dma_start3A_72 = arith.constant 0 : i32
          %dma_start3A_73 = tpu.memref_slice %arg8[%dma_start3A_71, %dma_start3A_72] : memref<10240x128xf32, #tpu.memory_space<vmem_shared>> -> memref<10240x128xf32, #tpu.memory_space<vmem_shared>>
          tpu.enqueue_indirect_dma source(%arg7 : memref<128x128xf32, #tpu.memory_space<vmem>>) target(%dma_start3A_73 : memref<10240x128xf32, #tpu.memory_space<vmem_shared>>) offsets(%dma_start3A_70 : memref<128xi32, #tpu.memory_space<vmem>>) semaphore(%run_scoped3A : memref<!tpu.dma_semaphore, #tpu.memory_space<semaphore_mem>>) {add = true}
          %dma_wait3A = arith.constant 0 : i32
          %dma_wait3A_74 = tpu.memref_slice %arg6[%scan3A_66, %dma_wait3A] : memref<40x128xi32, #tpu.memory_space<vmem>> -> memref<1x128xi32, #tpu.memory_space<vmem>>
          %dma_wait3A_75 = tpu.memref_squeeze %dma_wait3A_74 : memref<1x128xi32, #tpu.memory_space<vmem>> -> memref<128xi32, #tpu.memory_space<vmem>>
          %dma_wait3A_76 = arith.constant 0 : i32
          %dma_wait3A_77 = arith.constant 0 : i32
          %dma_wait3A_78 = tpu.memref_slice %arg8[%dma_wait3A_76, %dma_wait3A_77] : memref<10240x128xf32, #tpu.memory_space<vmem_shared>> -> memref<10240x128xf32, #tpu.memory_space<vmem_shared>>
          tpu.wait_indirect_dma semaphore(%run_scoped3A : memref<!tpu.dma_semaphore, #tpu.memory_space<semaphore_mem>>) src(%arg7 : memref<128x128xf32, #tpu.memory_space<vmem>>) dst(%dma_wait3A_78 : memref<10240x128xf32, #tpu.memory_space<vmem_shared>>)
          tpu.yield
        }) : () -> ()
        %scan3A_68 = arith.constant 0 : i32
        scf.yield %scan3A_68 : i32
      }
      %scan3A_65 = arith.constant 40 : i32
    } else {
    }
    %eq3A_20 = arith.constant 1 : i32
    %eq3A_21 = arith.cmpi eq, %arg0, %eq3A_20 : i32
    %convert_element_type3A_22 = arith.extui %eq3A_21 : i1 to i32
    %cond3A_23 = arith.constant 0 : i32
    %cond3A_24 = arith.cmpi ne, %convert_element_type3A_22, %cond3A_23 : i32
    scf.if %cond3A_24 {
      "tpu.region"() ({
        %run_scoped3A = tpu.sem_alloc : memref<!tpu.dma_semaphore, #tpu.memory_space<semaphore_mem>>
        %dma_start3A = arith.constant 120 : i32
        %dma_start3A_52 = arith.constant 0 : i32
        %dma_start3A_53 = tpu.memref_slice %arg3[%arg1, %dma_start3A, %dma_start3A_52] : memref<16x160x128xi32, #tpu.memory_space<hbm>> -> memref<1x40x128xi32, #tpu.memory_space<hbm>>
        %dma_start3A_54 = tpu.memref_squeeze %dma_start3A_53 : memref<1x40x128xi32, #tpu.memory_space<hbm>> -> memref<40x128xi32, #tpu.memory_space<hbm>>
        %dma_start3A_55 = arith.constant 120 : i32
        %dma_start3A_56 = arith.constant 0 : i32
        %dma_start3A_57 = tpu.memref_slice %arg3[%arg1, %dma_start3A_55, %dma_start3A_56] : memref<16x160x128xi32, #tpu.memory_space<hbm>> -> memref<1x40x128xi32, #tpu.memory_space<hbm>>
        %dma_start3A_58 = tpu.memref_squeeze %dma_start3A_57 : memref<1x40x128xi32, #tpu.memory_space<hbm>> -> memref<40x128xi32, #tpu.memory_space<hbm>>
        tpu.enqueue_dma source(%dma_start3A_58 : memref<40x128xi32, #tpu.memory_space<hbm>>) target(%arg6 : memref<40x128xi32, #tpu.memory_space<vmem>>) target_semaphore(%run_scoped3A : memref<!tpu.dma_semaphore, #tpu.memory_space<semaphore_mem>>)
        %dma_wait3A = arith.constant 120 : i32
        %dma_wait3A_59 = arith.constant 0 : i32
        %dma_wait3A_60 = tpu.memref_slice %arg3[%arg1, %dma_wait3A, %dma_wait3A_59] : memref<16x160x128xi32, #tpu.memory_space<hbm>> -> memref<1x40x128xi32, #tpu.memory_space<hbm>>
        %dma_wait3A_61 = tpu.memref_squeeze %dma_wait3A_60 : memref<1x40x128xi32, #tpu.memory_space<hbm>> -> memref<40x128xi32, #tpu.memory_space<hbm>>
        %dma_wait3A_62 = arith.constant 120 : i32
        %dma_wait3A_63 = arith.constant 0 : i32
        %dma_wait3A_64 = tpu.memref_slice %arg3[%arg1, %dma_wait3A_62, %dma_wait3A_63] : memref<16x160x128xi32, #tpu.memory_space<hbm>> -> memref<1x40x128xi32, #tpu.memory_space<hbm>>
        %dma_wait3A_65 = tpu.memref_squeeze %dma_wait3A_64 : memref<1x40x128xi32, #tpu.memory_space<hbm>> -> memref<40x128xi32, #tpu.memory_space<hbm>>
        tpu.wait_dma2 semaphore(%run_scoped3A : memref<!tpu.dma_semaphore, #tpu.memory_space<semaphore_mem>>) src(%dma_wait3A_65 : memref<40x128xi32, #tpu.memory_space<hbm>>) dst(%arg6 : memref<40x128xi32, #tpu.memory_space<vmem>>)
        tpu.yield
      }) : () -> ()
      %scan3A = arith.constant 0 : i32
      %scan3A_46 = arith.constant 0 : i32
      %scan3A_47 = arith.constant 40 : i32
      %scan3A_48 = arith.addi %scan3A_46, %scan3A_47 : i32
      %scan3A_49 = arith.constant 1 : i32
      %scan3A_50 = scf.for %scan3A_52 = %scan3A_46 to %scan3A_48 step %scan3A_49 iter_args(%scan3A_53 = %scan3A) -> (i32)  : i32 {
        "tpu.region"() ({
          %run_scoped3A = tpu.sem_alloc : memref<!tpu.dma_semaphore, #tpu.memory_space<semaphore_mem>>
          %dma_start3A = arith.constant 0 : i32
          %dma_start3A_55 = tpu.memref_slice %arg6[%scan3A_52, %dma_start3A] : memref<40x128xi32, #tpu.memory_space<vmem>> -> memref<1x128xi32, #tpu.memory_space<vmem>>
          %dma_start3A_56 = tpu.memref_squeeze %dma_start3A_55 : memref<1x128xi32, #tpu.memory_space<vmem>> -> memref<128xi32, #tpu.memory_space<vmem>>
          %dma_start3A_57 = arith.constant 0 : i32
          %dma_start3A_58 = arith.constant 0 : i32
          %dma_start3A_59 = tpu.memref_slice %arg8[%dma_start3A_57, %dma_start3A_58] : memref<10240x128xf32, #tpu.memory_space<vmem_shared>> -> memref<10240x128xf32, #tpu.memory_space<vmem_shared>>
          tpu.enqueue_indirect_dma source(%arg7 : memref<128x128xf32, #tpu.memory_space<vmem>>) target(%dma_start3A_59 : memref<10240x128xf32, #tpu.memory_space<vmem_shared>>) offsets(%dma_start3A_56 : memref<128xi32, #tpu.memory_space<vmem>>) semaphore(%run_scoped3A : memref<!tpu.dma_semaphore, #tpu.memory_space<semaphore_mem>>) {add = true}
          %dma_wait3A = arith.constant 0 : i32
          %dma_wait3A_60 = tpu.memref_slice %arg6[%scan3A_52, %dma_wait3A] : memref<40x128xi32, #tpu.memory_space<vmem>> -> memref<1x128xi32, #tpu.memory_space<vmem>>
          %dma_wait3A_61 = tpu.memref_squeeze %dma_wait3A_60 : memref<1x128xi32, #tpu.memory_space<vmem>> -> memref<128xi32, #tpu.memory_space<vmem>>
          %dma_wait3A_62 = arith.constant 0 : i32
          %dma_wait3A_63 = arith.constant 0 : i32
          %dma_wait3A_64 = tpu.memref_slice %arg8[%dma_wait3A_62, %dma_wait3A_63] : memref<10240x128xf32, #tpu.memory_space<vmem_shared>> -> memref<10240x128xf32, #tpu.memory_space<vmem_shared>>
          tpu.wait_indirect_dma semaphore(%run_scoped3A : memref<!tpu.dma_semaphore, #tpu.memory_space<semaphore_mem>>) src(%arg7 : memref<128x128xf32, #tpu.memory_space<vmem>>) dst(%dma_wait3A_64 : memref<10240x128xf32, #tpu.memory_space<vmem_shared>>)
          tpu.yield
        }) : () -> ()
        %scan3A_54 = arith.constant 0 : i32
        scf.yield %scan3A_54 : i32
      }
      %scan3A_51 = arith.constant 40 : i32
    } else {
    }
    %barrier3A_25 = arith.constant 0 : index
    tpu.barrier barrier_id(%barrier3A_25)
    %mul3A_26 = arith.constant 640 : i32
    %mul3A_27 = arith.muli %arg1, %mul3A_26 : i32
    %add3A_28 = arith.constant 0 : i32
    %add3A_29 = arith.addi %mul3A_27, %add3A_28 : i32
    "tpu.region"() ({
      %run_scoped3A = tpu.sem_alloc : memref<!tpu.dma_semaphore, #tpu.memory_space<semaphore_mem>>
      %dma_start3A = arith.constant 0 : i32
      %dma_start3A_46 = tpu.memref_slice %arg8[%add3A_29, %dma_start3A] : memref<10240x128xf32, #tpu.memory_space<vmem_shared>> -> memref<128x128xf32, #tpu.memory_space<vmem_shared>>
      %dma_start3A_47 = arith.constant 0 : i32
      %dma_start3A_48 = tpu.memref_slice %arg8[%add3A_29, %dma_start3A_47] : memref<10240x128xf32, #tpu.memory_space<vmem_shared>> -> memref<128x128xf32, #tpu.memory_space<vmem_shared>>
      tpu.enqueue_dma source(%dma_start3A_48 : memref<128x128xf32, #tpu.memory_space<vmem_shared>>) target(%arg7 : memref<128x128xf32, #tpu.memory_space<vmem>>) target_semaphore(%run_scoped3A : memref<!tpu.dma_semaphore, #tpu.memory_space<semaphore_mem>>)
      %dma_wait3A = arith.constant 0 : i32
      %dma_wait3A_49 = tpu.memref_slice %arg8[%add3A_29, %dma_wait3A] : memref<10240x128xf32, #tpu.memory_space<vmem_shared>> -> memref<128x128xf32, #tpu.memory_space<vmem_shared>>
      %dma_wait3A_50 = arith.constant 0 : i32
      %dma_wait3A_51 = tpu.memref_slice %arg8[%add3A_29, %dma_wait3A_50] : memref<10240x128xf32, #tpu.memory_space<vmem_shared>> -> memref<128x128xf32, #tpu.memory_space<vmem_shared>>
      tpu.wait_dma2 semaphore(%run_scoped3A : memref<!tpu.dma_semaphore, #tpu.memory_space<semaphore_mem>>) src(%dma_wait3A_51 : memref<128x128xf32, #tpu.memory_space<vmem_shared>>) dst(%arg7 : memref<128x128xf32, #tpu.memory_space<vmem>>)
      tpu.yield
    }) : () -> ()
    "tpu.region"() ({
      %run_scoped3A = tpu.sem_alloc : memref<!tpu.dma_semaphore, #tpu.memory_space<semaphore_mem>>
      %dma_start3A = arith.constant 0 : i32
      %dma_start3A_46 = tpu.memref_slice %arg5[%arg0, %add3A_29, %dma_start3A] : memref<2x10240x128xf32, #tpu.memory_space<hbm>> -> memref<1x128x128xf32, #tpu.memory_space<hbm>>
      %dma_start3A_47 = tpu.memref_squeeze %dma_start3A_46 : memref<1x128x128xf32, #tpu.memory_space<hbm>> -> memref<128x128xf32, #tpu.memory_space<hbm>>
      %dma_start3A_48 = arith.constant 0 : i32
      %dma_start3A_49 = tpu.memref_slice %arg5[%arg0, %add3A_29, %dma_start3A_48] : memref<2x10240x128xf32, #tpu.memory_space<hbm>> -> memref<1x128x128xf32, #tpu.memory_space<hbm>>
      %dma_start3A_50 = tpu.memref_squeeze %dma_start3A_49 : memref<1x128x128xf32, #tpu.memory_space<hbm>> -> memref<128x128xf32, #tpu.memory_space<hbm>>
      tpu.enqueue_dma source(%arg7 : memref<128x128xf32, #tpu.memory_space<vmem>>) target(%dma_start3A_50 : memref<128x128xf32, #tpu.memory_space<hbm>>) target_semaphore(%run_scoped3A : memref<!tpu.dma_semaphore, #tpu.memory_space<semaphore_mem>>)
      %dma_wait3A = arith.constant 0 : i32
      %dma_wait3A_51 = tpu.memref_slice %arg5[%arg0, %add3A_29, %dma_wait3A] : memref<2x10240x128xf32, #tpu.memory_space<hbm>> -> memref<1x128x128xf32, #tpu.memory_space<hbm>>
      %dma_wait3A_52 = tpu.memref_squeeze %dma_wait3A_51 : memref<1x128x128xf32, #tpu.memory_space<hbm>> -> memref<128x128xf32, #tpu.memory_space<hbm>>
      %dma_wait3A_53 = arith.constant 0 : i32
      %dma_wait3A_54 = tpu.memref_slice %arg5[%arg0, %add3A_29, %dma_wait3A_53] : memref<2x10240x128xf32, #tpu.memory_space<hbm>> -> memref<1x128x128xf32, #tpu.memory_space<hbm>>
      %dma_wait3A_55 = tpu.memref_squeeze %dma_wait3A_54 : memref<1x128x128xf32, #tpu.memory_space<hbm>> -> memref<128x128xf32, #tpu.memory_space<hbm>>
      tpu.wait_dma2 semaphore(%run_scoped3A : memref<!tpu.dma_semaphore, #tpu.memory_space<semaphore_mem>>) src(%arg7 : memref<128x128xf32, #tpu.memory_space<vmem>>) dst(%dma_wait3A_55 : memref<128x128xf32, #tpu.memory_space<hbm>>)
      tpu.yield
    }) : () -> ()
    %mul3A_30 = arith.constant 640 : i32
    %mul3A_31 = arith.muli %arg1, %mul3A_30 : i32
    %add3A_32 = arith.constant 128 : i32
    %add3A_33 = arith.addi %mul3A_31, %add3A_32 : i32
    "tpu.region"() ({
      %run_scoped3A = tpu.sem_alloc : memref<!tpu.dma_semaphore, #tpu.memory_space<semaphore_mem>>
      %dma_start3A = arith.constant 0 : i32
      %dma_start3A_46 = tpu.memref_slice %arg8[%add3A_33, %dma_start3A] : memref<10240x128xf32, #tpu.memory_space<vmem_shared>> -> memref<128x128xf32, #tpu.memory_space<vmem_shared>>
      %dma_start3A_47 = arith.constant 0 : i32
      %dma_start3A_48 = tpu.memref_slice %arg8[%add3A_33, %dma_start3A_47] : memref<10240x128xf32, #tpu.memory_space<vmem_shared>> -> memref<128x128xf32, #tpu.memory_space<vmem_shared>>
      tpu.enqueue_dma source(%dma_start3A_48 : memref<128x128xf32, #tpu.memory_space<vmem_shared>>) target(%arg7 : memref<128x128xf32, #tpu.memory_space<vmem>>) target_semaphore(%run_scoped3A : memref<!tpu.dma_semaphore, #tpu.memory_space<semaphore_mem>>)
      %dma_wait3A = arith.constant 0 : i32
      %dma_wait3A_49 = tpu.memref_slice %arg8[%add3A_33, %dma_wait3A] : memref<10240x128xf32, #tpu.memory_space<vmem_shared>> -> memref<128x128xf32, #tpu.memory_space<vmem_shared>>
      %dma_wait3A_50 = arith.constant 0 : i32
      %dma_wait3A_51 = tpu.memref_slice %arg8[%add3A_33, %dma_wait3A_50] : memref<10240x128xf32, #tpu.memory_space<vmem_shared>> -> memref<128x128xf32, #tpu.memory_space<vmem_shared>>
      tpu.wait_dma2 semaphore(%run_scoped3A : memref<!tpu.dma_semaphore, #tpu.memory_space<semaphore_mem>>) src(%dma_wait3A_51 : memref<128x128xf32, #tpu.memory_space<vmem_shared>>) dst(%arg7 : memref<128x128xf32, #tpu.memory_space<vmem>>)
      tpu.yield
    }) : () -> ()
    "tpu.region"() ({
      %run_scoped3A = tpu.sem_alloc : memref<!tpu.dma_semaphore, #tpu.memory_space<semaphore_mem>>
      %dma_start3A = arith.constant 0 : i32
      %dma_start3A_46 = tpu.memref_slice %arg5[%arg0, %add3A_33, %dma_start3A] : memref<2x10240x128xf32, #tpu.memory_space<hbm>> -> memref<1x128x128xf32, #tpu.memory_space<hbm>>
      %dma_start3A_47 = tpu.memref_squeeze %dma_start3A_46 : memref<1x128x128xf32, #tpu.memory_space<hbm>> -> memref<128x128xf32, #tpu.memory_space<hbm>>
      %dma_start3A_48 = arith.constant 0 : i32
      %dma_start3A_49 = tpu.memref_slice %arg5[%arg0, %add3A_33, %dma_start3A_48] : memref<2x10240x128xf32, #tpu.memory_space<hbm>> -> memref<1x128x128xf32, #tpu.memory_space<hbm>>
      %dma_start3A_50 = tpu.memref_squeeze %dma_start3A_49 : memref<1x128x128xf32, #tpu.memory_space<hbm>> -> memref<128x128xf32, #tpu.memory_space<hbm>>
      tpu.enqueue_dma source(%arg7 : memref<128x128xf32, #tpu.memory_space<vmem>>) target(%dma_start3A_50 : memref<128x128xf32, #tpu.memory_space<hbm>>) target_semaphore(%run_scoped3A : memref<!tpu.dma_semaphore, #tpu.memory_space<semaphore_mem>>)
      %dma_wait3A = arith.constant 0 : i32
      %dma_wait3A_51 = tpu.memref_slice %arg5[%arg0, %add3A_33, %dma_wait3A] : memref<2x10240x128xf32, #tpu.memory_space<hbm>> -> memref<1x128x128xf32, #tpu.memory_space<hbm>>
      %dma_wait3A_52 = tpu.memref_squeeze %dma_wait3A_51 : memref<1x128x128xf32, #tpu.memory_space<hbm>> -> memref<128x128xf32, #tpu.memory_space<hbm>>
      %dma_wait3A_53 = arith.constant 0 : i32
      %dma_wait3A_54 = tpu.memref_slice %arg5[%arg0, %add3A_33, %dma_wait3A_53] : memref<2x10240x128xf32, #tpu.memory_space<hbm>> -> memref<1x128x128xf32, #tpu.memory_space<hbm>>
      %dma_wait3A_55 = tpu.memref_squeeze %dma_wait3A_54 : memref<1x128x128xf32, #tpu.memory_space<hbm>> -> memref<128x128xf32, #tpu.memory_space<hbm>>
      tpu.wait_dma2 semaphore(%run_scoped3A : memref<!tpu.dma_semaphore, #tpu.memory_space<semaphore_mem>>) src(%arg7 : memref<128x128xf32, #tpu.memory_space<vmem>>) dst(%dma_wait3A_55 : memref<128x128xf32, #tpu.memory_space<hbm>>)
      tpu.yield
    }) : () -> ()
    %mul3A_34 = arith.constant 640 : i32
    %mul3A_35 = arith.muli %arg1, %mul3A_34 : i32
    %add3A_36 = arith.constant 256 : i32
    %add3A_37 = arith.addi %mul3A_35, %add3A_36 : i32
    "tpu.region"() ({
      %run_scoped3A = tpu.sem_alloc : memref<!tpu.dma_semaphore, #tpu.memory_space<semaphore_mem>>
      %dma_start3A = arith.constant 0 : i32
      %dma_start3A_46 = tpu.memref_slice %arg8[%add3A_37, %dma_start3A] : memref<10240x128xf32, #tpu.memory_space<vmem_shared>> -> memref<128x128xf32, #tpu.memory_space<vmem_shared>>
      %dma_start3A_47 = arith.constant 0 : i32
      %dma_start3A_48 = tpu.memref_slice %arg8[%add3A_37, %dma_start3A_47] : memref<10240x128xf32, #tpu.memory_space<vmem_shared>> -> memref<128x128xf32, #tpu.memory_space<vmem_shared>>
      tpu.enqueue_dma source(%dma_start3A_48 : memref<128x128xf32, #tpu.memory_space<vmem_shared>>) target(%arg7 : memref<128x128xf32, #tpu.memory_space<vmem>>) target_semaphore(%run_scoped3A : memref<!tpu.dma_semaphore, #tpu.memory_space<semaphore_mem>>)
      %dma_wait3A = arith.constant 0 : i32
      %dma_wait3A_49 = tpu.memref_slice %arg8[%add3A_37, %dma_wait3A] : memref<10240x128xf32, #tpu.memory_space<vmem_shared>> -> memref<128x128xf32, #tpu.memory_space<vmem_shared>>
      %dma_wait3A_50 = arith.constant 0 : i32
      %dma_wait3A_51 = tpu.memref_slice %arg8[%add3A_37, %dma_wait3A_50] : memref<10240x128xf32, #tpu.memory_space<vmem_shared>> -> memref<128x128xf32, #tpu.memory_space<vmem_shared>>
      tpu.wait_dma2 semaphore(%run_scoped3A : memref<!tpu.dma_semaphore, #tpu.memory_space<semaphore_mem>>) src(%dma_wait3A_51 : memref<128x128xf32, #tpu.memory_space<vmem_shared>>) dst(%arg7 : memref<128x128xf32, #tpu.memory_space<vmem>>)
      tpu.yield
    }) : () -> ()
    "tpu.region"() ({
      %run_scoped3A = tpu.sem_alloc : memref<!tpu.dma_semaphore, #tpu.memory_space<semaphore_mem>>
      %dma_start3A = arith.constant 0 : i32
      %dma_start3A_46 = tpu.memref_slice %arg5[%arg0, %add3A_37, %dma_start3A] : memref<2x10240x128xf32, #tpu.memory_space<hbm>> -> memref<1x128x128xf32, #tpu.memory_space<hbm>>
      %dma_start3A_47 = tpu.memref_squeeze %dma_start3A_46 : memref<1x128x128xf32, #tpu.memory_space<hbm>> -> memref<128x128xf32, #tpu.memory_space<hbm>>
      %dma_start3A_48 = arith.constant 0 : i32
      %dma_start3A_49 = tpu.memref_slice %arg5[%arg0, %add3A_37, %dma_start3A_48] : memref<2x10240x128xf32, #tpu.memory_space<hbm>> -> memref<1x128x128xf32, #tpu.memory_space<hbm>>
      %dma_start3A_50 = tpu.memref_squeeze %dma_start3A_49 : memref<1x128x128xf32, #tpu.memory_space<hbm>> -> memref<128x128xf32, #tpu.memory_space<hbm>>
      tpu.enqueue_dma source(%arg7 : memref<128x128xf32, #tpu.memory_space<vmem>>) target(%dma_start3A_50 : memref<128x128xf32, #tpu.memory_space<hbm>>) target_semaphore(%run_scoped3A : memref<!tpu.dma_semaphore, #tpu.memory_space<semaphore_mem>>)
      %dma_wait3A = arith.constant 0 : i32
      %dma_wait3A_51 = tpu.memref_slice %arg5[%arg0, %add3A_37, %dma_wait3A] : memref<2x10240x128xf32, #tpu.memory_space<hbm>> -> memref<1x128x128xf32, #tpu.memory_space<hbm>>
      %dma_wait3A_52 = tpu.memref_squeeze %dma_wait3A_51 : memref<1x128x128xf32, #tpu.memory_space<hbm>> -> memref<128x128xf32, #tpu.memory_space<hbm>>
      %dma_wait3A_53 = arith.constant 0 : i32
      %dma_wait3A_54 = tpu.memref_slice %arg5[%arg0, %add3A_37, %dma_wait3A_53] : memref<2x10240x128xf32, #tpu.memory_space<hbm>> -> memref<1x128x128xf32, #tpu.memory_space<hbm>>
      %dma_wait3A_55 = tpu.memref_squeeze %dma_wait3A_54 : memref<1x128x128xf32, #tpu.memory_space<hbm>> -> memref<128x128xf32, #tpu.memory_space<hbm>>
      tpu.wait_dma2 semaphore(%run_scoped3A : memref<!tpu.dma_semaphore, #tpu.memory_space<semaphore_mem>>) src(%arg7 : memref<128x128xf32, #tpu.memory_space<vmem>>) dst(%dma_wait3A_55 : memref<128x128xf32, #tpu.memory_space<hbm>>)
      tpu.yield
    }) : () -> ()
    %mul3A_38 = arith.constant 640 : i32
    %mul3A_39 = arith.muli %arg1, %mul3A_38 : i32
    %add3A_40 = arith.constant 384 : i32
    %add3A_41 = arith.addi %mul3A_39, %add3A_40 : i32
    "tpu.region"() ({
      %run_scoped3A = tpu.sem_alloc : memref<!tpu.dma_semaphore, #tpu.memory_space<semaphore_mem>>
      %dma_start3A = arith.constant 0 : i32
      %dma_start3A_46 = tpu.memref_slice %arg8[%add3A_41, %dma_start3A] : memref<10240x128xf32, #tpu.memory_space<vmem_shared>> -> memref<128x128xf32, #tpu.memory_space<vmem_shared>>
      %dma_start3A_47 = arith.constant 0 : i32
      %dma_start3A_48 = tpu.memref_slice %arg8[%add3A_41, %dma_start3A_47] : memref<10240x128xf32, #tpu.memory_space<vmem_shared>> -> memref<128x128xf32, #tpu.memory_space<vmem_shared>>
      tpu.enqueue_dma source(%dma_start3A_48 : memref<128x128xf32, #tpu.memory_space<vmem_shared>>) target(%arg7 : memref<128x128xf32, #tpu.memory_space<vmem>>) target_semaphore(%run_scoped3A : memref<!tpu.dma_semaphore, #tpu.memory_space<semaphore_mem>>)
      %dma_wait3A = arith.constant 0 : i32
      %dma_wait3A_49 = tpu.memref_slice %arg8[%add3A_41, %dma_wait3A] : memref<10240x128xf32, #tpu.memory_space<vmem_shared>> -> memref<128x128xf32, #tpu.memory_space<vmem_shared>>
      %dma_wait3A_50 = arith.constant 0 : i32
      %dma_wait3A_51 = tpu.memref_slice %arg8[%add3A_41, %dma_wait3A_50] : memref<10240x128xf32, #tpu.memory_space<vmem_shared>> -> memref<128x128xf32, #tpu.memory_space<vmem_shared>>
      tpu.wait_dma2 semaphore(%run_scoped3A : memref<!tpu.dma_semaphore, #tpu.memory_space<semaphore_mem>>) src(%dma_wait3A_51 : memref<128x128xf32, #tpu.memory_space<vmem_shared>>) dst(%arg7 : memref<128x128xf32, #tpu.memory_space<vmem>>)
      tpu.yield
    }) : () -> ()
    "tpu.region"() ({
      %run_scoped3A = tpu.sem_alloc : memref<!tpu.dma_semaphore, #tpu.memory_space<semaphore_mem>>
      %dma_start3A = arith.constant 0 : i32
      %dma_start3A_46 = tpu.memref_slice %arg5[%arg0, %add3A_41, %dma_start3A] : memref<2x10240x128xf32, #tpu.memory_space<hbm>> -> memref<1x128x128xf32, #tpu.memory_space<hbm>>
      %dma_start3A_47 = tpu.memref_squeeze %dma_start3A_46 : memref<1x128x128xf32, #tpu.memory_space<hbm>> -> memref<128x128xf32, #tpu.memory_space<hbm>>
      %dma_start3A_48 = arith.constant 0 : i32
      %dma_start3A_49 = tpu.memref_slice %arg5[%arg0, %add3A_41, %dma_start3A_48] : memref<2x10240x128xf32, #tpu.memory_space<hbm>> -> memref<1x128x128xf32, #tpu.memory_space<hbm>>
      %dma_start3A_50 = tpu.memref_squeeze %dma_start3A_49 : memref<1x128x128xf32, #tpu.memory_space<hbm>> -> memref<128x128xf32, #tpu.memory_space<hbm>>
      tpu.enqueue_dma source(%arg7 : memref<128x128xf32, #tpu.memory_space<vmem>>) target(%dma_start3A_50 : memref<128x128xf32, #tpu.memory_space<hbm>>) target_semaphore(%run_scoped3A : memref<!tpu.dma_semaphore, #tpu.memory_space<semaphore_mem>>)
      %dma_wait3A = arith.constant 0 : i32
      %dma_wait3A_51 = tpu.memref_slice %arg5[%arg0, %add3A_41, %dma_wait3A] : memref<2x10240x128xf32, #tpu.memory_space<hbm>> -> memref<1x128x128xf32, #tpu.memory_space<hbm>>
      %dma_wait3A_52 = tpu.memref_squeeze %dma_wait3A_51 : memref<1x128x128xf32, #tpu.memory_space<hbm>> -> memref<128x128xf32, #tpu.memory_space<hbm>>
      %dma_wait3A_53 = arith.constant 0 : i32
      %dma_wait3A_54 = tpu.memref_slice %arg5[%arg0, %add3A_41, %dma_wait3A_53] : memref<2x10240x128xf32, #tpu.memory_space<hbm>> -> memref<1x128x128xf32, #tpu.memory_space<hbm>>
      %dma_wait3A_55 = tpu.memref_squeeze %dma_wait3A_54 : memref<1x128x128xf32, #tpu.memory_space<hbm>> -> memref<128x128xf32, #tpu.memory_space<hbm>>
      tpu.wait_dma2 semaphore(%run_scoped3A : memref<!tpu.dma_semaphore, #tpu.memory_space<semaphore_mem>>) src(%arg7 : memref<128x128xf32, #tpu.memory_space<vmem>>) dst(%dma_wait3A_55 : memref<128x128xf32, #tpu.memory_space<hbm>>)
      tpu.yield
    }) : () -> ()
    %mul3A_42 = arith.constant 640 : i32
    %mul3A_43 = arith.muli %arg1, %mul3A_42 : i32
    %add3A_44 = arith.constant 512 : i32
    %add3A_45 = arith.addi %mul3A_43, %add3A_44 : i32
    "tpu.region"() ({
      %run_scoped3A = tpu.sem_alloc : memref<!tpu.dma_semaphore, #tpu.memory_space<semaphore_mem>>
      %dma_start3A = arith.constant 0 : i32
      %dma_start3A_46 = tpu.memref_slice %arg8[%add3A_45, %dma_start3A] : memref<10240x128xf32, #tpu.memory_space<vmem_shared>> -> memref<128x128xf32, #tpu.memory_space<vmem_shared>>
      %dma_start3A_47 = arith.constant 0 : i32
      %dma_start3A_48 = tpu.memref_slice %arg8[%add3A_45, %dma_start3A_47] : memref<10240x128xf32, #tpu.memory_space<vmem_shared>> -> memref<128x128xf32, #tpu.memory_space<vmem_shared>>
      tpu.enqueue_dma source(%dma_start3A_48 : memref<128x128xf32, #tpu.memory_space<vmem_shared>>) target(%arg7 : memref<128x128xf32, #tpu.memory_space<vmem>>) target_semaphore(%run_scoped3A : memref<!tpu.dma_semaphore, #tpu.memory_space<semaphore_mem>>)
      %dma_wait3A = arith.constant 0 : i32
      %dma_wait3A_49 = tpu.memref_slice %arg8[%add3A_45, %dma_wait3A] : memref<10240x128xf32, #tpu.memory_space<vmem_shared>> -> memref<128x128xf32, #tpu.memory_space<vmem_shared>>
      %dma_wait3A_50 = arith.constant 0 : i32
      %dma_wait3A_51 = tpu.memref_slice %arg8[%add3A_45, %dma_wait3A_50] : memref<10240x128xf32, #tpu.memory_space<vmem_shared>> -> memref<128x128xf32, #tpu.memory_space<vmem_shared>>
      tpu.wait_dma2 semaphore(%run_scoped3A : memref<!tpu.dma_semaphore, #tpu.memory_space<semaphore_mem>>) src(%dma_wait3A_51 : memref<128x128xf32, #tpu.memory_space<vmem_shared>>) dst(%arg7 : memref<128x128xf32, #tpu.memory_space<vmem>>)
      tpu.yield
    }) : () -> ()
    "tpu.region"() ({
      %run_scoped3A = tpu.sem_alloc : memref<!tpu.dma_semaphore, #tpu.memory_space<semaphore_mem>>
      %dma_start3A = arith.constant 0 : i32
      %dma_start3A_46 = tpu.memref_slice %arg5[%arg0, %add3A_45, %dma_start3A] : memref<2x10240x128xf32, #tpu.memory_space<hbm>> -> memref<1x128x128xf32, #tpu.memory_space<hbm>>
      %dma_start3A_47 = tpu.memref_squeeze %dma_start3A_46 : memref<1x128x128xf32, #tpu.memory_space<hbm>> -> memref<128x128xf32, #tpu.memory_space<hbm>>
      %dma_start3A_48 = arith.constant 0 : i32
      %dma_start3A_49 = tpu.memref_slice %arg5[%arg0, %add3A_45, %dma_start3A_48] : memref<2x10240x128xf32, #tpu.memory_space<hbm>> -> memref<1x128x128xf32, #tpu.memory_space<hbm>>
      %dma_start3A_50 = tpu.memref_squeeze %dma_start3A_49 : memref<1x128x128xf32, #tpu.memory_space<hbm>> -> memref<128x128xf32, #tpu.memory_space<hbm>>
      tpu.enqueue_dma source(%arg7 : memref<128x128xf32, #tpu.memory_space<vmem>>) target(%dma_start3A_50 : memref<128x128xf32, #tpu.memory_space<hbm>>) target_semaphore(%run_scoped3A : memref<!tpu.dma_semaphore, #tpu.memory_space<semaphore_mem>>)
      %dma_wait3A = arith.constant 0 : i32
      %dma_wait3A_51 = tpu.memref_slice %arg5[%arg0, %add3A_45, %dma_wait3A] : memref<2x10240x128xf32, #tpu.memory_space<hbm>> -> memref<1x128x128xf32, #tpu.memory_space<hbm>>
      %dma_wait3A_52 = tpu.memref_squeeze %dma_wait3A_51 : memref<1x128x128xf32, #tpu.memory_space<hbm>> -> memref<128x128xf32, #tpu.memory_space<hbm>>
      %dma_wait3A_53 = arith.constant 0 : i32
      %dma_wait3A_54 = tpu.memref_slice %arg5[%arg0, %add3A_45, %dma_wait3A_53] : memref<2x10240x128xf32, #tpu.memory_space<hbm>> -> memref<1x128x128xf32, #tpu.memory_space<hbm>>
      %dma_wait3A_55 = tpu.memref_squeeze %dma_wait3A_54 : memref<1x128x128xf32, #tpu.memory_space<hbm>> -> memref<128x128xf32, #tpu.memory_space<hbm>>
      tpu.wait_dma2 semaphore(%run_scoped3A : memref<!tpu.dma_semaphore, #tpu.memory_space<semaphore_mem>>) src(%arg7 : memref<128x128xf32, #tpu.memory_space<vmem>>) dst(%dma_wait3A_55 : memref<128x128xf32, #tpu.memory_space<hbm>>)
      tpu.yield
    }) : () -> ()
    return
  }
}

#map = affine_map<(d0, d1) -> (0, 0)>
#map1 = affine_map<(d0, d1) -> (0, 0, 0)>
module attributes {stable_mosaic.version = 14 : i64} {
  func.func @_agg_body(%arg0: i32, %arg1: i32, %arg2: memref<10000x128xf32, #tpu.memory_space<hbm>>, %arg3: memref<16x160x128xi32, #tpu.memory_space<hbm>>, %arg4: memref<16x160x128xi32, #tpu.memory_space<hbm>>, %arg5: memref<128x128xf32, #tpu.memory_space<hbm>>, %arg6: memref<2x10240x128xf32, #tpu.memory_space<hbm>>, %arg7: memref<40x128xi32, #tpu.memory_space<vmem>>, %arg8: memref<40x128xi32, #tpu.memory_space<vmem>>, %arg9: memref<128x128xf32, #tpu.memory_space<vmem>>, %arg10: memref<128x128xf32, #tpu.memory_space<vmem>>, %arg11: memref<10240x128xf32, #tpu.memory_space<vmem_shared>>, %arg12: memref<!tpu.dma_semaphore, #tpu.memory_space<semaphore_mem>>, %arg13: memref<!tpu.dma_semaphore, #tpu.memory_space<semaphore_mem>>) attributes {dimension_semantics = [#tpu.dimension_semantics<core_parallel>, #tpu.dimension_semantics<subcore_parallel>], iteration_bounds = array<i64: 2, 16>, scalar_prefetch = 0 : i64, scratch_operands = 7 : i64, tpu.core_type = #tpu.core_type<sc_vector_subcore>, window_params = [{transform_indices = #map}, {transform_indices = #map1}, {transform_indices = #map1}, {transform_indices = #map}, {transform_indices = #map1}]} {
    "tpu.region"() ({
      %run_scoped3A = tpu.sem_alloc : memref<!tpu.dma_semaphore, #tpu.memory_space<semaphore_mem>>
      tpu.enqueue_dma source(%arg5 : memref<128x128xf32, #tpu.memory_space<hbm>>) target(%arg9 : memref<128x128xf32, #tpu.memory_space<vmem>>) target_semaphore(%run_scoped3A : memref<!tpu.dma_semaphore, #tpu.memory_space<semaphore_mem>>)
      tpu.wait_dma2 semaphore(%run_scoped3A : memref<!tpu.dma_semaphore, #tpu.memory_space<semaphore_mem>>) src(%arg5 : memref<128x128xf32, #tpu.memory_space<hbm>>) dst(%arg9 : memref<128x128xf32, #tpu.memory_space<vmem>>)
      tpu.yield
    }) : () -> ()
    %mul3A = arith.constant 640 : i32
    %mul3A_0 = arith.muli %arg1, %mul3A : i32
    %add3A = arith.constant 0 : i32
    %add3A_1 = arith.addi %mul3A_0, %add3A : i32
    "tpu.region"() ({
      %run_scoped3A = tpu.sem_alloc : memref<!tpu.dma_semaphore, #tpu.memory_space<semaphore_mem>>
      %dma_start3A = arith.constant 0 : i32
      %dma_start3A_46 = tpu.memref_slice %arg11[%add3A_1, %dma_start3A] : memref<10240x128xf32, #tpu.memory_space<vmem_shared>> -> memref<128x128xf32, #tpu.memory_space<vmem_shared>>
      %dma_start3A_47 = arith.constant 0 : i32
      %dma_start3A_48 = tpu.memref_slice %arg11[%add3A_1, %dma_start3A_47] : memref<10240x128xf32, #tpu.memory_space<vmem_shared>> -> memref<128x128xf32, #tpu.memory_space<vmem_shared>>
      tpu.enqueue_dma source(%arg9 : memref<128x128xf32, #tpu.memory_space<vmem>>) target(%dma_start3A_48 : memref<128x128xf32, #tpu.memory_space<vmem_shared>>) target_semaphore(%run_scoped3A : memref<!tpu.dma_semaphore, #tpu.memory_space<semaphore_mem>>)
      %dma_wait3A = arith.constant 0 : i32
      %dma_wait3A_49 = tpu.memref_slice %arg11[%add3A_1, %dma_wait3A] : memref<10240x128xf32, #tpu.memory_space<vmem_shared>> -> memref<128x128xf32, #tpu.memory_space<vmem_shared>>
      %dma_wait3A_50 = arith.constant 0 : i32
      %dma_wait3A_51 = tpu.memref_slice %arg11[%add3A_1, %dma_wait3A_50] : memref<10240x128xf32, #tpu.memory_space<vmem_shared>> -> memref<128x128xf32, #tpu.memory_space<vmem_shared>>
      tpu.wait_dma2 semaphore(%run_scoped3A : memref<!tpu.dma_semaphore, #tpu.memory_space<semaphore_mem>>) src(%arg9 : memref<128x128xf32, #tpu.memory_space<vmem>>) dst(%dma_wait3A_51 : memref<128x128xf32, #tpu.memory_space<vmem_shared>>)
      tpu.yield
    }) : () -> ()
    %mul3A_2 = arith.constant 640 : i32
    %mul3A_3 = arith.muli %arg1, %mul3A_2 : i32
    %add3A_4 = arith.constant 128 : i32
    %add3A_5 = arith.addi %mul3A_3, %add3A_4 : i32
    "tpu.region"() ({
      %run_scoped3A = tpu.sem_alloc : memref<!tpu.dma_semaphore, #tpu.memory_space<semaphore_mem>>
      %dma_start3A = arith.constant 0 : i32
      %dma_start3A_46 = tpu.memref_slice %arg11[%add3A_5, %dma_start3A] : memref<10240x128xf32, #tpu.memory_space<vmem_shared>> -> memref<128x128xf32, #tpu.memory_space<vmem_shared>>
      %dma_start3A_47 = arith.constant 0 : i32
      %dma_start3A_48 = tpu.memref_slice %arg11[%add3A_5, %dma_start3A_47] : memref<10240x128xf32, #tpu.memory_space<vmem_shared>> -> memref<128x128xf32, #tpu.memory_space<vmem_shared>>
      tpu.enqueue_dma source(%arg9 : memref<128x128xf32, #tpu.memory_space<vmem>>) target(%dma_start3A_48 : memref<128x128xf32, #tpu.memory_space<vmem_shared>>) target_semaphore(%run_scoped3A : memref<!tpu.dma_semaphore, #tpu.memory_space<semaphore_mem>>)
      %dma_wait3A = arith.constant 0 : i32
      %dma_wait3A_49 = tpu.memref_slice %arg11[%add3A_5, %dma_wait3A] : memref<10240x128xf32, #tpu.memory_space<vmem_shared>> -> memref<128x128xf32, #tpu.memory_space<vmem_shared>>
      %dma_wait3A_50 = arith.constant 0 : i32
      %dma_wait3A_51 = tpu.memref_slice %arg11[%add3A_5, %dma_wait3A_50] : memref<10240x128xf32, #tpu.memory_space<vmem_shared>> -> memref<128x128xf32, #tpu.memory_space<vmem_shared>>
      tpu.wait_dma2 semaphore(%run_scoped3A : memref<!tpu.dma_semaphore, #tpu.memory_space<semaphore_mem>>) src(%arg9 : memref<128x128xf32, #tpu.memory_space<vmem>>) dst(%dma_wait3A_51 : memref<128x128xf32, #tpu.memory_space<vmem_shared>>)
      tpu.yield
    }) : () -> ()
    %mul3A_6 = arith.constant 640 : i32
    %mul3A_7 = arith.muli %arg1, %mul3A_6 : i32
    %add3A_8 = arith.constant 256 : i32
    %add3A_9 = arith.addi %mul3A_7, %add3A_8 : i32
    "tpu.region"() ({
      %run_scoped3A = tpu.sem_alloc : memref<!tpu.dma_semaphore, #tpu.memory_space<semaphore_mem>>
      %dma_start3A = arith.constant 0 : i32
      %dma_start3A_46 = tpu.memref_slice %arg11[%add3A_9, %dma_start3A] : memref<10240x128xf32, #tpu.memory_space<vmem_shared>> -> memref<128x128xf32, #tpu.memory_space<vmem_shared>>
      %dma_start3A_47 = arith.constant 0 : i32
      %dma_start3A_48 = tpu.memref_slice %arg11[%add3A_9, %dma_start3A_47] : memref<10240x128xf32, #tpu.memory_space<vmem_shared>> -> memref<128x128xf32, #tpu.memory_space<vmem_shared>>
      tpu.enqueue_dma source(%arg9 : memref<128x128xf32, #tpu.memory_space<vmem>>) target(%dma_start3A_48 : memref<128x128xf32, #tpu.memory_space<vmem_shared>>) target_semaphore(%run_scoped3A : memref<!tpu.dma_semaphore, #tpu.memory_space<semaphore_mem>>)
      %dma_wait3A = arith.constant 0 : i32
      %dma_wait3A_49 = tpu.memref_slice %arg11[%add3A_9, %dma_wait3A] : memref<10240x128xf32, #tpu.memory_space<vmem_shared>> -> memref<128x128xf32, #tpu.memory_space<vmem_shared>>
      %dma_wait3A_50 = arith.constant 0 : i32
      %dma_wait3A_51 = tpu.memref_slice %arg11[%add3A_9, %dma_wait3A_50] : memref<10240x128xf32, #tpu.memory_space<vmem_shared>> -> memref<128x128xf32, #tpu.memory_space<vmem_shared>>
      tpu.wait_dma2 semaphore(%run_scoped3A : memref<!tpu.dma_semaphore, #tpu.memory_space<semaphore_mem>>) src(%arg9 : memref<128x128xf32, #tpu.memory_space<vmem>>) dst(%dma_wait3A_51 : memref<128x128xf32, #tpu.memory_space<vmem_shared>>)
      tpu.yield
    }) : () -> ()
    %mul3A_10 = arith.constant 640 : i32
    %mul3A_11 = arith.muli %arg1, %mul3A_10 : i32
    %add3A_12 = arith.constant 384 : i32
    %add3A_13 = arith.addi %mul3A_11, %add3A_12 : i32
    "tpu.region"() ({
      %run_scoped3A = tpu.sem_alloc : memref<!tpu.dma_semaphore, #tpu.memory_space<semaphore_mem>>
      %dma_start3A = arith.constant 0 : i32
      %dma_start3A_46 = tpu.memref_slice %arg11[%add3A_13, %dma_start3A] : memref<10240x128xf32, #tpu.memory_space<vmem_shared>> -> memref<128x128xf32, #tpu.memory_space<vmem_shared>>
      %dma_start3A_47 = arith.constant 0 : i32
      %dma_start3A_48 = tpu.memref_slice %arg11[%add3A_13, %dma_start3A_47] : memref<10240x128xf32, #tpu.memory_space<vmem_shared>> -> memref<128x128xf32, #tpu.memory_space<vmem_shared>>
      tpu.enqueue_dma source(%arg9 : memref<128x128xf32, #tpu.memory_space<vmem>>) target(%dma_start3A_48 : memref<128x128xf32, #tpu.memory_space<vmem_shared>>) target_semaphore(%run_scoped3A : memref<!tpu.dma_semaphore, #tpu.memory_space<semaphore_mem>>)
      %dma_wait3A = arith.constant 0 : i32
      %dma_wait3A_49 = tpu.memref_slice %arg11[%add3A_13, %dma_wait3A] : memref<10240x128xf32, #tpu.memory_space<vmem_shared>> -> memref<128x128xf32, #tpu.memory_space<vmem_shared>>
      %dma_wait3A_50 = arith.constant 0 : i32
      %dma_wait3A_51 = tpu.memref_slice %arg11[%add3A_13, %dma_wait3A_50] : memref<10240x128xf32, #tpu.memory_space<vmem_shared>> -> memref<128x128xf32, #tpu.memory_space<vmem_shared>>
      tpu.wait_dma2 semaphore(%run_scoped3A : memref<!tpu.dma_semaphore, #tpu.memory_space<semaphore_mem>>) src(%arg9 : memref<128x128xf32, #tpu.memory_space<vmem>>) dst(%dma_wait3A_51 : memref<128x128xf32, #tpu.memory_space<vmem_shared>>)
      tpu.yield
    }) : () -> ()
    %mul3A_14 = arith.constant 640 : i32
    %mul3A_15 = arith.muli %arg1, %mul3A_14 : i32
    %add3A_16 = arith.constant 512 : i32
    %add3A_17 = arith.addi %mul3A_15, %add3A_16 : i32
    "tpu.region"() ({
      %run_scoped3A = tpu.sem_alloc : memref<!tpu.dma_semaphore, #tpu.memory_space<semaphore_mem>>
      %dma_start3A = arith.constant 0 : i32
      %dma_start3A_46 = tpu.memref_slice %arg11[%add3A_17, %dma_start3A] : memref<10240x128xf32, #tpu.memory_space<vmem_shared>> -> memref<128x128xf32, #tpu.memory_space<vmem_shared>>
      %dma_start3A_47 = arith.constant 0 : i32
      %dma_start3A_48 = tpu.memref_slice %arg11[%add3A_17, %dma_start3A_47] : memref<10240x128xf32, #tpu.memory_space<vmem_shared>> -> memref<128x128xf32, #tpu.memory_space<vmem_shared>>
      tpu.enqueue_dma source(%arg9 : memref<128x128xf32, #tpu.memory_space<vmem>>) target(%dma_start3A_48 : memref<128x128xf32, #tpu.memory_space<vmem_shared>>) target_semaphore(%run_scoped3A : memref<!tpu.dma_semaphore, #tpu.memory_space<semaphore_mem>>)
      %dma_wait3A = arith.constant 0 : i32
      %dma_wait3A_49 = tpu.memref_slice %arg11[%add3A_17, %dma_wait3A] : memref<10240x128xf32, #tpu.memory_space<vmem_shared>> -> memref<128x128xf32, #tpu.memory_space<vmem_shared>>
      %dma_wait3A_50 = arith.constant 0 : i32
      %dma_wait3A_51 = tpu.memref_slice %arg11[%add3A_17, %dma_wait3A_50] : memref<10240x128xf32, #tpu.memory_space<vmem_shared>> -> memref<128x128xf32, #tpu.memory_space<vmem_shared>>
      tpu.wait_dma2 semaphore(%run_scoped3A : memref<!tpu.dma_semaphore, #tpu.memory_space<semaphore_mem>>) src(%arg9 : memref<128x128xf32, #tpu.memory_space<vmem>>) dst(%dma_wait3A_51 : memref<128x128xf32, #tpu.memory_space<vmem_shared>>)
      tpu.yield
    }) : () -> ()
    %barrier3A = arith.constant 0 : index
    tpu.barrier barrier_id(%barrier3A)
    %eq3A = arith.constant 0 : i32
    %eq3A_18 = arith.cmpi eq, %arg0, %eq3A : i32
    %convert_element_type3A = arith.extui %eq3A_18 : i1 to i32
    %cond3A = arith.constant 0 : i32
    %cond3A_19 = arith.cmpi ne, %convert_element_type3A, %cond3A : i32
    scf.if %cond3A_19 {
      "tpu.region"() ({
        %run_scoped3A_153 = tpu.sem_alloc : memref<!tpu.dma_semaphore, #tpu.memory_space<semaphore_mem>>
        %dma_start3A_154 = arith.constant 0 : i32
        %dma_start3A_155 = arith.constant 0 : i32
        %dma_start3A_156 = tpu.memref_slice %arg3[%arg1, %dma_start3A_154, %dma_start3A_155] : memref<16x160x128xi32, #tpu.memory_space<hbm>> -> memref<1x40x128xi32, #tpu.memory_space<hbm>>
        %dma_start3A_157 = tpu.memref_squeeze %dma_start3A_156 : memref<1x40x128xi32, #tpu.memory_space<hbm>> -> memref<40x128xi32, #tpu.memory_space<hbm>>
        %dma_start3A_158 = arith.constant 0 : i32
        %dma_start3A_159 = arith.constant 0 : i32
        %dma_start3A_160 = tpu.memref_slice %arg3[%arg1, %dma_start3A_158, %dma_start3A_159] : memref<16x160x128xi32, #tpu.memory_space<hbm>> -> memref<1x40x128xi32, #tpu.memory_space<hbm>>
        %dma_start3A_161 = tpu.memref_squeeze %dma_start3A_160 : memref<1x40x128xi32, #tpu.memory_space<hbm>> -> memref<40x128xi32, #tpu.memory_space<hbm>>
        tpu.enqueue_dma source(%dma_start3A_161 : memref<40x128xi32, #tpu.memory_space<hbm>>) target(%arg7 : memref<40x128xi32, #tpu.memory_space<vmem>>) target_semaphore(%run_scoped3A_153 : memref<!tpu.dma_semaphore, #tpu.memory_space<semaphore_mem>>)
        %dma_wait3A_162 = arith.constant 0 : i32
        %dma_wait3A_163 = arith.constant 0 : i32
        %dma_wait3A_164 = tpu.memref_slice %arg3[%arg1, %dma_wait3A_162, %dma_wait3A_163] : memref<16x160x128xi32, #tpu.memory_space<hbm>> -> memref<1x40x128xi32, #tpu.memory_space<hbm>>
        %dma_wait3A_165 = tpu.memref_squeeze %dma_wait3A_164 : memref<1x40x128xi32, #tpu.memory_space<hbm>> -> memref<40x128xi32, #tpu.memory_space<hbm>>
        %dma_wait3A_166 = arith.constant 0 : i32
        %dma_wait3A_167 = arith.constant 0 : i32
        %dma_wait3A_168 = tpu.memref_slice %arg3[%arg1, %dma_wait3A_166, %dma_wait3A_167] : memref<16x160x128xi32, #tpu.memory_space<hbm>> -> memref<1x40x128xi32, #tpu.memory_space<hbm>>
        %dma_wait3A_169 = tpu.memref_squeeze %dma_wait3A_168 : memref<1x40x128xi32, #tpu.memory_space<hbm>> -> memref<40x128xi32, #tpu.memory_space<hbm>>
        tpu.wait_dma2 semaphore(%run_scoped3A_153 : memref<!tpu.dma_semaphore, #tpu.memory_space<semaphore_mem>>) src(%dma_wait3A_169 : memref<40x128xi32, #tpu.memory_space<hbm>>) dst(%arg7 : memref<40x128xi32, #tpu.memory_space<vmem>>)
        tpu.yield
      }) : () -> ()
      "tpu.region"() ({
        %run_scoped3A_153 = tpu.sem_alloc : memref<!tpu.dma_semaphore, #tpu.memory_space<semaphore_mem>>
        %dma_start3A_154 = arith.constant 0 : i32
        %dma_start3A_155 = arith.constant 0 : i32
        %dma_start3A_156 = tpu.memref_slice %arg4[%arg1, %dma_start3A_154, %dma_start3A_155] : memref<16x160x128xi32, #tpu.memory_space<hbm>> -> memref<1x40x128xi32, #tpu.memory_space<hbm>>
        %dma_start3A_157 = tpu.memref_squeeze %dma_start3A_156 : memref<1x40x128xi32, #tpu.memory_space<hbm>> -> memref<40x128xi32, #tpu.memory_space<hbm>>
        %dma_start3A_158 = arith.constant 0 : i32
        %dma_start3A_159 = arith.constant 0 : i32
        %dma_start3A_160 = tpu.memref_slice %arg4[%arg1, %dma_start3A_158, %dma_start3A_159] : memref<16x160x128xi32, #tpu.memory_space<hbm>> -> memref<1x40x128xi32, #tpu.memory_space<hbm>>
        %dma_start3A_161 = tpu.memref_squeeze %dma_start3A_160 : memref<1x40x128xi32, #tpu.memory_space<hbm>> -> memref<40x128xi32, #tpu.memory_space<hbm>>
        tpu.enqueue_dma source(%dma_start3A_161 : memref<40x128xi32, #tpu.memory_space<hbm>>) target(%arg8 : memref<40x128xi32, #tpu.memory_space<vmem>>) target_semaphore(%run_scoped3A_153 : memref<!tpu.dma_semaphore, #tpu.memory_space<semaphore_mem>>)
        %dma_wait3A_162 = arith.constant 0 : i32
        %dma_wait3A_163 = arith.constant 0 : i32
        %dma_wait3A_164 = tpu.memref_slice %arg4[%arg1, %dma_wait3A_162, %dma_wait3A_163] : memref<16x160x128xi32, #tpu.memory_space<hbm>> -> memref<1x40x128xi32, #tpu.memory_space<hbm>>
        %dma_wait3A_165 = tpu.memref_squeeze %dma_wait3A_164 : memref<1x40x128xi32, #tpu.memory_space<hbm>> -> memref<40x128xi32, #tpu.memory_space<hbm>>
        %dma_wait3A_166 = arith.constant 0 : i32
        %dma_wait3A_167 = arith.constant 0 : i32
        %dma_wait3A_168 = tpu.memref_slice %arg4[%arg1, %dma_wait3A_166, %dma_wait3A_167] : memref<16x160x128xi32, #tpu.memory_space<hbm>> -> memref<1x40x128xi32, #tpu.memory_space<hbm>>
        %dma_wait3A_169 = tpu.memref_squeeze %dma_wait3A_168 : memref<1x40x128xi32, #tpu.memory_space<hbm>> -> memref<40x128xi32, #tpu.memory_space<hbm>>
        tpu.wait_dma2 semaphore(%run_scoped3A_153 : memref<!tpu.dma_semaphore, #tpu.memory_space<semaphore_mem>>) src(%dma_wait3A_169 : memref<40x128xi32, #tpu.memory_space<hbm>>) dst(%arg8 : memref<40x128xi32, #tpu.memory_space<vmem>>)
        tpu.yield
      }) : () -> ()
      %dma_start3A = arith.constant 0 : i32
      %dma_start3A_46 = arith.constant 0 : i32
      %dma_start3A_47 = tpu.memref_slice %arg7[%dma_start3A, %dma_start3A_46] : memref<40x128xi32, #tpu.memory_space<vmem>> -> memref<1x128xi32, #tpu.memory_space<vmem>>
      %dma_start3A_48 = tpu.memref_squeeze %dma_start3A_47 : memref<1x128xi32, #tpu.memory_space<vmem>> -> memref<128xi32, #tpu.memory_space<vmem>>
      %dma_start3A_49 = arith.constant 0 : i32
      %dma_start3A_50 = arith.constant 0 : i32
      %dma_start3A_51 = tpu.memref_slice %arg2[%dma_start3A_49, %dma_start3A_50] : memref<10000x128xf32, #tpu.memory_space<hbm>> -> memref<10000x128xf32, #tpu.memory_space<hbm>>
      tpu.enqueue_indirect_dma source(%dma_start3A_51 : memref<10000x128xf32, #tpu.memory_space<hbm>>) target(%arg9 : memref<128x128xf32, #tpu.memory_space<vmem>>) offsets(%dma_start3A_48 : memref<128xi32, #tpu.memory_space<vmem>>) semaphore(%arg12 : memref<!tpu.dma_semaphore, #tpu.memory_space<semaphore_mem>>)
      %scan3A = arith.constant 0 : i32
      %scan3A_52 = arith.constant 0 : i32
      %scan3A_53 = arith.constant 19 : i32
      %scan3A_54 = arith.addi %scan3A_52, %scan3A_53 : i32
      %scan3A_55 = arith.constant 1 : i32
      %scan3A_56 = scf.for %scan3A_153 = %scan3A_52 to %scan3A_54 step %scan3A_55 iter_args(%scan3A_154 = %scan3A) -> (i32)  : i32 {
        %mul3A_155 = arith.constant 2 : i32
        %mul3A_156 = arith.muli %mul3A_155, %scan3A_153 : i32
        %add3A_157 = arith.constant 1 : i32
        %add3A_158 = arith.addi %mul3A_156, %add3A_157 : i32
        %dma_start3A_159 = arith.constant 0 : i32
        %dma_start3A_160 = tpu.memref_slice %arg7[%add3A_158, %dma_start3A_159] : memref<40x128xi32, #tpu.memory_space<vmem>> -> memref<1x128xi32, #tpu.memory_space<vmem>>
        %dma_start3A_161 = tpu.memref_squeeze %dma_start3A_160 : memref<1x128xi32, #tpu.memory_space<vmem>> -> memref<128xi32, #tpu.memory_space<vmem>>
        %dma_start3A_162 = arith.constant 0 : i32
        %dma_start3A_163 = arith.constant 0 : i32
        %dma_start3A_164 = tpu.memref_slice %arg2[%dma_start3A_162, %dma_start3A_163] : memref<10000x128xf32, #tpu.memory_space<hbm>> -> memref<10000x128xf32, #tpu.memory_space<hbm>>
        tpu.enqueue_indirect_dma source(%dma_start3A_164 : memref<10000x128xf32, #tpu.memory_space<hbm>>) target(%arg10 : memref<128x128xf32, #tpu.memory_space<vmem>>) offsets(%dma_start3A_161 : memref<128xi32, #tpu.memory_space<vmem>>) semaphore(%arg13 : memref<!tpu.dma_semaphore, #tpu.memory_space<semaphore_mem>>)
        %mul3A_165 = arith.constant 2 : i32
        %mul3A_166 = arith.muli %mul3A_165, %scan3A_153 : i32
        %dma_wait3A_167 = arith.constant 0 : i32
        %dma_wait3A_168 = tpu.memref_slice %arg7[%mul3A_166, %dma_wait3A_167] : memref<40x128xi32, #tpu.memory_space<vmem>> -> memref<1x128xi32, #tpu.memory_space<vmem>>
        %dma_wait3A_169 = tpu.memref_squeeze %dma_wait3A_168 : memref<1x128xi32, #tpu.memory_space<vmem>> -> memref<128xi32, #tpu.memory_space<vmem>>
        %dma_wait3A_170 = arith.constant 0 : i32
        %dma_wait3A_171 = arith.constant 0 : i32
        %dma_wait3A_172 = tpu.memref_slice %arg2[%dma_wait3A_170, %dma_wait3A_171] : memref<10000x128xf32, #tpu.memory_space<hbm>> -> memref<10000x128xf32, #tpu.memory_space<hbm>>
        tpu.wait_indirect_dma semaphore(%arg12 : memref<!tpu.dma_semaphore, #tpu.memory_space<semaphore_mem>>) src(%dma_wait3A_172 : memref<10000x128xf32, #tpu.memory_space<hbm>>) dst(%arg9 : memref<128x128xf32, #tpu.memory_space<vmem>>)
        %mul3A_173 = arith.constant 2 : i32
        %mul3A_174 = arith.muli %mul3A_173, %scan3A_153 : i32
        "tpu.region"() ({
          %run_scoped3A_200 = tpu.sem_alloc : memref<!tpu.dma_semaphore, #tpu.memory_space<semaphore_mem>>
          %dma_start3A_201 = arith.constant 0 : i32
          %dma_start3A_202 = tpu.memref_slice %arg8[%mul3A_174, %dma_start3A_201] : memref<40x128xi32, #tpu.memory_space<vmem>> -> memref<1x128xi32, #tpu.memory_space<vmem>>
          %dma_start3A_203 = tpu.memref_squeeze %dma_start3A_202 : memref<1x128xi32, #tpu.memory_space<vmem>> -> memref<128xi32, #tpu.memory_space<vmem>>
          %dma_start3A_204 = arith.constant 0 : i32
          %dma_start3A_205 = arith.constant 0 : i32
          %dma_start3A_206 = tpu.memref_slice %arg11[%dma_start3A_204, %dma_start3A_205] : memref<10240x128xf32, #tpu.memory_space<vmem_shared>> -> memref<10240x128xf32, #tpu.memory_space<vmem_shared>>
          tpu.enqueue_indirect_dma source(%arg9 : memref<128x128xf32, #tpu.memory_space<vmem>>) target(%dma_start3A_206 : memref<10240x128xf32, #tpu.memory_space<vmem_shared>>) offsets(%dma_start3A_203 : memref<128xi32, #tpu.memory_space<vmem>>) semaphore(%run_scoped3A_200 : memref<!tpu.dma_semaphore, #tpu.memory_space<semaphore_mem>>) {add = true}
          %dma_wait3A_207 = arith.constant 0 : i32
          %dma_wait3A_208 = tpu.memref_slice %arg8[%mul3A_174, %dma_wait3A_207] : memref<40x128xi32, #tpu.memory_space<vmem>> -> memref<1x128xi32, #tpu.memory_space<vmem>>
          %dma_wait3A_209 = tpu.memref_squeeze %dma_wait3A_208 : memref<1x128xi32, #tpu.memory_space<vmem>> -> memref<128xi32, #tpu.memory_space<vmem>>
          %dma_wait3A_210 = arith.constant 0 : i32
          %dma_wait3A_211 = arith.constant 0 : i32
          %dma_wait3A_212 = tpu.memref_slice %arg11[%dma_wait3A_210, %dma_wait3A_211] : memref<10240x128xf32, #tpu.memory_space<vmem_shared>> -> memref<10240x128xf32, #tpu.memory_space<vmem_shared>>
          tpu.wait_indirect_dma semaphore(%run_scoped3A_200 : memref<!tpu.dma_semaphore, #tpu.memory_space<semaphore_mem>>) src(%arg9 : memref<128x128xf32, #tpu.memory_space<vmem>>) dst(%dma_wait3A_212 : memref<10240x128xf32, #tpu.memory_space<vmem_shared>>)
          tpu.yield
        }) : () -> ()
        %mul3A_175 = arith.constant 2 : i32
        %mul3A_176 = arith.muli %mul3A_175, %scan3A_153 : i32
        %add3A_177 = arith.constant 2 : i32
        %add3A_178 = arith.addi %mul3A_176, %add3A_177 : i32
        %dma_start3A_179 = arith.constant 0 : i32
        %dma_start3A_180 = tpu.memref_slice %arg7[%add3A_178, %dma_start3A_179] : memref<40x128xi32, #tpu.memory_space<vmem>> -> memref<1x128xi32, #tpu.memory_space<vmem>>
        %dma_start3A_181 = tpu.memref_squeeze %dma_start3A_180 : memref<1x128xi32, #tpu.memory_space<vmem>> -> memref<128xi32, #tpu.memory_space<vmem>>
        %dma_start3A_182 = arith.constant 0 : i32
        %dma_start3A_183 = arith.constant 0 : i32
        %dma_start3A_184 = tpu.memref_slice %arg2[%dma_start3A_182, %dma_start3A_183] : memref<10000x128xf32, #tpu.memory_space<hbm>> -> memref<10000x128xf32, #tpu.memory_space<hbm>>
        tpu.enqueue_indirect_dma source(%dma_start3A_184 : memref<10000x128xf32, #tpu.memory_space<hbm>>) target(%arg9 : memref<128x128xf32, #tpu.memory_space<vmem>>) offsets(%dma_start3A_181 : memref<128xi32, #tpu.memory_space<vmem>>) semaphore(%arg12 : memref<!tpu.dma_semaphore, #tpu.memory_space<semaphore_mem>>)
        %mul3A_185 = arith.constant 2 : i32
        %mul3A_186 = arith.muli %mul3A_185, %scan3A_153 : i32
        %add3A_187 = arith.constant 1 : i32
        %add3A_188 = arith.addi %mul3A_186, %add3A_187 : i32
        %dma_wait3A_189 = arith.constant 0 : i32
        %dma_wait3A_190 = tpu.memref_slice %arg7[%add3A_188, %dma_wait3A_189] : memref<40x128xi32, #tpu.memory_space<vmem>> -> memref<1x128xi32, #tpu.memory_space<vmem>>
        %dma_wait3A_191 = tpu.memref_squeeze %dma_wait3A_190 : memref<1x128xi32, #tpu.memory_space<vmem>> -> memref<128xi32, #tpu.memory_space<vmem>>
        %dma_wait3A_192 = arith.constant 0 : i32
        %dma_wait3A_193 = arith.constant 0 : i32
        %dma_wait3A_194 = tpu.memref_slice %arg2[%dma_wait3A_192, %dma_wait3A_193] : memref<10000x128xf32, #tpu.memory_space<hbm>> -> memref<10000x128xf32, #tpu.memory_space<hbm>>
        tpu.wait_indirect_dma semaphore(%arg13 : memref<!tpu.dma_semaphore, #tpu.memory_space<semaphore_mem>>) src(%dma_wait3A_194 : memref<10000x128xf32, #tpu.memory_space<hbm>>) dst(%arg10 : memref<128x128xf32, #tpu.memory_space<vmem>>)
        %mul3A_195 = arith.constant 2 : i32
        %mul3A_196 = arith.muli %mul3A_195, %scan3A_153 : i32
        %add3A_197 = arith.constant 1 : i32
        %add3A_198 = arith.addi %mul3A_196, %add3A_197 : i32
        "tpu.region"() ({
          %run_scoped3A_200 = tpu.sem_alloc : memref<!tpu.dma_semaphore, #tpu.memory_space<semaphore_mem>>
          %dma_start3A_201 = arith.constant 0 : i32
          %dma_start3A_202 = tpu.memref_slice %arg8[%add3A_198, %dma_start3A_201] : memref<40x128xi32, #tpu.memory_space<vmem>> -> memref<1x128xi32, #tpu.memory_space<vmem>>
          %dma_start3A_203 = tpu.memref_squeeze %dma_start3A_202 : memref<1x128xi32, #tpu.memory_space<vmem>> -> memref<128xi32, #tpu.memory_space<vmem>>
          %dma_start3A_204 = arith.constant 0 : i32
          %dma_start3A_205 = arith.constant 0 : i32
          %dma_start3A_206 = tpu.memref_slice %arg11[%dma_start3A_204, %dma_start3A_205] : memref<10240x128xf32, #tpu.memory_space<vmem_shared>> -> memref<10240x128xf32, #tpu.memory_space<vmem_shared>>
          tpu.enqueue_indirect_dma source(%arg10 : memref<128x128xf32, #tpu.memory_space<vmem>>) target(%dma_start3A_206 : memref<10240x128xf32, #tpu.memory_space<vmem_shared>>) offsets(%dma_start3A_203 : memref<128xi32, #tpu.memory_space<vmem>>) semaphore(%run_scoped3A_200 : memref<!tpu.dma_semaphore, #tpu.memory_space<semaphore_mem>>) {add = true}
          %dma_wait3A_207 = arith.constant 0 : i32
          %dma_wait3A_208 = tpu.memref_slice %arg8[%add3A_198, %dma_wait3A_207] : memref<40x128xi32, #tpu.memory_space<vmem>> -> memref<1x128xi32, #tpu.memory_space<vmem>>
          %dma_wait3A_209 = tpu.memref_squeeze %dma_wait3A_208 : memref<1x128xi32, #tpu.memory_space<vmem>> -> memref<128xi32, #tpu.memory_space<vmem>>
          %dma_wait3A_210 = arith.constant 0 : i32
          %dma_wait3A_211 = arith.constant 0 : i32
          %dma_wait3A_212 = tpu.memref_slice %arg11[%dma_wait3A_210, %dma_wait3A_211] : memref<10240x128xf32, #tpu.memory_space<vmem_shared>> -> memref<10240x128xf32, #tpu.memory_space<vmem_shared>>
          tpu.wait_indirect_dma semaphore(%run_scoped3A_200 : memref<!tpu.dma_semaphore, #tpu.memory_space<semaphore_mem>>) src(%arg10 : memref<128x128xf32, #tpu.memory_space<vmem>>) dst(%dma_wait3A_212 : memref<10240x128xf32, #tpu.memory_space<vmem_shared>>)
          tpu.yield
        }) : () -> ()
        %scan3A_199 = arith.constant 0 : i32
        scf.yield %scan3A_199 : i32
      }
      %scan3A_57 = arith.constant 19 : i32
      %dma_start3A_58 = arith.constant 39 : i32
      %dma_start3A_59 = arith.constant 0 : i32
      %dma_start3A_60 = tpu.memref_slice %arg7[%dma_start3A_58, %dma_start3A_59] : memref<40x128xi32, #tpu.memory_space<vmem>> -> memref<1x128xi32, #tpu.memory_space<vmem>>
      %dma_start3A_61 = tpu.memref_squeeze %dma_start3A_60 : memref<1x128xi32, #tpu.memory_space<vmem>> -> memref<128xi32, #tpu.memory_space<vmem>>
      %dma_start3A_62 = arith.constant 0 : i32
      %dma_start3A_63 = arith.constant 0 : i32
      %dma_start3A_64 = tpu.memref_slice %arg2[%dma_start3A_62, %dma_start3A_63] : memref<10000x128xf32, #tpu.memory_space<hbm>> -> memref<10000x128xf32, #tpu.memory_space<hbm>>
      tpu.enqueue_indirect_dma source(%dma_start3A_64 : memref<10000x128xf32, #tpu.memory_space<hbm>>) target(%arg10 : memref<128x128xf32, #tpu.memory_space<vmem>>) offsets(%dma_start3A_61 : memref<128xi32, #tpu.memory_space<vmem>>) semaphore(%arg13 : memref<!tpu.dma_semaphore, #tpu.memory_space<semaphore_mem>>)
      %dma_wait3A = arith.constant 38 : i32
      %dma_wait3A_65 = arith.constant 0 : i32
      %dma_wait3A_66 = tpu.memref_slice %arg7[%dma_wait3A, %dma_wait3A_65] : memref<40x128xi32, #tpu.memory_space<vmem>> -> memref<1x128xi32, #tpu.memory_space<vmem>>
      %dma_wait3A_67 = tpu.memref_squeeze %dma_wait3A_66 : memref<1x128xi32, #tpu.memory_space<vmem>> -> memref<128xi32, #tpu.memory_space<vmem>>
      %dma_wait3A_68 = arith.constant 0 : i32
      %dma_wait3A_69 = arith.constant 0 : i32
      %dma_wait3A_70 = tpu.memref_slice %arg2[%dma_wait3A_68, %dma_wait3A_69] : memref<10000x128xf32, #tpu.memory_space<hbm>> -> memref<10000x128xf32, #tpu.memory_space<hbm>>
      tpu.wait_indirect_dma semaphore(%arg12 : memref<!tpu.dma_semaphore, #tpu.memory_space<semaphore_mem>>) src(%dma_wait3A_70 : memref<10000x128xf32, #tpu.memory_space<hbm>>) dst(%arg9 : memref<128x128xf32, #tpu.memory_space<vmem>>)
      %run_scoped3A = arith.constant 38 : i32
      "tpu.region"() ({
        %run_scoped3A_153 = tpu.sem_alloc : memref<!tpu.dma_semaphore, #tpu.memory_space<semaphore_mem>>
        %dma_start3A_154 = arith.constant 0 : i32
        %dma_start3A_155 = tpu.memref_slice %arg8[%run_scoped3A, %dma_start3A_154] : memref<40x128xi32, #tpu.memory_space<vmem>> -> memref<1x128xi32, #tpu.memory_space<vmem>>
        %dma_start3A_156 = tpu.memref_squeeze %dma_start3A_155 : memref<1x128xi32, #tpu.memory_space<vmem>> -> memref<128xi32, #tpu.memory_space<vmem>>
        %dma_start3A_157 = arith.constant 0 : i32
        %dma_start3A_158 = arith.constant 0 : i32
        %dma_start3A_159 = tpu.memref_slice %arg11[%dma_start3A_157, %dma_start3A_158] : memref<10240x128xf32, #tpu.memory_space<vmem_shared>> -> memref<10240x128xf32, #tpu.memory_space<vmem_shared>>
        tpu.enqueue_indirect_dma source(%arg9 : memref<128x128xf32, #tpu.memory_space<vmem>>) target(%dma_start3A_159 : memref<10240x128xf32, #tpu.memory_space<vmem_shared>>) offsets(%dma_start3A_156 : memref<128xi32, #tpu.memory_space<vmem>>) semaphore(%run_scoped3A_153 : memref<!tpu.dma_semaphore, #tpu.memory_space<semaphore_mem>>) {add = true}
        %dma_wait3A_160 = arith.constant 0 : i32
        %dma_wait3A_161 = tpu.memref_slice %arg8[%run_scoped3A, %dma_wait3A_160] : memref<40x128xi32, #tpu.memory_space<vmem>> -> memref<1x128xi32, #tpu.memory_space<vmem>>
        %dma_wait3A_162 = tpu.memref_squeeze %dma_wait3A_161 : memref<1x128xi32, #tpu.memory_space<vmem>> -> memref<128xi32, #tpu.memory_space<vmem>>
        %dma_wait3A_163 = arith.constant 0 : i32
        %dma_wait3A_164 = arith.constant 0 : i32
        %dma_wait3A_165 = tpu.memref_slice %arg11[%dma_wait3A_163, %dma_wait3A_164] : memref<10240x128xf32, #tpu.memory_space<vmem_shared>> -> memref<10240x128xf32, #tpu.memory_space<vmem_shared>>
        tpu.wait_indirect_dma semaphore(%run_scoped3A_153 : memref<!tpu.dma_semaphore, #tpu.memory_space<semaphore_mem>>) src(%arg9 : memref<128x128xf32, #tpu.memory_space<vmem>>) dst(%dma_wait3A_165 : memref<10240x128xf32, #tpu.memory_space<vmem_shared>>)
        tpu.yield
      }) : () -> ()
      %dma_wait3A_71 = arith.constant 39 : i32
      %dma_wait3A_72 = arith.constant 0 : i32
      %dma_wait3A_73 = tpu.memref_slice %arg7[%dma_wait3A_71, %dma_wait3A_72] : memref<40x128xi32, #tpu.memory_space<vmem>> -> memref<1x128xi32, #tpu.memory_space<vmem>>
      %dma_wait3A_74 = tpu.memref_squeeze %dma_wait3A_73 : memref<1x128xi32, #tpu.memory_space<vmem>> -> memref<128xi32, #tpu.memory_space<vmem>>
      %dma_wait3A_75 = arith.constant 0 : i32
      %dma_wait3A_76 = arith.constant 0 : i32
      %dma_wait3A_77 = tpu.memref_slice %arg2[%dma_wait3A_75, %dma_wait3A_76] : memref<10000x128xf32, #tpu.memory_space<hbm>> -> memref<10000x128xf32, #tpu.memory_space<hbm>>
      tpu.wait_indirect_dma semaphore(%arg13 : memref<!tpu.dma_semaphore, #tpu.memory_space<semaphore_mem>>) src(%dma_wait3A_77 : memref<10000x128xf32, #tpu.memory_space<hbm>>) dst(%arg10 : memref<128x128xf32, #tpu.memory_space<vmem>>)
      %run_scoped3A_78 = arith.constant 39 : i32
      "tpu.region"() ({
        %run_scoped3A_153 = tpu.sem_alloc : memref<!tpu.dma_semaphore, #tpu.memory_space<semaphore_mem>>
        %dma_start3A_154 = arith.constant 0 : i32
        %dma_start3A_155 = tpu.memref_slice %arg8[%run_scoped3A_78, %dma_start3A_154] : memref<40x128xi32, #tpu.memory_space<vmem>> -> memref<1x128xi32, #tpu.memory_space<vmem>>
        %dma_start3A_156 = tpu.memref_squeeze %dma_start3A_155 : memref<1x128xi32, #tpu.memory_space<vmem>> -> memref<128xi32, #tpu.memory_space<vmem>>
        %dma_start3A_157 = arith.constant 0 : i32
        %dma_start3A_158 = arith.constant 0 : i32
        %dma_start3A_159 = tpu.memref_slice %arg11[%dma_start3A_157, %dma_start3A_158] : memref<10240x128xf32, #tpu.memory_space<vmem_shared>> -> memref<10240x128xf32, #tpu.memory_space<vmem_shared>>
        tpu.enqueue_indirect_dma source(%arg10 : memref<128x128xf32, #tpu.memory_space<vmem>>) target(%dma_start3A_159 : memref<10240x128xf32, #tpu.memory_space<vmem_shared>>) offsets(%dma_start3A_156 : memref<128xi32, #tpu.memory_space<vmem>>) semaphore(%run_scoped3A_153 : memref<!tpu.dma_semaphore, #tpu.memory_space<semaphore_mem>>) {add = true}
        %dma_wait3A_160 = arith.constant 0 : i32
        %dma_wait3A_161 = tpu.memref_slice %arg8[%run_scoped3A_78, %dma_wait3A_160] : memref<40x128xi32, #tpu.memory_space<vmem>> -> memref<1x128xi32, #tpu.memory_space<vmem>>
        %dma_wait3A_162 = tpu.memref_squeeze %dma_wait3A_161 : memref<1x128xi32, #tpu.memory_space<vmem>> -> memref<128xi32, #tpu.memory_space<vmem>>
        %dma_wait3A_163 = arith.constant 0 : i32
        %dma_wait3A_164 = arith.constant 0 : i32
        %dma_wait3A_165 = tpu.memref_slice %arg11[%dma_wait3A_163, %dma_wait3A_164] : memref<10240x128xf32, #tpu.memory_space<vmem_shared>> -> memref<10240x128xf32, #tpu.memory_space<vmem_shared>>
        tpu.wait_indirect_dma semaphore(%run_scoped3A_153 : memref<!tpu.dma_semaphore, #tpu.memory_space<semaphore_mem>>) src(%arg10 : memref<128x128xf32, #tpu.memory_space<vmem>>) dst(%dma_wait3A_165 : memref<10240x128xf32, #tpu.memory_space<vmem_shared>>)
        tpu.yield
      }) : () -> ()
      "tpu.region"() ({
        %run_scoped3A_153 = tpu.sem_alloc : memref<!tpu.dma_semaphore, #tpu.memory_space<semaphore_mem>>
        %dma_start3A_154 = arith.constant 40 : i32
        %dma_start3A_155 = arith.constant 0 : i32
        %dma_start3A_156 = tpu.memref_slice %arg3[%arg1, %dma_start3A_154, %dma_start3A_155] : memref<16x160x128xi32, #tpu.memory_space<hbm>> -> memref<1x40x128xi32, #tpu.memory_space<hbm>>
        %dma_start3A_157 = tpu.memref_squeeze %dma_start3A_156 : memref<1x40x128xi32, #tpu.memory_space<hbm>> -> memref<40x128xi32, #tpu.memory_space<hbm>>
        %dma_start3A_158 = arith.constant 40 : i32
        %dma_start3A_159 = arith.constant 0 : i32
        %dma_start3A_160 = tpu.memref_slice %arg3[%arg1, %dma_start3A_158, %dma_start3A_159] : memref<16x160x128xi32, #tpu.memory_space<hbm>> -> memref<1x40x128xi32, #tpu.memory_space<hbm>>
        %dma_start3A_161 = tpu.memref_squeeze %dma_start3A_160 : memref<1x40x128xi32, #tpu.memory_space<hbm>> -> memref<40x128xi32, #tpu.memory_space<hbm>>
        tpu.enqueue_dma source(%dma_start3A_161 : memref<40x128xi32, #tpu.memory_space<hbm>>) target(%arg7 : memref<40x128xi32, #tpu.memory_space<vmem>>) target_semaphore(%run_scoped3A_153 : memref<!tpu.dma_semaphore, #tpu.memory_space<semaphore_mem>>)
        %dma_wait3A_162 = arith.constant 40 : i32
        %dma_wait3A_163 = arith.constant 0 : i32
        %dma_wait3A_164 = tpu.memref_slice %arg3[%arg1, %dma_wait3A_162, %dma_wait3A_163] : memref<16x160x128xi32, #tpu.memory_space<hbm>> -> memref<1x40x128xi32, #tpu.memory_space<hbm>>
        %dma_wait3A_165 = tpu.memref_squeeze %dma_wait3A_164 : memref<1x40x128xi32, #tpu.memory_space<hbm>> -> memref<40x128xi32, #tpu.memory_space<hbm>>
        %dma_wait3A_166 = arith.constant 40 : i32
        %dma_wait3A_167 = arith.constant 0 : i32
        %dma_wait3A_168 = tpu.memref_slice %arg3[%arg1, %dma_wait3A_166, %dma_wait3A_167] : memref<16x160x128xi32, #tpu.memory_space<hbm>> -> memref<1x40x128xi32, #tpu.memory_space<hbm>>
        %dma_wait3A_169 = tpu.memref_squeeze %dma_wait3A_168 : memref<1x40x128xi32, #tpu.memory_space<hbm>> -> memref<40x128xi32, #tpu.memory_space<hbm>>
        tpu.wait_dma2 semaphore(%run_scoped3A_153 : memref<!tpu.dma_semaphore, #tpu.memory_space<semaphore_mem>>) src(%dma_wait3A_169 : memref<40x128xi32, #tpu.memory_space<hbm>>) dst(%arg7 : memref<40x128xi32, #tpu.memory_space<vmem>>)
        tpu.yield
      }) : () -> ()
      "tpu.region"() ({
        %run_scoped3A_153 = tpu.sem_alloc : memref<!tpu.dma_semaphore, #tpu.memory_space<semaphore_mem>>
        %dma_start3A_154 = arith.constant 40 : i32
        %dma_start3A_155 = arith.constant 0 : i32
        %dma_start3A_156 = tpu.memref_slice %arg4[%arg1, %dma_start3A_154, %dma_start3A_155] : memref<16x160x128xi32, #tpu.memory_space<hbm>> -> memref<1x40x128xi32, #tpu.memory_space<hbm>>
        %dma_start3A_157 = tpu.memref_squeeze %dma_start3A_156 : memref<1x40x128xi32, #tpu.memory_space<hbm>> -> memref<40x128xi32, #tpu.memory_space<hbm>>
        %dma_start3A_158 = arith.constant 40 : i32
        %dma_start3A_159 = arith.constant 0 : i32
        %dma_start3A_160 = tpu.memref_slice %arg4[%arg1, %dma_start3A_158, %dma_start3A_159] : memref<16x160x128xi32, #tpu.memory_space<hbm>> -> memref<1x40x128xi32, #tpu.memory_space<hbm>>
        %dma_start3A_161 = tpu.memref_squeeze %dma_start3A_160 : memref<1x40x128xi32, #tpu.memory_space<hbm>> -> memref<40x128xi32, #tpu.memory_space<hbm>>
        tpu.enqueue_dma source(%dma_start3A_161 : memref<40x128xi32, #tpu.memory_space<hbm>>) target(%arg8 : memref<40x128xi32, #tpu.memory_space<vmem>>) target_semaphore(%run_scoped3A_153 : memref<!tpu.dma_semaphore, #tpu.memory_space<semaphore_mem>>)
        %dma_wait3A_162 = arith.constant 40 : i32
        %dma_wait3A_163 = arith.constant 0 : i32
        %dma_wait3A_164 = tpu.memref_slice %arg4[%arg1, %dma_wait3A_162, %dma_wait3A_163] : memref<16x160x128xi32, #tpu.memory_space<hbm>> -> memref<1x40x128xi32, #tpu.memory_space<hbm>>
        %dma_wait3A_165 = tpu.memref_squeeze %dma_wait3A_164 : memref<1x40x128xi32, #tpu.memory_space<hbm>> -> memref<40x128xi32, #tpu.memory_space<hbm>>
        %dma_wait3A_166 = arith.constant 40 : i32
        %dma_wait3A_167 = arith.constant 0 : i32
        %dma_wait3A_168 = tpu.memref_slice %arg4[%arg1, %dma_wait3A_166, %dma_wait3A_167] : memref<16x160x128xi32, #tpu.memory_space<hbm>> -> memref<1x40x128xi32, #tpu.memory_space<hbm>>
        %dma_wait3A_169 = tpu.memref_squeeze %dma_wait3A_168 : memref<1x40x128xi32, #tpu.memory_space<hbm>> -> memref<40x128xi32, #tpu.memory_space<hbm>>
        tpu.wait_dma2 semaphore(%run_scoped3A_153 : memref<!tpu.dma_semaphore, #tpu.memory_space<semaphore_mem>>) src(%dma_wait3A_169 : memref<40x128xi32, #tpu.memory_space<hbm>>) dst(%arg8 : memref<40x128xi32, #tpu.memory_space<vmem>>)
        tpu.yield
      }) : () -> ()
      %dma_start3A_79 = arith.constant 0 : i32
      %dma_start3A_80 = arith.constant 0 : i32
      %dma_start3A_81 = tpu.memref_slice %arg7[%dma_start3A_79, %dma_start3A_80] : memref<40x128xi32, #tpu.memory_space<vmem>> -> memref<1x128xi32, #tpu.memory_space<vmem>>
      %dma_start3A_82 = tpu.memref_squeeze %dma_start3A_81 : memref<1x128xi32, #tpu.memory_space<vmem>> -> memref<128xi32, #tpu.memory_space<vmem>>
      %dma_start3A_83 = arith.constant 0 : i32
      %dma_start3A_84 = arith.constant 0 : i32
      %dma_start3A_85 = tpu.memref_slice %arg2[%dma_start3A_83, %dma_start3A_84] : memref<10000x128xf32, #tpu.memory_space<hbm>> -> memref<10000x128xf32, #tpu.memory_space<hbm>>
      tpu.enqueue_indirect_dma source(%dma_start3A_85 : memref<10000x128xf32, #tpu.memory_space<hbm>>) target(%arg9 : memref<128x128xf32, #tpu.memory_space<vmem>>) offsets(%dma_start3A_82 : memref<128xi32, #tpu.memory_space<vmem>>) semaphore(%arg12 : memref<!tpu.dma_semaphore, #tpu.memory_space<semaphore_mem>>)
      %scan3A_86 = arith.constant 0 : i32
      %scan3A_87 = arith.constant 0 : i32
      %scan3A_88 = arith.constant 19 : i32
      %scan3A_89 = arith.addi %scan3A_87, %scan3A_88 : i32
      %scan3A_90 = arith.constant 1 : i32
      %scan3A_91 = scf.for %scan3A_153 = %scan3A_87 to %scan3A_89 step %scan3A_90 iter_args(%scan3A_154 = %scan3A_86) -> (i32)  : i32 {
        %mul3A_155 = arith.constant 2 : i32
        %mul3A_156 = arith.muli %mul3A_155, %scan3A_153 : i32
        %add3A_157 = arith.constant 1 : i32
        %add3A_158 = arith.addi %mul3A_156, %add3A_157 : i32
        %dma_start3A_159 = arith.constant 0 : i32
        %dma_start3A_160 = tpu.memref_slice %arg7[%add3A_158, %dma_start3A_159] : memref<40x128xi32, #tpu.memory_space<vmem>> -> memref<1x128xi32, #tpu.memory_space<vmem>>
        %dma_start3A_161 = tpu.memref_squeeze %dma_start3A_160 : memref<1x128xi32, #tpu.memory_space<vmem>> -> memref<128xi32, #tpu.memory_space<vmem>>
        %dma_start3A_162 = arith.constant 0 : i32
        %dma_start3A_163 = arith.constant 0 : i32
        %dma_start3A_164 = tpu.memref_slice %arg2[%dma_start3A_162, %dma_start3A_163] : memref<10000x128xf32, #tpu.memory_space<hbm>> -> memref<10000x128xf32, #tpu.memory_space<hbm>>
        tpu.enqueue_indirect_dma source(%dma_start3A_164 : memref<10000x128xf32, #tpu.memory_space<hbm>>) target(%arg10 : memref<128x128xf32, #tpu.memory_space<vmem>>) offsets(%dma_start3A_161 : memref<128xi32, #tpu.memory_space<vmem>>) semaphore(%arg13 : memref<!tpu.dma_semaphore, #tpu.memory_space<semaphore_mem>>)
        %mul3A_165 = arith.constant 2 : i32
        %mul3A_166 = arith.muli %mul3A_165, %scan3A_153 : i32
        %dma_wait3A_167 = arith.constant 0 : i32
        %dma_wait3A_168 = tpu.memref_slice %arg7[%mul3A_166, %dma_wait3A_167] : memref<40x128xi32, #tpu.memory_space<vmem>> -> memref<1x128xi32, #tpu.memory_space<vmem>>
        %dma_wait3A_169 = tpu.memref_squeeze %dma_wait3A_168 : memref<1x128xi32, #tpu.memory_space<vmem>> -> memref<128xi32, #tpu.memory_space<vmem>>
        %dma_wait3A_170 = arith.constant 0 : i32
        %dma_wait3A_171 = arith.constant 0 : i32
        %dma_wait3A_172 = tpu.memref_slice %arg2[%dma_wait3A_170, %dma_wait3A_171] : memref<10000x128xf32, #tpu.memory_space<hbm>> -> memref<10000x128xf32, #tpu.memory_space<hbm>>
        tpu.wait_indirect_dma semaphore(%arg12 : memref<!tpu.dma_semaphore, #tpu.memory_space<semaphore_mem>>) src(%dma_wait3A_172 : memref<10000x128xf32, #tpu.memory_space<hbm>>) dst(%arg9 : memref<128x128xf32, #tpu.memory_space<vmem>>)
        %mul3A_173 = arith.constant 2 : i32
        %mul3A_174 = arith.muli %mul3A_173, %scan3A_153 : i32
        "tpu.region"() ({
          %run_scoped3A_200 = tpu.sem_alloc : memref<!tpu.dma_semaphore, #tpu.memory_space<semaphore_mem>>
          %dma_start3A_201 = arith.constant 0 : i32
          %dma_start3A_202 = tpu.memref_slice %arg8[%mul3A_174, %dma_start3A_201] : memref<40x128xi32, #tpu.memory_space<vmem>> -> memref<1x128xi32, #tpu.memory_space<vmem>>
          %dma_start3A_203 = tpu.memref_squeeze %dma_start3A_202 : memref<1x128xi32, #tpu.memory_space<vmem>> -> memref<128xi32, #tpu.memory_space<vmem>>
          %dma_start3A_204 = arith.constant 0 : i32
          %dma_start3A_205 = arith.constant 0 : i32
          %dma_start3A_206 = tpu.memref_slice %arg11[%dma_start3A_204, %dma_start3A_205] : memref<10240x128xf32, #tpu.memory_space<vmem_shared>> -> memref<10240x128xf32, #tpu.memory_space<vmem_shared>>
          tpu.enqueue_indirect_dma source(%arg9 : memref<128x128xf32, #tpu.memory_space<vmem>>) target(%dma_start3A_206 : memref<10240x128xf32, #tpu.memory_space<vmem_shared>>) offsets(%dma_start3A_203 : memref<128xi32, #tpu.memory_space<vmem>>) semaphore(%run_scoped3A_200 : memref<!tpu.dma_semaphore, #tpu.memory_space<semaphore_mem>>) {add = true}
          %dma_wait3A_207 = arith.constant 0 : i32
          %dma_wait3A_208 = tpu.memref_slice %arg8[%mul3A_174, %dma_wait3A_207] : memref<40x128xi32, #tpu.memory_space<vmem>> -> memref<1x128xi32, #tpu.memory_space<vmem>>
          %dma_wait3A_209 = tpu.memref_squeeze %dma_wait3A_208 : memref<1x128xi32, #tpu.memory_space<vmem>> -> memref<128xi32, #tpu.memory_space<vmem>>
          %dma_wait3A_210 = arith.constant 0 : i32
          %dma_wait3A_211 = arith.constant 0 : i32
          %dma_wait3A_212 = tpu.memref_slice %arg11[%dma_wait3A_210, %dma_wait3A_211] : memref<10240x128xf32, #tpu.memory_space<vmem_shared>> -> memref<10240x128xf32, #tpu.memory_space<vmem_shared>>
          tpu.wait_indirect_dma semaphore(%run_scoped3A_200 : memref<!tpu.dma_semaphore, #tpu.memory_space<semaphore_mem>>) src(%arg9 : memref<128x128xf32, #tpu.memory_space<vmem>>) dst(%dma_wait3A_212 : memref<10240x128xf32, #tpu.memory_space<vmem_shared>>)
          tpu.yield
        }) : () -> ()
        %mul3A_175 = arith.constant 2 : i32
        %mul3A_176 = arith.muli %mul3A_175, %scan3A_153 : i32
        %add3A_177 = arith.constant 2 : i32
        %add3A_178 = arith.addi %mul3A_176, %add3A_177 : i32
        %dma_start3A_179 = arith.constant 0 : i32
        %dma_start3A_180 = tpu.memref_slice %arg7[%add3A_178, %dma_start3A_179] : memref<40x128xi32, #tpu.memory_space<vmem>> -> memref<1x128xi32, #tpu.memory_space<vmem>>
        %dma_start3A_181 = tpu.memref_squeeze %dma_start3A_180 : memref<1x128xi32, #tpu.memory_space<vmem>> -> memref<128xi32, #tpu.memory_space<vmem>>
        %dma_start3A_182 = arith.constant 0 : i32
        %dma_start3A_183 = arith.constant 0 : i32
        %dma_start3A_184 = tpu.memref_slice %arg2[%dma_start3A_182, %dma_start3A_183] : memref<10000x128xf32, #tpu.memory_space<hbm>> -> memref<10000x128xf32, #tpu.memory_space<hbm>>
        tpu.enqueue_indirect_dma source(%dma_start3A_184 : memref<10000x128xf32, #tpu.memory_space<hbm>>) target(%arg9 : memref<128x128xf32, #tpu.memory_space<vmem>>) offsets(%dma_start3A_181 : memref<128xi32, #tpu.memory_space<vmem>>) semaphore(%arg12 : memref<!tpu.dma_semaphore, #tpu.memory_space<semaphore_mem>>)
        %mul3A_185 = arith.constant 2 : i32
        %mul3A_186 = arith.muli %mul3A_185, %scan3A_153 : i32
        %add3A_187 = arith.constant 1 : i32
        %add3A_188 = arith.addi %mul3A_186, %add3A_187 : i32
        %dma_wait3A_189 = arith.constant 0 : i32
        %dma_wait3A_190 = tpu.memref_slice %arg7[%add3A_188, %dma_wait3A_189] : memref<40x128xi32, #tpu.memory_space<vmem>> -> memref<1x128xi32, #tpu.memory_space<vmem>>
        %dma_wait3A_191 = tpu.memref_squeeze %dma_wait3A_190 : memref<1x128xi32, #tpu.memory_space<vmem>> -> memref<128xi32, #tpu.memory_space<vmem>>
        %dma_wait3A_192 = arith.constant 0 : i32
        %dma_wait3A_193 = arith.constant 0 : i32
        %dma_wait3A_194 = tpu.memref_slice %arg2[%dma_wait3A_192, %dma_wait3A_193] : memref<10000x128xf32, #tpu.memory_space<hbm>> -> memref<10000x128xf32, #tpu.memory_space<hbm>>
        tpu.wait_indirect_dma semaphore(%arg13 : memref<!tpu.dma_semaphore, #tpu.memory_space<semaphore_mem>>) src(%dma_wait3A_194 : memref<10000x128xf32, #tpu.memory_space<hbm>>) dst(%arg10 : memref<128x128xf32, #tpu.memory_space<vmem>>)
        %mul3A_195 = arith.constant 2 : i32
        %mul3A_196 = arith.muli %mul3A_195, %scan3A_153 : i32
        %add3A_197 = arith.constant 1 : i32
        %add3A_198 = arith.addi %mul3A_196, %add3A_197 : i32
        "tpu.region"() ({
          %run_scoped3A_200 = tpu.sem_alloc : memref<!tpu.dma_semaphore, #tpu.memory_space<semaphore_mem>>
          %dma_start3A_201 = arith.constant 0 : i32
          %dma_start3A_202 = tpu.memref_slice %arg8[%add3A_198, %dma_start3A_201] : memref<40x128xi32, #tpu.memory_space<vmem>> -> memref<1x128xi32, #tpu.memory_space<vmem>>
          %dma_start3A_203 = tpu.memref_squeeze %dma_start3A_202 : memref<1x128xi32, #tpu.memory_space<vmem>> -> memref<128xi32, #tpu.memory_space<vmem>>
          %dma_start3A_204 = arith.constant 0 : i32
          %dma_start3A_205 = arith.constant 0 : i32
          %dma_start3A_206 = tpu.memref_slice %arg11[%dma_start3A_204, %dma_start3A_205] : memref<10240x128xf32, #tpu.memory_space<vmem_shared>> -> memref<10240x128xf32, #tpu.memory_space<vmem_shared>>
          tpu.enqueue_indirect_dma source(%arg10 : memref<128x128xf32, #tpu.memory_space<vmem>>) target(%dma_start3A_206 : memref<10240x128xf32, #tpu.memory_space<vmem_shared>>) offsets(%dma_start3A_203 : memref<128xi32, #tpu.memory_space<vmem>>) semaphore(%run_scoped3A_200 : memref<!tpu.dma_semaphore, #tpu.memory_space<semaphore_mem>>) {add = true}
          %dma_wait3A_207 = arith.constant 0 : i32
          %dma_wait3A_208 = tpu.memref_slice %arg8[%add3A_198, %dma_wait3A_207] : memref<40x128xi32, #tpu.memory_space<vmem>> -> memref<1x128xi32, #tpu.memory_space<vmem>>
          %dma_wait3A_209 = tpu.memref_squeeze %dma_wait3A_208 : memref<1x128xi32, #tpu.memory_space<vmem>> -> memref<128xi32, #tpu.memory_space<vmem>>
          %dma_wait3A_210 = arith.constant 0 : i32
          %dma_wait3A_211 = arith.constant 0 : i32
          %dma_wait3A_212 = tpu.memref_slice %arg11[%dma_wait3A_210, %dma_wait3A_211] : memref<10240x128xf32, #tpu.memory_space<vmem_shared>> -> memref<10240x128xf32, #tpu.memory_space<vmem_shared>>
          tpu.wait_indirect_dma semaphore(%run_scoped3A_200 : memref<!tpu.dma_semaphore, #tpu.memory_space<semaphore_mem>>) src(%arg10 : memref<128x128xf32, #tpu.memory_space<vmem>>) dst(%dma_wait3A_212 : memref<10240x128xf32, #tpu.memory_space<vmem_shared>>)
          tpu.yield
        }) : () -> ()
        %scan3A_199 = arith.constant 0 : i32
        scf.yield %scan3A_199 : i32
      }
      %scan3A_92 = arith.constant 19 : i32
      %dma_start3A_93 = arith.constant 39 : i32
      %dma_start3A_94 = arith.constant 0 : i32
      %dma_start3A_95 = tpu.memref_slice %arg7[%dma_start3A_93, %dma_start3A_94] : memref<40x128xi32, #tpu.memory_space<vmem>> -> memref<1x128xi32, #tpu.memory_space<vmem>>
      %dma_start3A_96 = tpu.memref_squeeze %dma_start3A_95 : memref<1x128xi32, #tpu.memory_space<vmem>> -> memref<128xi32, #tpu.memory_space<vmem>>
      %dma_start3A_97 = arith.constant 0 : i32
      %dma_start3A_98 = arith.constant 0 : i32
      %dma_start3A_99 = tpu.memref_slice %arg2[%dma_start3A_97, %dma_start3A_98] : memref<10000x128xf32, #tpu.memory_space<hbm>> -> memref<10000x128xf32, #tpu.memory_space<hbm>>
      tpu.enqueue_indirect_dma source(%dma_start3A_99 : memref<10000x128xf32, #tpu.memory_space<hbm>>) target(%arg10 : memref<128x128xf32, #tpu.memory_space<vmem>>) offsets(%dma_start3A_96 : memref<128xi32, #tpu.memory_space<vmem>>) semaphore(%arg13 : memref<!tpu.dma_semaphore, #tpu.memory_space<semaphore_mem>>)
      %dma_wait3A_100 = arith.constant 38 : i32
      %dma_wait3A_101 = arith.constant 0 : i32
      %dma_wait3A_102 = tpu.memref_slice %arg7[%dma_wait3A_100, %dma_wait3A_101] : memref<40x128xi32, #tpu.memory_space<vmem>> -> memref<1x128xi32, #tpu.memory_space<vmem>>
      %dma_wait3A_103 = tpu.memref_squeeze %dma_wait3A_102 : memref<1x128xi32, #tpu.memory_space<vmem>> -> memref<128xi32, #tpu.memory_space<vmem>>
      %dma_wait3A_104 = arith.constant 0 : i32
      %dma_wait3A_105 = arith.constant 0 : i32
      %dma_wait3A_106 = tpu.memref_slice %arg2[%dma_wait3A_104, %dma_wait3A_105] : memref<10000x128xf32, #tpu.memory_space<hbm>> -> memref<10000x128xf32, #tpu.memory_space<hbm>>
      tpu.wait_indirect_dma semaphore(%arg12 : memref<!tpu.dma_semaphore, #tpu.memory_space<semaphore_mem>>) src(%dma_wait3A_106 : memref<10000x128xf32, #tpu.memory_space<hbm>>) dst(%arg9 : memref<128x128xf32, #tpu.memory_space<vmem>>)
      %run_scoped3A_107 = arith.constant 38 : i32
      "tpu.region"() ({
        %run_scoped3A_153 = tpu.sem_alloc : memref<!tpu.dma_semaphore, #tpu.memory_space<semaphore_mem>>
        %dma_start3A_154 = arith.constant 0 : i32
        %dma_start3A_155 = tpu.memref_slice %arg8[%run_scoped3A_107, %dma_start3A_154] : memref<40x128xi32, #tpu.memory_space<vmem>> -> memref<1x128xi32, #tpu.memory_space<vmem>>
        %dma_start3A_156 = tpu.memref_squeeze %dma_start3A_155 : memref<1x128xi32, #tpu.memory_space<vmem>> -> memref<128xi32, #tpu.memory_space<vmem>>
        %dma_start3A_157 = arith.constant 0 : i32
        %dma_start3A_158 = arith.constant 0 : i32
        %dma_start3A_159 = tpu.memref_slice %arg11[%dma_start3A_157, %dma_start3A_158] : memref<10240x128xf32, #tpu.memory_space<vmem_shared>> -> memref<10240x128xf32, #tpu.memory_space<vmem_shared>>
        tpu.enqueue_indirect_dma source(%arg9 : memref<128x128xf32, #tpu.memory_space<vmem>>) target(%dma_start3A_159 : memref<10240x128xf32, #tpu.memory_space<vmem_shared>>) offsets(%dma_start3A_156 : memref<128xi32, #tpu.memory_space<vmem>>) semaphore(%run_scoped3A_153 : memref<!tpu.dma_semaphore, #tpu.memory_space<semaphore_mem>>) {add = true}
        %dma_wait3A_160 = arith.constant 0 : i32
        %dma_wait3A_161 = tpu.memref_slice %arg8[%run_scoped3A_107, %dma_wait3A_160] : memref<40x128xi32, #tpu.memory_space<vmem>> -> memref<1x128xi32, #tpu.memory_space<vmem>>
        %dma_wait3A_162 = tpu.memref_squeeze %dma_wait3A_161 : memref<1x128xi32, #tpu.memory_space<vmem>> -> memref<128xi32, #tpu.memory_space<vmem>>
        %dma_wait3A_163 = arith.constant 0 : i32
        %dma_wait3A_164 = arith.constant 0 : i32
        %dma_wait3A_165 = tpu.memref_slice %arg11[%dma_wait3A_163, %dma_wait3A_164] : memref<10240x128xf32, #tpu.memory_space<vmem_shared>> -> memref<10240x128xf32, #tpu.memory_space<vmem_shared>>
        tpu.wait_indirect_dma semaphore(%run_scoped3A_153 : memref<!tpu.dma_semaphore, #tpu.memory_space<semaphore_mem>>) src(%arg9 : memref<128x128xf32, #tpu.memory_space<vmem>>) dst(%dma_wait3A_165 : memref<10240x128xf32, #tpu.memory_space<vmem_shared>>)
        tpu.yield
      }) : () -> ()
      %dma_wait3A_108 = arith.constant 39 : i32
      %dma_wait3A_109 = arith.constant 0 : i32
      %dma_wait3A_110 = tpu.memref_slice %arg7[%dma_wait3A_108, %dma_wait3A_109] : memref<40x128xi32, #tpu.memory_space<vmem>> -> memref<1x128xi32, #tpu.memory_space<vmem>>
      %dma_wait3A_111 = tpu.memref_squeeze %dma_wait3A_110 : memref<1x128xi32, #tpu.memory_space<vmem>> -> memref<128xi32, #tpu.memory_space<vmem>>
      %dma_wait3A_112 = arith.constant 0 : i32
      %dma_wait3A_113 = arith.constant 0 : i32
      %dma_wait3A_114 = tpu.memref_slice %arg2[%dma_wait3A_112, %dma_wait3A_113] : memref<10000x128xf32, #tpu.memory_space<hbm>> -> memref<10000x128xf32, #tpu.memory_space<hbm>>
      tpu.wait_indirect_dma semaphore(%arg13 : memref<!tpu.dma_semaphore, #tpu.memory_space<semaphore_mem>>) src(%dma_wait3A_114 : memref<10000x128xf32, #tpu.memory_space<hbm>>) dst(%arg10 : memref<128x128xf32, #tpu.memory_space<vmem>>)
      %run_scoped3A_115 = arith.constant 39 : i32
      "tpu.region"() ({
        %run_scoped3A_153 = tpu.sem_alloc : memref<!tpu.dma_semaphore, #tpu.memory_space<semaphore_mem>>
        %dma_start3A_154 = arith.constant 0 : i32
        %dma_start3A_155 = tpu.memref_slice %arg8[%run_scoped3A_115, %dma_start3A_154] : memref<40x128xi32, #tpu.memory_space<vmem>> -> memref<1x128xi32, #tpu.memory_space<vmem>>
        %dma_start3A_156 = tpu.memref_squeeze %dma_start3A_155 : memref<1x128xi32, #tpu.memory_space<vmem>> -> memref<128xi32, #tpu.memory_space<vmem>>
        %dma_start3A_157 = arith.constant 0 : i32
        %dma_start3A_158 = arith.constant 0 : i32
        %dma_start3A_159 = tpu.memref_slice %arg11[%dma_start3A_157, %dma_start3A_158] : memref<10240x128xf32, #tpu.memory_space<vmem_shared>> -> memref<10240x128xf32, #tpu.memory_space<vmem_shared>>
        tpu.enqueue_indirect_dma source(%arg10 : memref<128x128xf32, #tpu.memory_space<vmem>>) target(%dma_start3A_159 : memref<10240x128xf32, #tpu.memory_space<vmem_shared>>) offsets(%dma_start3A_156 : memref<128xi32, #tpu.memory_space<vmem>>) semaphore(%run_scoped3A_153 : memref<!tpu.dma_semaphore, #tpu.memory_space<semaphore_mem>>) {add = true}
        %dma_wait3A_160 = arith.constant 0 : i32
        %dma_wait3A_161 = tpu.memref_slice %arg8[%run_scoped3A_115, %dma_wait3A_160] : memref<40x128xi32, #tpu.memory_space<vmem>> -> memref<1x128xi32, #tpu.memory_space<vmem>>
        %dma_wait3A_162 = tpu.memref_squeeze %dma_wait3A_161 : memref<1x128xi32, #tpu.memory_space<vmem>> -> memref<128xi32, #tpu.memory_space<vmem>>
        %dma_wait3A_163 = arith.constant 0 : i32
        %dma_wait3A_164 = arith.constant 0 : i32
        %dma_wait3A_165 = tpu.memref_slice %arg11[%dma_wait3A_163, %dma_wait3A_164] : memref<10240x128xf32, #tpu.memory_space<vmem_shared>> -> memref<10240x128xf32, #tpu.memory_space<vmem_shared>>
        tpu.wait_indirect_dma semaphore(%run_scoped3A_153 : memref<!tpu.dma_semaphore, #tpu.memory_space<semaphore_mem>>) src(%arg10 : memref<128x128xf32, #tpu.memory_space<vmem>>) dst(%dma_wait3A_165 : memref<10240x128xf32, #tpu.memory_space<vmem_shared>>)
        tpu.yield
      }) : () -> ()
      "tpu.region"() ({
        %run_scoped3A_153 = tpu.sem_alloc : memref<!tpu.dma_semaphore, #tpu.memory_space<semaphore_mem>>
        %dma_start3A_154 = arith.constant 80 : i32
        %dma_start3A_155 = arith.constant 0 : i32
        %dma_start3A_156 = tpu.memref_slice %arg3[%arg1, %dma_start3A_154, %dma_start3A_155] : memref<16x160x128xi32, #tpu.memory_space<hbm>> -> memref<1x40x128xi32, #tpu.memory_space<hbm>>
        %dma_start3A_157 = tpu.memref_squeeze %dma_start3A_156 : memref<1x40x128xi32, #tpu.memory_space<hbm>> -> memref<40x128xi32, #tpu.memory_space<hbm>>
        %dma_start3A_158 = arith.constant 80 : i32
        %dma_start3A_159 = arith.constant 0 : i32
        %dma_start3A_160 = tpu.memref_slice %arg3[%arg1, %dma_start3A_158, %dma_start3A_159] : memref<16x160x128xi32, #tpu.memory_space<hbm>> -> memref<1x40x128xi32, #tpu.memory_space<hbm>>
        %dma_start3A_161 = tpu.memref_squeeze %dma_start3A_160 : memref<1x40x128xi32, #tpu.memory_space<hbm>> -> memref<40x128xi32, #tpu.memory_space<hbm>>
        tpu.enqueue_dma source(%dma_start3A_161 : memref<40x128xi32, #tpu.memory_space<hbm>>) target(%arg7 : memref<40x128xi32, #tpu.memory_space<vmem>>) target_semaphore(%run_scoped3A_153 : memref<!tpu.dma_semaphore, #tpu.memory_space<semaphore_mem>>)
        %dma_wait3A_162 = arith.constant 80 : i32
        %dma_wait3A_163 = arith.constant 0 : i32
        %dma_wait3A_164 = tpu.memref_slice %arg3[%arg1, %dma_wait3A_162, %dma_wait3A_163] : memref<16x160x128xi32, #tpu.memory_space<hbm>> -> memref<1x40x128xi32, #tpu.memory_space<hbm>>
        %dma_wait3A_165 = tpu.memref_squeeze %dma_wait3A_164 : memref<1x40x128xi32, #tpu.memory_space<hbm>> -> memref<40x128xi32, #tpu.memory_space<hbm>>
        %dma_wait3A_166 = arith.constant 80 : i32
        %dma_wait3A_167 = arith.constant 0 : i32
        %dma_wait3A_168 = tpu.memref_slice %arg3[%arg1, %dma_wait3A_166, %dma_wait3A_167] : memref<16x160x128xi32, #tpu.memory_space<hbm>> -> memref<1x40x128xi32, #tpu.memory_space<hbm>>
        %dma_wait3A_169 = tpu.memref_squeeze %dma_wait3A_168 : memref<1x40x128xi32, #tpu.memory_space<hbm>> -> memref<40x128xi32, #tpu.memory_space<hbm>>
        tpu.wait_dma2 semaphore(%run_scoped3A_153 : memref<!tpu.dma_semaphore, #tpu.memory_space<semaphore_mem>>) src(%dma_wait3A_169 : memref<40x128xi32, #tpu.memory_space<hbm>>) dst(%arg7 : memref<40x128xi32, #tpu.memory_space<vmem>>)
        tpu.yield
      }) : () -> ()
      "tpu.region"() ({
        %run_scoped3A_153 = tpu.sem_alloc : memref<!tpu.dma_semaphore, #tpu.memory_space<semaphore_mem>>
        %dma_start3A_154 = arith.constant 80 : i32
        %dma_start3A_155 = arith.constant 0 : i32
        %dma_start3A_156 = tpu.memref_slice %arg4[%arg1, %dma_start3A_154, %dma_start3A_155] : memref<16x160x128xi32, #tpu.memory_space<hbm>> -> memref<1x40x128xi32, #tpu.memory_space<hbm>>
        %dma_start3A_157 = tpu.memref_squeeze %dma_start3A_156 : memref<1x40x128xi32, #tpu.memory_space<hbm>> -> memref<40x128xi32, #tpu.memory_space<hbm>>
        %dma_start3A_158 = arith.constant 80 : i32
        %dma_start3A_159 = arith.constant 0 : i32
        %dma_start3A_160 = tpu.memref_slice %arg4[%arg1, %dma_start3A_158, %dma_start3A_159] : memref<16x160x128xi32, #tpu.memory_space<hbm>> -> memref<1x40x128xi32, #tpu.memory_space<hbm>>
        %dma_start3A_161 = tpu.memref_squeeze %dma_start3A_160 : memref<1x40x128xi32, #tpu.memory_space<hbm>> -> memref<40x128xi32, #tpu.memory_space<hbm>>
        tpu.enqueue_dma source(%dma_start3A_161 : memref<40x128xi32, #tpu.memory_space<hbm>>) target(%arg8 : memref<40x128xi32, #tpu.memory_space<vmem>>) target_semaphore(%run_scoped3A_153 : memref<!tpu.dma_semaphore, #tpu.memory_space<semaphore_mem>>)
        %dma_wait3A_162 = arith.constant 80 : i32
        %dma_wait3A_163 = arith.constant 0 : i32
        %dma_wait3A_164 = tpu.memref_slice %arg4[%arg1, %dma_wait3A_162, %dma_wait3A_163] : memref<16x160x128xi32, #tpu.memory_space<hbm>> -> memref<1x40x128xi32, #tpu.memory_space<hbm>>
        %dma_wait3A_165 = tpu.memref_squeeze %dma_wait3A_164 : memref<1x40x128xi32, #tpu.memory_space<hbm>> -> memref<40x128xi32, #tpu.memory_space<hbm>>
        %dma_wait3A_166 = arith.constant 80 : i32
        %dma_wait3A_167 = arith.constant 0 : i32
        %dma_wait3A_168 = tpu.memref_slice %arg4[%arg1, %dma_wait3A_166, %dma_wait3A_167] : memref<16x160x128xi32, #tpu.memory_space<hbm>> -> memref<1x40x128xi32, #tpu.memory_space<hbm>>
        %dma_wait3A_169 = tpu.memref_squeeze %dma_wait3A_168 : memref<1x40x128xi32, #tpu.memory_space<hbm>> -> memref<40x128xi32, #tpu.memory_space<hbm>>
        tpu.wait_dma2 semaphore(%run_scoped3A_153 : memref<!tpu.dma_semaphore, #tpu.memory_space<semaphore_mem>>) src(%dma_wait3A_169 : memref<40x128xi32, #tpu.memory_space<hbm>>) dst(%arg8 : memref<40x128xi32, #tpu.memory_space<vmem>>)
        tpu.yield
      }) : () -> ()
      %dma_start3A_116 = arith.constant 0 : i32
      %dma_start3A_117 = arith.constant 0 : i32
      %dma_start3A_118 = tpu.memref_slice %arg7[%dma_start3A_116, %dma_start3A_117] : memref<40x128xi32, #tpu.memory_space<vmem>> -> memref<1x128xi32, #tpu.memory_space<vmem>>
      %dma_start3A_119 = tpu.memref_squeeze %dma_start3A_118 : memref<1x128xi32, #tpu.memory_space<vmem>> -> memref<128xi32, #tpu.memory_space<vmem>>
      %dma_start3A_120 = arith.constant 0 : i32
      %dma_start3A_121 = arith.constant 0 : i32
      %dma_start3A_122 = tpu.memref_slice %arg2[%dma_start3A_120, %dma_start3A_121] : memref<10000x128xf32, #tpu.memory_space<hbm>> -> memref<10000x128xf32, #tpu.memory_space<hbm>>
      tpu.enqueue_indirect_dma source(%dma_start3A_122 : memref<10000x128xf32, #tpu.memory_space<hbm>>) target(%arg9 : memref<128x128xf32, #tpu.memory_space<vmem>>) offsets(%dma_start3A_119 : memref<128xi32, #tpu.memory_space<vmem>>) semaphore(%arg12 : memref<!tpu.dma_semaphore, #tpu.memory_space<semaphore_mem>>)
      %scan3A_123 = arith.constant 0 : i32
      %scan3A_124 = arith.constant 0 : i32
      %scan3A_125 = arith.constant 19 : i32
      %scan3A_126 = arith.addi %scan3A_124, %scan3A_125 : i32
      %scan3A_127 = arith.constant 1 : i32
      %scan3A_128 = scf.for %scan3A_153 = %scan3A_124 to %scan3A_126 step %scan3A_127 iter_args(%scan3A_154 = %scan3A_123) -> (i32)  : i32 {
        %mul3A_155 = arith.constant 2 : i32
        %mul3A_156 = arith.muli %mul3A_155, %scan3A_153 : i32
        %add3A_157 = arith.constant 1 : i32
        %add3A_158 = arith.addi %mul3A_156, %add3A_157 : i32
        %dma_start3A_159 = arith.constant 0 : i32
        %dma_start3A_160 = tpu.memref_slice %arg7[%add3A_158, %dma_start3A_159] : memref<40x128xi32, #tpu.memory_space<vmem>> -> memref<1x128xi32, #tpu.memory_space<vmem>>
        %dma_start3A_161 = tpu.memref_squeeze %dma_start3A_160 : memref<1x128xi32, #tpu.memory_space<vmem>> -> memref<128xi32, #tpu.memory_space<vmem>>
        %dma_start3A_162 = arith.constant 0 : i32
        %dma_start3A_163 = arith.constant 0 : i32
        %dma_start3A_164 = tpu.memref_slice %arg2[%dma_start3A_162, %dma_start3A_163] : memref<10000x128xf32, #tpu.memory_space<hbm>> -> memref<10000x128xf32, #tpu.memory_space<hbm>>
        tpu.enqueue_indirect_dma source(%dma_start3A_164 : memref<10000x128xf32, #tpu.memory_space<hbm>>) target(%arg10 : memref<128x128xf32, #tpu.memory_space<vmem>>) offsets(%dma_start3A_161 : memref<128xi32, #tpu.memory_space<vmem>>) semaphore(%arg13 : memref<!tpu.dma_semaphore, #tpu.memory_space<semaphore_mem>>)
        %mul3A_165 = arith.constant 2 : i32
        %mul3A_166 = arith.muli %mul3A_165, %scan3A_153 : i32
        %dma_wait3A_167 = arith.constant 0 : i32
        %dma_wait3A_168 = tpu.memref_slice %arg7[%mul3A_166, %dma_wait3A_167] : memref<40x128xi32, #tpu.memory_space<vmem>> -> memref<1x128xi32, #tpu.memory_space<vmem>>
        %dma_wait3A_169 = tpu.memref_squeeze %dma_wait3A_168 : memref<1x128xi32, #tpu.memory_space<vmem>> -> memref<128xi32, #tpu.memory_space<vmem>>
        %dma_wait3A_170 = arith.constant 0 : i32
        %dma_wait3A_171 = arith.constant 0 : i32
        %dma_wait3A_172 = tpu.memref_slice %arg2[%dma_wait3A_170, %dma_wait3A_171] : memref<10000x128xf32, #tpu.memory_space<hbm>> -> memref<10000x128xf32, #tpu.memory_space<hbm>>
        tpu.wait_indirect_dma semaphore(%arg12 : memref<!tpu.dma_semaphore, #tpu.memory_space<semaphore_mem>>) src(%dma_wait3A_172 : memref<10000x128xf32, #tpu.memory_space<hbm>>) dst(%arg9 : memref<128x128xf32, #tpu.memory_space<vmem>>)
        %mul3A_173 = arith.constant 2 : i32
        %mul3A_174 = arith.muli %mul3A_173, %scan3A_153 : i32
        "tpu.region"() ({
          %run_scoped3A_200 = tpu.sem_alloc : memref<!tpu.dma_semaphore, #tpu.memory_space<semaphore_mem>>
          %dma_start3A_201 = arith.constant 0 : i32
          %dma_start3A_202 = tpu.memref_slice %arg8[%mul3A_174, %dma_start3A_201] : memref<40x128xi32, #tpu.memory_space<vmem>> -> memref<1x128xi32, #tpu.memory_space<vmem>>
          %dma_start3A_203 = tpu.memref_squeeze %dma_start3A_202 : memref<1x128xi32, #tpu.memory_space<vmem>> -> memref<128xi32, #tpu.memory_space<vmem>>
          %dma_start3A_204 = arith.constant 0 : i32
          %dma_start3A_205 = arith.constant 0 : i32
          %dma_start3A_206 = tpu.memref_slice %arg11[%dma_start3A_204, %dma_start3A_205] : memref<10240x128xf32, #tpu.memory_space<vmem_shared>> -> memref<10240x128xf32, #tpu.memory_space<vmem_shared>>
          tpu.enqueue_indirect_dma source(%arg9 : memref<128x128xf32, #tpu.memory_space<vmem>>) target(%dma_start3A_206 : memref<10240x128xf32, #tpu.memory_space<vmem_shared>>) offsets(%dma_start3A_203 : memref<128xi32, #tpu.memory_space<vmem>>) semaphore(%run_scoped3A_200 : memref<!tpu.dma_semaphore, #tpu.memory_space<semaphore_mem>>) {add = true}
          %dma_wait3A_207 = arith.constant 0 : i32
          %dma_wait3A_208 = tpu.memref_slice %arg8[%mul3A_174, %dma_wait3A_207] : memref<40x128xi32, #tpu.memory_space<vmem>> -> memref<1x128xi32, #tpu.memory_space<vmem>>
          %dma_wait3A_209 = tpu.memref_squeeze %dma_wait3A_208 : memref<1x128xi32, #tpu.memory_space<vmem>> -> memref<128xi32, #tpu.memory_space<vmem>>
          %dma_wait3A_210 = arith.constant 0 : i32
          %dma_wait3A_211 = arith.constant 0 : i32
          %dma_wait3A_212 = tpu.memref_slice %arg11[%dma_wait3A_210, %dma_wait3A_211] : memref<10240x128xf32, #tpu.memory_space<vmem_shared>> -> memref<10240x128xf32, #tpu.memory_space<vmem_shared>>
          tpu.wait_indirect_dma semaphore(%run_scoped3A_200 : memref<!tpu.dma_semaphore, #tpu.memory_space<semaphore_mem>>) src(%arg9 : memref<128x128xf32, #tpu.memory_space<vmem>>) dst(%dma_wait3A_212 : memref<10240x128xf32, #tpu.memory_space<vmem_shared>>)
          tpu.yield
        }) : () -> ()
        %mul3A_175 = arith.constant 2 : i32
        %mul3A_176 = arith.muli %mul3A_175, %scan3A_153 : i32
        %add3A_177 = arith.constant 2 : i32
        %add3A_178 = arith.addi %mul3A_176, %add3A_177 : i32
        %dma_start3A_179 = arith.constant 0 : i32
        %dma_start3A_180 = tpu.memref_slice %arg7[%add3A_178, %dma_start3A_179] : memref<40x128xi32, #tpu.memory_space<vmem>> -> memref<1x128xi32, #tpu.memory_space<vmem>>
        %dma_start3A_181 = tpu.memref_squeeze %dma_start3A_180 : memref<1x128xi32, #tpu.memory_space<vmem>> -> memref<128xi32, #tpu.memory_space<vmem>>
        %dma_start3A_182 = arith.constant 0 : i32
        %dma_start3A_183 = arith.constant 0 : i32
        %dma_start3A_184 = tpu.memref_slice %arg2[%dma_start3A_182, %dma_start3A_183] : memref<10000x128xf32, #tpu.memory_space<hbm>> -> memref<10000x128xf32, #tpu.memory_space<hbm>>
        tpu.enqueue_indirect_dma source(%dma_start3A_184 : memref<10000x128xf32, #tpu.memory_space<hbm>>) target(%arg9 : memref<128x128xf32, #tpu.memory_space<vmem>>) offsets(%dma_start3A_181 : memref<128xi32, #tpu.memory_space<vmem>>) semaphore(%arg12 : memref<!tpu.dma_semaphore, #tpu.memory_space<semaphore_mem>>)
        %mul3A_185 = arith.constant 2 : i32
        %mul3A_186 = arith.muli %mul3A_185, %scan3A_153 : i32
        %add3A_187 = arith.constant 1 : i32
        %add3A_188 = arith.addi %mul3A_186, %add3A_187 : i32
        %dma_wait3A_189 = arith.constant 0 : i32
        %dma_wait3A_190 = tpu.memref_slice %arg7[%add3A_188, %dma_wait3A_189] : memref<40x128xi32, #tpu.memory_space<vmem>> -> memref<1x128xi32, #tpu.memory_space<vmem>>
        %dma_wait3A_191 = tpu.memref_squeeze %dma_wait3A_190 : memref<1x128xi32, #tpu.memory_space<vmem>> -> memref<128xi32, #tpu.memory_space<vmem>>
        %dma_wait3A_192 = arith.constant 0 : i32
        %dma_wait3A_193 = arith.constant 0 : i32
        %dma_wait3A_194 = tpu.memref_slice %arg2[%dma_wait3A_192, %dma_wait3A_193] : memref<10000x128xf32, #tpu.memory_space<hbm>> -> memref<10000x128xf32, #tpu.memory_space<hbm>>
        tpu.wait_indirect_dma semaphore(%arg13 : memref<!tpu.dma_semaphore, #tpu.memory_space<semaphore_mem>>) src(%dma_wait3A_194 : memref<10000x128xf32, #tpu.memory_space<hbm>>) dst(%arg10 : memref<128x128xf32, #tpu.memory_space<vmem>>)
        %mul3A_195 = arith.constant 2 : i32
        %mul3A_196 = arith.muli %mul3A_195, %scan3A_153 : i32
        %add3A_197 = arith.constant 1 : i32
        %add3A_198 = arith.addi %mul3A_196, %add3A_197 : i32
        "tpu.region"() ({
          %run_scoped3A_200 = tpu.sem_alloc : memref<!tpu.dma_semaphore, #tpu.memory_space<semaphore_mem>>
          %dma_start3A_201 = arith.constant 0 : i32
          %dma_start3A_202 = tpu.memref_slice %arg8[%add3A_198, %dma_start3A_201] : memref<40x128xi32, #tpu.memory_space<vmem>> -> memref<1x128xi32, #tpu.memory_space<vmem>>
          %dma_start3A_203 = tpu.memref_squeeze %dma_start3A_202 : memref<1x128xi32, #tpu.memory_space<vmem>> -> memref<128xi32, #tpu.memory_space<vmem>>
          %dma_start3A_204 = arith.constant 0 : i32
          %dma_start3A_205 = arith.constant 0 : i32
          %dma_start3A_206 = tpu.memref_slice %arg11[%dma_start3A_204, %dma_start3A_205] : memref<10240x128xf32, #tpu.memory_space<vmem_shared>> -> memref<10240x128xf32, #tpu.memory_space<vmem_shared>>
          tpu.enqueue_indirect_dma source(%arg10 : memref<128x128xf32, #tpu.memory_space<vmem>>) target(%dma_start3A_206 : memref<10240x128xf32, #tpu.memory_space<vmem_shared>>) offsets(%dma_start3A_203 : memref<128xi32, #tpu.memory_space<vmem>>) semaphore(%run_scoped3A_200 : memref<!tpu.dma_semaphore, #tpu.memory_space<semaphore_mem>>) {add = true}
          %dma_wait3A_207 = arith.constant 0 : i32
          %dma_wait3A_208 = tpu.memref_slice %arg8[%add3A_198, %dma_wait3A_207] : memref<40x128xi32, #tpu.memory_space<vmem>> -> memref<1x128xi32, #tpu.memory_space<vmem>>
          %dma_wait3A_209 = tpu.memref_squeeze %dma_wait3A_208 : memref<1x128xi32, #tpu.memory_space<vmem>> -> memref<128xi32, #tpu.memory_space<vmem>>
          %dma_wait3A_210 = arith.constant 0 : i32
          %dma_wait3A_211 = arith.constant 0 : i32
          %dma_wait3A_212 = tpu.memref_slice %arg11[%dma_wait3A_210, %dma_wait3A_211] : memref<10240x128xf32, #tpu.memory_space<vmem_shared>> -> memref<10240x128xf32, #tpu.memory_space<vmem_shared>>
          tpu.wait_indirect_dma semaphore(%run_scoped3A_200 : memref<!tpu.dma_semaphore, #tpu.memory_space<semaphore_mem>>) src(%arg10 : memref<128x128xf32, #tpu.memory_space<vmem>>) dst(%dma_wait3A_212 : memref<10240x128xf32, #tpu.memory_space<vmem_shared>>)
          tpu.yield
        }) : () -> ()
        %scan3A_199 = arith.constant 0 : i32
        scf.yield %scan3A_199 : i32
      }
      %scan3A_129 = arith.constant 19 : i32
      %dma_start3A_130 = arith.constant 39 : i32
      %dma_start3A_131 = arith.constant 0 : i32
      %dma_start3A_132 = tpu.memref_slice %arg7[%dma_start3A_130, %dma_start3A_131] : memref<40x128xi32, #tpu.memory_space<vmem>> -> memref<1x128xi32, #tpu.memory_space<vmem>>
      %dma_start3A_133 = tpu.memref_squeeze %dma_start3A_132 : memref<1x128xi32, #tpu.memory_space<vmem>> -> memref<128xi32, #tpu.memory_space<vmem>>
      %dma_start3A_134 = arith.constant 0 : i32
      %dma_start3A_135 = arith.constant 0 : i32
      %dma_start3A_136 = tpu.memref_slice %arg2[%dma_start3A_134, %dma_start3A_135] : memref<10000x128xf32, #tpu.memory_space<hbm>> -> memref<10000x128xf32, #tpu.memory_space<hbm>>
      tpu.enqueue_indirect_dma source(%dma_start3A_136 : memref<10000x128xf32, #tpu.memory_space<hbm>>) target(%arg10 : memref<128x128xf32, #tpu.memory_space<vmem>>) offsets(%dma_start3A_133 : memref<128xi32, #tpu.memory_space<vmem>>) semaphore(%arg13 : memref<!tpu.dma_semaphore, #tpu.memory_space<semaphore_mem>>)
      %dma_wait3A_137 = arith.constant 38 : i32
      %dma_wait3A_138 = arith.constant 0 : i32
      %dma_wait3A_139 = tpu.memref_slice %arg7[%dma_wait3A_137, %dma_wait3A_138] : memref<40x128xi32, #tpu.memory_space<vmem>> -> memref<1x128xi32, #tpu.memory_space<vmem>>
      %dma_wait3A_140 = tpu.memref_squeeze %dma_wait3A_139 : memref<1x128xi32, #tpu.memory_space<vmem>> -> memref<128xi32, #tpu.memory_space<vmem>>
      %dma_wait3A_141 = arith.constant 0 : i32
      %dma_wait3A_142 = arith.constant 0 : i32
      %dma_wait3A_143 = tpu.memref_slice %arg2[%dma_wait3A_141, %dma_wait3A_142] : memref<10000x128xf32, #tpu.memory_space<hbm>> -> memref<10000x128xf32, #tpu.memory_space<hbm>>
      tpu.wait_indirect_dma semaphore(%arg12 : memref<!tpu.dma_semaphore, #tpu.memory_space<semaphore_mem>>) src(%dma_wait3A_143 : memref<10000x128xf32, #tpu.memory_space<hbm>>) dst(%arg9 : memref<128x128xf32, #tpu.memory_space<vmem>>)
      %run_scoped3A_144 = arith.constant 38 : i32
      "tpu.region"() ({
        %run_scoped3A_153 = tpu.sem_alloc : memref<!tpu.dma_semaphore, #tpu.memory_space<semaphore_mem>>
        %dma_start3A_154 = arith.constant 0 : i32
        %dma_start3A_155 = tpu.memref_slice %arg8[%run_scoped3A_144, %dma_start3A_154] : memref<40x128xi32, #tpu.memory_space<vmem>> -> memref<1x128xi32, #tpu.memory_space<vmem>>
        %dma_start3A_156 = tpu.memref_squeeze %dma_start3A_155 : memref<1x128xi32, #tpu.memory_space<vmem>> -> memref<128xi32, #tpu.memory_space<vmem>>
        %dma_start3A_157 = arith.constant 0 : i32
        %dma_start3A_158 = arith.constant 0 : i32
        %dma_start3A_159 = tpu.memref_slice %arg11[%dma_start3A_157, %dma_start3A_158] : memref<10240x128xf32, #tpu.memory_space<vmem_shared>> -> memref<10240x128xf32, #tpu.memory_space<vmem_shared>>
        tpu.enqueue_indirect_dma source(%arg9 : memref<128x128xf32, #tpu.memory_space<vmem>>) target(%dma_start3A_159 : memref<10240x128xf32, #tpu.memory_space<vmem_shared>>) offsets(%dma_start3A_156 : memref<128xi32, #tpu.memory_space<vmem>>) semaphore(%run_scoped3A_153 : memref<!tpu.dma_semaphore, #tpu.memory_space<semaphore_mem>>) {add = true}
        %dma_wait3A_160 = arith.constant 0 : i32
        %dma_wait3A_161 = tpu.memref_slice %arg8[%run_scoped3A_144, %dma_wait3A_160] : memref<40x128xi32, #tpu.memory_space<vmem>> -> memref<1x128xi32, #tpu.memory_space<vmem>>
        %dma_wait3A_162 = tpu.memref_squeeze %dma_wait3A_161 : memref<1x128xi32, #tpu.memory_space<vmem>> -> memref<128xi32, #tpu.memory_space<vmem>>
        %dma_wait3A_163 = arith.constant 0 : i32
        %dma_wait3A_164 = arith.constant 0 : i32
        %dma_wait3A_165 = tpu.memref_slice %arg11[%dma_wait3A_163, %dma_wait3A_164] : memref<10240x128xf32, #tpu.memory_space<vmem_shared>> -> memref<10240x128xf32, #tpu.memory_space<vmem_shared>>
        tpu.wait_indirect_dma semaphore(%run_scoped3A_153 : memref<!tpu.dma_semaphore, #tpu.memory_space<semaphore_mem>>) src(%arg9 : memref<128x128xf32, #tpu.memory_space<vmem>>) dst(%dma_wait3A_165 : memref<10240x128xf32, #tpu.memory_space<vmem_shared>>)
        tpu.yield
      }) : () -> ()
      %dma_wait3A_145 = arith.constant 39 : i32
      %dma_wait3A_146 = arith.constant 0 : i32
      %dma_wait3A_147 = tpu.memref_slice %arg7[%dma_wait3A_145, %dma_wait3A_146] : memref<40x128xi32, #tpu.memory_space<vmem>> -> memref<1x128xi32, #tpu.memory_space<vmem>>
      %dma_wait3A_148 = tpu.memref_squeeze %dma_wait3A_147 : memref<1x128xi32, #tpu.memory_space<vmem>> -> memref<128xi32, #tpu.memory_space<vmem>>
      %dma_wait3A_149 = arith.constant 0 : i32
      %dma_wait3A_150 = arith.constant 0 : i32
      %dma_wait3A_151 = tpu.memref_slice %arg2[%dma_wait3A_149, %dma_wait3A_150] : memref<10000x128xf32, #tpu.memory_space<hbm>> -> memref<10000x128xf32, #tpu.memory_space<hbm>>
      tpu.wait_indirect_dma semaphore(%arg13 : memref<!tpu.dma_semaphore, #tpu.memory_space<semaphore_mem>>) src(%dma_wait3A_151 : memref<10000x128xf32, #tpu.memory_space<hbm>>) dst(%arg10 : memref<128x128xf32, #tpu.memory_space<vmem>>)
      %run_scoped3A_152 = arith.constant 39 : i32
      "tpu.region"() ({
        %run_scoped3A_153 = tpu.sem_alloc : memref<!tpu.dma_semaphore, #tpu.memory_space<semaphore_mem>>
        %dma_start3A_154 = arith.constant 0 : i32
        %dma_start3A_155 = tpu.memref_slice %arg8[%run_scoped3A_152, %dma_start3A_154] : memref<40x128xi32, #tpu.memory_space<vmem>> -> memref<1x128xi32, #tpu.memory_space<vmem>>
        %dma_start3A_156 = tpu.memref_squeeze %dma_start3A_155 : memref<1x128xi32, #tpu.memory_space<vmem>> -> memref<128xi32, #tpu.memory_space<vmem>>
        %dma_start3A_157 = arith.constant 0 : i32
        %dma_start3A_158 = arith.constant 0 : i32
        %dma_start3A_159 = tpu.memref_slice %arg11[%dma_start3A_157, %dma_start3A_158] : memref<10240x128xf32, #tpu.memory_space<vmem_shared>> -> memref<10240x128xf32, #tpu.memory_space<vmem_shared>>
        tpu.enqueue_indirect_dma source(%arg10 : memref<128x128xf32, #tpu.memory_space<vmem>>) target(%dma_start3A_159 : memref<10240x128xf32, #tpu.memory_space<vmem_shared>>) offsets(%dma_start3A_156 : memref<128xi32, #tpu.memory_space<vmem>>) semaphore(%run_scoped3A_153 : memref<!tpu.dma_semaphore, #tpu.memory_space<semaphore_mem>>) {add = true}
        %dma_wait3A_160 = arith.constant 0 : i32
        %dma_wait3A_161 = tpu.memref_slice %arg8[%run_scoped3A_152, %dma_wait3A_160] : memref<40x128xi32, #tpu.memory_space<vmem>> -> memref<1x128xi32, #tpu.memory_space<vmem>>
        %dma_wait3A_162 = tpu.memref_squeeze %dma_wait3A_161 : memref<1x128xi32, #tpu.memory_space<vmem>> -> memref<128xi32, #tpu.memory_space<vmem>>
        %dma_wait3A_163 = arith.constant 0 : i32
        %dma_wait3A_164 = arith.constant 0 : i32
        %dma_wait3A_165 = tpu.memref_slice %arg11[%dma_wait3A_163, %dma_wait3A_164] : memref<10240x128xf32, #tpu.memory_space<vmem_shared>> -> memref<10240x128xf32, #tpu.memory_space<vmem_shared>>
        tpu.wait_indirect_dma semaphore(%run_scoped3A_153 : memref<!tpu.dma_semaphore, #tpu.memory_space<semaphore_mem>>) src(%arg10 : memref<128x128xf32, #tpu.memory_space<vmem>>) dst(%dma_wait3A_165 : memref<10240x128xf32, #tpu.memory_space<vmem_shared>>)
        tpu.yield
      }) : () -> ()
    } else {
    }
    %eq3A_20 = arith.constant 1 : i32
    %eq3A_21 = arith.cmpi eq, %arg0, %eq3A_20 : i32
    %convert_element_type3A_22 = arith.extui %eq3A_21 : i1 to i32
    %cond3A_23 = arith.constant 0 : i32
    %cond3A_24 = arith.cmpi ne, %convert_element_type3A_22, %cond3A_23 : i32
    scf.if %cond3A_24 {
      "tpu.region"() ({
        %run_scoped3A_79 = tpu.sem_alloc : memref<!tpu.dma_semaphore, #tpu.memory_space<semaphore_mem>>
        %dma_start3A_80 = arith.constant 120 : i32
        %dma_start3A_81 = arith.constant 0 : i32
        %dma_start3A_82 = tpu.memref_slice %arg3[%arg1, %dma_start3A_80, %dma_start3A_81] : memref<16x160x128xi32, #tpu.memory_space<hbm>> -> memref<1x40x128xi32, #tpu.memory_space<hbm>>
        %dma_start3A_83 = tpu.memref_squeeze %dma_start3A_82 : memref<1x40x128xi32, #tpu.memory_space<hbm>> -> memref<40x128xi32, #tpu.memory_space<hbm>>
        %dma_start3A_84 = arith.constant 120 : i32
        %dma_start3A_85 = arith.constant 0 : i32
        %dma_start3A_86 = tpu.memref_slice %arg3[%arg1, %dma_start3A_84, %dma_start3A_85] : memref<16x160x128xi32, #tpu.memory_space<hbm>> -> memref<1x40x128xi32, #tpu.memory_space<hbm>>
        %dma_start3A_87 = tpu.memref_squeeze %dma_start3A_86 : memref<1x40x128xi32, #tpu.memory_space<hbm>> -> memref<40x128xi32, #tpu.memory_space<hbm>>
        tpu.enqueue_dma source(%dma_start3A_87 : memref<40x128xi32, #tpu.memory_space<hbm>>) target(%arg7 : memref<40x128xi32, #tpu.memory_space<vmem>>) target_semaphore(%run_scoped3A_79 : memref<!tpu.dma_semaphore, #tpu.memory_space<semaphore_mem>>)
        %dma_wait3A_88 = arith.constant 120 : i32
        %dma_wait3A_89 = arith.constant 0 : i32
        %dma_wait3A_90 = tpu.memref_slice %arg3[%arg1, %dma_wait3A_88, %dma_wait3A_89] : memref<16x160x128xi32, #tpu.memory_space<hbm>> -> memref<1x40x128xi32, #tpu.memory_space<hbm>>
        %dma_wait3A_91 = tpu.memref_squeeze %dma_wait3A_90 : memref<1x40x128xi32, #tpu.memory_space<hbm>> -> memref<40x128xi32, #tpu.memory_space<hbm>>
        %dma_wait3A_92 = arith.constant 120 : i32
        %dma_wait3A_93 = arith.constant 0 : i32
        %dma_wait3A_94 = tpu.memref_slice %arg3[%arg1, %dma_wait3A_92, %dma_wait3A_93] : memref<16x160x128xi32, #tpu.memory_space<hbm>> -> memref<1x40x128xi32, #tpu.memory_space<hbm>>
        %dma_wait3A_95 = tpu.memref_squeeze %dma_wait3A_94 : memref<1x40x128xi32, #tpu.memory_space<hbm>> -> memref<40x128xi32, #tpu.memory_space<hbm>>
        tpu.wait_dma2 semaphore(%run_scoped3A_79 : memref<!tpu.dma_semaphore, #tpu.memory_space<semaphore_mem>>) src(%dma_wait3A_95 : memref<40x128xi32, #tpu.memory_space<hbm>>) dst(%arg7 : memref<40x128xi32, #tpu.memory_space<vmem>>)
        tpu.yield
      }) : () -> ()
      "tpu.region"() ({
        %run_scoped3A_79 = tpu.sem_alloc : memref<!tpu.dma_semaphore, #tpu.memory_space<semaphore_mem>>
        %dma_start3A_80 = arith.constant 120 : i32
        %dma_start3A_81 = arith.constant 0 : i32
        %dma_start3A_82 = tpu.memref_slice %arg4[%arg1, %dma_start3A_80, %dma_start3A_81] : memref<16x160x128xi32, #tpu.memory_space<hbm>> -> memref<1x40x128xi32, #tpu.memory_space<hbm>>
        %dma_start3A_83 = tpu.memref_squeeze %dma_start3A_82 : memref<1x40x128xi32, #tpu.memory_space<hbm>> -> memref<40x128xi32, #tpu.memory_space<hbm>>
        %dma_start3A_84 = arith.constant 120 : i32
        %dma_start3A_85 = arith.constant 0 : i32
        %dma_start3A_86 = tpu.memref_slice %arg4[%arg1, %dma_start3A_84, %dma_start3A_85] : memref<16x160x128xi32, #tpu.memory_space<hbm>> -> memref<1x40x128xi32, #tpu.memory_space<hbm>>
        %dma_start3A_87 = tpu.memref_squeeze %dma_start3A_86 : memref<1x40x128xi32, #tpu.memory_space<hbm>> -> memref<40x128xi32, #tpu.memory_space<hbm>>
        tpu.enqueue_dma source(%dma_start3A_87 : memref<40x128xi32, #tpu.memory_space<hbm>>) target(%arg8 : memref<40x128xi32, #tpu.memory_space<vmem>>) target_semaphore(%run_scoped3A_79 : memref<!tpu.dma_semaphore, #tpu.memory_space<semaphore_mem>>)
        %dma_wait3A_88 = arith.constant 120 : i32
        %dma_wait3A_89 = arith.constant 0 : i32
        %dma_wait3A_90 = tpu.memref_slice %arg4[%arg1, %dma_wait3A_88, %dma_wait3A_89] : memref<16x160x128xi32, #tpu.memory_space<hbm>> -> memref<1x40x128xi32, #tpu.memory_space<hbm>>
        %dma_wait3A_91 = tpu.memref_squeeze %dma_wait3A_90 : memref<1x40x128xi32, #tpu.memory_space<hbm>> -> memref<40x128xi32, #tpu.memory_space<hbm>>
        %dma_wait3A_92 = arith.constant 120 : i32
        %dma_wait3A_93 = arith.constant 0 : i32
        %dma_wait3A_94 = tpu.memref_slice %arg4[%arg1, %dma_wait3A_92, %dma_wait3A_93] : memref<16x160x128xi32, #tpu.memory_space<hbm>> -> memref<1x40x128xi32, #tpu.memory_space<hbm>>
        %dma_wait3A_95 = tpu.memref_squeeze %dma_wait3A_94 : memref<1x40x128xi32, #tpu.memory_space<hbm>> -> memref<40x128xi32, #tpu.memory_space<hbm>>
        tpu.wait_dma2 semaphore(%run_scoped3A_79 : memref<!tpu.dma_semaphore, #tpu.memory_space<semaphore_mem>>) src(%dma_wait3A_95 : memref<40x128xi32, #tpu.memory_space<hbm>>) dst(%arg8 : memref<40x128xi32, #tpu.memory_space<vmem>>)
        tpu.yield
      }) : () -> ()
      %dma_start3A = arith.constant 0 : i32
      %dma_start3A_46 = arith.constant 0 : i32
      %dma_start3A_47 = tpu.memref_slice %arg7[%dma_start3A, %dma_start3A_46] : memref<40x128xi32, #tpu.memory_space<vmem>> -> memref<1x128xi32, #tpu.memory_space<vmem>>
      %dma_start3A_48 = tpu.memref_squeeze %dma_start3A_47 : memref<1x128xi32, #tpu.memory_space<vmem>> -> memref<128xi32, #tpu.memory_space<vmem>>
      %dma_start3A_49 = arith.constant 0 : i32
      %dma_start3A_50 = arith.constant 0 : i32
      %dma_start3A_51 = tpu.memref_slice %arg2[%dma_start3A_49, %dma_start3A_50] : memref<10000x128xf32, #tpu.memory_space<hbm>> -> memref<10000x128xf32, #tpu.memory_space<hbm>>
      tpu.enqueue_indirect_dma source(%dma_start3A_51 : memref<10000x128xf32, #tpu.memory_space<hbm>>) target(%arg9 : memref<128x128xf32, #tpu.memory_space<vmem>>) offsets(%dma_start3A_48 : memref<128xi32, #tpu.memory_space<vmem>>) semaphore(%arg12 : memref<!tpu.dma_semaphore, #tpu.memory_space<semaphore_mem>>)
      %scan3A = arith.constant 0 : i32
      %scan3A_52 = arith.constant 0 : i32
      %scan3A_53 = arith.constant 19 : i32
      %scan3A_54 = arith.addi %scan3A_52, %scan3A_53 : i32
      %scan3A_55 = arith.constant 1 : i32
      %scan3A_56 = scf.for %scan3A_79 = %scan3A_52 to %scan3A_54 step %scan3A_55 iter_args(%scan3A_80 = %scan3A) -> (i32)  : i32 {
        %mul3A_81 = arith.constant 2 : i32
        %mul3A_82 = arith.muli %mul3A_81, %scan3A_79 : i32
        %add3A_83 = arith.constant 1 : i32
        %add3A_84 = arith.addi %mul3A_82, %add3A_83 : i32
        %dma_start3A_85 = arith.constant 0 : i32
        %dma_start3A_86 = tpu.memref_slice %arg7[%add3A_84, %dma_start3A_85] : memref<40x128xi32, #tpu.memory_space<vmem>> -> memref<1x128xi32, #tpu.memory_space<vmem>>
        %dma_start3A_87 = tpu.memref_squeeze %dma_start3A_86 : memref<1x128xi32, #tpu.memory_space<vmem>> -> memref<128xi32, #tpu.memory_space<vmem>>
        %dma_start3A_88 = arith.constant 0 : i32
        %dma_start3A_89 = arith.constant 0 : i32
        %dma_start3A_90 = tpu.memref_slice %arg2[%dma_start3A_88, %dma_start3A_89] : memref<10000x128xf32, #tpu.memory_space<hbm>> -> memref<10000x128xf32, #tpu.memory_space<hbm>>
        tpu.enqueue_indirect_dma source(%dma_start3A_90 : memref<10000x128xf32, #tpu.memory_space<hbm>>) target(%arg10 : memref<128x128xf32, #tpu.memory_space<vmem>>) offsets(%dma_start3A_87 : memref<128xi32, #tpu.memory_space<vmem>>) semaphore(%arg13 : memref<!tpu.dma_semaphore, #tpu.memory_space<semaphore_mem>>)
        %mul3A_91 = arith.constant 2 : i32
        %mul3A_92 = arith.muli %mul3A_91, %scan3A_79 : i32
        %dma_wait3A_93 = arith.constant 0 : i32
        %dma_wait3A_94 = tpu.memref_slice %arg7[%mul3A_92, %dma_wait3A_93] : memref<40x128xi32, #tpu.memory_space<vmem>> -> memref<1x128xi32, #tpu.memory_space<vmem>>
        %dma_wait3A_95 = tpu.memref_squeeze %dma_wait3A_94 : memref<1x128xi32, #tpu.memory_space<vmem>> -> memref<128xi32, #tpu.memory_space<vmem>>
        %dma_wait3A_96 = arith.constant 0 : i32
        %dma_wait3A_97 = arith.constant 0 : i32
        %dma_wait3A_98 = tpu.memref_slice %arg2[%dma_wait3A_96, %dma_wait3A_97] : memref<10000x128xf32, #tpu.memory_space<hbm>> -> memref<10000x128xf32, #tpu.memory_space<hbm>>
        tpu.wait_indirect_dma semaphore(%arg12 : memref<!tpu.dma_semaphore, #tpu.memory_space<semaphore_mem>>) src(%dma_wait3A_98 : memref<10000x128xf32, #tpu.memory_space<hbm>>) dst(%arg9 : memref<128x128xf32, #tpu.memory_space<vmem>>)
        %mul3A_99 = arith.constant 2 : i32
        %mul3A_100 = arith.muli %mul3A_99, %scan3A_79 : i32
        "tpu.region"() ({
          %run_scoped3A_126 = tpu.sem_alloc : memref<!tpu.dma_semaphore, #tpu.memory_space<semaphore_mem>>
          %dma_start3A_127 = arith.constant 0 : i32
          %dma_start3A_128 = tpu.memref_slice %arg8[%mul3A_100, %dma_start3A_127] : memref<40x128xi32, #tpu.memory_space<vmem>> -> memref<1x128xi32, #tpu.memory_space<vmem>>
          %dma_start3A_129 = tpu.memref_squeeze %dma_start3A_128 : memref<1x128xi32, #tpu.memory_space<vmem>> -> memref<128xi32, #tpu.memory_space<vmem>>
          %dma_start3A_130 = arith.constant 0 : i32
          %dma_start3A_131 = arith.constant 0 : i32
          %dma_start3A_132 = tpu.memref_slice %arg11[%dma_start3A_130, %dma_start3A_131] : memref<10240x128xf32, #tpu.memory_space<vmem_shared>> -> memref<10240x128xf32, #tpu.memory_space<vmem_shared>>
          tpu.enqueue_indirect_dma source(%arg9 : memref<128x128xf32, #tpu.memory_space<vmem>>) target(%dma_start3A_132 : memref<10240x128xf32, #tpu.memory_space<vmem_shared>>) offsets(%dma_start3A_129 : memref<128xi32, #tpu.memory_space<vmem>>) semaphore(%run_scoped3A_126 : memref<!tpu.dma_semaphore, #tpu.memory_space<semaphore_mem>>) {add = true}
          %dma_wait3A_133 = arith.constant 0 : i32
          %dma_wait3A_134 = tpu.memref_slice %arg8[%mul3A_100, %dma_wait3A_133] : memref<40x128xi32, #tpu.memory_space<vmem>> -> memref<1x128xi32, #tpu.memory_space<vmem>>
          %dma_wait3A_135 = tpu.memref_squeeze %dma_wait3A_134 : memref<1x128xi32, #tpu.memory_space<vmem>> -> memref<128xi32, #tpu.memory_space<vmem>>
          %dma_wait3A_136 = arith.constant 0 : i32
          %dma_wait3A_137 = arith.constant 0 : i32
          %dma_wait3A_138 = tpu.memref_slice %arg11[%dma_wait3A_136, %dma_wait3A_137] : memref<10240x128xf32, #tpu.memory_space<vmem_shared>> -> memref<10240x128xf32, #tpu.memory_space<vmem_shared>>
          tpu.wait_indirect_dma semaphore(%run_scoped3A_126 : memref<!tpu.dma_semaphore, #tpu.memory_space<semaphore_mem>>) src(%arg9 : memref<128x128xf32, #tpu.memory_space<vmem>>) dst(%dma_wait3A_138 : memref<10240x128xf32, #tpu.memory_space<vmem_shared>>)
          tpu.yield
        }) : () -> ()
        %mul3A_101 = arith.constant 2 : i32
        %mul3A_102 = arith.muli %mul3A_101, %scan3A_79 : i32
        %add3A_103 = arith.constant 2 : i32
        %add3A_104 = arith.addi %mul3A_102, %add3A_103 : i32
        %dma_start3A_105 = arith.constant 0 : i32
        %dma_start3A_106 = tpu.memref_slice %arg7[%add3A_104, %dma_start3A_105] : memref<40x128xi32, #tpu.memory_space<vmem>> -> memref<1x128xi32, #tpu.memory_space<vmem>>
        %dma_start3A_107 = tpu.memref_squeeze %dma_start3A_106 : memref<1x128xi32, #tpu.memory_space<vmem>> -> memref<128xi32, #tpu.memory_space<vmem>>
        %dma_start3A_108 = arith.constant 0 : i32
        %dma_start3A_109 = arith.constant 0 : i32
        %dma_start3A_110 = tpu.memref_slice %arg2[%dma_start3A_108, %dma_start3A_109] : memref<10000x128xf32, #tpu.memory_space<hbm>> -> memref<10000x128xf32, #tpu.memory_space<hbm>>
        tpu.enqueue_indirect_dma source(%dma_start3A_110 : memref<10000x128xf32, #tpu.memory_space<hbm>>) target(%arg9 : memref<128x128xf32, #tpu.memory_space<vmem>>) offsets(%dma_start3A_107 : memref<128xi32, #tpu.memory_space<vmem>>) semaphore(%arg12 : memref<!tpu.dma_semaphore, #tpu.memory_space<semaphore_mem>>)
        %mul3A_111 = arith.constant 2 : i32
        %mul3A_112 = arith.muli %mul3A_111, %scan3A_79 : i32
        %add3A_113 = arith.constant 1 : i32
        %add3A_114 = arith.addi %mul3A_112, %add3A_113 : i32
        %dma_wait3A_115 = arith.constant 0 : i32
        %dma_wait3A_116 = tpu.memref_slice %arg7[%add3A_114, %dma_wait3A_115] : memref<40x128xi32, #tpu.memory_space<vmem>> -> memref<1x128xi32, #tpu.memory_space<vmem>>
        %dma_wait3A_117 = tpu.memref_squeeze %dma_wait3A_116 : memref<1x128xi32, #tpu.memory_space<vmem>> -> memref<128xi32, #tpu.memory_space<vmem>>
        %dma_wait3A_118 = arith.constant 0 : i32
        %dma_wait3A_119 = arith.constant 0 : i32
        %dma_wait3A_120 = tpu.memref_slice %arg2[%dma_wait3A_118, %dma_wait3A_119] : memref<10000x128xf32, #tpu.memory_space<hbm>> -> memref<10000x128xf32, #tpu.memory_space<hbm>>
        tpu.wait_indirect_dma semaphore(%arg13 : memref<!tpu.dma_semaphore, #tpu.memory_space<semaphore_mem>>) src(%dma_wait3A_120 : memref<10000x128xf32, #tpu.memory_space<hbm>>) dst(%arg10 : memref<128x128xf32, #tpu.memory_space<vmem>>)
        %mul3A_121 = arith.constant 2 : i32
        %mul3A_122 = arith.muli %mul3A_121, %scan3A_79 : i32
        %add3A_123 = arith.constant 1 : i32
        %add3A_124 = arith.addi %mul3A_122, %add3A_123 : i32
        "tpu.region"() ({
          %run_scoped3A_126 = tpu.sem_alloc : memref<!tpu.dma_semaphore, #tpu.memory_space<semaphore_mem>>
          %dma_start3A_127 = arith.constant 0 : i32
          %dma_start3A_128 = tpu.memref_slice %arg8[%add3A_124, %dma_start3A_127] : memref<40x128xi32, #tpu.memory_space<vmem>> -> memref<1x128xi32, #tpu.memory_space<vmem>>
          %dma_start3A_129 = tpu.memref_squeeze %dma_start3A_128 : memref<1x128xi32, #tpu.memory_space<vmem>> -> memref<128xi32, #tpu.memory_space<vmem>>
          %dma_start3A_130 = arith.constant 0 : i32
          %dma_start3A_131 = arith.constant 0 : i32
          %dma_start3A_132 = tpu.memref_slice %arg11[%dma_start3A_130, %dma_start3A_131] : memref<10240x128xf32, #tpu.memory_space<vmem_shared>> -> memref<10240x128xf32, #tpu.memory_space<vmem_shared>>
          tpu.enqueue_indirect_dma source(%arg10 : memref<128x128xf32, #tpu.memory_space<vmem>>) target(%dma_start3A_132 : memref<10240x128xf32, #tpu.memory_space<vmem_shared>>) offsets(%dma_start3A_129 : memref<128xi32, #tpu.memory_space<vmem>>) semaphore(%run_scoped3A_126 : memref<!tpu.dma_semaphore, #tpu.memory_space<semaphore_mem>>) {add = true}
          %dma_wait3A_133 = arith.constant 0 : i32
          %dma_wait3A_134 = tpu.memref_slice %arg8[%add3A_124, %dma_wait3A_133] : memref<40x128xi32, #tpu.memory_space<vmem>> -> memref<1x128xi32, #tpu.memory_space<vmem>>
          %dma_wait3A_135 = tpu.memref_squeeze %dma_wait3A_134 : memref<1x128xi32, #tpu.memory_space<vmem>> -> memref<128xi32, #tpu.memory_space<vmem>>
          %dma_wait3A_136 = arith.constant 0 : i32
          %dma_wait3A_137 = arith.constant 0 : i32
          %dma_wait3A_138 = tpu.memref_slice %arg11[%dma_wait3A_136, %dma_wait3A_137] : memref<10240x128xf32, #tpu.memory_space<vmem_shared>> -> memref<10240x128xf32, #tpu.memory_space<vmem_shared>>
          tpu.wait_indirect_dma semaphore(%run_scoped3A_126 : memref<!tpu.dma_semaphore, #tpu.memory_space<semaphore_mem>>) src(%arg10 : memref<128x128xf32, #tpu.memory_space<vmem>>) dst(%dma_wait3A_138 : memref<10240x128xf32, #tpu.memory_space<vmem_shared>>)
          tpu.yield
        }) : () -> ()
        %scan3A_125 = arith.constant 0 : i32
        scf.yield %scan3A_125 : i32
      }
      %scan3A_57 = arith.constant 19 : i32
      %dma_start3A_58 = arith.constant 39 : i32
      %dma_start3A_59 = arith.constant 0 : i32
      %dma_start3A_60 = tpu.memref_slice %arg7[%dma_start3A_58, %dma_start3A_59] : memref<40x128xi32, #tpu.memory_space<vmem>> -> memref<1x128xi32, #tpu.memory_space<vmem>>
      %dma_start3A_61 = tpu.memref_squeeze %dma_start3A_60 : memref<1x128xi32, #tpu.memory_space<vmem>> -> memref<128xi32, #tpu.memory_space<vmem>>
      %dma_start3A_62 = arith.constant 0 : i32
      %dma_start3A_63 = arith.constant 0 : i32
      %dma_start3A_64 = tpu.memref_slice %arg2[%dma_start3A_62, %dma_start3A_63] : memref<10000x128xf32, #tpu.memory_space<hbm>> -> memref<10000x128xf32, #tpu.memory_space<hbm>>
      tpu.enqueue_indirect_dma source(%dma_start3A_64 : memref<10000x128xf32, #tpu.memory_space<hbm>>) target(%arg10 : memref<128x128xf32, #tpu.memory_space<vmem>>) offsets(%dma_start3A_61 : memref<128xi32, #tpu.memory_space<vmem>>) semaphore(%arg13 : memref<!tpu.dma_semaphore, #tpu.memory_space<semaphore_mem>>)
      %dma_wait3A = arith.constant 38 : i32
      %dma_wait3A_65 = arith.constant 0 : i32
      %dma_wait3A_66 = tpu.memref_slice %arg7[%dma_wait3A, %dma_wait3A_65] : memref<40x128xi32, #tpu.memory_space<vmem>> -> memref<1x128xi32, #tpu.memory_space<vmem>>
      %dma_wait3A_67 = tpu.memref_squeeze %dma_wait3A_66 : memref<1x128xi32, #tpu.memory_space<vmem>> -> memref<128xi32, #tpu.memory_space<vmem>>
      %dma_wait3A_68 = arith.constant 0 : i32
      %dma_wait3A_69 = arith.constant 0 : i32
      %dma_wait3A_70 = tpu.memref_slice %arg2[%dma_wait3A_68, %dma_wait3A_69] : memref<10000x128xf32, #tpu.memory_space<hbm>> -> memref<10000x128xf32, #tpu.memory_space<hbm>>
      tpu.wait_indirect_dma semaphore(%arg12 : memref<!tpu.dma_semaphore, #tpu.memory_space<semaphore_mem>>) src(%dma_wait3A_70 : memref<10000x128xf32, #tpu.memory_space<hbm>>) dst(%arg9 : memref<128x128xf32, #tpu.memory_space<vmem>>)
      %run_scoped3A = arith.constant 38 : i32
      "tpu.region"() ({
        %run_scoped3A_79 = tpu.sem_alloc : memref<!tpu.dma_semaphore, #tpu.memory_space<semaphore_mem>>
        %dma_start3A_80 = arith.constant 0 : i32
        %dma_start3A_81 = tpu.memref_slice %arg8[%run_scoped3A, %dma_start3A_80] : memref<40x128xi32, #tpu.memory_space<vmem>> -> memref<1x128xi32, #tpu.memory_space<vmem>>
        %dma_start3A_82 = tpu.memref_squeeze %dma_start3A_81 : memref<1x128xi32, #tpu.memory_space<vmem>> -> memref<128xi32, #tpu.memory_space<vmem>>
        %dma_start3A_83 = arith.constant 0 : i32
        %dma_start3A_84 = arith.constant 0 : i32
        %dma_start3A_85 = tpu.memref_slice %arg11[%dma_start3A_83, %dma_start3A_84] : memref<10240x128xf32, #tpu.memory_space<vmem_shared>> -> memref<10240x128xf32, #tpu.memory_space<vmem_shared>>
        tpu.enqueue_indirect_dma source(%arg9 : memref<128x128xf32, #tpu.memory_space<vmem>>) target(%dma_start3A_85 : memref<10240x128xf32, #tpu.memory_space<vmem_shared>>) offsets(%dma_start3A_82 : memref<128xi32, #tpu.memory_space<vmem>>) semaphore(%run_scoped3A_79 : memref<!tpu.dma_semaphore, #tpu.memory_space<semaphore_mem>>) {add = true}
        %dma_wait3A_86 = arith.constant 0 : i32
        %dma_wait3A_87 = tpu.memref_slice %arg8[%run_scoped3A, %dma_wait3A_86] : memref<40x128xi32, #tpu.memory_space<vmem>> -> memref<1x128xi32, #tpu.memory_space<vmem>>
        %dma_wait3A_88 = tpu.memref_squeeze %dma_wait3A_87 : memref<1x128xi32, #tpu.memory_space<vmem>> -> memref<128xi32, #tpu.memory_space<vmem>>
        %dma_wait3A_89 = arith.constant 0 : i32
        %dma_wait3A_90 = arith.constant 0 : i32
        %dma_wait3A_91 = tpu.memref_slice %arg11[%dma_wait3A_89, %dma_wait3A_90] : memref<10240x128xf32, #tpu.memory_space<vmem_shared>> -> memref<10240x128xf32, #tpu.memory_space<vmem_shared>>
        tpu.wait_indirect_dma semaphore(%run_scoped3A_79 : memref<!tpu.dma_semaphore, #tpu.memory_space<semaphore_mem>>) src(%arg9 : memref<128x128xf32, #tpu.memory_space<vmem>>) dst(%dma_wait3A_91 : memref<10240x128xf32, #tpu.memory_space<vmem_shared>>)
        tpu.yield
      }) : () -> ()
      %dma_wait3A_71 = arith.constant 39 : i32
      %dma_wait3A_72 = arith.constant 0 : i32
      %dma_wait3A_73 = tpu.memref_slice %arg7[%dma_wait3A_71, %dma_wait3A_72] : memref<40x128xi32, #tpu.memory_space<vmem>> -> memref<1x128xi32, #tpu.memory_space<vmem>>
      %dma_wait3A_74 = tpu.memref_squeeze %dma_wait3A_73 : memref<1x128xi32, #tpu.memory_space<vmem>> -> memref<128xi32, #tpu.memory_space<vmem>>
      %dma_wait3A_75 = arith.constant 0 : i32
      %dma_wait3A_76 = arith.constant 0 : i32
      %dma_wait3A_77 = tpu.memref_slice %arg2[%dma_wait3A_75, %dma_wait3A_76] : memref<10000x128xf32, #tpu.memory_space<hbm>> -> memref<10000x128xf32, #tpu.memory_space<hbm>>
      tpu.wait_indirect_dma semaphore(%arg13 : memref<!tpu.dma_semaphore, #tpu.memory_space<semaphore_mem>>) src(%dma_wait3A_77 : memref<10000x128xf32, #tpu.memory_space<hbm>>) dst(%arg10 : memref<128x128xf32, #tpu.memory_space<vmem>>)
      %run_scoped3A_78 = arith.constant 39 : i32
      "tpu.region"() ({
        %run_scoped3A_79 = tpu.sem_alloc : memref<!tpu.dma_semaphore, #tpu.memory_space<semaphore_mem>>
        %dma_start3A_80 = arith.constant 0 : i32
        %dma_start3A_81 = tpu.memref_slice %arg8[%run_scoped3A_78, %dma_start3A_80] : memref<40x128xi32, #tpu.memory_space<vmem>> -> memref<1x128xi32, #tpu.memory_space<vmem>>
        %dma_start3A_82 = tpu.memref_squeeze %dma_start3A_81 : memref<1x128xi32, #tpu.memory_space<vmem>> -> memref<128xi32, #tpu.memory_space<vmem>>
        %dma_start3A_83 = arith.constant 0 : i32
        %dma_start3A_84 = arith.constant 0 : i32
        %dma_start3A_85 = tpu.memref_slice %arg11[%dma_start3A_83, %dma_start3A_84] : memref<10240x128xf32, #tpu.memory_space<vmem_shared>> -> memref<10240x128xf32, #tpu.memory_space<vmem_shared>>
        tpu.enqueue_indirect_dma source(%arg10 : memref<128x128xf32, #tpu.memory_space<vmem>>) target(%dma_start3A_85 : memref<10240x128xf32, #tpu.memory_space<vmem_shared>>) offsets(%dma_start3A_82 : memref<128xi32, #tpu.memory_space<vmem>>) semaphore(%run_scoped3A_79 : memref<!tpu.dma_semaphore, #tpu.memory_space<semaphore_mem>>) {add = true}
        %dma_wait3A_86 = arith.constant 0 : i32
        %dma_wait3A_87 = tpu.memref_slice %arg8[%run_scoped3A_78, %dma_wait3A_86] : memref<40x128xi32, #tpu.memory_space<vmem>> -> memref<1x128xi32, #tpu.memory_space<vmem>>
        %dma_wait3A_88 = tpu.memref_squeeze %dma_wait3A_87 : memref<1x128xi32, #tpu.memory_space<vmem>> -> memref<128xi32, #tpu.memory_space<vmem>>
        %dma_wait3A_89 = arith.constant 0 : i32
        %dma_wait3A_90 = arith.constant 0 : i32
        %dma_wait3A_91 = tpu.memref_slice %arg11[%dma_wait3A_89, %dma_wait3A_90] : memref<10240x128xf32, #tpu.memory_space<vmem_shared>> -> memref<10240x128xf32, #tpu.memory_space<vmem_shared>>
        tpu.wait_indirect_dma semaphore(%run_scoped3A_79 : memref<!tpu.dma_semaphore, #tpu.memory_space<semaphore_mem>>) src(%arg10 : memref<128x128xf32, #tpu.memory_space<vmem>>) dst(%dma_wait3A_91 : memref<10240x128xf32, #tpu.memory_space<vmem_shared>>)
        tpu.yield
      }) : () -> ()
    } else {
    }
    %barrier3A_25 = arith.constant 0 : index
    tpu.barrier barrier_id(%barrier3A_25)
    %mul3A_26 = arith.constant 640 : i32
    %mul3A_27 = arith.muli %arg1, %mul3A_26 : i32
    %add3A_28 = arith.constant 0 : i32
    %add3A_29 = arith.addi %mul3A_27, %add3A_28 : i32
    "tpu.region"() ({
      %run_scoped3A = tpu.sem_alloc : memref<!tpu.dma_semaphore, #tpu.memory_space<semaphore_mem>>
      %dma_start3A = arith.constant 0 : i32
      %dma_start3A_46 = tpu.memref_slice %arg11[%add3A_29, %dma_start3A] : memref<10240x128xf32, #tpu.memory_space<vmem_shared>> -> memref<128x128xf32, #tpu.memory_space<vmem_shared>>
      %dma_start3A_47 = arith.constant 0 : i32
      %dma_start3A_48 = tpu.memref_slice %arg11[%add3A_29, %dma_start3A_47] : memref<10240x128xf32, #tpu.memory_space<vmem_shared>> -> memref<128x128xf32, #tpu.memory_space<vmem_shared>>
      tpu.enqueue_dma source(%dma_start3A_48 : memref<128x128xf32, #tpu.memory_space<vmem_shared>>) target(%arg9 : memref<128x128xf32, #tpu.memory_space<vmem>>) target_semaphore(%run_scoped3A : memref<!tpu.dma_semaphore, #tpu.memory_space<semaphore_mem>>)
      %dma_wait3A = arith.constant 0 : i32
      %dma_wait3A_49 = tpu.memref_slice %arg11[%add3A_29, %dma_wait3A] : memref<10240x128xf32, #tpu.memory_space<vmem_shared>> -> memref<128x128xf32, #tpu.memory_space<vmem_shared>>
      %dma_wait3A_50 = arith.constant 0 : i32
      %dma_wait3A_51 = tpu.memref_slice %arg11[%add3A_29, %dma_wait3A_50] : memref<10240x128xf32, #tpu.memory_space<vmem_shared>> -> memref<128x128xf32, #tpu.memory_space<vmem_shared>>
      tpu.wait_dma2 semaphore(%run_scoped3A : memref<!tpu.dma_semaphore, #tpu.memory_space<semaphore_mem>>) src(%dma_wait3A_51 : memref<128x128xf32, #tpu.memory_space<vmem_shared>>) dst(%arg9 : memref<128x128xf32, #tpu.memory_space<vmem>>)
      tpu.yield
    }) : () -> ()
    "tpu.region"() ({
      %run_scoped3A = tpu.sem_alloc : memref<!tpu.dma_semaphore, #tpu.memory_space<semaphore_mem>>
      %dma_start3A = arith.constant 0 : i32
      %dma_start3A_46 = tpu.memref_slice %arg6[%arg0, %add3A_29, %dma_start3A] : memref<2x10240x128xf32, #tpu.memory_space<hbm>> -> memref<1x128x128xf32, #tpu.memory_space<hbm>>
      %dma_start3A_47 = tpu.memref_squeeze %dma_start3A_46 : memref<1x128x128xf32, #tpu.memory_space<hbm>> -> memref<128x128xf32, #tpu.memory_space<hbm>>
      %dma_start3A_48 = arith.constant 0 : i32
      %dma_start3A_49 = tpu.memref_slice %arg6[%arg0, %add3A_29, %dma_start3A_48] : memref<2x10240x128xf32, #tpu.memory_space<hbm>> -> memref<1x128x128xf32, #tpu.memory_space<hbm>>
      %dma_start3A_50 = tpu.memref_squeeze %dma_start3A_49 : memref<1x128x128xf32, #tpu.memory_space<hbm>> -> memref<128x128xf32, #tpu.memory_space<hbm>>
      tpu.enqueue_dma source(%arg9 : memref<128x128xf32, #tpu.memory_space<vmem>>) target(%dma_start3A_50 : memref<128x128xf32, #tpu.memory_space<hbm>>) target_semaphore(%run_scoped3A : memref<!tpu.dma_semaphore, #tpu.memory_space<semaphore_mem>>)
      %dma_wait3A = arith.constant 0 : i32
      %dma_wait3A_51 = tpu.memref_slice %arg6[%arg0, %add3A_29, %dma_wait3A] : memref<2x10240x128xf32, #tpu.memory_space<hbm>> -> memref<1x128x128xf32, #tpu.memory_space<hbm>>
      %dma_wait3A_52 = tpu.memref_squeeze %dma_wait3A_51 : memref<1x128x128xf32, #tpu.memory_space<hbm>> -> memref<128x128xf32, #tpu.memory_space<hbm>>
      %dma_wait3A_53 = arith.constant 0 : i32
      %dma_wait3A_54 = tpu.memref_slice %arg6[%arg0, %add3A_29, %dma_wait3A_53] : memref<2x10240x128xf32, #tpu.memory_space<hbm>> -> memref<1x128x128xf32, #tpu.memory_space<hbm>>
      %dma_wait3A_55 = tpu.memref_squeeze %dma_wait3A_54 : memref<1x128x128xf32, #tpu.memory_space<hbm>> -> memref<128x128xf32, #tpu.memory_space<hbm>>
      tpu.wait_dma2 semaphore(%run_scoped3A : memref<!tpu.dma_semaphore, #tpu.memory_space<semaphore_mem>>) src(%arg9 : memref<128x128xf32, #tpu.memory_space<vmem>>) dst(%dma_wait3A_55 : memref<128x128xf32, #tpu.memory_space<hbm>>)
      tpu.yield
    }) : () -> ()
    %mul3A_30 = arith.constant 640 : i32
    %mul3A_31 = arith.muli %arg1, %mul3A_30 : i32
    %add3A_32 = arith.constant 128 : i32
    %add3A_33 = arith.addi %mul3A_31, %add3A_32 : i32
    "tpu.region"() ({
      %run_scoped3A = tpu.sem_alloc : memref<!tpu.dma_semaphore, #tpu.memory_space<semaphore_mem>>
      %dma_start3A = arith.constant 0 : i32
      %dma_start3A_46 = tpu.memref_slice %arg11[%add3A_33, %dma_start3A] : memref<10240x128xf32, #tpu.memory_space<vmem_shared>> -> memref<128x128xf32, #tpu.memory_space<vmem_shared>>
      %dma_start3A_47 = arith.constant 0 : i32
      %dma_start3A_48 = tpu.memref_slice %arg11[%add3A_33, %dma_start3A_47] : memref<10240x128xf32, #tpu.memory_space<vmem_shared>> -> memref<128x128xf32, #tpu.memory_space<vmem_shared>>
      tpu.enqueue_dma source(%dma_start3A_48 : memref<128x128xf32, #tpu.memory_space<vmem_shared>>) target(%arg9 : memref<128x128xf32, #tpu.memory_space<vmem>>) target_semaphore(%run_scoped3A : memref<!tpu.dma_semaphore, #tpu.memory_space<semaphore_mem>>)
      %dma_wait3A = arith.constant 0 : i32
      %dma_wait3A_49 = tpu.memref_slice %arg11[%add3A_33, %dma_wait3A] : memref<10240x128xf32, #tpu.memory_space<vmem_shared>> -> memref<128x128xf32, #tpu.memory_space<vmem_shared>>
      %dma_wait3A_50 = arith.constant 0 : i32
      %dma_wait3A_51 = tpu.memref_slice %arg11[%add3A_33, %dma_wait3A_50] : memref<10240x128xf32, #tpu.memory_space<vmem_shared>> -> memref<128x128xf32, #tpu.memory_space<vmem_shared>>
      tpu.wait_dma2 semaphore(%run_scoped3A : memref<!tpu.dma_semaphore, #tpu.memory_space<semaphore_mem>>) src(%dma_wait3A_51 : memref<128x128xf32, #tpu.memory_space<vmem_shared>>) dst(%arg9 : memref<128x128xf32, #tpu.memory_space<vmem>>)
      tpu.yield
    }) : () -> ()
    "tpu.region"() ({
      %run_scoped3A = tpu.sem_alloc : memref<!tpu.dma_semaphore, #tpu.memory_space<semaphore_mem>>
      %dma_start3A = arith.constant 0 : i32
      %dma_start3A_46 = tpu.memref_slice %arg6[%arg0, %add3A_33, %dma_start3A] : memref<2x10240x128xf32, #tpu.memory_space<hbm>> -> memref<1x128x128xf32, #tpu.memory_space<hbm>>
      %dma_start3A_47 = tpu.memref_squeeze %dma_start3A_46 : memref<1x128x128xf32, #tpu.memory_space<hbm>> -> memref<128x128xf32, #tpu.memory_space<hbm>>
      %dma_start3A_48 = arith.constant 0 : i32
      %dma_start3A_49 = tpu.memref_slice %arg6[%arg0, %add3A_33, %dma_start3A_48] : memref<2x10240x128xf32, #tpu.memory_space<hbm>> -> memref<1x128x128xf32, #tpu.memory_space<hbm>>
      %dma_start3A_50 = tpu.memref_squeeze %dma_start3A_49 : memref<1x128x128xf32, #tpu.memory_space<hbm>> -> memref<128x128xf32, #tpu.memory_space<hbm>>
      tpu.enqueue_dma source(%arg9 : memref<128x128xf32, #tpu.memory_space<vmem>>) target(%dma_start3A_50 : memref<128x128xf32, #tpu.memory_space<hbm>>) target_semaphore(%run_scoped3A : memref<!tpu.dma_semaphore, #tpu.memory_space<semaphore_mem>>)
      %dma_wait3A = arith.constant 0 : i32
      %dma_wait3A_51 = tpu.memref_slice %arg6[%arg0, %add3A_33, %dma_wait3A] : memref<2x10240x128xf32, #tpu.memory_space<hbm>> -> memref<1x128x128xf32, #tpu.memory_space<hbm>>
      %dma_wait3A_52 = tpu.memref_squeeze %dma_wait3A_51 : memref<1x128x128xf32, #tpu.memory_space<hbm>> -> memref<128x128xf32, #tpu.memory_space<hbm>>
      %dma_wait3A_53 = arith.constant 0 : i32
      %dma_wait3A_54 = tpu.memref_slice %arg6[%arg0, %add3A_33, %dma_wait3A_53] : memref<2x10240x128xf32, #tpu.memory_space<hbm>> -> memref<1x128x128xf32, #tpu.memory_space<hbm>>
      %dma_wait3A_55 = tpu.memref_squeeze %dma_wait3A_54 : memref<1x128x128xf32, #tpu.memory_space<hbm>> -> memref<128x128xf32, #tpu.memory_space<hbm>>
      tpu.wait_dma2 semaphore(%run_scoped3A : memref<!tpu.dma_semaphore, #tpu.memory_space<semaphore_mem>>) src(%arg9 : memref<128x128xf32, #tpu.memory_space<vmem>>) dst(%dma_wait3A_55 : memref<128x128xf32, #tpu.memory_space<hbm>>)
      tpu.yield
    }) : () -> ()
    %mul3A_34 = arith.constant 640 : i32
    %mul3A_35 = arith.muli %arg1, %mul3A_34 : i32
    %add3A_36 = arith.constant 256 : i32
    %add3A_37 = arith.addi %mul3A_35, %add3A_36 : i32
    "tpu.region"() ({
      %run_scoped3A = tpu.sem_alloc : memref<!tpu.dma_semaphore, #tpu.memory_space<semaphore_mem>>
      %dma_start3A = arith.constant 0 : i32
      %dma_start3A_46 = tpu.memref_slice %arg11[%add3A_37, %dma_start3A] : memref<10240x128xf32, #tpu.memory_space<vmem_shared>> -> memref<128x128xf32, #tpu.memory_space<vmem_shared>>
      %dma_start3A_47 = arith.constant 0 : i32
      %dma_start3A_48 = tpu.memref_slice %arg11[%add3A_37, %dma_start3A_47] : memref<10240x128xf32, #tpu.memory_space<vmem_shared>> -> memref<128x128xf32, #tpu.memory_space<vmem_shared>>
      tpu.enqueue_dma source(%dma_start3A_48 : memref<128x128xf32, #tpu.memory_space<vmem_shared>>) target(%arg9 : memref<128x128xf32, #tpu.memory_space<vmem>>) target_semaphore(%run_scoped3A : memref<!tpu.dma_semaphore, #tpu.memory_space<semaphore_mem>>)
      %dma_wait3A = arith.constant 0 : i32
      %dma_wait3A_49 = tpu.memref_slice %arg11[%add3A_37, %dma_wait3A] : memref<10240x128xf32, #tpu.memory_space<vmem_shared>> -> memref<128x128xf32, #tpu.memory_space<vmem_shared>>
      %dma_wait3A_50 = arith.constant 0 : i32
      %dma_wait3A_51 = tpu.memref_slice %arg11[%add3A_37, %dma_wait3A_50] : memref<10240x128xf32, #tpu.memory_space<vmem_shared>> -> memref<128x128xf32, #tpu.memory_space<vmem_shared>>
      tpu.wait_dma2 semaphore(%run_scoped3A : memref<!tpu.dma_semaphore, #tpu.memory_space<semaphore_mem>>) src(%dma_wait3A_51 : memref<128x128xf32, #tpu.memory_space<vmem_shared>>) dst(%arg9 : memref<128x128xf32, #tpu.memory_space<vmem>>)
      tpu.yield
    }) : () -> ()
    "tpu.region"() ({
      %run_scoped3A = tpu.sem_alloc : memref<!tpu.dma_semaphore, #tpu.memory_space<semaphore_mem>>
      %dma_start3A = arith.constant 0 : i32
      %dma_start3A_46 = tpu.memref_slice %arg6[%arg0, %add3A_37, %dma_start3A] : memref<2x10240x128xf32, #tpu.memory_space<hbm>> -> memref<1x128x128xf32, #tpu.memory_space<hbm>>
      %dma_start3A_47 = tpu.memref_squeeze %dma_start3A_46 : memref<1x128x128xf32, #tpu.memory_space<hbm>> -> memref<128x128xf32, #tpu.memory_space<hbm>>
      %dma_start3A_48 = arith.constant 0 : i32
      %dma_start3A_49 = tpu.memref_slice %arg6[%arg0, %add3A_37, %dma_start3A_48] : memref<2x10240x128xf32, #tpu.memory_space<hbm>> -> memref<1x128x128xf32, #tpu.memory_space<hbm>>
      %dma_start3A_50 = tpu.memref_squeeze %dma_start3A_49 : memref<1x128x128xf32, #tpu.memory_space<hbm>> -> memref<128x128xf32, #tpu.memory_space<hbm>>
      tpu.enqueue_dma source(%arg9 : memref<128x128xf32, #tpu.memory_space<vmem>>) target(%dma_start3A_50 : memref<128x128xf32, #tpu.memory_space<hbm>>) target_semaphore(%run_scoped3A : memref<!tpu.dma_semaphore, #tpu.memory_space<semaphore_mem>>)
      %dma_wait3A = arith.constant 0 : i32
      %dma_wait3A_51 = tpu.memref_slice %arg6[%arg0, %add3A_37, %dma_wait3A] : memref<2x10240x128xf32, #tpu.memory_space<hbm>> -> memref<1x128x128xf32, #tpu.memory_space<hbm>>
      %dma_wait3A_52 = tpu.memref_squeeze %dma_wait3A_51 : memref<1x128x128xf32, #tpu.memory_space<hbm>> -> memref<128x128xf32, #tpu.memory_space<hbm>>
      %dma_wait3A_53 = arith.constant 0 : i32
      %dma_wait3A_54 = tpu.memref_slice %arg6[%arg0, %add3A_37, %dma_wait3A_53] : memref<2x10240x128xf32, #tpu.memory_space<hbm>> -> memref<1x128x128xf32, #tpu.memory_space<hbm>>
      %dma_wait3A_55 = tpu.memref_squeeze %dma_wait3A_54 : memref<1x128x128xf32, #tpu.memory_space<hbm>> -> memref<128x128xf32, #tpu.memory_space<hbm>>
      tpu.wait_dma2 semaphore(%run_scoped3A : memref<!tpu.dma_semaphore, #tpu.memory_space<semaphore_mem>>) src(%arg9 : memref<128x128xf32, #tpu.memory_space<vmem>>) dst(%dma_wait3A_55 : memref<128x128xf32, #tpu.memory_space<hbm>>)
      tpu.yield
    }) : () -> ()
    %mul3A_38 = arith.constant 640 : i32
    %mul3A_39 = arith.muli %arg1, %mul3A_38 : i32
    %add3A_40 = arith.constant 384 : i32
    %add3A_41 = arith.addi %mul3A_39, %add3A_40 : i32
    "tpu.region"() ({
      %run_scoped3A = tpu.sem_alloc : memref<!tpu.dma_semaphore, #tpu.memory_space<semaphore_mem>>
      %dma_start3A = arith.constant 0 : i32
      %dma_start3A_46 = tpu.memref_slice %arg11[%add3A_41, %dma_start3A] : memref<10240x128xf32, #tpu.memory_space<vmem_shared>> -> memref<128x128xf32, #tpu.memory_space<vmem_shared>>
      %dma_start3A_47 = arith.constant 0 : i32
      %dma_start3A_48 = tpu.memref_slice %arg11[%add3A_41, %dma_start3A_47] : memref<10240x128xf32, #tpu.memory_space<vmem_shared>> -> memref<128x128xf32, #tpu.memory_space<vmem_shared>>
      tpu.enqueue_dma source(%dma_start3A_48 : memref<128x128xf32, #tpu.memory_space<vmem_shared>>) target(%arg9 : memref<128x128xf32, #tpu.memory_space<vmem>>) target_semaphore(%run_scoped3A : memref<!tpu.dma_semaphore, #tpu.memory_space<semaphore_mem>>)
      %dma_wait3A = arith.constant 0 : i32
      %dma_wait3A_49 = tpu.memref_slice %arg11[%add3A_41, %dma_wait3A] : memref<10240x128xf32, #tpu.memory_space<vmem_shared>> -> memref<128x128xf32, #tpu.memory_space<vmem_shared>>
      %dma_wait3A_50 = arith.constant 0 : i32
      %dma_wait3A_51 = tpu.memref_slice %arg11[%add3A_41, %dma_wait3A_50] : memref<10240x128xf32, #tpu.memory_space<vmem_shared>> -> memref<128x128xf32, #tpu.memory_space<vmem_shared>>
      tpu.wait_dma2 semaphore(%run_scoped3A : memref<!tpu.dma_semaphore, #tpu.memory_space<semaphore_mem>>) src(%dma_wait3A_51 : memref<128x128xf32, #tpu.memory_space<vmem_shared>>) dst(%arg9 : memref<128x128xf32, #tpu.memory_space<vmem>>)
      tpu.yield
    }) : () -> ()
    "tpu.region"() ({
      %run_scoped3A = tpu.sem_alloc : memref<!tpu.dma_semaphore, #tpu.memory_space<semaphore_mem>>
      %dma_start3A = arith.constant 0 : i32
      %dma_start3A_46 = tpu.memref_slice %arg6[%arg0, %add3A_41, %dma_start3A] : memref<2x10240x128xf32, #tpu.memory_space<hbm>> -> memref<1x128x128xf32, #tpu.memory_space<hbm>>
      %dma_start3A_47 = tpu.memref_squeeze %dma_start3A_46 : memref<1x128x128xf32, #tpu.memory_space<hbm>> -> memref<128x128xf32, #tpu.memory_space<hbm>>
      %dma_start3A_48 = arith.constant 0 : i32
      %dma_start3A_49 = tpu.memref_slice %arg6[%arg0, %add3A_41, %dma_start3A_48] : memref<2x10240x128xf32, #tpu.memory_space<hbm>> -> memref<1x128x128xf32, #tpu.memory_space<hbm>>
      %dma_start3A_50 = tpu.memref_squeeze %dma_start3A_49 : memref<1x128x128xf32, #tpu.memory_space<hbm>> -> memref<128x128xf32, #tpu.memory_space<hbm>>
      tpu.enqueue_dma source(%arg9 : memref<128x128xf32, #tpu.memory_space<vmem>>) target(%dma_start3A_50 : memref<128x128xf32, #tpu.memory_space<hbm>>) target_semaphore(%run_scoped3A : memref<!tpu.dma_semaphore, #tpu.memory_space<semaphore_mem>>)
      %dma_wait3A = arith.constant 0 : i32
      %dma_wait3A_51 = tpu.memref_slice %arg6[%arg0, %add3A_41, %dma_wait3A] : memref<2x10240x128xf32, #tpu.memory_space<hbm>> -> memref<1x128x128xf32, #tpu.memory_space<hbm>>
      %dma_wait3A_52 = tpu.memref_squeeze %dma_wait3A_51 : memref<1x128x128xf32, #tpu.memory_space<hbm>> -> memref<128x128xf32, #tpu.memory_space<hbm>>
      %dma_wait3A_53 = arith.constant 0 : i32
      %dma_wait3A_54 = tpu.memref_slice %arg6[%arg0, %add3A_41, %dma_wait3A_53] : memref<2x10240x128xf32, #tpu.memory_space<hbm>> -> memref<1x128x128xf32, #tpu.memory_space<hbm>>
      %dma_wait3A_55 = tpu.memref_squeeze %dma_wait3A_54 : memref<1x128x128xf32, #tpu.memory_space<hbm>> -> memref<128x128xf32, #tpu.memory_space<hbm>>
      tpu.wait_dma2 semaphore(%run_scoped3A : memref<!tpu.dma_semaphore, #tpu.memory_space<semaphore_mem>>) src(%arg9 : memref<128x128xf32, #tpu.memory_space<vmem>>) dst(%dma_wait3A_55 : memref<128x128xf32, #tpu.memory_space<hbm>>)
      tpu.yield
    }) : () -> ()
    %mul3A_42 = arith.constant 640 : i32
    %mul3A_43 = arith.muli %arg1, %mul3A_42 : i32
    %add3A_44 = arith.constant 512 : i32
    %add3A_45 = arith.addi %mul3A_43, %add3A_44 : i32
    "tpu.region"() ({
      %run_scoped3A = tpu.sem_alloc : memref<!tpu.dma_semaphore, #tpu.memory_space<semaphore_mem>>
      %dma_start3A = arith.constant 0 : i32
      %dma_start3A_46 = tpu.memref_slice %arg11[%add3A_45, %dma_start3A] : memref<10240x128xf32, #tpu.memory_space<vmem_shared>> -> memref<128x128xf32, #tpu.memory_space<vmem_shared>>
      %dma_start3A_47 = arith.constant 0 : i32
      %dma_start3A_48 = tpu.memref_slice %arg11[%add3A_45, %dma_start3A_47] : memref<10240x128xf32, #tpu.memory_space<vmem_shared>> -> memref<128x128xf32, #tpu.memory_space<vmem_shared>>
      tpu.enqueue_dma source(%dma_start3A_48 : memref<128x128xf32, #tpu.memory_space<vmem_shared>>) target(%arg9 : memref<128x128xf32, #tpu.memory_space<vmem>>) target_semaphore(%run_scoped3A : memref<!tpu.dma_semaphore, #tpu.memory_space<semaphore_mem>>)
      %dma_wait3A = arith.constant 0 : i32
      %dma_wait3A_49 = tpu.memref_slice %arg11[%add3A_45, %dma_wait3A] : memref<10240x128xf32, #tpu.memory_space<vmem_shared>> -> memref<128x128xf32, #tpu.memory_space<vmem_shared>>
      %dma_wait3A_50 = arith.constant 0 : i32
      %dma_wait3A_51 = tpu.memref_slice %arg11[%add3A_45, %dma_wait3A_50] : memref<10240x128xf32, #tpu.memory_space<vmem_shared>> -> memref<128x128xf32, #tpu.memory_space<vmem_shared>>
      tpu.wait_dma2 semaphore(%run_scoped3A : memref<!tpu.dma_semaphore, #tpu.memory_space<semaphore_mem>>) src(%dma_wait3A_51 : memref<128x128xf32, #tpu.memory_space<vmem_shared>>) dst(%arg9 : memref<128x128xf32, #tpu.memory_space<vmem>>)
      tpu.yield
    }) : () -> ()
    "tpu.region"() ({
      %run_scoped3A = tpu.sem_alloc : memref<!tpu.dma_semaphore, #tpu.memory_space<semaphore_mem>>
      %dma_start3A = arith.constant 0 : i32
      %dma_start3A_46 = tpu.memref_slice %arg6[%arg0, %add3A_45, %dma_start3A] : memref<2x10240x128xf32, #tpu.memory_space<hbm>> -> memref<1x128x128xf32, #tpu.memory_space<hbm>>
      %dma_start3A_47 = tpu.memref_squeeze %dma_start3A_46 : memref<1x128x128xf32, #tpu.memory_space<hbm>> -> memref<128x128xf32, #tpu.memory_space<hbm>>
      %dma_start3A_48 = arith.constant 0 : i32
      %dma_start3A_49 = tpu.memref_slice %arg6[%arg0, %add3A_45, %dma_start3A_48] : memref<2x10240x128xf32, #tpu.memory_space<hbm>> -> memref<1x128x128xf32, #tpu.memory_space<hbm>>
      %dma_start3A_50 = tpu.memref_squeeze %dma_start3A_49 : memref<1x128x128xf32, #tpu.memory_space<hbm>> -> memref<128x128xf32, #tpu.memory_space<hbm>>
      tpu.enqueue_dma source(%arg9 : memref<128x128xf32, #tpu.memory_space<vmem>>) target(%dma_start3A_50 : memref<128x128xf32, #tpu.memory_space<hbm>>) target_semaphore(%run_scoped3A : memref<!tpu.dma_semaphore, #tpu.memory_space<semaphore_mem>>)
      %dma_wait3A = arith.constant 0 : i32
      %dma_wait3A_51 = tpu.memref_slice %arg6[%arg0, %add3A_45, %dma_wait3A] : memref<2x10240x128xf32, #tpu.memory_space<hbm>> -> memref<1x128x128xf32, #tpu.memory_space<hbm>>
      %dma_wait3A_52 = tpu.memref_squeeze %dma_wait3A_51 : memref<1x128x128xf32, #tpu.memory_space<hbm>> -> memref<128x128xf32, #tpu.memory_space<hbm>>
      %dma_wait3A_53 = arith.constant 0 : i32
      %dma_wait3A_54 = tpu.memref_slice %arg6[%arg0, %add3A_45, %dma_wait3A_53] : memref<2x10240x128xf32, #tpu.memory_space<hbm>> -> memref<1x128x128xf32, #tpu.memory_space<hbm>>
      %dma_wait3A_55 = tpu.memref_squeeze %dma_wait3A_54 : memref<1x128x128xf32, #tpu.memory_space<hbm>> -> memref<128x128xf32, #tpu.memory_space<hbm>>
      tpu.wait_dma2 semaphore(%run_scoped3A : memref<!tpu.dma_semaphore, #tpu.memory_space<semaphore_mem>>) src(%arg9 : memref<128x128xf32, #tpu.memory_space<vmem>>) dst(%dma_wait3A_55 : memref<128x128xf32, #tpu.memory_space<hbm>>)
      tpu.yield
    }) : () -> ()
    return
  }
}

#map = affine_map<(d0, d1) -> (0, 0)>
#map1 = affine_map<(d0, d1) -> (0, 0, 0)>
module attributes {stable_mosaic.version = 14 : i64} {
  func.func @_agg_body(%arg0: i32, %arg1: i32, %arg2: memref<10000x128xf32, #tpu.memory_space<hbm>>, %arg3: memref<16x160x128xi32, #tpu.memory_space<hbm>>, %arg4: memref<16x160x128xi32, #tpu.memory_space<hbm>>, %arg5: memref<128x128xf32, #tpu.memory_space<hbm>>, %arg6: memref<2x10240x128xf32, #tpu.memory_space<hbm>>, %arg7: memref<40x128xi32, #tpu.memory_space<vmem>>, %arg8: memref<40x128xi32, #tpu.memory_space<vmem>>, %arg9: memref<128x128xf32, #tpu.memory_space<vmem>>, %arg10: memref<128x128xf32, #tpu.memory_space<vmem>>, %arg11: memref<10240x128xf32, #tpu.memory_space<vmem_shared>>, %arg12: memref<!tpu.dma_semaphore, #tpu.memory_space<semaphore_mem>>, %arg13: memref<!tpu.dma_semaphore, #tpu.memory_space<semaphore_mem>>) attributes {dimension_semantics = [#tpu.dimension_semantics<core_parallel>, #tpu.dimension_semantics<subcore_parallel>], iteration_bounds = array<i64: 2, 16>, scalar_prefetch = 0 : i64, scratch_operands = 7 : i64, tpu.core_type = #tpu.core_type<sc_vector_subcore>, window_params = [{transform_indices = #map}, {transform_indices = #map1}, {transform_indices = #map1}, {transform_indices = #map}, {transform_indices = #map1}]} {
    "tpu.region"() ({
      %run_scoped3A = tpu.sem_alloc : memref<!tpu.dma_semaphore, #tpu.memory_space<semaphore_mem>>
      tpu.enqueue_dma source(%arg5 : memref<128x128xf32, #tpu.memory_space<hbm>>) target(%arg9 : memref<128x128xf32, #tpu.memory_space<vmem>>) target_semaphore(%run_scoped3A : memref<!tpu.dma_semaphore, #tpu.memory_space<semaphore_mem>>)
      tpu.wait_dma2 semaphore(%run_scoped3A : memref<!tpu.dma_semaphore, #tpu.memory_space<semaphore_mem>>) src(%arg5 : memref<128x128xf32, #tpu.memory_space<hbm>>) dst(%arg9 : memref<128x128xf32, #tpu.memory_space<vmem>>)
      tpu.yield
    }) : () -> ()
    %mul3A = arith.constant 640 : i32
    %mul3A_0 = arith.muli %arg1, %mul3A : i32
    %add3A = arith.constant 0 : i32
    %add3A_1 = arith.addi %mul3A_0, %add3A : i32
    "tpu.region"() ({
      %run_scoped3A = tpu.sem_alloc : memref<!tpu.dma_semaphore, #tpu.memory_space<semaphore_mem>>
      %dma_start3A = arith.constant 0 : i32
      %dma_start3A_46 = tpu.memref_slice %arg11[%add3A_1, %dma_start3A] : memref<10240x128xf32, #tpu.memory_space<vmem_shared>> -> memref<128x128xf32, #tpu.memory_space<vmem_shared>>
      %dma_start3A_47 = arith.constant 0 : i32
      %dma_start3A_48 = tpu.memref_slice %arg11[%add3A_1, %dma_start3A_47] : memref<10240x128xf32, #tpu.memory_space<vmem_shared>> -> memref<128x128xf32, #tpu.memory_space<vmem_shared>>
      tpu.enqueue_dma source(%arg9 : memref<128x128xf32, #tpu.memory_space<vmem>>) target(%dma_start3A_48 : memref<128x128xf32, #tpu.memory_space<vmem_shared>>) target_semaphore(%run_scoped3A : memref<!tpu.dma_semaphore, #tpu.memory_space<semaphore_mem>>)
      %dma_wait3A = arith.constant 0 : i32
      %dma_wait3A_49 = tpu.memref_slice %arg11[%add3A_1, %dma_wait3A] : memref<10240x128xf32, #tpu.memory_space<vmem_shared>> -> memref<128x128xf32, #tpu.memory_space<vmem_shared>>
      %dma_wait3A_50 = arith.constant 0 : i32
      %dma_wait3A_51 = tpu.memref_slice %arg11[%add3A_1, %dma_wait3A_50] : memref<10240x128xf32, #tpu.memory_space<vmem_shared>> -> memref<128x128xf32, #tpu.memory_space<vmem_shared>>
      tpu.wait_dma2 semaphore(%run_scoped3A : memref<!tpu.dma_semaphore, #tpu.memory_space<semaphore_mem>>) src(%arg9 : memref<128x128xf32, #tpu.memory_space<vmem>>) dst(%dma_wait3A_51 : memref<128x128xf32, #tpu.memory_space<vmem_shared>>)
      tpu.yield
    }) : () -> ()
    %mul3A_2 = arith.constant 640 : i32
    %mul3A_3 = arith.muli %arg1, %mul3A_2 : i32
    %add3A_4 = arith.constant 128 : i32
    %add3A_5 = arith.addi %mul3A_3, %add3A_4 : i32
    "tpu.region"() ({
      %run_scoped3A = tpu.sem_alloc : memref<!tpu.dma_semaphore, #tpu.memory_space<semaphore_mem>>
      %dma_start3A = arith.constant 0 : i32
      %dma_start3A_46 = tpu.memref_slice %arg11[%add3A_5, %dma_start3A] : memref<10240x128xf32, #tpu.memory_space<vmem_shared>> -> memref<128x128xf32, #tpu.memory_space<vmem_shared>>
      %dma_start3A_47 = arith.constant 0 : i32
      %dma_start3A_48 = tpu.memref_slice %arg11[%add3A_5, %dma_start3A_47] : memref<10240x128xf32, #tpu.memory_space<vmem_shared>> -> memref<128x128xf32, #tpu.memory_space<vmem_shared>>
      tpu.enqueue_dma source(%arg9 : memref<128x128xf32, #tpu.memory_space<vmem>>) target(%dma_start3A_48 : memref<128x128xf32, #tpu.memory_space<vmem_shared>>) target_semaphore(%run_scoped3A : memref<!tpu.dma_semaphore, #tpu.memory_space<semaphore_mem>>)
      %dma_wait3A = arith.constant 0 : i32
      %dma_wait3A_49 = tpu.memref_slice %arg11[%add3A_5, %dma_wait3A] : memref<10240x128xf32, #tpu.memory_space<vmem_shared>> -> memref<128x128xf32, #tpu.memory_space<vmem_shared>>
      %dma_wait3A_50 = arith.constant 0 : i32
      %dma_wait3A_51 = tpu.memref_slice %arg11[%add3A_5, %dma_wait3A_50] : memref<10240x128xf32, #tpu.memory_space<vmem_shared>> -> memref<128x128xf32, #tpu.memory_space<vmem_shared>>
      tpu.wait_dma2 semaphore(%run_scoped3A : memref<!tpu.dma_semaphore, #tpu.memory_space<semaphore_mem>>) src(%arg9 : memref<128x128xf32, #tpu.memory_space<vmem>>) dst(%dma_wait3A_51 : memref<128x128xf32, #tpu.memory_space<vmem_shared>>)
      tpu.yield
    }) : () -> ()
    %mul3A_6 = arith.constant 640 : i32
    %mul3A_7 = arith.muli %arg1, %mul3A_6 : i32
    %add3A_8 = arith.constant 256 : i32
    %add3A_9 = arith.addi %mul3A_7, %add3A_8 : i32
    "tpu.region"() ({
      %run_scoped3A = tpu.sem_alloc : memref<!tpu.dma_semaphore, #tpu.memory_space<semaphore_mem>>
      %dma_start3A = arith.constant 0 : i32
      %dma_start3A_46 = tpu.memref_slice %arg11[%add3A_9, %dma_start3A] : memref<10240x128xf32, #tpu.memory_space<vmem_shared>> -> memref<128x128xf32, #tpu.memory_space<vmem_shared>>
      %dma_start3A_47 = arith.constant 0 : i32
      %dma_start3A_48 = tpu.memref_slice %arg11[%add3A_9, %dma_start3A_47] : memref<10240x128xf32, #tpu.memory_space<vmem_shared>> -> memref<128x128xf32, #tpu.memory_space<vmem_shared>>
      tpu.enqueue_dma source(%arg9 : memref<128x128xf32, #tpu.memory_space<vmem>>) target(%dma_start3A_48 : memref<128x128xf32, #tpu.memory_space<vmem_shared>>) target_semaphore(%run_scoped3A : memref<!tpu.dma_semaphore, #tpu.memory_space<semaphore_mem>>)
      %dma_wait3A = arith.constant 0 : i32
      %dma_wait3A_49 = tpu.memref_slice %arg11[%add3A_9, %dma_wait3A] : memref<10240x128xf32, #tpu.memory_space<vmem_shared>> -> memref<128x128xf32, #tpu.memory_space<vmem_shared>>
      %dma_wait3A_50 = arith.constant 0 : i32
      %dma_wait3A_51 = tpu.memref_slice %arg11[%add3A_9, %dma_wait3A_50] : memref<10240x128xf32, #tpu.memory_space<vmem_shared>> -> memref<128x128xf32, #tpu.memory_space<vmem_shared>>
      tpu.wait_dma2 semaphore(%run_scoped3A : memref<!tpu.dma_semaphore, #tpu.memory_space<semaphore_mem>>) src(%arg9 : memref<128x128xf32, #tpu.memory_space<vmem>>) dst(%dma_wait3A_51 : memref<128x128xf32, #tpu.memory_space<vmem_shared>>)
      tpu.yield
    }) : () -> ()
    %mul3A_10 = arith.constant 640 : i32
    %mul3A_11 = arith.muli %arg1, %mul3A_10 : i32
    %add3A_12 = arith.constant 384 : i32
    %add3A_13 = arith.addi %mul3A_11, %add3A_12 : i32
    "tpu.region"() ({
      %run_scoped3A = tpu.sem_alloc : memref<!tpu.dma_semaphore, #tpu.memory_space<semaphore_mem>>
      %dma_start3A = arith.constant 0 : i32
      %dma_start3A_46 = tpu.memref_slice %arg11[%add3A_13, %dma_start3A] : memref<10240x128xf32, #tpu.memory_space<vmem_shared>> -> memref<128x128xf32, #tpu.memory_space<vmem_shared>>
      %dma_start3A_47 = arith.constant 0 : i32
      %dma_start3A_48 = tpu.memref_slice %arg11[%add3A_13, %dma_start3A_47] : memref<10240x128xf32, #tpu.memory_space<vmem_shared>> -> memref<128x128xf32, #tpu.memory_space<vmem_shared>>
      tpu.enqueue_dma source(%arg9 : memref<128x128xf32, #tpu.memory_space<vmem>>) target(%dma_start3A_48 : memref<128x128xf32, #tpu.memory_space<vmem_shared>>) target_semaphore(%run_scoped3A : memref<!tpu.dma_semaphore, #tpu.memory_space<semaphore_mem>>)
      %dma_wait3A = arith.constant 0 : i32
      %dma_wait3A_49 = tpu.memref_slice %arg11[%add3A_13, %dma_wait3A] : memref<10240x128xf32, #tpu.memory_space<vmem_shared>> -> memref<128x128xf32, #tpu.memory_space<vmem_shared>>
      %dma_wait3A_50 = arith.constant 0 : i32
      %dma_wait3A_51 = tpu.memref_slice %arg11[%add3A_13, %dma_wait3A_50] : memref<10240x128xf32, #tpu.memory_space<vmem_shared>> -> memref<128x128xf32, #tpu.memory_space<vmem_shared>>
      tpu.wait_dma2 semaphore(%run_scoped3A : memref<!tpu.dma_semaphore, #tpu.memory_space<semaphore_mem>>) src(%arg9 : memref<128x128xf32, #tpu.memory_space<vmem>>) dst(%dma_wait3A_51 : memref<128x128xf32, #tpu.memory_space<vmem_shared>>)
      tpu.yield
    }) : () -> ()
    %mul3A_14 = arith.constant 640 : i32
    %mul3A_15 = arith.muli %arg1, %mul3A_14 : i32
    %add3A_16 = arith.constant 512 : i32
    %add3A_17 = arith.addi %mul3A_15, %add3A_16 : i32
    "tpu.region"() ({
      %run_scoped3A = tpu.sem_alloc : memref<!tpu.dma_semaphore, #tpu.memory_space<semaphore_mem>>
      %dma_start3A = arith.constant 0 : i32
      %dma_start3A_46 = tpu.memref_slice %arg11[%add3A_17, %dma_start3A] : memref<10240x128xf32, #tpu.memory_space<vmem_shared>> -> memref<128x128xf32, #tpu.memory_space<vmem_shared>>
      %dma_start3A_47 = arith.constant 0 : i32
      %dma_start3A_48 = tpu.memref_slice %arg11[%add3A_17, %dma_start3A_47] : memref<10240x128xf32, #tpu.memory_space<vmem_shared>> -> memref<128x128xf32, #tpu.memory_space<vmem_shared>>
      tpu.enqueue_dma source(%arg9 : memref<128x128xf32, #tpu.memory_space<vmem>>) target(%dma_start3A_48 : memref<128x128xf32, #tpu.memory_space<vmem_shared>>) target_semaphore(%run_scoped3A : memref<!tpu.dma_semaphore, #tpu.memory_space<semaphore_mem>>)
      %dma_wait3A = arith.constant 0 : i32
      %dma_wait3A_49 = tpu.memref_slice %arg11[%add3A_17, %dma_wait3A] : memref<10240x128xf32, #tpu.memory_space<vmem_shared>> -> memref<128x128xf32, #tpu.memory_space<vmem_shared>>
      %dma_wait3A_50 = arith.constant 0 : i32
      %dma_wait3A_51 = tpu.memref_slice %arg11[%add3A_17, %dma_wait3A_50] : memref<10240x128xf32, #tpu.memory_space<vmem_shared>> -> memref<128x128xf32, #tpu.memory_space<vmem_shared>>
      tpu.wait_dma2 semaphore(%run_scoped3A : memref<!tpu.dma_semaphore, #tpu.memory_space<semaphore_mem>>) src(%arg9 : memref<128x128xf32, #tpu.memory_space<vmem>>) dst(%dma_wait3A_51 : memref<128x128xf32, #tpu.memory_space<vmem_shared>>)
      tpu.yield
    }) : () -> ()
    %barrier3A = arith.constant 0 : index
    tpu.barrier barrier_id(%barrier3A)
    %eq3A = arith.constant 0 : i32
    %eq3A_18 = arith.cmpi eq, %arg0, %eq3A : i32
    %convert_element_type3A = arith.extui %eq3A_18 : i1 to i32
    %cond3A = arith.constant 0 : i32
    %cond3A_19 = arith.cmpi ne, %convert_element_type3A, %cond3A : i32
    scf.if %cond3A_19 {
      "tpu.region"() ({
        %run_scoped3A_153 = tpu.sem_alloc : memref<!tpu.dma_semaphore, #tpu.memory_space<semaphore_mem>>
        %dma_start3A_154 = arith.constant 0 : i32
        %dma_start3A_155 = arith.constant 0 : i32
        %dma_start3A_156 = tpu.memref_slice %arg3[%arg1, %dma_start3A_154, %dma_start3A_155] : memref<16x160x128xi32, #tpu.memory_space<hbm>> -> memref<1x40x128xi32, #tpu.memory_space<hbm>>
        %dma_start3A_157 = tpu.memref_squeeze %dma_start3A_156 : memref<1x40x128xi32, #tpu.memory_space<hbm>> -> memref<40x128xi32, #tpu.memory_space<hbm>>
        %dma_start3A_158 = arith.constant 0 : i32
        %dma_start3A_159 = arith.constant 0 : i32
        %dma_start3A_160 = tpu.memref_slice %arg3[%arg1, %dma_start3A_158, %dma_start3A_159] : memref<16x160x128xi32, #tpu.memory_space<hbm>> -> memref<1x40x128xi32, #tpu.memory_space<hbm>>
        %dma_start3A_161 = tpu.memref_squeeze %dma_start3A_160 : memref<1x40x128xi32, #tpu.memory_space<hbm>> -> memref<40x128xi32, #tpu.memory_space<hbm>>
        tpu.enqueue_dma source(%dma_start3A_161 : memref<40x128xi32, #tpu.memory_space<hbm>>) target(%arg7 : memref<40x128xi32, #tpu.memory_space<vmem>>) target_semaphore(%run_scoped3A_153 : memref<!tpu.dma_semaphore, #tpu.memory_space<semaphore_mem>>)
        %dma_wait3A_162 = arith.constant 0 : i32
        %dma_wait3A_163 = arith.constant 0 : i32
        %dma_wait3A_164 = tpu.memref_slice %arg3[%arg1, %dma_wait3A_162, %dma_wait3A_163] : memref<16x160x128xi32, #tpu.memory_space<hbm>> -> memref<1x40x128xi32, #tpu.memory_space<hbm>>
        %dma_wait3A_165 = tpu.memref_squeeze %dma_wait3A_164 : memref<1x40x128xi32, #tpu.memory_space<hbm>> -> memref<40x128xi32, #tpu.memory_space<hbm>>
        %dma_wait3A_166 = arith.constant 0 : i32
        %dma_wait3A_167 = arith.constant 0 : i32
        %dma_wait3A_168 = tpu.memref_slice %arg3[%arg1, %dma_wait3A_166, %dma_wait3A_167] : memref<16x160x128xi32, #tpu.memory_space<hbm>> -> memref<1x40x128xi32, #tpu.memory_space<hbm>>
        %dma_wait3A_169 = tpu.memref_squeeze %dma_wait3A_168 : memref<1x40x128xi32, #tpu.memory_space<hbm>> -> memref<40x128xi32, #tpu.memory_space<hbm>>
        tpu.wait_dma2 semaphore(%run_scoped3A_153 : memref<!tpu.dma_semaphore, #tpu.memory_space<semaphore_mem>>) src(%dma_wait3A_169 : memref<40x128xi32, #tpu.memory_space<hbm>>) dst(%arg7 : memref<40x128xi32, #tpu.memory_space<vmem>>)
        tpu.yield
      }) : () -> ()
      "tpu.region"() ({
        %run_scoped3A_153 = tpu.sem_alloc : memref<!tpu.dma_semaphore, #tpu.memory_space<semaphore_mem>>
        %dma_start3A_154 = arith.constant 0 : i32
        %dma_start3A_155 = arith.constant 0 : i32
        %dma_start3A_156 = tpu.memref_slice %arg4[%arg1, %dma_start3A_154, %dma_start3A_155] : memref<16x160x128xi32, #tpu.memory_space<hbm>> -> memref<1x40x128xi32, #tpu.memory_space<hbm>>
        %dma_start3A_157 = tpu.memref_squeeze %dma_start3A_156 : memref<1x40x128xi32, #tpu.memory_space<hbm>> -> memref<40x128xi32, #tpu.memory_space<hbm>>
        %dma_start3A_158 = arith.constant 0 : i32
        %dma_start3A_159 = arith.constant 0 : i32
        %dma_start3A_160 = tpu.memref_slice %arg4[%arg1, %dma_start3A_158, %dma_start3A_159] : memref<16x160x128xi32, #tpu.memory_space<hbm>> -> memref<1x40x128xi32, #tpu.memory_space<hbm>>
        %dma_start3A_161 = tpu.memref_squeeze %dma_start3A_160 : memref<1x40x128xi32, #tpu.memory_space<hbm>> -> memref<40x128xi32, #tpu.memory_space<hbm>>
        tpu.enqueue_dma source(%dma_start3A_161 : memref<40x128xi32, #tpu.memory_space<hbm>>) target(%arg8 : memref<40x128xi32, #tpu.memory_space<vmem>>) target_semaphore(%run_scoped3A_153 : memref<!tpu.dma_semaphore, #tpu.memory_space<semaphore_mem>>)
        %dma_wait3A_162 = arith.constant 0 : i32
        %dma_wait3A_163 = arith.constant 0 : i32
        %dma_wait3A_164 = tpu.memref_slice %arg4[%arg1, %dma_wait3A_162, %dma_wait3A_163] : memref<16x160x128xi32, #tpu.memory_space<hbm>> -> memref<1x40x128xi32, #tpu.memory_space<hbm>>
        %dma_wait3A_165 = tpu.memref_squeeze %dma_wait3A_164 : memref<1x40x128xi32, #tpu.memory_space<hbm>> -> memref<40x128xi32, #tpu.memory_space<hbm>>
        %dma_wait3A_166 = arith.constant 0 : i32
        %dma_wait3A_167 = arith.constant 0 : i32
        %dma_wait3A_168 = tpu.memref_slice %arg4[%arg1, %dma_wait3A_166, %dma_wait3A_167] : memref<16x160x128xi32, #tpu.memory_space<hbm>> -> memref<1x40x128xi32, #tpu.memory_space<hbm>>
        %dma_wait3A_169 = tpu.memref_squeeze %dma_wait3A_168 : memref<1x40x128xi32, #tpu.memory_space<hbm>> -> memref<40x128xi32, #tpu.memory_space<hbm>>
        tpu.wait_dma2 semaphore(%run_scoped3A_153 : memref<!tpu.dma_semaphore, #tpu.memory_space<semaphore_mem>>) src(%dma_wait3A_169 : memref<40x128xi32, #tpu.memory_space<hbm>>) dst(%arg8 : memref<40x128xi32, #tpu.memory_space<vmem>>)
        tpu.yield
      }) : () -> ()
      %dma_start3A = arith.constant 0 : i32
      %dma_start3A_46 = arith.constant 0 : i32
      %dma_start3A_47 = tpu.memref_slice %arg7[%dma_start3A, %dma_start3A_46] : memref<40x128xi32, #tpu.memory_space<vmem>> -> memref<1x128xi32, #tpu.memory_space<vmem>>
      %dma_start3A_48 = tpu.memref_squeeze %dma_start3A_47 : memref<1x128xi32, #tpu.memory_space<vmem>> -> memref<128xi32, #tpu.memory_space<vmem>>
      %dma_start3A_49 = arith.constant 0 : i32
      %dma_start3A_50 = arith.constant 0 : i32
      %dma_start3A_51 = tpu.memref_slice %arg2[%dma_start3A_49, %dma_start3A_50] : memref<10000x128xf32, #tpu.memory_space<hbm>> -> memref<10000x128xf32, #tpu.memory_space<hbm>>
      tpu.enqueue_indirect_dma source(%dma_start3A_51 : memref<10000x128xf32, #tpu.memory_space<hbm>>) target(%arg9 : memref<128x128xf32, #tpu.memory_space<vmem>>) offsets(%dma_start3A_48 : memref<128xi32, #tpu.memory_space<vmem>>) semaphore(%arg12 : memref<!tpu.dma_semaphore, #tpu.memory_space<semaphore_mem>>)
      %scan3A = arith.constant 0 : i32
      %scan3A_52 = arith.constant 0 : i32
      %scan3A_53 = arith.constant 19 : i32
      %scan3A_54 = arith.addi %scan3A_52, %scan3A_53 : i32
      %scan3A_55 = arith.constant 1 : i32
      %scan3A_56 = scf.for %scan3A_153 = %scan3A_52 to %scan3A_54 step %scan3A_55 iter_args(%scan3A_154 = %scan3A) -> (i32)  : i32 {
        %mul3A_155 = arith.constant 2 : i32
        %mul3A_156 = arith.muli %mul3A_155, %scan3A_153 : i32
        %add3A_157 = arith.constant 1 : i32
        %add3A_158 = arith.addi %mul3A_156, %add3A_157 : i32
        %dma_start3A_159 = arith.constant 0 : i32
        %dma_start3A_160 = tpu.memref_slice %arg7[%add3A_158, %dma_start3A_159] : memref<40x128xi32, #tpu.memory_space<vmem>> -> memref<1x128xi32, #tpu.memory_space<vmem>>
        %dma_start3A_161 = tpu.memref_squeeze %dma_start3A_160 : memref<1x128xi32, #tpu.memory_space<vmem>> -> memref<128xi32, #tpu.memory_space<vmem>>
        %dma_start3A_162 = arith.constant 0 : i32
        %dma_start3A_163 = arith.constant 0 : i32
        %dma_start3A_164 = tpu.memref_slice %arg2[%dma_start3A_162, %dma_start3A_163] : memref<10000x128xf32, #tpu.memory_space<hbm>> -> memref<10000x128xf32, #tpu.memory_space<hbm>>
        tpu.enqueue_indirect_dma source(%dma_start3A_164 : memref<10000x128xf32, #tpu.memory_space<hbm>>) target(%arg10 : memref<128x128xf32, #tpu.memory_space<vmem>>) offsets(%dma_start3A_161 : memref<128xi32, #tpu.memory_space<vmem>>) semaphore(%arg13 : memref<!tpu.dma_semaphore, #tpu.memory_space<semaphore_mem>>)
        %mul3A_165 = arith.constant 2 : i32
        %mul3A_166 = arith.muli %mul3A_165, %scan3A_153 : i32
        %dma_wait3A_167 = arith.constant 0 : i32
        %dma_wait3A_168 = tpu.memref_slice %arg7[%mul3A_166, %dma_wait3A_167] : memref<40x128xi32, #tpu.memory_space<vmem>> -> memref<1x128xi32, #tpu.memory_space<vmem>>
        %dma_wait3A_169 = tpu.memref_squeeze %dma_wait3A_168 : memref<1x128xi32, #tpu.memory_space<vmem>> -> memref<128xi32, #tpu.memory_space<vmem>>
        %dma_wait3A_170 = arith.constant 0 : i32
        %dma_wait3A_171 = arith.constant 0 : i32
        %dma_wait3A_172 = tpu.memref_slice %arg2[%dma_wait3A_170, %dma_wait3A_171] : memref<10000x128xf32, #tpu.memory_space<hbm>> -> memref<10000x128xf32, #tpu.memory_space<hbm>>
        tpu.wait_indirect_dma semaphore(%arg12 : memref<!tpu.dma_semaphore, #tpu.memory_space<semaphore_mem>>) src(%dma_wait3A_172 : memref<10000x128xf32, #tpu.memory_space<hbm>>) dst(%arg9 : memref<128x128xf32, #tpu.memory_space<vmem>>)
        %mul3A_173 = arith.constant 2 : i32
        %mul3A_174 = arith.muli %mul3A_173, %scan3A_153 : i32
        "tpu.region"() ({
          %run_scoped3A_200 = tpu.sem_alloc : memref<!tpu.dma_semaphore, #tpu.memory_space<semaphore_mem>>
          %dma_start3A_201 = arith.constant 0 : i32
          %dma_start3A_202 = tpu.memref_slice %arg8[%mul3A_174, %dma_start3A_201] : memref<40x128xi32, #tpu.memory_space<vmem>> -> memref<1x128xi32, #tpu.memory_space<vmem>>
          %dma_start3A_203 = tpu.memref_squeeze %dma_start3A_202 : memref<1x128xi32, #tpu.memory_space<vmem>> -> memref<128xi32, #tpu.memory_space<vmem>>
          %dma_start3A_204 = arith.constant 0 : i32
          %dma_start3A_205 = arith.constant 0 : i32
          %dma_start3A_206 = tpu.memref_slice %arg11[%dma_start3A_204, %dma_start3A_205] : memref<10240x128xf32, #tpu.memory_space<vmem_shared>> -> memref<10240x128xf32, #tpu.memory_space<vmem_shared>>
          tpu.enqueue_indirect_dma source(%arg9 : memref<128x128xf32, #tpu.memory_space<vmem>>) target(%dma_start3A_206 : memref<10240x128xf32, #tpu.memory_space<vmem_shared>>) offsets(%dma_start3A_203 : memref<128xi32, #tpu.memory_space<vmem>>) semaphore(%run_scoped3A_200 : memref<!tpu.dma_semaphore, #tpu.memory_space<semaphore_mem>>) {add = true}
          %dma_wait3A_207 = arith.constant 0 : i32
          %dma_wait3A_208 = tpu.memref_slice %arg8[%mul3A_174, %dma_wait3A_207] : memref<40x128xi32, #tpu.memory_space<vmem>> -> memref<1x128xi32, #tpu.memory_space<vmem>>
          %dma_wait3A_209 = tpu.memref_squeeze %dma_wait3A_208 : memref<1x128xi32, #tpu.memory_space<vmem>> -> memref<128xi32, #tpu.memory_space<vmem>>
          %dma_wait3A_210 = arith.constant 0 : i32
          %dma_wait3A_211 = arith.constant 0 : i32
          %dma_wait3A_212 = tpu.memref_slice %arg11[%dma_wait3A_210, %dma_wait3A_211] : memref<10240x128xf32, #tpu.memory_space<vmem_shared>> -> memref<10240x128xf32, #tpu.memory_space<vmem_shared>>
          tpu.wait_indirect_dma semaphore(%run_scoped3A_200 : memref<!tpu.dma_semaphore, #tpu.memory_space<semaphore_mem>>) src(%arg9 : memref<128x128xf32, #tpu.memory_space<vmem>>) dst(%dma_wait3A_212 : memref<10240x128xf32, #tpu.memory_space<vmem_shared>>)
          tpu.yield
        }) : () -> ()
        %mul3A_175 = arith.constant 2 : i32
        %mul3A_176 = arith.muli %mul3A_175, %scan3A_153 : i32
        %add3A_177 = arith.constant 2 : i32
        %add3A_178 = arith.addi %mul3A_176, %add3A_177 : i32
        %dma_start3A_179 = arith.constant 0 : i32
        %dma_start3A_180 = tpu.memref_slice %arg7[%add3A_178, %dma_start3A_179] : memref<40x128xi32, #tpu.memory_space<vmem>> -> memref<1x128xi32, #tpu.memory_space<vmem>>
        %dma_start3A_181 = tpu.memref_squeeze %dma_start3A_180 : memref<1x128xi32, #tpu.memory_space<vmem>> -> memref<128xi32, #tpu.memory_space<vmem>>
        %dma_start3A_182 = arith.constant 0 : i32
        %dma_start3A_183 = arith.constant 0 : i32
        %dma_start3A_184 = tpu.memref_slice %arg2[%dma_start3A_182, %dma_start3A_183] : memref<10000x128xf32, #tpu.memory_space<hbm>> -> memref<10000x128xf32, #tpu.memory_space<hbm>>
        tpu.enqueue_indirect_dma source(%dma_start3A_184 : memref<10000x128xf32, #tpu.memory_space<hbm>>) target(%arg9 : memref<128x128xf32, #tpu.memory_space<vmem>>) offsets(%dma_start3A_181 : memref<128xi32, #tpu.memory_space<vmem>>) semaphore(%arg12 : memref<!tpu.dma_semaphore, #tpu.memory_space<semaphore_mem>>)
        %mul3A_185 = arith.constant 2 : i32
        %mul3A_186 = arith.muli %mul3A_185, %scan3A_153 : i32
        %add3A_187 = arith.constant 1 : i32
        %add3A_188 = arith.addi %mul3A_186, %add3A_187 : i32
        %dma_wait3A_189 = arith.constant 0 : i32
        %dma_wait3A_190 = tpu.memref_slice %arg7[%add3A_188, %dma_wait3A_189] : memref<40x128xi32, #tpu.memory_space<vmem>> -> memref<1x128xi32, #tpu.memory_space<vmem>>
        %dma_wait3A_191 = tpu.memref_squeeze %dma_wait3A_190 : memref<1x128xi32, #tpu.memory_space<vmem>> -> memref<128xi32, #tpu.memory_space<vmem>>
        %dma_wait3A_192 = arith.constant 0 : i32
        %dma_wait3A_193 = arith.constant 0 : i32
        %dma_wait3A_194 = tpu.memref_slice %arg2[%dma_wait3A_192, %dma_wait3A_193] : memref<10000x128xf32, #tpu.memory_space<hbm>> -> memref<10000x128xf32, #tpu.memory_space<hbm>>
        tpu.wait_indirect_dma semaphore(%arg13 : memref<!tpu.dma_semaphore, #tpu.memory_space<semaphore_mem>>) src(%dma_wait3A_194 : memref<10000x128xf32, #tpu.memory_space<hbm>>) dst(%arg10 : memref<128x128xf32, #tpu.memory_space<vmem>>)
        %mul3A_195 = arith.constant 2 : i32
        %mul3A_196 = arith.muli %mul3A_195, %scan3A_153 : i32
        %add3A_197 = arith.constant 1 : i32
        %add3A_198 = arith.addi %mul3A_196, %add3A_197 : i32
        "tpu.region"() ({
          %run_scoped3A_200 = tpu.sem_alloc : memref<!tpu.dma_semaphore, #tpu.memory_space<semaphore_mem>>
          %dma_start3A_201 = arith.constant 0 : i32
          %dma_start3A_202 = tpu.memref_slice %arg8[%add3A_198, %dma_start3A_201] : memref<40x128xi32, #tpu.memory_space<vmem>> -> memref<1x128xi32, #tpu.memory_space<vmem>>
          %dma_start3A_203 = tpu.memref_squeeze %dma_start3A_202 : memref<1x128xi32, #tpu.memory_space<vmem>> -> memref<128xi32, #tpu.memory_space<vmem>>
          %dma_start3A_204 = arith.constant 0 : i32
          %dma_start3A_205 = arith.constant 0 : i32
          %dma_start3A_206 = tpu.memref_slice %arg11[%dma_start3A_204, %dma_start3A_205] : memref<10240x128xf32, #tpu.memory_space<vmem_shared>> -> memref<10240x128xf32, #tpu.memory_space<vmem_shared>>
          tpu.enqueue_indirect_dma source(%arg10 : memref<128x128xf32, #tpu.memory_space<vmem>>) target(%dma_start3A_206 : memref<10240x128xf32, #tpu.memory_space<vmem_shared>>) offsets(%dma_start3A_203 : memref<128xi32, #tpu.memory_space<vmem>>) semaphore(%run_scoped3A_200 : memref<!tpu.dma_semaphore, #tpu.memory_space<semaphore_mem>>) {add = true}
          %dma_wait3A_207 = arith.constant 0 : i32
          %dma_wait3A_208 = tpu.memref_slice %arg8[%add3A_198, %dma_wait3A_207] : memref<40x128xi32, #tpu.memory_space<vmem>> -> memref<1x128xi32, #tpu.memory_space<vmem>>
          %dma_wait3A_209 = tpu.memref_squeeze %dma_wait3A_208 : memref<1x128xi32, #tpu.memory_space<vmem>> -> memref<128xi32, #tpu.memory_space<vmem>>
          %dma_wait3A_210 = arith.constant 0 : i32
          %dma_wait3A_211 = arith.constant 0 : i32
          %dma_wait3A_212 = tpu.memref_slice %arg11[%dma_wait3A_210, %dma_wait3A_211] : memref<10240x128xf32, #tpu.memory_space<vmem_shared>> -> memref<10240x128xf32, #tpu.memory_space<vmem_shared>>
          tpu.wait_indirect_dma semaphore(%run_scoped3A_200 : memref<!tpu.dma_semaphore, #tpu.memory_space<semaphore_mem>>) src(%arg10 : memref<128x128xf32, #tpu.memory_space<vmem>>) dst(%dma_wait3A_212 : memref<10240x128xf32, #tpu.memory_space<vmem_shared>>)
          tpu.yield
        }) : () -> ()
        %scan3A_199 = arith.constant 0 : i32
        scf.yield %scan3A_199 : i32
      }
      %scan3A_57 = arith.constant 19 : i32
      %dma_start3A_58 = arith.constant 39 : i32
      %dma_start3A_59 = arith.constant 0 : i32
      %dma_start3A_60 = tpu.memref_slice %arg7[%dma_start3A_58, %dma_start3A_59] : memref<40x128xi32, #tpu.memory_space<vmem>> -> memref<1x128xi32, #tpu.memory_space<vmem>>
      %dma_start3A_61 = tpu.memref_squeeze %dma_start3A_60 : memref<1x128xi32, #tpu.memory_space<vmem>> -> memref<128xi32, #tpu.memory_space<vmem>>
      %dma_start3A_62 = arith.constant 0 : i32
      %dma_start3A_63 = arith.constant 0 : i32
      %dma_start3A_64 = tpu.memref_slice %arg2[%dma_start3A_62, %dma_start3A_63] : memref<10000x128xf32, #tpu.memory_space<hbm>> -> memref<10000x128xf32, #tpu.memory_space<hbm>>
      tpu.enqueue_indirect_dma source(%dma_start3A_64 : memref<10000x128xf32, #tpu.memory_space<hbm>>) target(%arg10 : memref<128x128xf32, #tpu.memory_space<vmem>>) offsets(%dma_start3A_61 : memref<128xi32, #tpu.memory_space<vmem>>) semaphore(%arg13 : memref<!tpu.dma_semaphore, #tpu.memory_space<semaphore_mem>>)
      %dma_wait3A = arith.constant 38 : i32
      %dma_wait3A_65 = arith.constant 0 : i32
      %dma_wait3A_66 = tpu.memref_slice %arg7[%dma_wait3A, %dma_wait3A_65] : memref<40x128xi32, #tpu.memory_space<vmem>> -> memref<1x128xi32, #tpu.memory_space<vmem>>
      %dma_wait3A_67 = tpu.memref_squeeze %dma_wait3A_66 : memref<1x128xi32, #tpu.memory_space<vmem>> -> memref<128xi32, #tpu.memory_space<vmem>>
      %dma_wait3A_68 = arith.constant 0 : i32
      %dma_wait3A_69 = arith.constant 0 : i32
      %dma_wait3A_70 = tpu.memref_slice %arg2[%dma_wait3A_68, %dma_wait3A_69] : memref<10000x128xf32, #tpu.memory_space<hbm>> -> memref<10000x128xf32, #tpu.memory_space<hbm>>
      tpu.wait_indirect_dma semaphore(%arg12 : memref<!tpu.dma_semaphore, #tpu.memory_space<semaphore_mem>>) src(%dma_wait3A_70 : memref<10000x128xf32, #tpu.memory_space<hbm>>) dst(%arg9 : memref<128x128xf32, #tpu.memory_space<vmem>>)
      %run_scoped3A = arith.constant 38 : i32
      "tpu.region"() ({
        %run_scoped3A_153 = tpu.sem_alloc : memref<!tpu.dma_semaphore, #tpu.memory_space<semaphore_mem>>
        %dma_start3A_154 = arith.constant 0 : i32
        %dma_start3A_155 = tpu.memref_slice %arg8[%run_scoped3A, %dma_start3A_154] : memref<40x128xi32, #tpu.memory_space<vmem>> -> memref<1x128xi32, #tpu.memory_space<vmem>>
        %dma_start3A_156 = tpu.memref_squeeze %dma_start3A_155 : memref<1x128xi32, #tpu.memory_space<vmem>> -> memref<128xi32, #tpu.memory_space<vmem>>
        %dma_start3A_157 = arith.constant 0 : i32
        %dma_start3A_158 = arith.constant 0 : i32
        %dma_start3A_159 = tpu.memref_slice %arg11[%dma_start3A_157, %dma_start3A_158] : memref<10240x128xf32, #tpu.memory_space<vmem_shared>> -> memref<10240x128xf32, #tpu.memory_space<vmem_shared>>
        tpu.enqueue_indirect_dma source(%arg9 : memref<128x128xf32, #tpu.memory_space<vmem>>) target(%dma_start3A_159 : memref<10240x128xf32, #tpu.memory_space<vmem_shared>>) offsets(%dma_start3A_156 : memref<128xi32, #tpu.memory_space<vmem>>) semaphore(%run_scoped3A_153 : memref<!tpu.dma_semaphore, #tpu.memory_space<semaphore_mem>>) {add = true}
        %dma_wait3A_160 = arith.constant 0 : i32
        %dma_wait3A_161 = tpu.memref_slice %arg8[%run_scoped3A, %dma_wait3A_160] : memref<40x128xi32, #tpu.memory_space<vmem>> -> memref<1x128xi32, #tpu.memory_space<vmem>>
        %dma_wait3A_162 = tpu.memref_squeeze %dma_wait3A_161 : memref<1x128xi32, #tpu.memory_space<vmem>> -> memref<128xi32, #tpu.memory_space<vmem>>
        %dma_wait3A_163 = arith.constant 0 : i32
        %dma_wait3A_164 = arith.constant 0 : i32
        %dma_wait3A_165 = tpu.memref_slice %arg11[%dma_wait3A_163, %dma_wait3A_164] : memref<10240x128xf32, #tpu.memory_space<vmem_shared>> -> memref<10240x128xf32, #tpu.memory_space<vmem_shared>>
        tpu.wait_indirect_dma semaphore(%run_scoped3A_153 : memref<!tpu.dma_semaphore, #tpu.memory_space<semaphore_mem>>) src(%arg9 : memref<128x128xf32, #tpu.memory_space<vmem>>) dst(%dma_wait3A_165 : memref<10240x128xf32, #tpu.memory_space<vmem_shared>>)
        tpu.yield
      }) : () -> ()
      %dma_wait3A_71 = arith.constant 39 : i32
      %dma_wait3A_72 = arith.constant 0 : i32
      %dma_wait3A_73 = tpu.memref_slice %arg7[%dma_wait3A_71, %dma_wait3A_72] : memref<40x128xi32, #tpu.memory_space<vmem>> -> memref<1x128xi32, #tpu.memory_space<vmem>>
      %dma_wait3A_74 = tpu.memref_squeeze %dma_wait3A_73 : memref<1x128xi32, #tpu.memory_space<vmem>> -> memref<128xi32, #tpu.memory_space<vmem>>
      %dma_wait3A_75 = arith.constant 0 : i32
      %dma_wait3A_76 = arith.constant 0 : i32
      %dma_wait3A_77 = tpu.memref_slice %arg2[%dma_wait3A_75, %dma_wait3A_76] : memref<10000x128xf32, #tpu.memory_space<hbm>> -> memref<10000x128xf32, #tpu.memory_space<hbm>>
      tpu.wait_indirect_dma semaphore(%arg13 : memref<!tpu.dma_semaphore, #tpu.memory_space<semaphore_mem>>) src(%dma_wait3A_77 : memref<10000x128xf32, #tpu.memory_space<hbm>>) dst(%arg10 : memref<128x128xf32, #tpu.memory_space<vmem>>)
      %run_scoped3A_78 = arith.constant 39 : i32
      "tpu.region"() ({
        %run_scoped3A_153 = tpu.sem_alloc : memref<!tpu.dma_semaphore, #tpu.memory_space<semaphore_mem>>
        %dma_start3A_154 = arith.constant 0 : i32
        %dma_start3A_155 = tpu.memref_slice %arg8[%run_scoped3A_78, %dma_start3A_154] : memref<40x128xi32, #tpu.memory_space<vmem>> -> memref<1x128xi32, #tpu.memory_space<vmem>>
        %dma_start3A_156 = tpu.memref_squeeze %dma_start3A_155 : memref<1x128xi32, #tpu.memory_space<vmem>> -> memref<128xi32, #tpu.memory_space<vmem>>
        %dma_start3A_157 = arith.constant 0 : i32
        %dma_start3A_158 = arith.constant 0 : i32
        %dma_start3A_159 = tpu.memref_slice %arg11[%dma_start3A_157, %dma_start3A_158] : memref<10240x128xf32, #tpu.memory_space<vmem_shared>> -> memref<10240x128xf32, #tpu.memory_space<vmem_shared>>
        tpu.enqueue_indirect_dma source(%arg10 : memref<128x128xf32, #tpu.memory_space<vmem>>) target(%dma_start3A_159 : memref<10240x128xf32, #tpu.memory_space<vmem_shared>>) offsets(%dma_start3A_156 : memref<128xi32, #tpu.memory_space<vmem>>) semaphore(%run_scoped3A_153 : memref<!tpu.dma_semaphore, #tpu.memory_space<semaphore_mem>>) {add = true}
        %dma_wait3A_160 = arith.constant 0 : i32
        %dma_wait3A_161 = tpu.memref_slice %arg8[%run_scoped3A_78, %dma_wait3A_160] : memref<40x128xi32, #tpu.memory_space<vmem>> -> memref<1x128xi32, #tpu.memory_space<vmem>>
        %dma_wait3A_162 = tpu.memref_squeeze %dma_wait3A_161 : memref<1x128xi32, #tpu.memory_space<vmem>> -> memref<128xi32, #tpu.memory_space<vmem>>
        %dma_wait3A_163 = arith.constant 0 : i32
        %dma_wait3A_164 = arith.constant 0 : i32
        %dma_wait3A_165 = tpu.memref_slice %arg11[%dma_wait3A_163, %dma_wait3A_164] : memref<10240x128xf32, #tpu.memory_space<vmem_shared>> -> memref<10240x128xf32, #tpu.memory_space<vmem_shared>>
        tpu.wait_indirect_dma semaphore(%run_scoped3A_153 : memref<!tpu.dma_semaphore, #tpu.memory_space<semaphore_mem>>) src(%arg10 : memref<128x128xf32, #tpu.memory_space<vmem>>) dst(%dma_wait3A_165 : memref<10240x128xf32, #tpu.memory_space<vmem_shared>>)
        tpu.yield
      }) : () -> ()
      "tpu.region"() ({
        %run_scoped3A_153 = tpu.sem_alloc : memref<!tpu.dma_semaphore, #tpu.memory_space<semaphore_mem>>
        %dma_start3A_154 = arith.constant 40 : i32
        %dma_start3A_155 = arith.constant 0 : i32
        %dma_start3A_156 = tpu.memref_slice %arg3[%arg1, %dma_start3A_154, %dma_start3A_155] : memref<16x160x128xi32, #tpu.memory_space<hbm>> -> memref<1x40x128xi32, #tpu.memory_space<hbm>>
        %dma_start3A_157 = tpu.memref_squeeze %dma_start3A_156 : memref<1x40x128xi32, #tpu.memory_space<hbm>> -> memref<40x128xi32, #tpu.memory_space<hbm>>
        %dma_start3A_158 = arith.constant 40 : i32
        %dma_start3A_159 = arith.constant 0 : i32
        %dma_start3A_160 = tpu.memref_slice %arg3[%arg1, %dma_start3A_158, %dma_start3A_159] : memref<16x160x128xi32, #tpu.memory_space<hbm>> -> memref<1x40x128xi32, #tpu.memory_space<hbm>>
        %dma_start3A_161 = tpu.memref_squeeze %dma_start3A_160 : memref<1x40x128xi32, #tpu.memory_space<hbm>> -> memref<40x128xi32, #tpu.memory_space<hbm>>
        tpu.enqueue_dma source(%dma_start3A_161 : memref<40x128xi32, #tpu.memory_space<hbm>>) target(%arg7 : memref<40x128xi32, #tpu.memory_space<vmem>>) target_semaphore(%run_scoped3A_153 : memref<!tpu.dma_semaphore, #tpu.memory_space<semaphore_mem>>)
        %dma_wait3A_162 = arith.constant 40 : i32
        %dma_wait3A_163 = arith.constant 0 : i32
        %dma_wait3A_164 = tpu.memref_slice %arg3[%arg1, %dma_wait3A_162, %dma_wait3A_163] : memref<16x160x128xi32, #tpu.memory_space<hbm>> -> memref<1x40x128xi32, #tpu.memory_space<hbm>>
        %dma_wait3A_165 = tpu.memref_squeeze %dma_wait3A_164 : memref<1x40x128xi32, #tpu.memory_space<hbm>> -> memref<40x128xi32, #tpu.memory_space<hbm>>
        %dma_wait3A_166 = arith.constant 40 : i32
        %dma_wait3A_167 = arith.constant 0 : i32
        %dma_wait3A_168 = tpu.memref_slice %arg3[%arg1, %dma_wait3A_166, %dma_wait3A_167] : memref<16x160x128xi32, #tpu.memory_space<hbm>> -> memref<1x40x128xi32, #tpu.memory_space<hbm>>
        %dma_wait3A_169 = tpu.memref_squeeze %dma_wait3A_168 : memref<1x40x128xi32, #tpu.memory_space<hbm>> -> memref<40x128xi32, #tpu.memory_space<hbm>>
        tpu.wait_dma2 semaphore(%run_scoped3A_153 : memref<!tpu.dma_semaphore, #tpu.memory_space<semaphore_mem>>) src(%dma_wait3A_169 : memref<40x128xi32, #tpu.memory_space<hbm>>) dst(%arg7 : memref<40x128xi32, #tpu.memory_space<vmem>>)
        tpu.yield
      }) : () -> ()
      "tpu.region"() ({
        %run_scoped3A_153 = tpu.sem_alloc : memref<!tpu.dma_semaphore, #tpu.memory_space<semaphore_mem>>
        %dma_start3A_154 = arith.constant 40 : i32
        %dma_start3A_155 = arith.constant 0 : i32
        %dma_start3A_156 = tpu.memref_slice %arg4[%arg1, %dma_start3A_154, %dma_start3A_155] : memref<16x160x128xi32, #tpu.memory_space<hbm>> -> memref<1x40x128xi32, #tpu.memory_space<hbm>>
        %dma_start3A_157 = tpu.memref_squeeze %dma_start3A_156 : memref<1x40x128xi32, #tpu.memory_space<hbm>> -> memref<40x128xi32, #tpu.memory_space<hbm>>
        %dma_start3A_158 = arith.constant 40 : i32
        %dma_start3A_159 = arith.constant 0 : i32
        %dma_start3A_160 = tpu.memref_slice %arg4[%arg1, %dma_start3A_158, %dma_start3A_159] : memref<16x160x128xi32, #tpu.memory_space<hbm>> -> memref<1x40x128xi32, #tpu.memory_space<hbm>>
        %dma_start3A_161 = tpu.memref_squeeze %dma_start3A_160 : memref<1x40x128xi32, #tpu.memory_space<hbm>> -> memref<40x128xi32, #tpu.memory_space<hbm>>
        tpu.enqueue_dma source(%dma_start3A_161 : memref<40x128xi32, #tpu.memory_space<hbm>>) target(%arg8 : memref<40x128xi32, #tpu.memory_space<vmem>>) target_semaphore(%run_scoped3A_153 : memref<!tpu.dma_semaphore, #tpu.memory_space<semaphore_mem>>)
        %dma_wait3A_162 = arith.constant 40 : i32
        %dma_wait3A_163 = arith.constant 0 : i32
        %dma_wait3A_164 = tpu.memref_slice %arg4[%arg1, %dma_wait3A_162, %dma_wait3A_163] : memref<16x160x128xi32, #tpu.memory_space<hbm>> -> memref<1x40x128xi32, #tpu.memory_space<hbm>>
        %dma_wait3A_165 = tpu.memref_squeeze %dma_wait3A_164 : memref<1x40x128xi32, #tpu.memory_space<hbm>> -> memref<40x128xi32, #tpu.memory_space<hbm>>
        %dma_wait3A_166 = arith.constant 40 : i32
        %dma_wait3A_167 = arith.constant 0 : i32
        %dma_wait3A_168 = tpu.memref_slice %arg4[%arg1, %dma_wait3A_166, %dma_wait3A_167] : memref<16x160x128xi32, #tpu.memory_space<hbm>> -> memref<1x40x128xi32, #tpu.memory_space<hbm>>
        %dma_wait3A_169 = tpu.memref_squeeze %dma_wait3A_168 : memref<1x40x128xi32, #tpu.memory_space<hbm>> -> memref<40x128xi32, #tpu.memory_space<hbm>>
        tpu.wait_dma2 semaphore(%run_scoped3A_153 : memref<!tpu.dma_semaphore, #tpu.memory_space<semaphore_mem>>) src(%dma_wait3A_169 : memref<40x128xi32, #tpu.memory_space<hbm>>) dst(%arg8 : memref<40x128xi32, #tpu.memory_space<vmem>>)
        tpu.yield
      }) : () -> ()
      %dma_start3A_79 = arith.constant 0 : i32
      %dma_start3A_80 = arith.constant 0 : i32
      %dma_start3A_81 = tpu.memref_slice %arg7[%dma_start3A_79, %dma_start3A_80] : memref<40x128xi32, #tpu.memory_space<vmem>> -> memref<1x128xi32, #tpu.memory_space<vmem>>
      %dma_start3A_82 = tpu.memref_squeeze %dma_start3A_81 : memref<1x128xi32, #tpu.memory_space<vmem>> -> memref<128xi32, #tpu.memory_space<vmem>>
      %dma_start3A_83 = arith.constant 0 : i32
      %dma_start3A_84 = arith.constant 0 : i32
      %dma_start3A_85 = tpu.memref_slice %arg2[%dma_start3A_83, %dma_start3A_84] : memref<10000x128xf32, #tpu.memory_space<hbm>> -> memref<10000x128xf32, #tpu.memory_space<hbm>>
      tpu.enqueue_indirect_dma source(%dma_start3A_85 : memref<10000x128xf32, #tpu.memory_space<hbm>>) target(%arg9 : memref<128x128xf32, #tpu.memory_space<vmem>>) offsets(%dma_start3A_82 : memref<128xi32, #tpu.memory_space<vmem>>) semaphore(%arg12 : memref<!tpu.dma_semaphore, #tpu.memory_space<semaphore_mem>>)
      %scan3A_86 = arith.constant 0 : i32
      %scan3A_87 = arith.constant 0 : i32
      %scan3A_88 = arith.constant 19 : i32
      %scan3A_89 = arith.addi %scan3A_87, %scan3A_88 : i32
      %scan3A_90 = arith.constant 1 : i32
      %scan3A_91 = scf.for %scan3A_153 = %scan3A_87 to %scan3A_89 step %scan3A_90 iter_args(%scan3A_154 = %scan3A_86) -> (i32)  : i32 {
        %mul3A_155 = arith.constant 2 : i32
        %mul3A_156 = arith.muli %mul3A_155, %scan3A_153 : i32
        %add3A_157 = arith.constant 1 : i32
        %add3A_158 = arith.addi %mul3A_156, %add3A_157 : i32
        %dma_start3A_159 = arith.constant 0 : i32
        %dma_start3A_160 = tpu.memref_slice %arg7[%add3A_158, %dma_start3A_159] : memref<40x128xi32, #tpu.memory_space<vmem>> -> memref<1x128xi32, #tpu.memory_space<vmem>>
        %dma_start3A_161 = tpu.memref_squeeze %dma_start3A_160 : memref<1x128xi32, #tpu.memory_space<vmem>> -> memref<128xi32, #tpu.memory_space<vmem>>
        %dma_start3A_162 = arith.constant 0 : i32
        %dma_start3A_163 = arith.constant 0 : i32
        %dma_start3A_164 = tpu.memref_slice %arg2[%dma_start3A_162, %dma_start3A_163] : memref<10000x128xf32, #tpu.memory_space<hbm>> -> memref<10000x128xf32, #tpu.memory_space<hbm>>
        tpu.enqueue_indirect_dma source(%dma_start3A_164 : memref<10000x128xf32, #tpu.memory_space<hbm>>) target(%arg10 : memref<128x128xf32, #tpu.memory_space<vmem>>) offsets(%dma_start3A_161 : memref<128xi32, #tpu.memory_space<vmem>>) semaphore(%arg13 : memref<!tpu.dma_semaphore, #tpu.memory_space<semaphore_mem>>)
        %mul3A_165 = arith.constant 2 : i32
        %mul3A_166 = arith.muli %mul3A_165, %scan3A_153 : i32
        %dma_wait3A_167 = arith.constant 0 : i32
        %dma_wait3A_168 = tpu.memref_slice %arg7[%mul3A_166, %dma_wait3A_167] : memref<40x128xi32, #tpu.memory_space<vmem>> -> memref<1x128xi32, #tpu.memory_space<vmem>>
        %dma_wait3A_169 = tpu.memref_squeeze %dma_wait3A_168 : memref<1x128xi32, #tpu.memory_space<vmem>> -> memref<128xi32, #tpu.memory_space<vmem>>
        %dma_wait3A_170 = arith.constant 0 : i32
        %dma_wait3A_171 = arith.constant 0 : i32
        %dma_wait3A_172 = tpu.memref_slice %arg2[%dma_wait3A_170, %dma_wait3A_171] : memref<10000x128xf32, #tpu.memory_space<hbm>> -> memref<10000x128xf32, #tpu.memory_space<hbm>>
        tpu.wait_indirect_dma semaphore(%arg12 : memref<!tpu.dma_semaphore, #tpu.memory_space<semaphore_mem>>) src(%dma_wait3A_172 : memref<10000x128xf32, #tpu.memory_space<hbm>>) dst(%arg9 : memref<128x128xf32, #tpu.memory_space<vmem>>)
        %mul3A_173 = arith.constant 2 : i32
        %mul3A_174 = arith.muli %mul3A_173, %scan3A_153 : i32
        "tpu.region"() ({
          %run_scoped3A_200 = tpu.sem_alloc : memref<!tpu.dma_semaphore, #tpu.memory_space<semaphore_mem>>
          %dma_start3A_201 = arith.constant 0 : i32
          %dma_start3A_202 = tpu.memref_slice %arg8[%mul3A_174, %dma_start3A_201] : memref<40x128xi32, #tpu.memory_space<vmem>> -> memref<1x128xi32, #tpu.memory_space<vmem>>
          %dma_start3A_203 = tpu.memref_squeeze %dma_start3A_202 : memref<1x128xi32, #tpu.memory_space<vmem>> -> memref<128xi32, #tpu.memory_space<vmem>>
          %dma_start3A_204 = arith.constant 0 : i32
          %dma_start3A_205 = arith.constant 0 : i32
          %dma_start3A_206 = tpu.memref_slice %arg11[%dma_start3A_204, %dma_start3A_205] : memref<10240x128xf32, #tpu.memory_space<vmem_shared>> -> memref<10240x128xf32, #tpu.memory_space<vmem_shared>>
          tpu.enqueue_indirect_dma source(%arg9 : memref<128x128xf32, #tpu.memory_space<vmem>>) target(%dma_start3A_206 : memref<10240x128xf32, #tpu.memory_space<vmem_shared>>) offsets(%dma_start3A_203 : memref<128xi32, #tpu.memory_space<vmem>>) semaphore(%run_scoped3A_200 : memref<!tpu.dma_semaphore, #tpu.memory_space<semaphore_mem>>) {add = true}
          %dma_wait3A_207 = arith.constant 0 : i32
          %dma_wait3A_208 = tpu.memref_slice %arg8[%mul3A_174, %dma_wait3A_207] : memref<40x128xi32, #tpu.memory_space<vmem>> -> memref<1x128xi32, #tpu.memory_space<vmem>>
          %dma_wait3A_209 = tpu.memref_squeeze %dma_wait3A_208 : memref<1x128xi32, #tpu.memory_space<vmem>> -> memref<128xi32, #tpu.memory_space<vmem>>
          %dma_wait3A_210 = arith.constant 0 : i32
          %dma_wait3A_211 = arith.constant 0 : i32
          %dma_wait3A_212 = tpu.memref_slice %arg11[%dma_wait3A_210, %dma_wait3A_211] : memref<10240x128xf32, #tpu.memory_space<vmem_shared>> -> memref<10240x128xf32, #tpu.memory_space<vmem_shared>>
          tpu.wait_indirect_dma semaphore(%run_scoped3A_200 : memref<!tpu.dma_semaphore, #tpu.memory_space<semaphore_mem>>) src(%arg9 : memref<128x128xf32, #tpu.memory_space<vmem>>) dst(%dma_wait3A_212 : memref<10240x128xf32, #tpu.memory_space<vmem_shared>>)
          tpu.yield
        }) : () -> ()
        %mul3A_175 = arith.constant 2 : i32
        %mul3A_176 = arith.muli %mul3A_175, %scan3A_153 : i32
        %add3A_177 = arith.constant 2 : i32
        %add3A_178 = arith.addi %mul3A_176, %add3A_177 : i32
        %dma_start3A_179 = arith.constant 0 : i32
        %dma_start3A_180 = tpu.memref_slice %arg7[%add3A_178, %dma_start3A_179] : memref<40x128xi32, #tpu.memory_space<vmem>> -> memref<1x128xi32, #tpu.memory_space<vmem>>
        %dma_start3A_181 = tpu.memref_squeeze %dma_start3A_180 : memref<1x128xi32, #tpu.memory_space<vmem>> -> memref<128xi32, #tpu.memory_space<vmem>>
        %dma_start3A_182 = arith.constant 0 : i32
        %dma_start3A_183 = arith.constant 0 : i32
        %dma_start3A_184 = tpu.memref_slice %arg2[%dma_start3A_182, %dma_start3A_183] : memref<10000x128xf32, #tpu.memory_space<hbm>> -> memref<10000x128xf32, #tpu.memory_space<hbm>>
        tpu.enqueue_indirect_dma source(%dma_start3A_184 : memref<10000x128xf32, #tpu.memory_space<hbm>>) target(%arg9 : memref<128x128xf32, #tpu.memory_space<vmem>>) offsets(%dma_start3A_181 : memref<128xi32, #tpu.memory_space<vmem>>) semaphore(%arg12 : memref<!tpu.dma_semaphore, #tpu.memory_space<semaphore_mem>>)
        %mul3A_185 = arith.constant 2 : i32
        %mul3A_186 = arith.muli %mul3A_185, %scan3A_153 : i32
        %add3A_187 = arith.constant 1 : i32
        %add3A_188 = arith.addi %mul3A_186, %add3A_187 : i32
        %dma_wait3A_189 = arith.constant 0 : i32
        %dma_wait3A_190 = tpu.memref_slice %arg7[%add3A_188, %dma_wait3A_189] : memref<40x128xi32, #tpu.memory_space<vmem>> -> memref<1x128xi32, #tpu.memory_space<vmem>>
        %dma_wait3A_191 = tpu.memref_squeeze %dma_wait3A_190 : memref<1x128xi32, #tpu.memory_space<vmem>> -> memref<128xi32, #tpu.memory_space<vmem>>
        %dma_wait3A_192 = arith.constant 0 : i32
        %dma_wait3A_193 = arith.constant 0 : i32
        %dma_wait3A_194 = tpu.memref_slice %arg2[%dma_wait3A_192, %dma_wait3A_193] : memref<10000x128xf32, #tpu.memory_space<hbm>> -> memref<10000x128xf32, #tpu.memory_space<hbm>>
        tpu.wait_indirect_dma semaphore(%arg13 : memref<!tpu.dma_semaphore, #tpu.memory_space<semaphore_mem>>) src(%dma_wait3A_194 : memref<10000x128xf32, #tpu.memory_space<hbm>>) dst(%arg10 : memref<128x128xf32, #tpu.memory_space<vmem>>)
        %mul3A_195 = arith.constant 2 : i32
        %mul3A_196 = arith.muli %mul3A_195, %scan3A_153 : i32
        %add3A_197 = arith.constant 1 : i32
        %add3A_198 = arith.addi %mul3A_196, %add3A_197 : i32
        "tpu.region"() ({
          %run_scoped3A_200 = tpu.sem_alloc : memref<!tpu.dma_semaphore, #tpu.memory_space<semaphore_mem>>
          %dma_start3A_201 = arith.constant 0 : i32
          %dma_start3A_202 = tpu.memref_slice %arg8[%add3A_198, %dma_start3A_201] : memref<40x128xi32, #tpu.memory_space<vmem>> -> memref<1x128xi32, #tpu.memory_space<vmem>>
          %dma_start3A_203 = tpu.memref_squeeze %dma_start3A_202 : memref<1x128xi32, #tpu.memory_space<vmem>> -> memref<128xi32, #tpu.memory_space<vmem>>
          %dma_start3A_204 = arith.constant 0 : i32
          %dma_start3A_205 = arith.constant 0 : i32
          %dma_start3A_206 = tpu.memref_slice %arg11[%dma_start3A_204, %dma_start3A_205] : memref<10240x128xf32, #tpu.memory_space<vmem_shared>> -> memref<10240x128xf32, #tpu.memory_space<vmem_shared>>
          tpu.enqueue_indirect_dma source(%arg10 : memref<128x128xf32, #tpu.memory_space<vmem>>) target(%dma_start3A_206 : memref<10240x128xf32, #tpu.memory_space<vmem_shared>>) offsets(%dma_start3A_203 : memref<128xi32, #tpu.memory_space<vmem>>) semaphore(%run_scoped3A_200 : memref<!tpu.dma_semaphore, #tpu.memory_space<semaphore_mem>>) {add = true}
          %dma_wait3A_207 = arith.constant 0 : i32
          %dma_wait3A_208 = tpu.memref_slice %arg8[%add3A_198, %dma_wait3A_207] : memref<40x128xi32, #tpu.memory_space<vmem>> -> memref<1x128xi32, #tpu.memory_space<vmem>>
          %dma_wait3A_209 = tpu.memref_squeeze %dma_wait3A_208 : memref<1x128xi32, #tpu.memory_space<vmem>> -> memref<128xi32, #tpu.memory_space<vmem>>
          %dma_wait3A_210 = arith.constant 0 : i32
          %dma_wait3A_211 = arith.constant 0 : i32
          %dma_wait3A_212 = tpu.memref_slice %arg11[%dma_wait3A_210, %dma_wait3A_211] : memref<10240x128xf32, #tpu.memory_space<vmem_shared>> -> memref<10240x128xf32, #tpu.memory_space<vmem_shared>>
          tpu.wait_indirect_dma semaphore(%run_scoped3A_200 : memref<!tpu.dma_semaphore, #tpu.memory_space<semaphore_mem>>) src(%arg10 : memref<128x128xf32, #tpu.memory_space<vmem>>) dst(%dma_wait3A_212 : memref<10240x128xf32, #tpu.memory_space<vmem_shared>>)
          tpu.yield
        }) : () -> ()
        %scan3A_199 = arith.constant 0 : i32
        scf.yield %scan3A_199 : i32
      }
      %scan3A_92 = arith.constant 19 : i32
      %dma_start3A_93 = arith.constant 39 : i32
      %dma_start3A_94 = arith.constant 0 : i32
      %dma_start3A_95 = tpu.memref_slice %arg7[%dma_start3A_93, %dma_start3A_94] : memref<40x128xi32, #tpu.memory_space<vmem>> -> memref<1x128xi32, #tpu.memory_space<vmem>>
      %dma_start3A_96 = tpu.memref_squeeze %dma_start3A_95 : memref<1x128xi32, #tpu.memory_space<vmem>> -> memref<128xi32, #tpu.memory_space<vmem>>
      %dma_start3A_97 = arith.constant 0 : i32
      %dma_start3A_98 = arith.constant 0 : i32
      %dma_start3A_99 = tpu.memref_slice %arg2[%dma_start3A_97, %dma_start3A_98] : memref<10000x128xf32, #tpu.memory_space<hbm>> -> memref<10000x128xf32, #tpu.memory_space<hbm>>
      tpu.enqueue_indirect_dma source(%dma_start3A_99 : memref<10000x128xf32, #tpu.memory_space<hbm>>) target(%arg10 : memref<128x128xf32, #tpu.memory_space<vmem>>) offsets(%dma_start3A_96 : memref<128xi32, #tpu.memory_space<vmem>>) semaphore(%arg13 : memref<!tpu.dma_semaphore, #tpu.memory_space<semaphore_mem>>)
      %dma_wait3A_100 = arith.constant 38 : i32
      %dma_wait3A_101 = arith.constant 0 : i32
      %dma_wait3A_102 = tpu.memref_slice %arg7[%dma_wait3A_100, %dma_wait3A_101] : memref<40x128xi32, #tpu.memory_space<vmem>> -> memref<1x128xi32, #tpu.memory_space<vmem>>
      %dma_wait3A_103 = tpu.memref_squeeze %dma_wait3A_102 : memref<1x128xi32, #tpu.memory_space<vmem>> -> memref<128xi32, #tpu.memory_space<vmem>>
      %dma_wait3A_104 = arith.constant 0 : i32
      %dma_wait3A_105 = arith.constant 0 : i32
      %dma_wait3A_106 = tpu.memref_slice %arg2[%dma_wait3A_104, %dma_wait3A_105] : memref<10000x128xf32, #tpu.memory_space<hbm>> -> memref<10000x128xf32, #tpu.memory_space<hbm>>
      tpu.wait_indirect_dma semaphore(%arg12 : memref<!tpu.dma_semaphore, #tpu.memory_space<semaphore_mem>>) src(%dma_wait3A_106 : memref<10000x128xf32, #tpu.memory_space<hbm>>) dst(%arg9 : memref<128x128xf32, #tpu.memory_space<vmem>>)
      %run_scoped3A_107 = arith.constant 38 : i32
      "tpu.region"() ({
        %run_scoped3A_153 = tpu.sem_alloc : memref<!tpu.dma_semaphore, #tpu.memory_space<semaphore_mem>>
        %dma_start3A_154 = arith.constant 0 : i32
        %dma_start3A_155 = tpu.memref_slice %arg8[%run_scoped3A_107, %dma_start3A_154] : memref<40x128xi32, #tpu.memory_space<vmem>> -> memref<1x128xi32, #tpu.memory_space<vmem>>
        %dma_start3A_156 = tpu.memref_squeeze %dma_start3A_155 : memref<1x128xi32, #tpu.memory_space<vmem>> -> memref<128xi32, #tpu.memory_space<vmem>>
        %dma_start3A_157 = arith.constant 0 : i32
        %dma_start3A_158 = arith.constant 0 : i32
        %dma_start3A_159 = tpu.memref_slice %arg11[%dma_start3A_157, %dma_start3A_158] : memref<10240x128xf32, #tpu.memory_space<vmem_shared>> -> memref<10240x128xf32, #tpu.memory_space<vmem_shared>>
        tpu.enqueue_indirect_dma source(%arg9 : memref<128x128xf32, #tpu.memory_space<vmem>>) target(%dma_start3A_159 : memref<10240x128xf32, #tpu.memory_space<vmem_shared>>) offsets(%dma_start3A_156 : memref<128xi32, #tpu.memory_space<vmem>>) semaphore(%run_scoped3A_153 : memref<!tpu.dma_semaphore, #tpu.memory_space<semaphore_mem>>) {add = true}
        %dma_wait3A_160 = arith.constant 0 : i32
        %dma_wait3A_161 = tpu.memref_slice %arg8[%run_scoped3A_107, %dma_wait3A_160] : memref<40x128xi32, #tpu.memory_space<vmem>> -> memref<1x128xi32, #tpu.memory_space<vmem>>
        %dma_wait3A_162 = tpu.memref_squeeze %dma_wait3A_161 : memref<1x128xi32, #tpu.memory_space<vmem>> -> memref<128xi32, #tpu.memory_space<vmem>>
        %dma_wait3A_163 = arith.constant 0 : i32
        %dma_wait3A_164 = arith.constant 0 : i32
        %dma_wait3A_165 = tpu.memref_slice %arg11[%dma_wait3A_163, %dma_wait3A_164] : memref<10240x128xf32, #tpu.memory_space<vmem_shared>> -> memref<10240x128xf32, #tpu.memory_space<vmem_shared>>
        tpu.wait_indirect_dma semaphore(%run_scoped3A_153 : memref<!tpu.dma_semaphore, #tpu.memory_space<semaphore_mem>>) src(%arg9 : memref<128x128xf32, #tpu.memory_space<vmem>>) dst(%dma_wait3A_165 : memref<10240x128xf32, #tpu.memory_space<vmem_shared>>)
        tpu.yield
      }) : () -> ()
      %dma_wait3A_108 = arith.constant 39 : i32
      %dma_wait3A_109 = arith.constant 0 : i32
      %dma_wait3A_110 = tpu.memref_slice %arg7[%dma_wait3A_108, %dma_wait3A_109] : memref<40x128xi32, #tpu.memory_space<vmem>> -> memref<1x128xi32, #tpu.memory_space<vmem>>
      %dma_wait3A_111 = tpu.memref_squeeze %dma_wait3A_110 : memref<1x128xi32, #tpu.memory_space<vmem>> -> memref<128xi32, #tpu.memory_space<vmem>>
      %dma_wait3A_112 = arith.constant 0 : i32
      %dma_wait3A_113 = arith.constant 0 : i32
      %dma_wait3A_114 = tpu.memref_slice %arg2[%dma_wait3A_112, %dma_wait3A_113] : memref<10000x128xf32, #tpu.memory_space<hbm>> -> memref<10000x128xf32, #tpu.memory_space<hbm>>
      tpu.wait_indirect_dma semaphore(%arg13 : memref<!tpu.dma_semaphore, #tpu.memory_space<semaphore_mem>>) src(%dma_wait3A_114 : memref<10000x128xf32, #tpu.memory_space<hbm>>) dst(%arg10 : memref<128x128xf32, #tpu.memory_space<vmem>>)
      %run_scoped3A_115 = arith.constant 39 : i32
      "tpu.region"() ({
        %run_scoped3A_153 = tpu.sem_alloc : memref<!tpu.dma_semaphore, #tpu.memory_space<semaphore_mem>>
        %dma_start3A_154 = arith.constant 0 : i32
        %dma_start3A_155 = tpu.memref_slice %arg8[%run_scoped3A_115, %dma_start3A_154] : memref<40x128xi32, #tpu.memory_space<vmem>> -> memref<1x128xi32, #tpu.memory_space<vmem>>
        %dma_start3A_156 = tpu.memref_squeeze %dma_start3A_155 : memref<1x128xi32, #tpu.memory_space<vmem>> -> memref<128xi32, #tpu.memory_space<vmem>>
        %dma_start3A_157 = arith.constant 0 : i32
        %dma_start3A_158 = arith.constant 0 : i32
        %dma_start3A_159 = tpu.memref_slice %arg11[%dma_start3A_157, %dma_start3A_158] : memref<10240x128xf32, #tpu.memory_space<vmem_shared>> -> memref<10240x128xf32, #tpu.memory_space<vmem_shared>>
        tpu.enqueue_indirect_dma source(%arg10 : memref<128x128xf32, #tpu.memory_space<vmem>>) target(%dma_start3A_159 : memref<10240x128xf32, #tpu.memory_space<vmem_shared>>) offsets(%dma_start3A_156 : memref<128xi32, #tpu.memory_space<vmem>>) semaphore(%run_scoped3A_153 : memref<!tpu.dma_semaphore, #tpu.memory_space<semaphore_mem>>) {add = true}
        %dma_wait3A_160 = arith.constant 0 : i32
        %dma_wait3A_161 = tpu.memref_slice %arg8[%run_scoped3A_115, %dma_wait3A_160] : memref<40x128xi32, #tpu.memory_space<vmem>> -> memref<1x128xi32, #tpu.memory_space<vmem>>
        %dma_wait3A_162 = tpu.memref_squeeze %dma_wait3A_161 : memref<1x128xi32, #tpu.memory_space<vmem>> -> memref<128xi32, #tpu.memory_space<vmem>>
        %dma_wait3A_163 = arith.constant 0 : i32
        %dma_wait3A_164 = arith.constant 0 : i32
        %dma_wait3A_165 = tpu.memref_slice %arg11[%dma_wait3A_163, %dma_wait3A_164] : memref<10240x128xf32, #tpu.memory_space<vmem_shared>> -> memref<10240x128xf32, #tpu.memory_space<vmem_shared>>
        tpu.wait_indirect_dma semaphore(%run_scoped3A_153 : memref<!tpu.dma_semaphore, #tpu.memory_space<semaphore_mem>>) src(%arg10 : memref<128x128xf32, #tpu.memory_space<vmem>>) dst(%dma_wait3A_165 : memref<10240x128xf32, #tpu.memory_space<vmem_shared>>)
        tpu.yield
      }) : () -> ()
      "tpu.region"() ({
        %run_scoped3A_153 = tpu.sem_alloc : memref<!tpu.dma_semaphore, #tpu.memory_space<semaphore_mem>>
        %dma_start3A_154 = arith.constant 80 : i32
        %dma_start3A_155 = arith.constant 0 : i32
        %dma_start3A_156 = tpu.memref_slice %arg3[%arg1, %dma_start3A_154, %dma_start3A_155] : memref<16x160x128xi32, #tpu.memory_space<hbm>> -> memref<1x40x128xi32, #tpu.memory_space<hbm>>
        %dma_start3A_157 = tpu.memref_squeeze %dma_start3A_156 : memref<1x40x128xi32, #tpu.memory_space<hbm>> -> memref<40x128xi32, #tpu.memory_space<hbm>>
        %dma_start3A_158 = arith.constant 80 : i32
        %dma_start3A_159 = arith.constant 0 : i32
        %dma_start3A_160 = tpu.memref_slice %arg3[%arg1, %dma_start3A_158, %dma_start3A_159] : memref<16x160x128xi32, #tpu.memory_space<hbm>> -> memref<1x40x128xi32, #tpu.memory_space<hbm>>
        %dma_start3A_161 = tpu.memref_squeeze %dma_start3A_160 : memref<1x40x128xi32, #tpu.memory_space<hbm>> -> memref<40x128xi32, #tpu.memory_space<hbm>>
        tpu.enqueue_dma source(%dma_start3A_161 : memref<40x128xi32, #tpu.memory_space<hbm>>) target(%arg7 : memref<40x128xi32, #tpu.memory_space<vmem>>) target_semaphore(%run_scoped3A_153 : memref<!tpu.dma_semaphore, #tpu.memory_space<semaphore_mem>>)
        %dma_wait3A_162 = arith.constant 80 : i32
        %dma_wait3A_163 = arith.constant 0 : i32
        %dma_wait3A_164 = tpu.memref_slice %arg3[%arg1, %dma_wait3A_162, %dma_wait3A_163] : memref<16x160x128xi32, #tpu.memory_space<hbm>> -> memref<1x40x128xi32, #tpu.memory_space<hbm>>
        %dma_wait3A_165 = tpu.memref_squeeze %dma_wait3A_164 : memref<1x40x128xi32, #tpu.memory_space<hbm>> -> memref<40x128xi32, #tpu.memory_space<hbm>>
        %dma_wait3A_166 = arith.constant 80 : i32
        %dma_wait3A_167 = arith.constant 0 : i32
        %dma_wait3A_168 = tpu.memref_slice %arg3[%arg1, %dma_wait3A_166, %dma_wait3A_167] : memref<16x160x128xi32, #tpu.memory_space<hbm>> -> memref<1x40x128xi32, #tpu.memory_space<hbm>>
        %dma_wait3A_169 = tpu.memref_squeeze %dma_wait3A_168 : memref<1x40x128xi32, #tpu.memory_space<hbm>> -> memref<40x128xi32, #tpu.memory_space<hbm>>
        tpu.wait_dma2 semaphore(%run_scoped3A_153 : memref<!tpu.dma_semaphore, #tpu.memory_space<semaphore_mem>>) src(%dma_wait3A_169 : memref<40x128xi32, #tpu.memory_space<hbm>>) dst(%arg7 : memref<40x128xi32, #tpu.memory_space<vmem>>)
        tpu.yield
      }) : () -> ()
      "tpu.region"() ({
        %run_scoped3A_153 = tpu.sem_alloc : memref<!tpu.dma_semaphore, #tpu.memory_space<semaphore_mem>>
        %dma_start3A_154 = arith.constant 80 : i32
        %dma_start3A_155 = arith.constant 0 : i32
        %dma_start3A_156 = tpu.memref_slice %arg4[%arg1, %dma_start3A_154, %dma_start3A_155] : memref<16x160x128xi32, #tpu.memory_space<hbm>> -> memref<1x40x128xi32, #tpu.memory_space<hbm>>
        %dma_start3A_157 = tpu.memref_squeeze %dma_start3A_156 : memref<1x40x128xi32, #tpu.memory_space<hbm>> -> memref<40x128xi32, #tpu.memory_space<hbm>>
        %dma_start3A_158 = arith.constant 80 : i32
        %dma_start3A_159 = arith.constant 0 : i32
        %dma_start3A_160 = tpu.memref_slice %arg4[%arg1, %dma_start3A_158, %dma_start3A_159] : memref<16x160x128xi32, #tpu.memory_space<hbm>> -> memref<1x40x128xi32, #tpu.memory_space<hbm>>
        %dma_start3A_161 = tpu.memref_squeeze %dma_start3A_160 : memref<1x40x128xi32, #tpu.memory_space<hbm>> -> memref<40x128xi32, #tpu.memory_space<hbm>>
        tpu.enqueue_dma source(%dma_start3A_161 : memref<40x128xi32, #tpu.memory_space<hbm>>) target(%arg8 : memref<40x128xi32, #tpu.memory_space<vmem>>) target_semaphore(%run_scoped3A_153 : memref<!tpu.dma_semaphore, #tpu.memory_space<semaphore_mem>>)
        %dma_wait3A_162 = arith.constant 80 : i32
        %dma_wait3A_163 = arith.constant 0 : i32
        %dma_wait3A_164 = tpu.memref_slice %arg4[%arg1, %dma_wait3A_162, %dma_wait3A_163] : memref<16x160x128xi32, #tpu.memory_space<hbm>> -> memref<1x40x128xi32, #tpu.memory_space<hbm>>
        %dma_wait3A_165 = tpu.memref_squeeze %dma_wait3A_164 : memref<1x40x128xi32, #tpu.memory_space<hbm>> -> memref<40x128xi32, #tpu.memory_space<hbm>>
        %dma_wait3A_166 = arith.constant 80 : i32
        %dma_wait3A_167 = arith.constant 0 : i32
        %dma_wait3A_168 = tpu.memref_slice %arg4[%arg1, %dma_wait3A_166, %dma_wait3A_167] : memref<16x160x128xi32, #tpu.memory_space<hbm>> -> memref<1x40x128xi32, #tpu.memory_space<hbm>>
        %dma_wait3A_169 = tpu.memref_squeeze %dma_wait3A_168 : memref<1x40x128xi32, #tpu.memory_space<hbm>> -> memref<40x128xi32, #tpu.memory_space<hbm>>
        tpu.wait_dma2 semaphore(%run_scoped3A_153 : memref<!tpu.dma_semaphore, #tpu.memory_space<semaphore_mem>>) src(%dma_wait3A_169 : memref<40x128xi32, #tpu.memory_space<hbm>>) dst(%arg8 : memref<40x128xi32, #tpu.memory_space<vmem>>)
        tpu.yield
      }) : () -> ()
      %dma_start3A_116 = arith.constant 0 : i32
      %dma_start3A_117 = arith.constant 0 : i32
      %dma_start3A_118 = tpu.memref_slice %arg7[%dma_start3A_116, %dma_start3A_117] : memref<40x128xi32, #tpu.memory_space<vmem>> -> memref<1x128xi32, #tpu.memory_space<vmem>>
      %dma_start3A_119 = tpu.memref_squeeze %dma_start3A_118 : memref<1x128xi32, #tpu.memory_space<vmem>> -> memref<128xi32, #tpu.memory_space<vmem>>
      %dma_start3A_120 = arith.constant 0 : i32
      %dma_start3A_121 = arith.constant 0 : i32
      %dma_start3A_122 = tpu.memref_slice %arg2[%dma_start3A_120, %dma_start3A_121] : memref<10000x128xf32, #tpu.memory_space<hbm>> -> memref<10000x128xf32, #tpu.memory_space<hbm>>
      tpu.enqueue_indirect_dma source(%dma_start3A_122 : memref<10000x128xf32, #tpu.memory_space<hbm>>) target(%arg9 : memref<128x128xf32, #tpu.memory_space<vmem>>) offsets(%dma_start3A_119 : memref<128xi32, #tpu.memory_space<vmem>>) semaphore(%arg12 : memref<!tpu.dma_semaphore, #tpu.memory_space<semaphore_mem>>)
      %scan3A_123 = arith.constant 0 : i32
      %scan3A_124 = arith.constant 0 : i32
      %scan3A_125 = arith.constant 19 : i32
      %scan3A_126 = arith.addi %scan3A_124, %scan3A_125 : i32
      %scan3A_127 = arith.constant 1 : i32
      %scan3A_128 = scf.for %scan3A_153 = %scan3A_124 to %scan3A_126 step %scan3A_127 iter_args(%scan3A_154 = %scan3A_123) -> (i32)  : i32 {
        %mul3A_155 = arith.constant 2 : i32
        %mul3A_156 = arith.muli %mul3A_155, %scan3A_153 : i32
        %add3A_157 = arith.constant 1 : i32
        %add3A_158 = arith.addi %mul3A_156, %add3A_157 : i32
        %dma_start3A_159 = arith.constant 0 : i32
        %dma_start3A_160 = tpu.memref_slice %arg7[%add3A_158, %dma_start3A_159] : memref<40x128xi32, #tpu.memory_space<vmem>> -> memref<1x128xi32, #tpu.memory_space<vmem>>
        %dma_start3A_161 = tpu.memref_squeeze %dma_start3A_160 : memref<1x128xi32, #tpu.memory_space<vmem>> -> memref<128xi32, #tpu.memory_space<vmem>>
        %dma_start3A_162 = arith.constant 0 : i32
        %dma_start3A_163 = arith.constant 0 : i32
        %dma_start3A_164 = tpu.memref_slice %arg2[%dma_start3A_162, %dma_start3A_163] : memref<10000x128xf32, #tpu.memory_space<hbm>> -> memref<10000x128xf32, #tpu.memory_space<hbm>>
        tpu.enqueue_indirect_dma source(%dma_start3A_164 : memref<10000x128xf32, #tpu.memory_space<hbm>>) target(%arg10 : memref<128x128xf32, #tpu.memory_space<vmem>>) offsets(%dma_start3A_161 : memref<128xi32, #tpu.memory_space<vmem>>) semaphore(%arg13 : memref<!tpu.dma_semaphore, #tpu.memory_space<semaphore_mem>>)
        %mul3A_165 = arith.constant 2 : i32
        %mul3A_166 = arith.muli %mul3A_165, %scan3A_153 : i32
        %dma_wait3A_167 = arith.constant 0 : i32
        %dma_wait3A_168 = tpu.memref_slice %arg7[%mul3A_166, %dma_wait3A_167] : memref<40x128xi32, #tpu.memory_space<vmem>> -> memref<1x128xi32, #tpu.memory_space<vmem>>
        %dma_wait3A_169 = tpu.memref_squeeze %dma_wait3A_168 : memref<1x128xi32, #tpu.memory_space<vmem>> -> memref<128xi32, #tpu.memory_space<vmem>>
        %dma_wait3A_170 = arith.constant 0 : i32
        %dma_wait3A_171 = arith.constant 0 : i32
        %dma_wait3A_172 = tpu.memref_slice %arg2[%dma_wait3A_170, %dma_wait3A_171] : memref<10000x128xf32, #tpu.memory_space<hbm>> -> memref<10000x128xf32, #tpu.memory_space<hbm>>
        tpu.wait_indirect_dma semaphore(%arg12 : memref<!tpu.dma_semaphore, #tpu.memory_space<semaphore_mem>>) src(%dma_wait3A_172 : memref<10000x128xf32, #tpu.memory_space<hbm>>) dst(%arg9 : memref<128x128xf32, #tpu.memory_space<vmem>>)
        %mul3A_173 = arith.constant 2 : i32
        %mul3A_174 = arith.muli %mul3A_173, %scan3A_153 : i32
        "tpu.region"() ({
          %run_scoped3A_200 = tpu.sem_alloc : memref<!tpu.dma_semaphore, #tpu.memory_space<semaphore_mem>>
          %dma_start3A_201 = arith.constant 0 : i32
          %dma_start3A_202 = tpu.memref_slice %arg8[%mul3A_174, %dma_start3A_201] : memref<40x128xi32, #tpu.memory_space<vmem>> -> memref<1x128xi32, #tpu.memory_space<vmem>>
          %dma_start3A_203 = tpu.memref_squeeze %dma_start3A_202 : memref<1x128xi32, #tpu.memory_space<vmem>> -> memref<128xi32, #tpu.memory_space<vmem>>
          %dma_start3A_204 = arith.constant 0 : i32
          %dma_start3A_205 = arith.constant 0 : i32
          %dma_start3A_206 = tpu.memref_slice %arg11[%dma_start3A_204, %dma_start3A_205] : memref<10240x128xf32, #tpu.memory_space<vmem_shared>> -> memref<10240x128xf32, #tpu.memory_space<vmem_shared>>
          tpu.enqueue_indirect_dma source(%arg9 : memref<128x128xf32, #tpu.memory_space<vmem>>) target(%dma_start3A_206 : memref<10240x128xf32, #tpu.memory_space<vmem_shared>>) offsets(%dma_start3A_203 : memref<128xi32, #tpu.memory_space<vmem>>) semaphore(%run_scoped3A_200 : memref<!tpu.dma_semaphore, #tpu.memory_space<semaphore_mem>>) {add = true}
          %dma_wait3A_207 = arith.constant 0 : i32
          %dma_wait3A_208 = tpu.memref_slice %arg8[%mul3A_174, %dma_wait3A_207] : memref<40x128xi32, #tpu.memory_space<vmem>> -> memref<1x128xi32, #tpu.memory_space<vmem>>
          %dma_wait3A_209 = tpu.memref_squeeze %dma_wait3A_208 : memref<1x128xi32, #tpu.memory_space<vmem>> -> memref<128xi32, #tpu.memory_space<vmem>>
          %dma_wait3A_210 = arith.constant 0 : i32
          %dma_wait3A_211 = arith.constant 0 : i32
          %dma_wait3A_212 = tpu.memref_slice %arg11[%dma_wait3A_210, %dma_wait3A_211] : memref<10240x128xf32, #tpu.memory_space<vmem_shared>> -> memref<10240x128xf32, #tpu.memory_space<vmem_shared>>
          tpu.wait_indirect_dma semaphore(%run_scoped3A_200 : memref<!tpu.dma_semaphore, #tpu.memory_space<semaphore_mem>>) src(%arg9 : memref<128x128xf32, #tpu.memory_space<vmem>>) dst(%dma_wait3A_212 : memref<10240x128xf32, #tpu.memory_space<vmem_shared>>)
          tpu.yield
        }) : () -> ()
        %mul3A_175 = arith.constant 2 : i32
        %mul3A_176 = arith.muli %mul3A_175, %scan3A_153 : i32
        %add3A_177 = arith.constant 2 : i32
        %add3A_178 = arith.addi %mul3A_176, %add3A_177 : i32
        %dma_start3A_179 = arith.constant 0 : i32
        %dma_start3A_180 = tpu.memref_slice %arg7[%add3A_178, %dma_start3A_179] : memref<40x128xi32, #tpu.memory_space<vmem>> -> memref<1x128xi32, #tpu.memory_space<vmem>>
        %dma_start3A_181 = tpu.memref_squeeze %dma_start3A_180 : memref<1x128xi32, #tpu.memory_space<vmem>> -> memref<128xi32, #tpu.memory_space<vmem>>
        %dma_start3A_182 = arith.constant 0 : i32
        %dma_start3A_183 = arith.constant 0 : i32
        %dma_start3A_184 = tpu.memref_slice %arg2[%dma_start3A_182, %dma_start3A_183] : memref<10000x128xf32, #tpu.memory_space<hbm>> -> memref<10000x128xf32, #tpu.memory_space<hbm>>
        tpu.enqueue_indirect_dma source(%dma_start3A_184 : memref<10000x128xf32, #tpu.memory_space<hbm>>) target(%arg9 : memref<128x128xf32, #tpu.memory_space<vmem>>) offsets(%dma_start3A_181 : memref<128xi32, #tpu.memory_space<vmem>>) semaphore(%arg12 : memref<!tpu.dma_semaphore, #tpu.memory_space<semaphore_mem>>)
        %mul3A_185 = arith.constant 2 : i32
        %mul3A_186 = arith.muli %mul3A_185, %scan3A_153 : i32
        %add3A_187 = arith.constant 1 : i32
        %add3A_188 = arith.addi %mul3A_186, %add3A_187 : i32
        %dma_wait3A_189 = arith.constant 0 : i32
        %dma_wait3A_190 = tpu.memref_slice %arg7[%add3A_188, %dma_wait3A_189] : memref<40x128xi32, #tpu.memory_space<vmem>> -> memref<1x128xi32, #tpu.memory_space<vmem>>
        %dma_wait3A_191 = tpu.memref_squeeze %dma_wait3A_190 : memref<1x128xi32, #tpu.memory_space<vmem>> -> memref<128xi32, #tpu.memory_space<vmem>>
        %dma_wait3A_192 = arith.constant 0 : i32
        %dma_wait3A_193 = arith.constant 0 : i32
        %dma_wait3A_194 = tpu.memref_slice %arg2[%dma_wait3A_192, %dma_wait3A_193] : memref<10000x128xf32, #tpu.memory_space<hbm>> -> memref<10000x128xf32, #tpu.memory_space<hbm>>
        tpu.wait_indirect_dma semaphore(%arg13 : memref<!tpu.dma_semaphore, #tpu.memory_space<semaphore_mem>>) src(%dma_wait3A_194 : memref<10000x128xf32, #tpu.memory_space<hbm>>) dst(%arg10 : memref<128x128xf32, #tpu.memory_space<vmem>>)
        %mul3A_195 = arith.constant 2 : i32
        %mul3A_196 = arith.muli %mul3A_195, %scan3A_153 : i32
        %add3A_197 = arith.constant 1 : i32
        %add3A_198 = arith.addi %mul3A_196, %add3A_197 : i32
        "tpu.region"() ({
          %run_scoped3A_200 = tpu.sem_alloc : memref<!tpu.dma_semaphore, #tpu.memory_space<semaphore_mem>>
          %dma_start3A_201 = arith.constant 0 : i32
          %dma_start3A_202 = tpu.memref_slice %arg8[%add3A_198, %dma_start3A_201] : memref<40x128xi32, #tpu.memory_space<vmem>> -> memref<1x128xi32, #tpu.memory_space<vmem>>
          %dma_start3A_203 = tpu.memref_squeeze %dma_start3A_202 : memref<1x128xi32, #tpu.memory_space<vmem>> -> memref<128xi32, #tpu.memory_space<vmem>>
          %dma_start3A_204 = arith.constant 0 : i32
          %dma_start3A_205 = arith.constant 0 : i32
          %dma_start3A_206 = tpu.memref_slice %arg11[%dma_start3A_204, %dma_start3A_205] : memref<10240x128xf32, #tpu.memory_space<vmem_shared>> -> memref<10240x128xf32, #tpu.memory_space<vmem_shared>>
          tpu.enqueue_indirect_dma source(%arg10 : memref<128x128xf32, #tpu.memory_space<vmem>>) target(%dma_start3A_206 : memref<10240x128xf32, #tpu.memory_space<vmem_shared>>) offsets(%dma_start3A_203 : memref<128xi32, #tpu.memory_space<vmem>>) semaphore(%run_scoped3A_200 : memref<!tpu.dma_semaphore, #tpu.memory_space<semaphore_mem>>) {add = true}
          %dma_wait3A_207 = arith.constant 0 : i32
          %dma_wait3A_208 = tpu.memref_slice %arg8[%add3A_198, %dma_wait3A_207] : memref<40x128xi32, #tpu.memory_space<vmem>> -> memref<1x128xi32, #tpu.memory_space<vmem>>
          %dma_wait3A_209 = tpu.memref_squeeze %dma_wait3A_208 : memref<1x128xi32, #tpu.memory_space<vmem>> -> memref<128xi32, #tpu.memory_space<vmem>>
          %dma_wait3A_210 = arith.constant 0 : i32
          %dma_wait3A_211 = arith.constant 0 : i32
          %dma_wait3A_212 = tpu.memref_slice %arg11[%dma_wait3A_210, %dma_wait3A_211] : memref<10240x128xf32, #tpu.memory_space<vmem_shared>> -> memref<10240x128xf32, #tpu.memory_space<vmem_shared>>
          tpu.wait_indirect_dma semaphore(%run_scoped3A_200 : memref<!tpu.dma_semaphore, #tpu.memory_space<semaphore_mem>>) src(%arg10 : memref<128x128xf32, #tpu.memory_space<vmem>>) dst(%dma_wait3A_212 : memref<10240x128xf32, #tpu.memory_space<vmem_shared>>)
          tpu.yield
        }) : () -> ()
        %scan3A_199 = arith.constant 0 : i32
        scf.yield %scan3A_199 : i32
      }
      %scan3A_129 = arith.constant 19 : i32
      %dma_start3A_130 = arith.constant 39 : i32
      %dma_start3A_131 = arith.constant 0 : i32
      %dma_start3A_132 = tpu.memref_slice %arg7[%dma_start3A_130, %dma_start3A_131] : memref<40x128xi32, #tpu.memory_space<vmem>> -> memref<1x128xi32, #tpu.memory_space<vmem>>
      %dma_start3A_133 = tpu.memref_squeeze %dma_start3A_132 : memref<1x128xi32, #tpu.memory_space<vmem>> -> memref<128xi32, #tpu.memory_space<vmem>>
      %dma_start3A_134 = arith.constant 0 : i32
      %dma_start3A_135 = arith.constant 0 : i32
      %dma_start3A_136 = tpu.memref_slice %arg2[%dma_start3A_134, %dma_start3A_135] : memref<10000x128xf32, #tpu.memory_space<hbm>> -> memref<10000x128xf32, #tpu.memory_space<hbm>>
      tpu.enqueue_indirect_dma source(%dma_start3A_136 : memref<10000x128xf32, #tpu.memory_space<hbm>>) target(%arg10 : memref<128x128xf32, #tpu.memory_space<vmem>>) offsets(%dma_start3A_133 : memref<128xi32, #tpu.memory_space<vmem>>) semaphore(%arg13 : memref<!tpu.dma_semaphore, #tpu.memory_space<semaphore_mem>>)
      %dma_wait3A_137 = arith.constant 38 : i32
      %dma_wait3A_138 = arith.constant 0 : i32
      %dma_wait3A_139 = tpu.memref_slice %arg7[%dma_wait3A_137, %dma_wait3A_138] : memref<40x128xi32, #tpu.memory_space<vmem>> -> memref<1x128xi32, #tpu.memory_space<vmem>>
      %dma_wait3A_140 = tpu.memref_squeeze %dma_wait3A_139 : memref<1x128xi32, #tpu.memory_space<vmem>> -> memref<128xi32, #tpu.memory_space<vmem>>
      %dma_wait3A_141 = arith.constant 0 : i32
      %dma_wait3A_142 = arith.constant 0 : i32
      %dma_wait3A_143 = tpu.memref_slice %arg2[%dma_wait3A_141, %dma_wait3A_142] : memref<10000x128xf32, #tpu.memory_space<hbm>> -> memref<10000x128xf32, #tpu.memory_space<hbm>>
      tpu.wait_indirect_dma semaphore(%arg12 : memref<!tpu.dma_semaphore, #tpu.memory_space<semaphore_mem>>) src(%dma_wait3A_143 : memref<10000x128xf32, #tpu.memory_space<hbm>>) dst(%arg9 : memref<128x128xf32, #tpu.memory_space<vmem>>)
      %run_scoped3A_144 = arith.constant 38 : i32
      "tpu.region"() ({
        %run_scoped3A_153 = tpu.sem_alloc : memref<!tpu.dma_semaphore, #tpu.memory_space<semaphore_mem>>
        %dma_start3A_154 = arith.constant 0 : i32
        %dma_start3A_155 = tpu.memref_slice %arg8[%run_scoped3A_144, %dma_start3A_154] : memref<40x128xi32, #tpu.memory_space<vmem>> -> memref<1x128xi32, #tpu.memory_space<vmem>>
        %dma_start3A_156 = tpu.memref_squeeze %dma_start3A_155 : memref<1x128xi32, #tpu.memory_space<vmem>> -> memref<128xi32, #tpu.memory_space<vmem>>
        %dma_start3A_157 = arith.constant 0 : i32
        %dma_start3A_158 = arith.constant 0 : i32
        %dma_start3A_159 = tpu.memref_slice %arg11[%dma_start3A_157, %dma_start3A_158] : memref<10240x128xf32, #tpu.memory_space<vmem_shared>> -> memref<10240x128xf32, #tpu.memory_space<vmem_shared>>
        tpu.enqueue_indirect_dma source(%arg9 : memref<128x128xf32, #tpu.memory_space<vmem>>) target(%dma_start3A_159 : memref<10240x128xf32, #tpu.memory_space<vmem_shared>>) offsets(%dma_start3A_156 : memref<128xi32, #tpu.memory_space<vmem>>) semaphore(%run_scoped3A_153 : memref<!tpu.dma_semaphore, #tpu.memory_space<semaphore_mem>>) {add = true}
        %dma_wait3A_160 = arith.constant 0 : i32
        %dma_wait3A_161 = tpu.memref_slice %arg8[%run_scoped3A_144, %dma_wait3A_160] : memref<40x128xi32, #tpu.memory_space<vmem>> -> memref<1x128xi32, #tpu.memory_space<vmem>>
        %dma_wait3A_162 = tpu.memref_squeeze %dma_wait3A_161 : memref<1x128xi32, #tpu.memory_space<vmem>> -> memref<128xi32, #tpu.memory_space<vmem>>
        %dma_wait3A_163 = arith.constant 0 : i32
        %dma_wait3A_164 = arith.constant 0 : i32
        %dma_wait3A_165 = tpu.memref_slice %arg11[%dma_wait3A_163, %dma_wait3A_164] : memref<10240x128xf32, #tpu.memory_space<vmem_shared>> -> memref<10240x128xf32, #tpu.memory_space<vmem_shared>>
        tpu.wait_indirect_dma semaphore(%run_scoped3A_153 : memref<!tpu.dma_semaphore, #tpu.memory_space<semaphore_mem>>) src(%arg9 : memref<128x128xf32, #tpu.memory_space<vmem>>) dst(%dma_wait3A_165 : memref<10240x128xf32, #tpu.memory_space<vmem_shared>>)
        tpu.yield
      }) : () -> ()
      %dma_wait3A_145 = arith.constant 39 : i32
      %dma_wait3A_146 = arith.constant 0 : i32
      %dma_wait3A_147 = tpu.memref_slice %arg7[%dma_wait3A_145, %dma_wait3A_146] : memref<40x128xi32, #tpu.memory_space<vmem>> -> memref<1x128xi32, #tpu.memory_space<vmem>>
      %dma_wait3A_148 = tpu.memref_squeeze %dma_wait3A_147 : memref<1x128xi32, #tpu.memory_space<vmem>> -> memref<128xi32, #tpu.memory_space<vmem>>
      %dma_wait3A_149 = arith.constant 0 : i32
      %dma_wait3A_150 = arith.constant 0 : i32
      %dma_wait3A_151 = tpu.memref_slice %arg2[%dma_wait3A_149, %dma_wait3A_150] : memref<10000x128xf32, #tpu.memory_space<hbm>> -> memref<10000x128xf32, #tpu.memory_space<hbm>>
      tpu.wait_indirect_dma semaphore(%arg13 : memref<!tpu.dma_semaphore, #tpu.memory_space<semaphore_mem>>) src(%dma_wait3A_151 : memref<10000x128xf32, #tpu.memory_space<hbm>>) dst(%arg10 : memref<128x128xf32, #tpu.memory_space<vmem>>)
      %run_scoped3A_152 = arith.constant 39 : i32
      "tpu.region"() ({
        %run_scoped3A_153 = tpu.sem_alloc : memref<!tpu.dma_semaphore, #tpu.memory_space<semaphore_mem>>
        %dma_start3A_154 = arith.constant 0 : i32
        %dma_start3A_155 = tpu.memref_slice %arg8[%run_scoped3A_152, %dma_start3A_154] : memref<40x128xi32, #tpu.memory_space<vmem>> -> memref<1x128xi32, #tpu.memory_space<vmem>>
        %dma_start3A_156 = tpu.memref_squeeze %dma_start3A_155 : memref<1x128xi32, #tpu.memory_space<vmem>> -> memref<128xi32, #tpu.memory_space<vmem>>
        %dma_start3A_157 = arith.constant 0 : i32
        %dma_start3A_158 = arith.constant 0 : i32
        %dma_start3A_159 = tpu.memref_slice %arg11[%dma_start3A_157, %dma_start3A_158] : memref<10240x128xf32, #tpu.memory_space<vmem_shared>> -> memref<10240x128xf32, #tpu.memory_space<vmem_shared>>
        tpu.enqueue_indirect_dma source(%arg10 : memref<128x128xf32, #tpu.memory_space<vmem>>) target(%dma_start3A_159 : memref<10240x128xf32, #tpu.memory_space<vmem_shared>>) offsets(%dma_start3A_156 : memref<128xi32, #tpu.memory_space<vmem>>) semaphore(%run_scoped3A_153 : memref<!tpu.dma_semaphore, #tpu.memory_space<semaphore_mem>>) {add = true}
        %dma_wait3A_160 = arith.constant 0 : i32
        %dma_wait3A_161 = tpu.memref_slice %arg8[%run_scoped3A_152, %dma_wait3A_160] : memref<40x128xi32, #tpu.memory_space<vmem>> -> memref<1x128xi32, #tpu.memory_space<vmem>>
        %dma_wait3A_162 = tpu.memref_squeeze %dma_wait3A_161 : memref<1x128xi32, #tpu.memory_space<vmem>> -> memref<128xi32, #tpu.memory_space<vmem>>
        %dma_wait3A_163 = arith.constant 0 : i32
        %dma_wait3A_164 = arith.constant 0 : i32
        %dma_wait3A_165 = tpu.memref_slice %arg11[%dma_wait3A_163, %dma_wait3A_164] : memref<10240x128xf32, #tpu.memory_space<vmem_shared>> -> memref<10240x128xf32, #tpu.memory_space<vmem_shared>>
        tpu.wait_indirect_dma semaphore(%run_scoped3A_153 : memref<!tpu.dma_semaphore, #tpu.memory_space<semaphore_mem>>) src(%arg10 : memref<128x128xf32, #tpu.memory_space<vmem>>) dst(%dma_wait3A_165 : memref<10240x128xf32, #tpu.memory_space<vmem_shared>>)
        tpu.yield
      }) : () -> ()
    } else {
    }
    %eq3A_20 = arith.constant 1 : i32
    %eq3A_21 = arith.cmpi eq, %arg0, %eq3A_20 : i32
    %convert_element_type3A_22 = arith.extui %eq3A_21 : i1 to i32
    %cond3A_23 = arith.constant 0 : i32
    %cond3A_24 = arith.cmpi ne, %convert_element_type3A_22, %cond3A_23 : i32
    scf.if %cond3A_24 {
      "tpu.region"() ({
        %run_scoped3A_79 = tpu.sem_alloc : memref<!tpu.dma_semaphore, #tpu.memory_space<semaphore_mem>>
        %dma_start3A_80 = arith.constant 120 : i32
        %dma_start3A_81 = arith.constant 0 : i32
        %dma_start3A_82 = tpu.memref_slice %arg3[%arg1, %dma_start3A_80, %dma_start3A_81] : memref<16x160x128xi32, #tpu.memory_space<hbm>> -> memref<1x40x128xi32, #tpu.memory_space<hbm>>
        %dma_start3A_83 = tpu.memref_squeeze %dma_start3A_82 : memref<1x40x128xi32, #tpu.memory_space<hbm>> -> memref<40x128xi32, #tpu.memory_space<hbm>>
        %dma_start3A_84 = arith.constant 120 : i32
        %dma_start3A_85 = arith.constant 0 : i32
        %dma_start3A_86 = tpu.memref_slice %arg3[%arg1, %dma_start3A_84, %dma_start3A_85] : memref<16x160x128xi32, #tpu.memory_space<hbm>> -> memref<1x40x128xi32, #tpu.memory_space<hbm>>
        %dma_start3A_87 = tpu.memref_squeeze %dma_start3A_86 : memref<1x40x128xi32, #tpu.memory_space<hbm>> -> memref<40x128xi32, #tpu.memory_space<hbm>>
        tpu.enqueue_dma source(%dma_start3A_87 : memref<40x128xi32, #tpu.memory_space<hbm>>) target(%arg7 : memref<40x128xi32, #tpu.memory_space<vmem>>) target_semaphore(%run_scoped3A_79 : memref<!tpu.dma_semaphore, #tpu.memory_space<semaphore_mem>>)
        %dma_wait3A_88 = arith.constant 120 : i32
        %dma_wait3A_89 = arith.constant 0 : i32
        %dma_wait3A_90 = tpu.memref_slice %arg3[%arg1, %dma_wait3A_88, %dma_wait3A_89] : memref<16x160x128xi32, #tpu.memory_space<hbm>> -> memref<1x40x128xi32, #tpu.memory_space<hbm>>
        %dma_wait3A_91 = tpu.memref_squeeze %dma_wait3A_90 : memref<1x40x128xi32, #tpu.memory_space<hbm>> -> memref<40x128xi32, #tpu.memory_space<hbm>>
        %dma_wait3A_92 = arith.constant 120 : i32
        %dma_wait3A_93 = arith.constant 0 : i32
        %dma_wait3A_94 = tpu.memref_slice %arg3[%arg1, %dma_wait3A_92, %dma_wait3A_93] : memref<16x160x128xi32, #tpu.memory_space<hbm>> -> memref<1x40x128xi32, #tpu.memory_space<hbm>>
        %dma_wait3A_95 = tpu.memref_squeeze %dma_wait3A_94 : memref<1x40x128xi32, #tpu.memory_space<hbm>> -> memref<40x128xi32, #tpu.memory_space<hbm>>
        tpu.wait_dma2 semaphore(%run_scoped3A_79 : memref<!tpu.dma_semaphore, #tpu.memory_space<semaphore_mem>>) src(%dma_wait3A_95 : memref<40x128xi32, #tpu.memory_space<hbm>>) dst(%arg7 : memref<40x128xi32, #tpu.memory_space<vmem>>)
        tpu.yield
      }) : () -> ()
      "tpu.region"() ({
        %run_scoped3A_79 = tpu.sem_alloc : memref<!tpu.dma_semaphore, #tpu.memory_space<semaphore_mem>>
        %dma_start3A_80 = arith.constant 120 : i32
        %dma_start3A_81 = arith.constant 0 : i32
        %dma_start3A_82 = tpu.memref_slice %arg4[%arg1, %dma_start3A_80, %dma_start3A_81] : memref<16x160x128xi32, #tpu.memory_space<hbm>> -> memref<1x40x128xi32, #tpu.memory_space<hbm>>
        %dma_start3A_83 = tpu.memref_squeeze %dma_start3A_82 : memref<1x40x128xi32, #tpu.memory_space<hbm>> -> memref<40x128xi32, #tpu.memory_space<hbm>>
        %dma_start3A_84 = arith.constant 120 : i32
        %dma_start3A_85 = arith.constant 0 : i32
        %dma_start3A_86 = tpu.memref_slice %arg4[%arg1, %dma_start3A_84, %dma_start3A_85] : memref<16x160x128xi32, #tpu.memory_space<hbm>> -> memref<1x40x128xi32, #tpu.memory_space<hbm>>
        %dma_start3A_87 = tpu.memref_squeeze %dma_start3A_86 : memref<1x40x128xi32, #tpu.memory_space<hbm>> -> memref<40x128xi32, #tpu.memory_space<hbm>>
        tpu.enqueue_dma source(%dma_start3A_87 : memref<40x128xi32, #tpu.memory_space<hbm>>) target(%arg8 : memref<40x128xi32, #tpu.memory_space<vmem>>) target_semaphore(%run_scoped3A_79 : memref<!tpu.dma_semaphore, #tpu.memory_space<semaphore_mem>>)
        %dma_wait3A_88 = arith.constant 120 : i32
        %dma_wait3A_89 = arith.constant 0 : i32
        %dma_wait3A_90 = tpu.memref_slice %arg4[%arg1, %dma_wait3A_88, %dma_wait3A_89] : memref<16x160x128xi32, #tpu.memory_space<hbm>> -> memref<1x40x128xi32, #tpu.memory_space<hbm>>
        %dma_wait3A_91 = tpu.memref_squeeze %dma_wait3A_90 : memref<1x40x128xi32, #tpu.memory_space<hbm>> -> memref<40x128xi32, #tpu.memory_space<hbm>>
        %dma_wait3A_92 = arith.constant 120 : i32
        %dma_wait3A_93 = arith.constant 0 : i32
        %dma_wait3A_94 = tpu.memref_slice %arg4[%arg1, %dma_wait3A_92, %dma_wait3A_93] : memref<16x160x128xi32, #tpu.memory_space<hbm>> -> memref<1x40x128xi32, #tpu.memory_space<hbm>>
        %dma_wait3A_95 = tpu.memref_squeeze %dma_wait3A_94 : memref<1x40x128xi32, #tpu.memory_space<hbm>> -> memref<40x128xi32, #tpu.memory_space<hbm>>
        tpu.wait_dma2 semaphore(%run_scoped3A_79 : memref<!tpu.dma_semaphore, #tpu.memory_space<semaphore_mem>>) src(%dma_wait3A_95 : memref<40x128xi32, #tpu.memory_space<hbm>>) dst(%arg8 : memref<40x128xi32, #tpu.memory_space<vmem>>)
        tpu.yield
      }) : () -> ()
      %dma_start3A = arith.constant 0 : i32
      %dma_start3A_46 = arith.constant 0 : i32
      %dma_start3A_47 = tpu.memref_slice %arg7[%dma_start3A, %dma_start3A_46] : memref<40x128xi32, #tpu.memory_space<vmem>> -> memref<1x128xi32, #tpu.memory_space<vmem>>
      %dma_start3A_48 = tpu.memref_squeeze %dma_start3A_47 : memref<1x128xi32, #tpu.memory_space<vmem>> -> memref<128xi32, #tpu.memory_space<vmem>>
      %dma_start3A_49 = arith.constant 0 : i32
      %dma_start3A_50 = arith.constant 0 : i32
      %dma_start3A_51 = tpu.memref_slice %arg2[%dma_start3A_49, %dma_start3A_50] : memref<10000x128xf32, #tpu.memory_space<hbm>> -> memref<10000x128xf32, #tpu.memory_space<hbm>>
      tpu.enqueue_indirect_dma source(%dma_start3A_51 : memref<10000x128xf32, #tpu.memory_space<hbm>>) target(%arg9 : memref<128x128xf32, #tpu.memory_space<vmem>>) offsets(%dma_start3A_48 : memref<128xi32, #tpu.memory_space<vmem>>) semaphore(%arg12 : memref<!tpu.dma_semaphore, #tpu.memory_space<semaphore_mem>>)
      %scan3A = arith.constant 0 : i32
      %scan3A_52 = arith.constant 0 : i32
      %scan3A_53 = arith.constant 19 : i32
      %scan3A_54 = arith.addi %scan3A_52, %scan3A_53 : i32
      %scan3A_55 = arith.constant 1 : i32
      %scan3A_56 = scf.for %scan3A_79 = %scan3A_52 to %scan3A_54 step %scan3A_55 iter_args(%scan3A_80 = %scan3A) -> (i32)  : i32 {
        %mul3A_81 = arith.constant 2 : i32
        %mul3A_82 = arith.muli %mul3A_81, %scan3A_79 : i32
        %add3A_83 = arith.constant 1 : i32
        %add3A_84 = arith.addi %mul3A_82, %add3A_83 : i32
        %dma_start3A_85 = arith.constant 0 : i32
        %dma_start3A_86 = tpu.memref_slice %arg7[%add3A_84, %dma_start3A_85] : memref<40x128xi32, #tpu.memory_space<vmem>> -> memref<1x128xi32, #tpu.memory_space<vmem>>
        %dma_start3A_87 = tpu.memref_squeeze %dma_start3A_86 : memref<1x128xi32, #tpu.memory_space<vmem>> -> memref<128xi32, #tpu.memory_space<vmem>>
        %dma_start3A_88 = arith.constant 0 : i32
        %dma_start3A_89 = arith.constant 0 : i32
        %dma_start3A_90 = tpu.memref_slice %arg2[%dma_start3A_88, %dma_start3A_89] : memref<10000x128xf32, #tpu.memory_space<hbm>> -> memref<10000x128xf32, #tpu.memory_space<hbm>>
        tpu.enqueue_indirect_dma source(%dma_start3A_90 : memref<10000x128xf32, #tpu.memory_space<hbm>>) target(%arg10 : memref<128x128xf32, #tpu.memory_space<vmem>>) offsets(%dma_start3A_87 : memref<128xi32, #tpu.memory_space<vmem>>) semaphore(%arg13 : memref<!tpu.dma_semaphore, #tpu.memory_space<semaphore_mem>>)
        %mul3A_91 = arith.constant 2 : i32
        %mul3A_92 = arith.muli %mul3A_91, %scan3A_79 : i32
        %dma_wait3A_93 = arith.constant 0 : i32
        %dma_wait3A_94 = tpu.memref_slice %arg7[%mul3A_92, %dma_wait3A_93] : memref<40x128xi32, #tpu.memory_space<vmem>> -> memref<1x128xi32, #tpu.memory_space<vmem>>
        %dma_wait3A_95 = tpu.memref_squeeze %dma_wait3A_94 : memref<1x128xi32, #tpu.memory_space<vmem>> -> memref<128xi32, #tpu.memory_space<vmem>>
        %dma_wait3A_96 = arith.constant 0 : i32
        %dma_wait3A_97 = arith.constant 0 : i32
        %dma_wait3A_98 = tpu.memref_slice %arg2[%dma_wait3A_96, %dma_wait3A_97] : memref<10000x128xf32, #tpu.memory_space<hbm>> -> memref<10000x128xf32, #tpu.memory_space<hbm>>
        tpu.wait_indirect_dma semaphore(%arg12 : memref<!tpu.dma_semaphore, #tpu.memory_space<semaphore_mem>>) src(%dma_wait3A_98 : memref<10000x128xf32, #tpu.memory_space<hbm>>) dst(%arg9 : memref<128x128xf32, #tpu.memory_space<vmem>>)
        %mul3A_99 = arith.constant 2 : i32
        %mul3A_100 = arith.muli %mul3A_99, %scan3A_79 : i32
        "tpu.region"() ({
          %run_scoped3A_126 = tpu.sem_alloc : memref<!tpu.dma_semaphore, #tpu.memory_space<semaphore_mem>>
          %dma_start3A_127 = arith.constant 0 : i32
          %dma_start3A_128 = tpu.memref_slice %arg8[%mul3A_100, %dma_start3A_127] : memref<40x128xi32, #tpu.memory_space<vmem>> -> memref<1x128xi32, #tpu.memory_space<vmem>>
          %dma_start3A_129 = tpu.memref_squeeze %dma_start3A_128 : memref<1x128xi32, #tpu.memory_space<vmem>> -> memref<128xi32, #tpu.memory_space<vmem>>
          %dma_start3A_130 = arith.constant 0 : i32
          %dma_start3A_131 = arith.constant 0 : i32
          %dma_start3A_132 = tpu.memref_slice %arg11[%dma_start3A_130, %dma_start3A_131] : memref<10240x128xf32, #tpu.memory_space<vmem_shared>> -> memref<10240x128xf32, #tpu.memory_space<vmem_shared>>
          tpu.enqueue_indirect_dma source(%arg9 : memref<128x128xf32, #tpu.memory_space<vmem>>) target(%dma_start3A_132 : memref<10240x128xf32, #tpu.memory_space<vmem_shared>>) offsets(%dma_start3A_129 : memref<128xi32, #tpu.memory_space<vmem>>) semaphore(%run_scoped3A_126 : memref<!tpu.dma_semaphore, #tpu.memory_space<semaphore_mem>>) {add = true}
          %dma_wait3A_133 = arith.constant 0 : i32
          %dma_wait3A_134 = tpu.memref_slice %arg8[%mul3A_100, %dma_wait3A_133] : memref<40x128xi32, #tpu.memory_space<vmem>> -> memref<1x128xi32, #tpu.memory_space<vmem>>
          %dma_wait3A_135 = tpu.memref_squeeze %dma_wait3A_134 : memref<1x128xi32, #tpu.memory_space<vmem>> -> memref<128xi32, #tpu.memory_space<vmem>>
          %dma_wait3A_136 = arith.constant 0 : i32
          %dma_wait3A_137 = arith.constant 0 : i32
          %dma_wait3A_138 = tpu.memref_slice %arg11[%dma_wait3A_136, %dma_wait3A_137] : memref<10240x128xf32, #tpu.memory_space<vmem_shared>> -> memref<10240x128xf32, #tpu.memory_space<vmem_shared>>
          tpu.wait_indirect_dma semaphore(%run_scoped3A_126 : memref<!tpu.dma_semaphore, #tpu.memory_space<semaphore_mem>>) src(%arg9 : memref<128x128xf32, #tpu.memory_space<vmem>>) dst(%dma_wait3A_138 : memref<10240x128xf32, #tpu.memory_space<vmem_shared>>)
          tpu.yield
        }) : () -> ()
        %mul3A_101 = arith.constant 2 : i32
        %mul3A_102 = arith.muli %mul3A_101, %scan3A_79 : i32
        %add3A_103 = arith.constant 2 : i32
        %add3A_104 = arith.addi %mul3A_102, %add3A_103 : i32
        %dma_start3A_105 = arith.constant 0 : i32
        %dma_start3A_106 = tpu.memref_slice %arg7[%add3A_104, %dma_start3A_105] : memref<40x128xi32, #tpu.memory_space<vmem>> -> memref<1x128xi32, #tpu.memory_space<vmem>>
        %dma_start3A_107 = tpu.memref_squeeze %dma_start3A_106 : memref<1x128xi32, #tpu.memory_space<vmem>> -> memref<128xi32, #tpu.memory_space<vmem>>
        %dma_start3A_108 = arith.constant 0 : i32
        %dma_start3A_109 = arith.constant 0 : i32
        %dma_start3A_110 = tpu.memref_slice %arg2[%dma_start3A_108, %dma_start3A_109] : memref<10000x128xf32, #tpu.memory_space<hbm>> -> memref<10000x128xf32, #tpu.memory_space<hbm>>
        tpu.enqueue_indirect_dma source(%dma_start3A_110 : memref<10000x128xf32, #tpu.memory_space<hbm>>) target(%arg9 : memref<128x128xf32, #tpu.memory_space<vmem>>) offsets(%dma_start3A_107 : memref<128xi32, #tpu.memory_space<vmem>>) semaphore(%arg12 : memref<!tpu.dma_semaphore, #tpu.memory_space<semaphore_mem>>)
        %mul3A_111 = arith.constant 2 : i32
        %mul3A_112 = arith.muli %mul3A_111, %scan3A_79 : i32
        %add3A_113 = arith.constant 1 : i32
        %add3A_114 = arith.addi %mul3A_112, %add3A_113 : i32
        %dma_wait3A_115 = arith.constant 0 : i32
        %dma_wait3A_116 = tpu.memref_slice %arg7[%add3A_114, %dma_wait3A_115] : memref<40x128xi32, #tpu.memory_space<vmem>> -> memref<1x128xi32, #tpu.memory_space<vmem>>
        %dma_wait3A_117 = tpu.memref_squeeze %dma_wait3A_116 : memref<1x128xi32, #tpu.memory_space<vmem>> -> memref<128xi32, #tpu.memory_space<vmem>>
        %dma_wait3A_118 = arith.constant 0 : i32
        %dma_wait3A_119 = arith.constant 0 : i32
        %dma_wait3A_120 = tpu.memref_slice %arg2[%dma_wait3A_118, %dma_wait3A_119] : memref<10000x128xf32, #tpu.memory_space<hbm>> -> memref<10000x128xf32, #tpu.memory_space<hbm>>
        tpu.wait_indirect_dma semaphore(%arg13 : memref<!tpu.dma_semaphore, #tpu.memory_space<semaphore_mem>>) src(%dma_wait3A_120 : memref<10000x128xf32, #tpu.memory_space<hbm>>) dst(%arg10 : memref<128x128xf32, #tpu.memory_space<vmem>>)
        %mul3A_121 = arith.constant 2 : i32
        %mul3A_122 = arith.muli %mul3A_121, %scan3A_79 : i32
        %add3A_123 = arith.constant 1 : i32
        %add3A_124 = arith.addi %mul3A_122, %add3A_123 : i32
        "tpu.region"() ({
          %run_scoped3A_126 = tpu.sem_alloc : memref<!tpu.dma_semaphore, #tpu.memory_space<semaphore_mem>>
          %dma_start3A_127 = arith.constant 0 : i32
          %dma_start3A_128 = tpu.memref_slice %arg8[%add3A_124, %dma_start3A_127] : memref<40x128xi32, #tpu.memory_space<vmem>> -> memref<1x128xi32, #tpu.memory_space<vmem>>
          %dma_start3A_129 = tpu.memref_squeeze %dma_start3A_128 : memref<1x128xi32, #tpu.memory_space<vmem>> -> memref<128xi32, #tpu.memory_space<vmem>>
          %dma_start3A_130 = arith.constant 0 : i32
          %dma_start3A_131 = arith.constant 0 : i32
          %dma_start3A_132 = tpu.memref_slice %arg11[%dma_start3A_130, %dma_start3A_131] : memref<10240x128xf32, #tpu.memory_space<vmem_shared>> -> memref<10240x128xf32, #tpu.memory_space<vmem_shared>>
          tpu.enqueue_indirect_dma source(%arg10 : memref<128x128xf32, #tpu.memory_space<vmem>>) target(%dma_start3A_132 : memref<10240x128xf32, #tpu.memory_space<vmem_shared>>) offsets(%dma_start3A_129 : memref<128xi32, #tpu.memory_space<vmem>>) semaphore(%run_scoped3A_126 : memref<!tpu.dma_semaphore, #tpu.memory_space<semaphore_mem>>) {add = true}
          %dma_wait3A_133 = arith.constant 0 : i32
          %dma_wait3A_134 = tpu.memref_slice %arg8[%add3A_124, %dma_wait3A_133] : memref<40x128xi32, #tpu.memory_space<vmem>> -> memref<1x128xi32, #tpu.memory_space<vmem>>
          %dma_wait3A_135 = tpu.memref_squeeze %dma_wait3A_134 : memref<1x128xi32, #tpu.memory_space<vmem>> -> memref<128xi32, #tpu.memory_space<vmem>>
          %dma_wait3A_136 = arith.constant 0 : i32
          %dma_wait3A_137 = arith.constant 0 : i32
          %dma_wait3A_138 = tpu.memref_slice %arg11[%dma_wait3A_136, %dma_wait3A_137] : memref<10240x128xf32, #tpu.memory_space<vmem_shared>> -> memref<10240x128xf32, #tpu.memory_space<vmem_shared>>
          tpu.wait_indirect_dma semaphore(%run_scoped3A_126 : memref<!tpu.dma_semaphore, #tpu.memory_space<semaphore_mem>>) src(%arg10 : memref<128x128xf32, #tpu.memory_space<vmem>>) dst(%dma_wait3A_138 : memref<10240x128xf32, #tpu.memory_space<vmem_shared>>)
          tpu.yield
        }) : () -> ()
        %scan3A_125 = arith.constant 0 : i32
        scf.yield %scan3A_125 : i32
      }
      %scan3A_57 = arith.constant 19 : i32
      %dma_start3A_58 = arith.constant 39 : i32
      %dma_start3A_59 = arith.constant 0 : i32
      %dma_start3A_60 = tpu.memref_slice %arg7[%dma_start3A_58, %dma_start3A_59] : memref<40x128xi32, #tpu.memory_space<vmem>> -> memref<1x128xi32, #tpu.memory_space<vmem>>
      %dma_start3A_61 = tpu.memref_squeeze %dma_start3A_60 : memref<1x128xi32, #tpu.memory_space<vmem>> -> memref<128xi32, #tpu.memory_space<vmem>>
      %dma_start3A_62 = arith.constant 0 : i32
      %dma_start3A_63 = arith.constant 0 : i32
      %dma_start3A_64 = tpu.memref_slice %arg2[%dma_start3A_62, %dma_start3A_63] : memref<10000x128xf32, #tpu.memory_space<hbm>> -> memref<10000x128xf32, #tpu.memory_space<hbm>>
      tpu.enqueue_indirect_dma source(%dma_start3A_64 : memref<10000x128xf32, #tpu.memory_space<hbm>>) target(%arg10 : memref<128x128xf32, #tpu.memory_space<vmem>>) offsets(%dma_start3A_61 : memref<128xi32, #tpu.memory_space<vmem>>) semaphore(%arg13 : memref<!tpu.dma_semaphore, #tpu.memory_space<semaphore_mem>>)
      %dma_wait3A = arith.constant 38 : i32
      %dma_wait3A_65 = arith.constant 0 : i32
      %dma_wait3A_66 = tpu.memref_slice %arg7[%dma_wait3A, %dma_wait3A_65] : memref<40x128xi32, #tpu.memory_space<vmem>> -> memref<1x128xi32, #tpu.memory_space<vmem>>
      %dma_wait3A_67 = tpu.memref_squeeze %dma_wait3A_66 : memref<1x128xi32, #tpu.memory_space<vmem>> -> memref<128xi32, #tpu.memory_space<vmem>>
      %dma_wait3A_68 = arith.constant 0 : i32
      %dma_wait3A_69 = arith.constant 0 : i32
      %dma_wait3A_70 = tpu.memref_slice %arg2[%dma_wait3A_68, %dma_wait3A_69] : memref<10000x128xf32, #tpu.memory_space<hbm>> -> memref<10000x128xf32, #tpu.memory_space<hbm>>
      tpu.wait_indirect_dma semaphore(%arg12 : memref<!tpu.dma_semaphore, #tpu.memory_space<semaphore_mem>>) src(%dma_wait3A_70 : memref<10000x128xf32, #tpu.memory_space<hbm>>) dst(%arg9 : memref<128x128xf32, #tpu.memory_space<vmem>>)
      %run_scoped3A = arith.constant 38 : i32
      "tpu.region"() ({
        %run_scoped3A_79 = tpu.sem_alloc : memref<!tpu.dma_semaphore, #tpu.memory_space<semaphore_mem>>
        %dma_start3A_80 = arith.constant 0 : i32
        %dma_start3A_81 = tpu.memref_slice %arg8[%run_scoped3A, %dma_start3A_80] : memref<40x128xi32, #tpu.memory_space<vmem>> -> memref<1x128xi32, #tpu.memory_space<vmem>>
        %dma_start3A_82 = tpu.memref_squeeze %dma_start3A_81 : memref<1x128xi32, #tpu.memory_space<vmem>> -> memref<128xi32, #tpu.memory_space<vmem>>
        %dma_start3A_83 = arith.constant 0 : i32
        %dma_start3A_84 = arith.constant 0 : i32
        %dma_start3A_85 = tpu.memref_slice %arg11[%dma_start3A_83, %dma_start3A_84] : memref<10240x128xf32, #tpu.memory_space<vmem_shared>> -> memref<10240x128xf32, #tpu.memory_space<vmem_shared>>
        tpu.enqueue_indirect_dma source(%arg9 : memref<128x128xf32, #tpu.memory_space<vmem>>) target(%dma_start3A_85 : memref<10240x128xf32, #tpu.memory_space<vmem_shared>>) offsets(%dma_start3A_82 : memref<128xi32, #tpu.memory_space<vmem>>) semaphore(%run_scoped3A_79 : memref<!tpu.dma_semaphore, #tpu.memory_space<semaphore_mem>>) {add = true}
        %dma_wait3A_86 = arith.constant 0 : i32
        %dma_wait3A_87 = tpu.memref_slice %arg8[%run_scoped3A, %dma_wait3A_86] : memref<40x128xi32, #tpu.memory_space<vmem>> -> memref<1x128xi32, #tpu.memory_space<vmem>>
        %dma_wait3A_88 = tpu.memref_squeeze %dma_wait3A_87 : memref<1x128xi32, #tpu.memory_space<vmem>> -> memref<128xi32, #tpu.memory_space<vmem>>
        %dma_wait3A_89 = arith.constant 0 : i32
        %dma_wait3A_90 = arith.constant 0 : i32
        %dma_wait3A_91 = tpu.memref_slice %arg11[%dma_wait3A_89, %dma_wait3A_90] : memref<10240x128xf32, #tpu.memory_space<vmem_shared>> -> memref<10240x128xf32, #tpu.memory_space<vmem_shared>>
        tpu.wait_indirect_dma semaphore(%run_scoped3A_79 : memref<!tpu.dma_semaphore, #tpu.memory_space<semaphore_mem>>) src(%arg9 : memref<128x128xf32, #tpu.memory_space<vmem>>) dst(%dma_wait3A_91 : memref<10240x128xf32, #tpu.memory_space<vmem_shared>>)
        tpu.yield
      }) : () -> ()
      %dma_wait3A_71 = arith.constant 39 : i32
      %dma_wait3A_72 = arith.constant 0 : i32
      %dma_wait3A_73 = tpu.memref_slice %arg7[%dma_wait3A_71, %dma_wait3A_72] : memref<40x128xi32, #tpu.memory_space<vmem>> -> memref<1x128xi32, #tpu.memory_space<vmem>>
      %dma_wait3A_74 = tpu.memref_squeeze %dma_wait3A_73 : memref<1x128xi32, #tpu.memory_space<vmem>> -> memref<128xi32, #tpu.memory_space<vmem>>
      %dma_wait3A_75 = arith.constant 0 : i32
      %dma_wait3A_76 = arith.constant 0 : i32
      %dma_wait3A_77 = tpu.memref_slice %arg2[%dma_wait3A_75, %dma_wait3A_76] : memref<10000x128xf32, #tpu.memory_space<hbm>> -> memref<10000x128xf32, #tpu.memory_space<hbm>>
      tpu.wait_indirect_dma semaphore(%arg13 : memref<!tpu.dma_semaphore, #tpu.memory_space<semaphore_mem>>) src(%dma_wait3A_77 : memref<10000x128xf32, #tpu.memory_space<hbm>>) dst(%arg10 : memref<128x128xf32, #tpu.memory_space<vmem>>)
      %run_scoped3A_78 = arith.constant 39 : i32
      "tpu.region"() ({
        %run_scoped3A_79 = tpu.sem_alloc : memref<!tpu.dma_semaphore, #tpu.memory_space<semaphore_mem>>
        %dma_start3A_80 = arith.constant 0 : i32
        %dma_start3A_81 = tpu.memref_slice %arg8[%run_scoped3A_78, %dma_start3A_80] : memref<40x128xi32, #tpu.memory_space<vmem>> -> memref<1x128xi32, #tpu.memory_space<vmem>>
        %dma_start3A_82 = tpu.memref_squeeze %dma_start3A_81 : memref<1x128xi32, #tpu.memory_space<vmem>> -> memref<128xi32, #tpu.memory_space<vmem>>
        %dma_start3A_83 = arith.constant 0 : i32
        %dma_start3A_84 = arith.constant 0 : i32
        %dma_start3A_85 = tpu.memref_slice %arg11[%dma_start3A_83, %dma_start3A_84] : memref<10240x128xf32, #tpu.memory_space<vmem_shared>> -> memref<10240x128xf32, #tpu.memory_space<vmem_shared>>
        tpu.enqueue_indirect_dma source(%arg10 : memref<128x128xf32, #tpu.memory_space<vmem>>) target(%dma_start3A_85 : memref<10240x128xf32, #tpu.memory_space<vmem_shared>>) offsets(%dma_start3A_82 : memref<128xi32, #tpu.memory_space<vmem>>) semaphore(%run_scoped3A_79 : memref<!tpu.dma_semaphore, #tpu.memory_space<semaphore_mem>>) {add = true}
        %dma_wait3A_86 = arith.constant 0 : i32
        %dma_wait3A_87 = tpu.memref_slice %arg8[%run_scoped3A_78, %dma_wait3A_86] : memref<40x128xi32, #tpu.memory_space<vmem>> -> memref<1x128xi32, #tpu.memory_space<vmem>>
        %dma_wait3A_88 = tpu.memref_squeeze %dma_wait3A_87 : memref<1x128xi32, #tpu.memory_space<vmem>> -> memref<128xi32, #tpu.memory_space<vmem>>
        %dma_wait3A_89 = arith.constant 0 : i32
        %dma_wait3A_90 = arith.constant 0 : i32
        %dma_wait3A_91 = tpu.memref_slice %arg11[%dma_wait3A_89, %dma_wait3A_90] : memref<10240x128xf32, #tpu.memory_space<vmem_shared>> -> memref<10240x128xf32, #tpu.memory_space<vmem_shared>>
        tpu.wait_indirect_dma semaphore(%run_scoped3A_79 : memref<!tpu.dma_semaphore, #tpu.memory_space<semaphore_mem>>) src(%arg10 : memref<128x128xf32, #tpu.memory_space<vmem>>) dst(%dma_wait3A_91 : memref<10240x128xf32, #tpu.memory_space<vmem_shared>>)
        tpu.yield
      }) : () -> ()
    } else {
    }
    %barrier3A_25 = arith.constant 0 : index
    tpu.barrier barrier_id(%barrier3A_25)
    %mul3A_26 = arith.constant 640 : i32
    %mul3A_27 = arith.muli %arg1, %mul3A_26 : i32
    %add3A_28 = arith.constant 0 : i32
    %add3A_29 = arith.addi %mul3A_27, %add3A_28 : i32
    "tpu.region"() ({
      %run_scoped3A = tpu.sem_alloc : memref<!tpu.dma_semaphore, #tpu.memory_space<semaphore_mem>>
      %dma_start3A = arith.constant 0 : i32
      %dma_start3A_46 = tpu.memref_slice %arg11[%add3A_29, %dma_start3A] : memref<10240x128xf32, #tpu.memory_space<vmem_shared>> -> memref<128x128xf32, #tpu.memory_space<vmem_shared>>
      %dma_start3A_47 = arith.constant 0 : i32
      %dma_start3A_48 = tpu.memref_slice %arg11[%add3A_29, %dma_start3A_47] : memref<10240x128xf32, #tpu.memory_space<vmem_shared>> -> memref<128x128xf32, #tpu.memory_space<vmem_shared>>
      tpu.enqueue_dma source(%dma_start3A_48 : memref<128x128xf32, #tpu.memory_space<vmem_shared>>) target(%arg9 : memref<128x128xf32, #tpu.memory_space<vmem>>) target_semaphore(%run_scoped3A : memref<!tpu.dma_semaphore, #tpu.memory_space<semaphore_mem>>)
      %dma_wait3A = arith.constant 0 : i32
      %dma_wait3A_49 = tpu.memref_slice %arg11[%add3A_29, %dma_wait3A] : memref<10240x128xf32, #tpu.memory_space<vmem_shared>> -> memref<128x128xf32, #tpu.memory_space<vmem_shared>>
      %dma_wait3A_50 = arith.constant 0 : i32
      %dma_wait3A_51 = tpu.memref_slice %arg11[%add3A_29, %dma_wait3A_50] : memref<10240x128xf32, #tpu.memory_space<vmem_shared>> -> memref<128x128xf32, #tpu.memory_space<vmem_shared>>
      tpu.wait_dma2 semaphore(%run_scoped3A : memref<!tpu.dma_semaphore, #tpu.memory_space<semaphore_mem>>) src(%dma_wait3A_51 : memref<128x128xf32, #tpu.memory_space<vmem_shared>>) dst(%arg9 : memref<128x128xf32, #tpu.memory_space<vmem>>)
      tpu.yield
    }) : () -> ()
    "tpu.region"() ({
      %run_scoped3A = tpu.sem_alloc : memref<!tpu.dma_semaphore, #tpu.memory_space<semaphore_mem>>
      %dma_start3A = arith.constant 0 : i32
      %dma_start3A_46 = tpu.memref_slice %arg6[%arg0, %add3A_29, %dma_start3A] : memref<2x10240x128xf32, #tpu.memory_space<hbm>> -> memref<1x128x128xf32, #tpu.memory_space<hbm>>
      %dma_start3A_47 = tpu.memref_squeeze %dma_start3A_46 : memref<1x128x128xf32, #tpu.memory_space<hbm>> -> memref<128x128xf32, #tpu.memory_space<hbm>>
      %dma_start3A_48 = arith.constant 0 : i32
      %dma_start3A_49 = tpu.memref_slice %arg6[%arg0, %add3A_29, %dma_start3A_48] : memref<2x10240x128xf32, #tpu.memory_space<hbm>> -> memref<1x128x128xf32, #tpu.memory_space<hbm>>
      %dma_start3A_50 = tpu.memref_squeeze %dma_start3A_49 : memref<1x128x128xf32, #tpu.memory_space<hbm>> -> memref<128x128xf32, #tpu.memory_space<hbm>>
      tpu.enqueue_dma source(%arg9 : memref<128x128xf32, #tpu.memory_space<vmem>>) target(%dma_start3A_50 : memref<128x128xf32, #tpu.memory_space<hbm>>) target_semaphore(%run_scoped3A : memref<!tpu.dma_semaphore, #tpu.memory_space<semaphore_mem>>)
      %dma_wait3A = arith.constant 0 : i32
      %dma_wait3A_51 = tpu.memref_slice %arg6[%arg0, %add3A_29, %dma_wait3A] : memref<2x10240x128xf32, #tpu.memory_space<hbm>> -> memref<1x128x128xf32, #tpu.memory_space<hbm>>
      %dma_wait3A_52 = tpu.memref_squeeze %dma_wait3A_51 : memref<1x128x128xf32, #tpu.memory_space<hbm>> -> memref<128x128xf32, #tpu.memory_space<hbm>>
      %dma_wait3A_53 = arith.constant 0 : i32
      %dma_wait3A_54 = tpu.memref_slice %arg6[%arg0, %add3A_29, %dma_wait3A_53] : memref<2x10240x128xf32, #tpu.memory_space<hbm>> -> memref<1x128x128xf32, #tpu.memory_space<hbm>>
      %dma_wait3A_55 = tpu.memref_squeeze %dma_wait3A_54 : memref<1x128x128xf32, #tpu.memory_space<hbm>> -> memref<128x128xf32, #tpu.memory_space<hbm>>
      tpu.wait_dma2 semaphore(%run_scoped3A : memref<!tpu.dma_semaphore, #tpu.memory_space<semaphore_mem>>) src(%arg9 : memref<128x128xf32, #tpu.memory_space<vmem>>) dst(%dma_wait3A_55 : memref<128x128xf32, #tpu.memory_space<hbm>>)
      tpu.yield
    }) : () -> ()
    %mul3A_30 = arith.constant 640 : i32
    %mul3A_31 = arith.muli %arg1, %mul3A_30 : i32
    %add3A_32 = arith.constant 128 : i32
    %add3A_33 = arith.addi %mul3A_31, %add3A_32 : i32
    "tpu.region"() ({
      %run_scoped3A = tpu.sem_alloc : memref<!tpu.dma_semaphore, #tpu.memory_space<semaphore_mem>>
      %dma_start3A = arith.constant 0 : i32
      %dma_start3A_46 = tpu.memref_slice %arg11[%add3A_33, %dma_start3A] : memref<10240x128xf32, #tpu.memory_space<vmem_shared>> -> memref<128x128xf32, #tpu.memory_space<vmem_shared>>
      %dma_start3A_47 = arith.constant 0 : i32
      %dma_start3A_48 = tpu.memref_slice %arg11[%add3A_33, %dma_start3A_47] : memref<10240x128xf32, #tpu.memory_space<vmem_shared>> -> memref<128x128xf32, #tpu.memory_space<vmem_shared>>
      tpu.enqueue_dma source(%dma_start3A_48 : memref<128x128xf32, #tpu.memory_space<vmem_shared>>) target(%arg9 : memref<128x128xf32, #tpu.memory_space<vmem>>) target_semaphore(%run_scoped3A : memref<!tpu.dma_semaphore, #tpu.memory_space<semaphore_mem>>)
      %dma_wait3A = arith.constant 0 : i32
      %dma_wait3A_49 = tpu.memref_slice %arg11[%add3A_33, %dma_wait3A] : memref<10240x128xf32, #tpu.memory_space<vmem_shared>> -> memref<128x128xf32, #tpu.memory_space<vmem_shared>>
      %dma_wait3A_50 = arith.constant 0 : i32
      %dma_wait3A_51 = tpu.memref_slice %arg11[%add3A_33, %dma_wait3A_50] : memref<10240x128xf32, #tpu.memory_space<vmem_shared>> -> memref<128x128xf32, #tpu.memory_space<vmem_shared>>
      tpu.wait_dma2 semaphore(%run_scoped3A : memref<!tpu.dma_semaphore, #tpu.memory_space<semaphore_mem>>) src(%dma_wait3A_51 : memref<128x128xf32, #tpu.memory_space<vmem_shared>>) dst(%arg9 : memref<128x128xf32, #tpu.memory_space<vmem>>)
      tpu.yield
    }) : () -> ()
    "tpu.region"() ({
      %run_scoped3A = tpu.sem_alloc : memref<!tpu.dma_semaphore, #tpu.memory_space<semaphore_mem>>
      %dma_start3A = arith.constant 0 : i32
      %dma_start3A_46 = tpu.memref_slice %arg6[%arg0, %add3A_33, %dma_start3A] : memref<2x10240x128xf32, #tpu.memory_space<hbm>> -> memref<1x128x128xf32, #tpu.memory_space<hbm>>
      %dma_start3A_47 = tpu.memref_squeeze %dma_start3A_46 : memref<1x128x128xf32, #tpu.memory_space<hbm>> -> memref<128x128xf32, #tpu.memory_space<hbm>>
      %dma_start3A_48 = arith.constant 0 : i32
      %dma_start3A_49 = tpu.memref_slice %arg6[%arg0, %add3A_33, %dma_start3A_48] : memref<2x10240x128xf32, #tpu.memory_space<hbm>> -> memref<1x128x128xf32, #tpu.memory_space<hbm>>
      %dma_start3A_50 = tpu.memref_squeeze %dma_start3A_49 : memref<1x128x128xf32, #tpu.memory_space<hbm>> -> memref<128x128xf32, #tpu.memory_space<hbm>>
      tpu.enqueue_dma source(%arg9 : memref<128x128xf32, #tpu.memory_space<vmem>>) target(%dma_start3A_50 : memref<128x128xf32, #tpu.memory_space<hbm>>) target_semaphore(%run_scoped3A : memref<!tpu.dma_semaphore, #tpu.memory_space<semaphore_mem>>)
      %dma_wait3A = arith.constant 0 : i32
      %dma_wait3A_51 = tpu.memref_slice %arg6[%arg0, %add3A_33, %dma_wait3A] : memref<2x10240x128xf32, #tpu.memory_space<hbm>> -> memref<1x128x128xf32, #tpu.memory_space<hbm>>
      %dma_wait3A_52 = tpu.memref_squeeze %dma_wait3A_51 : memref<1x128x128xf32, #tpu.memory_space<hbm>> -> memref<128x128xf32, #tpu.memory_space<hbm>>
      %dma_wait3A_53 = arith.constant 0 : i32
      %dma_wait3A_54 = tpu.memref_slice %arg6[%arg0, %add3A_33, %dma_wait3A_53] : memref<2x10240x128xf32, #tpu.memory_space<hbm>> -> memref<1x128x128xf32, #tpu.memory_space<hbm>>
      %dma_wait3A_55 = tpu.memref_squeeze %dma_wait3A_54 : memref<1x128x128xf32, #tpu.memory_space<hbm>> -> memref<128x128xf32, #tpu.memory_space<hbm>>
      tpu.wait_dma2 semaphore(%run_scoped3A : memref<!tpu.dma_semaphore, #tpu.memory_space<semaphore_mem>>) src(%arg9 : memref<128x128xf32, #tpu.memory_space<vmem>>) dst(%dma_wait3A_55 : memref<128x128xf32, #tpu.memory_space<hbm>>)
      tpu.yield
    }) : () -> ()
    %mul3A_34 = arith.constant 640 : i32
    %mul3A_35 = arith.muli %arg1, %mul3A_34 : i32
    %add3A_36 = arith.constant 256 : i32
    %add3A_37 = arith.addi %mul3A_35, %add3A_36 : i32
    "tpu.region"() ({
      %run_scoped3A = tpu.sem_alloc : memref<!tpu.dma_semaphore, #tpu.memory_space<semaphore_mem>>
      %dma_start3A = arith.constant 0 : i32
      %dma_start3A_46 = tpu.memref_slice %arg11[%add3A_37, %dma_start3A] : memref<10240x128xf32, #tpu.memory_space<vmem_shared>> -> memref<128x128xf32, #tpu.memory_space<vmem_shared>>
      %dma_start3A_47 = arith.constant 0 : i32
      %dma_start3A_48 = tpu.memref_slice %arg11[%add3A_37, %dma_start3A_47] : memref<10240x128xf32, #tpu.memory_space<vmem_shared>> -> memref<128x128xf32, #tpu.memory_space<vmem_shared>>
      tpu.enqueue_dma source(%dma_start3A_48 : memref<128x128xf32, #tpu.memory_space<vmem_shared>>) target(%arg9 : memref<128x128xf32, #tpu.memory_space<vmem>>) target_semaphore(%run_scoped3A : memref<!tpu.dma_semaphore, #tpu.memory_space<semaphore_mem>>)
      %dma_wait3A = arith.constant 0 : i32
      %dma_wait3A_49 = tpu.memref_slice %arg11[%add3A_37, %dma_wait3A] : memref<10240x128xf32, #tpu.memory_space<vmem_shared>> -> memref<128x128xf32, #tpu.memory_space<vmem_shared>>
      %dma_wait3A_50 = arith.constant 0 : i32
      %dma_wait3A_51 = tpu.memref_slice %arg11[%add3A_37, %dma_wait3A_50] : memref<10240x128xf32, #tpu.memory_space<vmem_shared>> -> memref<128x128xf32, #tpu.memory_space<vmem_shared>>
      tpu.wait_dma2 semaphore(%run_scoped3A : memref<!tpu.dma_semaphore, #tpu.memory_space<semaphore_mem>>) src(%dma_wait3A_51 : memref<128x128xf32, #tpu.memory_space<vmem_shared>>) dst(%arg9 : memref<128x128xf32, #tpu.memory_space<vmem>>)
      tpu.yield
    }) : () -> ()
    "tpu.region"() ({
      %run_scoped3A = tpu.sem_alloc : memref<!tpu.dma_semaphore, #tpu.memory_space<semaphore_mem>>
      %dma_start3A = arith.constant 0 : i32
      %dma_start3A_46 = tpu.memref_slice %arg6[%arg0, %add3A_37, %dma_start3A] : memref<2x10240x128xf32, #tpu.memory_space<hbm>> -> memref<1x128x128xf32, #tpu.memory_space<hbm>>
      %dma_start3A_47 = tpu.memref_squeeze %dma_start3A_46 : memref<1x128x128xf32, #tpu.memory_space<hbm>> -> memref<128x128xf32, #tpu.memory_space<hbm>>
      %dma_start3A_48 = arith.constant 0 : i32
      %dma_start3A_49 = tpu.memref_slice %arg6[%arg0, %add3A_37, %dma_start3A_48] : memref<2x10240x128xf32, #tpu.memory_space<hbm>> -> memref<1x128x128xf32, #tpu.memory_space<hbm>>
      %dma_start3A_50 = tpu.memref_squeeze %dma_start3A_49 : memref<1x128x128xf32, #tpu.memory_space<hbm>> -> memref<128x128xf32, #tpu.memory_space<hbm>>
      tpu.enqueue_dma source(%arg9 : memref<128x128xf32, #tpu.memory_space<vmem>>) target(%dma_start3A_50 : memref<128x128xf32, #tpu.memory_space<hbm>>) target_semaphore(%run_scoped3A : memref<!tpu.dma_semaphore, #tpu.memory_space<semaphore_mem>>)
      %dma_wait3A = arith.constant 0 : i32
      %dma_wait3A_51 = tpu.memref_slice %arg6[%arg0, %add3A_37, %dma_wait3A] : memref<2x10240x128xf32, #tpu.memory_space<hbm>> -> memref<1x128x128xf32, #tpu.memory_space<hbm>>
      %dma_wait3A_52 = tpu.memref_squeeze %dma_wait3A_51 : memref<1x128x128xf32, #tpu.memory_space<hbm>> -> memref<128x128xf32, #tpu.memory_space<hbm>>
      %dma_wait3A_53 = arith.constant 0 : i32
      %dma_wait3A_54 = tpu.memref_slice %arg6[%arg0, %add3A_37, %dma_wait3A_53] : memref<2x10240x128xf32, #tpu.memory_space<hbm>> -> memref<1x128x128xf32, #tpu.memory_space<hbm>>
      %dma_wait3A_55 = tpu.memref_squeeze %dma_wait3A_54 : memref<1x128x128xf32, #tpu.memory_space<hbm>> -> memref<128x128xf32, #tpu.memory_space<hbm>>
      tpu.wait_dma2 semaphore(%run_scoped3A : memref<!tpu.dma_semaphore, #tpu.memory_space<semaphore_mem>>) src(%arg9 : memref<128x128xf32, #tpu.memory_space<vmem>>) dst(%dma_wait3A_55 : memref<128x128xf32, #tpu.memory_space<hbm>>)
      tpu.yield
    }) : () -> ()
    %mul3A_38 = arith.constant 640 : i32
    %mul3A_39 = arith.muli %arg1, %mul3A_38 : i32
    %add3A_40 = arith.constant 384 : i32
    %add3A_41 = arith.addi %mul3A_39, %add3A_40 : i32
    "tpu.region"() ({
      %run_scoped3A = tpu.sem_alloc : memref<!tpu.dma_semaphore, #tpu.memory_space<semaphore_mem>>
      %dma_start3A = arith.constant 0 : i32
      %dma_start3A_46 = tpu.memref_slice %arg11[%add3A_41, %dma_start3A] : memref<10240x128xf32, #tpu.memory_space<vmem_shared>> -> memref<128x128xf32, #tpu.memory_space<vmem_shared>>
      %dma_start3A_47 = arith.constant 0 : i32
      %dma_start3A_48 = tpu.memref_slice %arg11[%add3A_41, %dma_start3A_47] : memref<10240x128xf32, #tpu.memory_space<vmem_shared>> -> memref<128x128xf32, #tpu.memory_space<vmem_shared>>
      tpu.enqueue_dma source(%dma_start3A_48 : memref<128x128xf32, #tpu.memory_space<vmem_shared>>) target(%arg9 : memref<128x128xf32, #tpu.memory_space<vmem>>) target_semaphore(%run_scoped3A : memref<!tpu.dma_semaphore, #tpu.memory_space<semaphore_mem>>)
      %dma_wait3A = arith.constant 0 : i32
      %dma_wait3A_49 = tpu.memref_slice %arg11[%add3A_41, %dma_wait3A] : memref<10240x128xf32, #tpu.memory_space<vmem_shared>> -> memref<128x128xf32, #tpu.memory_space<vmem_shared>>
      %dma_wait3A_50 = arith.constant 0 : i32
      %dma_wait3A_51 = tpu.memref_slice %arg11[%add3A_41, %dma_wait3A_50] : memref<10240x128xf32, #tpu.memory_space<vmem_shared>> -> memref<128x128xf32, #tpu.memory_space<vmem_shared>>
      tpu.wait_dma2 semaphore(%run_scoped3A : memref<!tpu.dma_semaphore, #tpu.memory_space<semaphore_mem>>) src(%dma_wait3A_51 : memref<128x128xf32, #tpu.memory_space<vmem_shared>>) dst(%arg9 : memref<128x128xf32, #tpu.memory_space<vmem>>)
      tpu.yield
    }) : () -> ()
    "tpu.region"() ({
      %run_scoped3A = tpu.sem_alloc : memref<!tpu.dma_semaphore, #tpu.memory_space<semaphore_mem>>
      %dma_start3A = arith.constant 0 : i32
      %dma_start3A_46 = tpu.memref_slice %arg6[%arg0, %add3A_41, %dma_start3A] : memref<2x10240x128xf32, #tpu.memory_space<hbm>> -> memref<1x128x128xf32, #tpu.memory_space<hbm>>
      %dma_start3A_47 = tpu.memref_squeeze %dma_start3A_46 : memref<1x128x128xf32, #tpu.memory_space<hbm>> -> memref<128x128xf32, #tpu.memory_space<hbm>>
      %dma_start3A_48 = arith.constant 0 : i32
      %dma_start3A_49 = tpu.memref_slice %arg6[%arg0, %add3A_41, %dma_start3A_48] : memref<2x10240x128xf32, #tpu.memory_space<hbm>> -> memref<1x128x128xf32, #tpu.memory_space<hbm>>
      %dma_start3A_50 = tpu.memref_squeeze %dma_start3A_49 : memref<1x128x128xf32, #tpu.memory_space<hbm>> -> memref<128x128xf32, #tpu.memory_space<hbm>>
      tpu.enqueue_dma source(%arg9 : memref<128x128xf32, #tpu.memory_space<vmem>>) target(%dma_start3A_50 : memref<128x128xf32, #tpu.memory_space<hbm>>) target_semaphore(%run_scoped3A : memref<!tpu.dma_semaphore, #tpu.memory_space<semaphore_mem>>)
      %dma_wait3A = arith.constant 0 : i32
      %dma_wait3A_51 = tpu.memref_slice %arg6[%arg0, %add3A_41, %dma_wait3A] : memref<2x10240x128xf32, #tpu.memory_space<hbm>> -> memref<1x128x128xf32, #tpu.memory_space<hbm>>
      %dma_wait3A_52 = tpu.memref_squeeze %dma_wait3A_51 : memref<1x128x128xf32, #tpu.memory_space<hbm>> -> memref<128x128xf32, #tpu.memory_space<hbm>>
      %dma_wait3A_53 = arith.constant 0 : i32
      %dma_wait3A_54 = tpu.memref_slice %arg6[%arg0, %add3A_41, %dma_wait3A_53] : memref<2x10240x128xf32, #tpu.memory_space<hbm>> -> memref<1x128x128xf32, #tpu.memory_space<hbm>>
      %dma_wait3A_55 = tpu.memref_squeeze %dma_wait3A_54 : memref<1x128x128xf32, #tpu.memory_space<hbm>> -> memref<128x128xf32, #tpu.memory_space<hbm>>
      tpu.wait_dma2 semaphore(%run_scoped3A : memref<!tpu.dma_semaphore, #tpu.memory_space<semaphore_mem>>) src(%arg9 : memref<128x128xf32, #tpu.memory_space<vmem>>) dst(%dma_wait3A_55 : memref<128x128xf32, #tpu.memory_space<hbm>>)
      tpu.yield
    }) : () -> ()
    %mul3A_42 = arith.constant 640 : i32
    %mul3A_43 = arith.muli %arg1, %mul3A_42 : i32
    %add3A_44 = arith.constant 512 : i32
    %add3A_45 = arith.addi %mul3A_43, %add3A_44 : i32
    "tpu.region"() ({
      %run_scoped3A = tpu.sem_alloc : memref<!tpu.dma_semaphore, #tpu.memory_space<semaphore_mem>>
      %dma_start3A = arith.constant 0 : i32
      %dma_start3A_46 = tpu.memref_slice %arg11[%add3A_45, %dma_start3A] : memref<10240x128xf32, #tpu.memory_space<vmem_shared>> -> memref<128x128xf32, #tpu.memory_space<vmem_shared>>
      %dma_start3A_47 = arith.constant 0 : i32
      %dma_start3A_48 = tpu.memref_slice %arg11[%add3A_45, %dma_start3A_47] : memref<10240x128xf32, #tpu.memory_space<vmem_shared>> -> memref<128x128xf32, #tpu.memory_space<vmem_shared>>
      tpu.enqueue_dma source(%dma_start3A_48 : memref<128x128xf32, #tpu.memory_space<vmem_shared>>) target(%arg9 : memref<128x128xf32, #tpu.memory_space<vmem>>) target_semaphore(%run_scoped3A : memref<!tpu.dma_semaphore, #tpu.memory_space<semaphore_mem>>)
      %dma_wait3A = arith.constant 0 : i32
      %dma_wait3A_49 = tpu.memref_slice %arg11[%add3A_45, %dma_wait3A] : memref<10240x128xf32, #tpu.memory_space<vmem_shared>> -> memref<128x128xf32, #tpu.memory_space<vmem_shared>>
      %dma_wait3A_50 = arith.constant 0 : i32
      %dma_wait3A_51 = tpu.memref_slice %arg11[%add3A_45, %dma_wait3A_50] : memref<10240x128xf32, #tpu.memory_space<vmem_shared>> -> memref<128x128xf32, #tpu.memory_space<vmem_shared>>
      tpu.wait_dma2 semaphore(%run_scoped3A : memref<!tpu.dma_semaphore, #tpu.memory_space<semaphore_mem>>) src(%dma_wait3A_51 : memref<128x128xf32, #tpu.memory_space<vmem_shared>>) dst(%arg9 : memref<128x128xf32, #tpu.memory_space<vmem>>)
      tpu.yield
    }) : () -> ()
    "tpu.region"() ({
      %run_scoped3A = tpu.sem_alloc : memref<!tpu.dma_semaphore, #tpu.memory_space<semaphore_mem>>
      %dma_start3A = arith.constant 0 : i32
      %dma_start3A_46 = tpu.memref_slice %arg6[%arg0, %add3A_45, %dma_start3A] : memref<2x10240x128xf32, #tpu.memory_space<hbm>> -> memref<1x128x128xf32, #tpu.memory_space<hbm>>
      %dma_start3A_47 = tpu.memref_squeeze %dma_start3A_46 : memref<1x128x128xf32, #tpu.memory_space<hbm>> -> memref<128x128xf32, #tpu.memory_space<hbm>>
      %dma_start3A_48 = arith.constant 0 : i32
      %dma_start3A_49 = tpu.memref_slice %arg6[%arg0, %add3A_45, %dma_start3A_48] : memref<2x10240x128xf32, #tpu.memory_space<hbm>> -> memref<1x128x128xf32, #tpu.memory_space<hbm>>
      %dma_start3A_50 = tpu.memref_squeeze %dma_start3A_49 : memref<1x128x128xf32, #tpu.memory_space<hbm>> -> memref<128x128xf32, #tpu.memory_space<hbm>>
      tpu.enqueue_dma source(%arg9 : memref<128x128xf32, #tpu.memory_space<vmem>>) target(%dma_start3A_50 : memref<128x128xf32, #tpu.memory_space<hbm>>) target_semaphore(%run_scoped3A : memref<!tpu.dma_semaphore, #tpu.memory_space<semaphore_mem>>)
      %dma_wait3A = arith.constant 0 : i32
      %dma_wait3A_51 = tpu.memref_slice %arg6[%arg0, %add3A_45, %dma_wait3A] : memref<2x10240x128xf32, #tpu.memory_space<hbm>> -> memref<1x128x128xf32, #tpu.memory_space<hbm>>
      %dma_wait3A_52 = tpu.memref_squeeze %dma_wait3A_51 : memref<1x128x128xf32, #tpu.memory_space<hbm>> -> memref<128x128xf32, #tpu.memory_space<hbm>>
      %dma_wait3A_53 = arith.constant 0 : i32
      %dma_wait3A_54 = tpu.memref_slice %arg6[%arg0, %add3A_45, %dma_wait3A_53] : memref<2x10240x128xf32, #tpu.memory_space<hbm>> -> memref<1x128x128xf32, #tpu.memory_space<hbm>>
      %dma_wait3A_55 = tpu.memref_squeeze %dma_wait3A_54 : memref<1x128x128xf32, #tpu.memory_space<hbm>> -> memref<128x128xf32, #tpu.memory_space<hbm>>
      tpu.wait_dma2 semaphore(%run_scoped3A : memref<!tpu.dma_semaphore, #tpu.memory_space<semaphore_mem>>) src(%arg9 : memref<128x128xf32, #tpu.memory_space<vmem>>) dst(%dma_wait3A_55 : memref<128x128xf32, #tpu.memory_space<hbm>>)
      tpu.yield
    }) : () -> ()
    return
  }
}

module attributes {stable_mosaic.version = 14 : i64} {
  func.func @_tc1_body(%arg0: i32, %arg1: memref<2x1000x128xf32, #tpu.memory_space<vmem>>, %arg2: memref<1000x128xf32, #tpu.memory_space<vmem>>, %arg3: memref<128x128xf32, #tpu.memory_space<vmem>>, %arg4: memref<1000x128xf32, #tpu.memory_space<vmem>>) attributes {dimension_semantics = [#tpu.dimension_semantics<arbitrary>], iteration_bounds = array<i64: 10>, scalar_prefetch = 0 : i64, scratch_operands = 0 : i64, tpu.core_type = #tpu.core_type<tc>, window_params = [{transform_indices = @transform_0, window_bounds = array<i64: 2, 1000, 128>}, {transform_indices = @transform_1, window_bounds = array<i64: 1000, 128>}, {pipeline_mode = #tpu.pipeline_mode<synchronous>, transform_indices = @transform_2, window_bounds = array<i64: 128, 128>}, {transform_indices = @transform_3, window_bounds = array<i64: 1000, 128>}]} {
    %get3A = arith.constant 0 : index
    %get3A_0 = arith.constant 0 : index
    %get3A_1 = arith.constant 0 : index
    %get3A_2 = vector.load %arg1[%get3A, %get3A_0, %get3A_1] : memref<2x1000x128xf32, #tpu.memory_space<vmem>>, vector<1x1000x1xf32>
    %get3A_3 = vector.shape_cast %get3A_2 : vector<1x1000x1xf32> to vector<1000xf32>
    %get3A_4 = arith.constant 1 : index
    %get3A_5 = arith.constant 0 : index
    %get3A_6 = arith.constant 0 : index
    %get3A_7 = vector.load %arg1[%get3A_4, %get3A_5, %get3A_6] : memref<2x1000x128xf32, #tpu.memory_space<vmem>>, vector<1x1000x1xf32>
    %get3A_8 = vector.shape_cast %get3A_7 : vector<1x1000x1xf32> to vector<1000xf32>
    %add3A = arith.addf %get3A_3, %get3A_8 : vector<1000xf32>
    %add3A_9 = arith.constant 1.000000e+00 : f32
    %add3A_10 = vector.broadcast %add3A_9 : f32 to vector<1000xf32>
    %add3A_11 = arith.addf %add3A, %add3A_10 : vector<1000xf32>
    %rsqrt3A = math.rsqrt %add3A_11 : vector<1000xf32>
    %get3A_12 = arith.constant 0 : index
    %get3A_13 = arith.constant 0 : index
    %get3A_14 = vector.load %arg2[%get3A_12, %get3A_13] : memref<1000x128xf32, #tpu.memory_space<vmem>>, vector<1000x128xf32>
    %get3A_15 = arith.constant 0 : index
    %get3A_16 = arith.constant 0 : index
    %get3A_17 = vector.load %arg3[%get3A_15, %get3A_16] : memref<128x128xf32, #tpu.memory_space<vmem>>, vector<128x128xf32>
    %dot_general3A = arith.constant dense<0.000000e+00> : vector<1000x128xf32>
    %dot_general3A_18 = tpu.matmul %get3A_14, %get3A_17, %dot_general3A {dimension_numbers = #tpu.dot_dimension_numbers<[1], [0], [0], [1], [0, 0, 1, 1], [], []>, precision = #tpu.contract_precision<fp32>, transpose_lhs_hint = false} : vector<1000x128xf32>, vector<128x128xf32>, vector<1000x128xf32> -> vector<1000x128xf32>
    %broadcast_in_dim3A = vector.shape_cast %rsqrt3A : vector<1000xf32> to vector<1000x1xf32>
    %mul3A = vector.broadcast %broadcast_in_dim3A : vector<1000x1xf32> to vector<1000x128xf32>
    %mul3A_19 = arith.mulf %dot_general3A_18, %mul3A : vector<1000x128xf32>
    %swap3A = arith.constant 0 : index
    %swap3A_20 = arith.constant 0 : index
    %swap3A_21 = vector.load %arg4[%swap3A, %swap3A_20] : memref<1000x128xf32, #tpu.memory_space<vmem>>, vector<1000x128xf32>
    tpu.vector_store %arg4[%swap3A, %swap3A_20], %mul3A_19 {strides = array<i32>} : memref<1000x128xf32, #tpu.memory_space<vmem>>, vector<1000x128xf32>,
    return
  }
  func.func @transform_0(%arg0: i32) -> (i32, i32, i32) {
    %c0_i32 = arith.constant 0 : i32
    %c0_i32_0 = arith.constant 0 : i32
    %c0_i32_1 = arith.constant 0 : i32
    return %c0_i32, %arg0, %c0_i32_0 : i32, i32, i32
  }
  func.func @transform_1(%arg0: i32) -> (i32, i32) {
    %c0_i32 = arith.constant 0 : i32
    %c0_i32_0 = arith.constant 0 : i32
    return %arg0, %c0_i32 : i32, i32
  }
  func.func @transform_2(%arg0: i32) -> (i32, i32) {
    %c0_i32 = arith.constant 0 : i32
    %c0_i32_0 = arith.constant 0 : i32
    %c0_i32_1 = arith.constant 0 : i32
    return %c0_i32, %c0_i32_0 : i32, i32
  }
  func.func @transform_3(%arg0: i32) -> (i32, i32) {
    %c0_i32 = arith.constant 0 : i32
    %c0_i32_0 = arith.constant 0 : i32
    return %arg0, %c0_i32 : i32, i32
  }
}

module attributes {stable_mosaic.version = 14 : i64} {
  func.func @_tc3_body(%arg0: i32, %arg1: memref<2x1000x128xf32, #tpu.memory_space<vmem>>, %arg2: memref<2x1000x128xf32, #tpu.memory_space<vmem>>, %arg3: memref<1000x128xf32, #tpu.memory_space<vmem>>, %arg4: memref<1x128xf32, #tpu.memory_space<vmem>>, %arg5: memref<1000x128xf32, #tpu.memory_space<vmem>>) attributes {dimension_semantics = [#tpu.dimension_semantics<arbitrary>], iteration_bounds = array<i64: 10>, scalar_prefetch = 0 : i64, scratch_operands = 0 : i64, tpu.core_type = #tpu.core_type<tc>, window_params = [{transform_indices = @transform_0, window_bounds = array<i64: 2, 1000, 128>}, {transform_indices = @transform_1, window_bounds = array<i64: 2, 1000, 128>}, {transform_indices = @transform_2, window_bounds = array<i64: 1000, 128>}, {pipeline_mode = #tpu.pipeline_mode<synchronous>, transform_indices = @transform_3, window_bounds = array<i64: 1, 128>}, {transform_indices = @transform_4, window_bounds = array<i64: 1000, 128>}]} {
    %get3A = arith.constant 0 : index
    %get3A_0 = arith.constant 0 : index
    %get3A_1 = arith.constant 0 : index
    %get3A_2 = vector.load %arg1[%get3A, %get3A_0, %get3A_1] : memref<2x1000x128xf32, #tpu.memory_space<vmem>>, vector<1x1000x1xf32>
    %get3A_3 = vector.shape_cast %get3A_2 : vector<1x1000x1xf32> to vector<1000xf32>
    %get3A_4 = arith.constant 1 : index
    %get3A_5 = arith.constant 0 : index
    %get3A_6 = arith.constant 0 : index
    %get3A_7 = vector.load %arg1[%get3A_4, %get3A_5, %get3A_6] : memref<2x1000x128xf32, #tpu.memory_space<vmem>>, vector<1x1000x1xf32>
    %get3A_8 = vector.shape_cast %get3A_7 : vector<1x1000x1xf32> to vector<1000xf32>
    %add3A = arith.addf %get3A_3, %get3A_8 : vector<1000xf32>
    %add3A_9 = arith.constant 1.000000e+00 : f32
    %add3A_10 = vector.broadcast %add3A_9 : f32 to vector<1000xf32>
    %add3A_11 = arith.addf %add3A, %add3A_10 : vector<1000xf32>
    %rsqrt3A = math.rsqrt %add3A_11 : vector<1000xf32>
    %broadcast_in_dim3A = vector.shape_cast %rsqrt3A : vector<1000xf32> to vector<1000x1xf32>
    %get3A_12 = arith.constant 0 : index
    %get3A_13 = arith.constant 0 : index
    %get3A_14 = arith.constant 0 : index
    %get3A_15 = vector.load %arg2[%get3A_12, %get3A_13, %get3A_14] : memref<2x1000x128xf32, #tpu.memory_space<vmem>>, vector<1x1000x128xf32>
    %get3A_16 = vector.shape_cast %get3A_15 : vector<1x1000x128xf32> to vector<1000x128xf32>
    %get3A_17 = arith.constant 1 : index
    %get3A_18 = arith.constant 0 : index
    %get3A_19 = arith.constant 0 : index
    %get3A_20 = vector.load %arg2[%get3A_17, %get3A_18, %get3A_19] : memref<2x1000x128xf32, #tpu.memory_space<vmem>>, vector<1x1000x128xf32>
    %get3A_21 = vector.shape_cast %get3A_20 : vector<1x1000x128xf32> to vector<1000x128xf32>
    %add3A_22 = arith.addf %get3A_16, %get3A_21 : vector<1000x128xf32>
    %get3A_23 = arith.constant 0 : index
    %get3A_24 = arith.constant 0 : index
    %get3A_25 = vector.load %arg3[%get3A_23, %get3A_24] : memref<1000x128xf32, #tpu.memory_space<vmem>>, vector<1000x128xf32>
    %add3A_26 = arith.addf %add3A_22, %get3A_25 : vector<1000x128xf32>
    %mul3A = vector.broadcast %broadcast_in_dim3A : vector<1000x1xf32> to vector<1000x128xf32>
    %mul3A_27 = arith.mulf %mul3A, %add3A_26 : vector<1000x128xf32>
    %get3A_28 = arith.constant 0 : index
    %get3A_29 = arith.constant 0 : index
    %get3A_30 = vector.load %arg4[%get3A_28, %get3A_29] : memref<1x128xf32, #tpu.memory_space<vmem>>, vector<1x128xf32>
    %get3A_31 = vector.shape_cast %get3A_30 : vector<1x128xf32> to vector<128xf32>
    %broadcast_in_dim3A_32 = vector.shape_cast %get3A_31 : vector<128xf32> to vector<1x128xf32>
    %add3A_33 = vector.broadcast %broadcast_in_dim3A_32 : vector<1x128xf32> to vector<1000x128xf32>
    %add3A_34 = arith.addf %mul3A_27, %add3A_33 : vector<1000x128xf32>
    %max3A = arith.constant 0.000000e+00 : f32
    %max3A_35 = vector.broadcast %max3A : f32 to vector<1000x128xf32>
    %max3A_36 = arith.maximumf %add3A_34, %max3A_35 : vector<1000x128xf32>
    %swap3A = arith.constant 0 : index
    %swap3A_37 = arith.constant 0 : index
    %swap3A_38 = vector.load %arg5[%swap3A, %swap3A_37] : memref<1000x128xf32, #tpu.memory_space<vmem>>, vector<1000x128xf32>
    tpu.vector_store %arg5[%swap3A, %swap3A_37], %max3A_36 {strides = array<i32>} : memref<1000x128xf32, #tpu.memory_space<vmem>>, vector<1000x128xf32>,
    return
  }
  func.func @transform_0(%arg0: i32) -> (i32, i32, i32) {
    %c0_i32 = arith.constant 0 : i32
    %c0_i32_0 = arith.constant 0 : i32
    %c0_i32_1 = arith.constant 0 : i32
    return %c0_i32, %arg0, %c0_i32_0 : i32, i32, i32
  }
  func.func @transform_1(%arg0: i32) -> (i32, i32, i32) {
    %c0_i32 = arith.constant 0 : i32
    %c0_i32_0 = arith.constant 0 : i32
    %c0_i32_1 = arith.constant 0 : i32
    return %c0_i32, %arg0, %c0_i32_0 : i32, i32, i32
  }
  func.func @transform_2(%arg0: i32) -> (i32, i32) {
    %c0_i32 = arith.constant 0 : i32
    %c0_i32_0 = arith.constant 0 : i32
    return %arg0, %c0_i32 : i32, i32
  }
  func.func @transform_3(%arg0: i32) -> (i32, i32) {
    %c0_i32 = arith.constant 0 : i32
    %c0_i32_0 = arith.constant 0 : i32
    %c0_i32_1 = arith.constant 0 : i32
    return %c0_i32, %c0_i32_0 : i32, i32
  }
  func.func @transform_4(%arg0: i32) -> (i32, i32) {
    %c0_i32 = arith.constant 0 : i32
    %c0_i32_0 = arith.constant 0 : i32
    return %arg0, %c0_i32 : i32, i32
  }
}

module attributes {stable_mosaic.version = 14 : i64} {
  func.func @_tc2_body(%arg0: i32, %arg1: memref<2x1000x128xf32, #tpu.memory_space<vmem>>, %arg2: memref<2x1000x128xf32, #tpu.memory_space<vmem>>, %arg3: memref<1000x128xf32, #tpu.memory_space<vmem>>, %arg4: memref<1x128xf32, #tpu.memory_space<vmem>>, %arg5: memref<128x128xf32, #tpu.memory_space<vmem>>, %arg6: memref<1000x128xf32, #tpu.memory_space<vmem>>) attributes {dimension_semantics = [#tpu.dimension_semantics<arbitrary>], iteration_bounds = array<i64: 10>, scalar_prefetch = 0 : i64, scratch_operands = 0 : i64, tpu.core_type = #tpu.core_type<tc>, window_params = [{transform_indices = @transform_0, window_bounds = array<i64: 2, 1000, 128>}, {transform_indices = @transform_1, window_bounds = array<i64: 2, 1000, 128>}, {transform_indices = @transform_2, window_bounds = array<i64: 1000, 128>}, {pipeline_mode = #tpu.pipeline_mode<synchronous>, transform_indices = @transform_3, window_bounds = array<i64: 1, 128>}, {pipeline_mode = #tpu.pipeline_mode<synchronous>, transform_indices = @transform_4, window_bounds = array<i64: 128, 128>}, {transform_indices = @transform_5, window_bounds = array<i64: 1000, 128>}]} {
    %get3A = arith.constant 0 : index
    %get3A_0 = arith.constant 0 : index
    %get3A_1 = arith.constant 0 : index
    %get3A_2 = vector.load %arg1[%get3A, %get3A_0, %get3A_1] : memref<2x1000x128xf32, #tpu.memory_space<vmem>>, vector<1x1000x1xf32>
    %get3A_3 = vector.shape_cast %get3A_2 : vector<1x1000x1xf32> to vector<1000xf32>
    %get3A_4 = arith.constant 1 : index
    %get3A_5 = arith.constant 0 : index
    %get3A_6 = arith.constant 0 : index
    %get3A_7 = vector.load %arg1[%get3A_4, %get3A_5, %get3A_6] : memref<2x1000x128xf32, #tpu.memory_space<vmem>>, vector<1x1000x1xf32>
    %get3A_8 = vector.shape_cast %get3A_7 : vector<1x1000x1xf32> to vector<1000xf32>
    %add3A = arith.addf %get3A_3, %get3A_8 : vector<1000xf32>
    %add3A_9 = arith.constant 1.000000e+00 : f32
    %add3A_10 = vector.broadcast %add3A_9 : f32 to vector<1000xf32>
    %add3A_11 = arith.addf %add3A, %add3A_10 : vector<1000xf32>
    %rsqrt3A = math.rsqrt %add3A_11 : vector<1000xf32>
    %broadcast_in_dim3A = vector.shape_cast %rsqrt3A : vector<1000xf32> to vector<1000x1xf32>
    %get3A_12 = arith.constant 0 : index
    %get3A_13 = arith.constant 0 : index
    %get3A_14 = arith.constant 0 : index
    %get3A_15 = vector.load %arg2[%get3A_12, %get3A_13, %get3A_14] : memref<2x1000x128xf32, #tpu.memory_space<vmem>>, vector<1x1000x128xf32>
    %get3A_16 = vector.shape_cast %get3A_15 : vector<1x1000x128xf32> to vector<1000x128xf32>
    %get3A_17 = arith.constant 1 : index
    %get3A_18 = arith.constant 0 : index
    %get3A_19 = arith.constant 0 : index
    %get3A_20 = vector.load %arg2[%get3A_17, %get3A_18, %get3A_19] : memref<2x1000x128xf32, #tpu.memory_space<vmem>>, vector<1x1000x128xf32>
    %get3A_21 = vector.shape_cast %get3A_20 : vector<1x1000x128xf32> to vector<1000x128xf32>
    %add3A_22 = arith.addf %get3A_16, %get3A_21 : vector<1000x128xf32>
    %get3A_23 = arith.constant 0 : index
    %get3A_24 = arith.constant 0 : index
    %get3A_25 = vector.load %arg3[%get3A_23, %get3A_24] : memref<1000x128xf32, #tpu.memory_space<vmem>>, vector<1000x128xf32>
    %add3A_26 = arith.addf %add3A_22, %get3A_25 : vector<1000x128xf32>
    %mul3A = vector.broadcast %broadcast_in_dim3A : vector<1000x1xf32> to vector<1000x128xf32>
    %mul3A_27 = arith.mulf %mul3A, %add3A_26 : vector<1000x128xf32>
    %get3A_28 = arith.constant 0 : index
    %get3A_29 = arith.constant 0 : index
    %get3A_30 = vector.load %arg4[%get3A_28, %get3A_29] : memref<1x128xf32, #tpu.memory_space<vmem>>, vector<1x128xf32>
    %get3A_31 = vector.shape_cast %get3A_30 : vector<1x128xf32> to vector<128xf32>
    %broadcast_in_dim3A_32 = vector.shape_cast %get3A_31 : vector<128xf32> to vector<1x128xf32>
    %add3A_33 = vector.broadcast %broadcast_in_dim3A_32 : vector<1x128xf32> to vector<1000x128xf32>
    %add3A_34 = arith.addf %mul3A_27, %add3A_33 : vector<1000x128xf32>
    %max3A = arith.constant 0.000000e+00 : f32
    %max3A_35 = vector.broadcast %max3A : f32 to vector<1000x128xf32>
    %max3A_36 = arith.maximumf %add3A_34, %max3A_35 : vector<1000x128xf32>
    %get3A_37 = arith.constant 0 : index
    %get3A_38 = arith.constant 0 : index
    %get3A_39 = vector.load %arg5[%get3A_37, %get3A_38] : memref<128x128xf32, #tpu.memory_space<vmem>>, vector<128x128xf32>
    %dot_general3A = arith.constant dense<0.000000e+00> : vector<1000x128xf32>
    %dot_general3A_40 = tpu.matmul %max3A_36, %get3A_39, %dot_general3A {dimension_numbers = #tpu.dot_dimension_numbers<[1], [0], [0], [1], [0, 0, 1, 1], [], []>, precision = #tpu.contract_precision<fp32>, transpose_lhs_hint = false} : vector<1000x128xf32>, vector<128x128xf32>, vector<1000x128xf32> -> vector<1000x128xf32>
    %broadcast_in_dim3A_41 = vector.shape_cast %rsqrt3A : vector<1000xf32> to vector<1000x1xf32>
    %mul3A_42 = vector.broadcast %broadcast_in_dim3A_41 : vector<1000x1xf32> to vector<1000x128xf32>
    %mul3A_43 = arith.mulf %dot_general3A_40, %mul3A_42 : vector<1000x128xf32>
    %swap3A = arith.constant 0 : index
    %swap3A_44 = arith.constant 0 : index
    %swap3A_45 = vector.load %arg6[%swap3A, %swap3A_44] : memref<1000x128xf32, #tpu.memory_space<vmem>>, vector<1000x128xf32>
    tpu.vector_store %arg6[%swap3A, %swap3A_44], %mul3A_43 {strides = array<i32>} : memref<1000x128xf32, #tpu.memory_space<vmem>>, vector<1000x128xf32>,
    return
  }
  func.func @transform_0(%arg0: i32) -> (i32, i32, i32) {
    %c0_i32 = arith.constant 0 : i32
    %c0_i32_0 = arith.constant 0 : i32
    %c0_i32_1 = arith.constant 0 : i32
    return %c0_i32, %arg0, %c0_i32_0 : i32, i32, i32
  }
  func.func @transform_1(%arg0: i32) -> (i32, i32, i32) {
    %c0_i32 = arith.constant 0 : i32
    %c0_i32_0 = arith.constant 0 : i32
    %c0_i32_1 = arith.constant 0 : i32
    return %c0_i32, %arg0, %c0_i32_0 : i32, i32, i32
  }
  func.func @transform_2(%arg0: i32) -> (i32, i32) {
    %c0_i32 = arith.constant 0 : i32
    %c0_i32_0 = arith.constant 0 : i32
    return %arg0, %c0_i32 : i32, i32
  }
  func.func @transform_3(%arg0: i32) -> (i32, i32) {
    %c0_i32 = arith.constant 0 : i32
    %c0_i32_0 = arith.constant 0 : i32
    %c0_i32_1 = arith.constant 0 : i32
    return %c0_i32, %c0_i32_0 : i32, i32
  }
  func.func @transform_4(%arg0: i32) -> (i32, i32) {
    %c0_i32 = arith.constant 0 : i32
    %c0_i32_0 = arith.constant 0 : i32
    %c0_i32_1 = arith.constant 0 : i32
    return %c0_i32, %c0_i32_0 : i32, i32
  }
  func.func @transform_5(%arg0: i32) -> (i32, i32) {
    %c0_i32 = arith.constant 0 : i32
    %c0_i32_0 = arith.constant 0 : i32
    return %arg0, %c0_i32 : i32, i32
  }
}

</mosaic_0001>

<sc_bundles>
// kernel: kernel.11.cloned.1.call-start
scs
__scs_entry_jumppad:
0x0: {  	(pc) =	sbr.rel $0x88, $3  }
0x1: {  	(tag) =	ssettag $0x0;
	lr =	simm.s32 $0x1  }
0x2: {  	[smem:$0x3F9B] =	sst lr;
	_ =	strace $0xD0000000  }
0x3: {  	_ = 	snop  }
0x4: {  	_ = 	snop  }
0x5: {  	_ = 	snop  }
0x6: {  	_ = 	snop  }
0x7: {  	_ = 	snop  }
__scs_overlays_trampoline_lowered:
0x8: {  	[smem:$0x3FAA] =	sst s0  }
0x9: {  	[smem:$0x3FAB] =	sst s1  }
0xa: {  	[smem:$0x3FAC] =	sst s2  }
0xb: {  	[smem:$0x3FAD] =	sst s3  }
0xc: {  	[smem:$0x3FAE] =	sst s4  }
0xd: {  	[smem:$0x3FAF] =	sst s5  }
0xe: {  	[smem:$0x3FB0] =	sst s6  }
0xf: {  	[smem:$0x3FB1] =	sst s7  }
0x10: {  	[smem:$0x3FB2] =	sst s8  }
0x11: {  	[smem:$0x3FB3] =	sst s9;
	s0 =	simm.s32 @!p0 $0x0  }
0x12: {  	s1 =	sld [smem:$0x3F99];
	s0 =	simm.s32 @p0 $0x1  }
0x13: {  	[smem:$0x3FB4] =	sst s0;
	s0 =	simm.s32 @!p1 $0x0  }
0x14: {  	s2 =	sld [smem:$0x3F98];
	s0 =	simm.s32 @p1 $0x1  }
0x15: {  	[smem:$0x3FB5] =	sst s0;
	s0 =	simm.s32 @!p2 $0x0  }
0x16: {  	s3 =	sld [smem:$0x3FDB];
	s0 =	simm.s32 @p2 $0x1  }
0x17: {  	s4 =	simm.s32 $0x1BF5;
	[smem:$0x3FB7] =	sst s0  }
0x18: {  	s0 =	sld [smem:$0x3F9A];
	_ =	swait.ge [sflag:s4], $0x0  }
0x19: {  	s7 =	sld [smem:$0x3F9B]  }
0x1a: {  	s8 =	sadd.s32 $0xFFFFE003, lr  }
0x1b: {  	s9 =	sadd.s32 $0xFFFFFEF7, lr;
	s5 =	simm.s32 $0xFFFFFFFF;
	p2 =	slt.u32 s8, $0xFFFFF086  }
0x1c: {  	p1 =	slt.u32 s9, $0xF7A;
	s5 =	simm.s32 @!p2 $0x0  }
0x1d: {  	s5 =	simm.s32 @p1 $0x1;
	p0 =	seq.s32 s7, s2  }
0x1e: {  	s7 =	smul.u32 @!p0 $0xF7A, s2;
	p2 =	seq.s32 @!p0 s5, $0x0  }
0x1f: {  	s9 =	smul.u32 $0xF7A, s1;
	s8 =	simm.s32 @!p0 $0x1BF5;
	p2 =	por !p2, p0  }
0x20: {  	[sflag:s8] =	ssyncset.s32 @!p0 $0xFFFFF086;
	s6 =	sadd.s32 @!p0 s3, s7;
	s7 =	simm.s32 @!p0 $0x108  }
0x21: {  	s3 =	sadd.s32 s3, s9;
	s6 =	sadd.s32 @!p0 $0x88, s6;
	s7 =	simm.s32 @p2 $0x1082  }
0x22: {  	[simem:s7], [sflag:s8] =	dma.local @!p0 [hbm:s6], $0xF7A  }
0x23: {  	s9 =	sor.u32 $0xD0000000, s2;
	s6 =	simm.s32 $0x108;
	_ =	swait.ge @!p0 [sflag:s8], $0x0  }
0x24: {  	s3 =	sadd.s32 $0x88, s3;
	s6 =	simm.s32 @!p1 $0x1082;
	[sflag:s4] =	ssyncset.s32 $0xFFFFF086  }
0x25: {  	[simem:s6], [sflag:s4] =	dma.local [hbm:s3], $0xF7A  }
0x26: {  	[smem:$0x3F9B] =	sst s1;
	(tag) =	ssettag s2;
	_ =	strace s9  }
0x27: {  	s1 =	sld [smem:$0x3FAB]  }
0x28: {  	s2 =	sld [smem:$0x3FAC]  }
0x29: {  	s4 =	sld [smem:$0x3FAE]  }
0x2a: {  	p0 =	seq.s32 s5, $0x0;
	s5 =	sld [smem:$0x3FAF]  }
0x2b: {  	s6 =	sld [smem:$0x3FB0]  }
0x2c: {  	s7 =	sld [smem:$0x3FB1]  }
0x2d: {  	s3 =	simm.s32 $0x108;
	s8 =	sld [smem:$0x3FB2]  }
0x2e: {  	s3 =	simm.s32 @!p0 $0x1082;
	s9 =	sld [smem:$0x3FB3]  }
0x2f: {  	lr =	sadd.s32 s0, s3;
	s0 =	sld [smem:$0x3FAA]  }
0x30: {  	s3 =	sld [smem:$0x3FAD]  }
0x31: {  	[smem:$0x3FB6] =	sst s10  }
0x32: {  	s10 =	sld [smem:$0x3FB4];
	_ =	sdelay $0x3  }
0x33: {  	p0 =	seq.s32 s10, $0x1;
	s10 =	sld [smem:$0x3FB6];
	_ =	sdelay $0x3  }
0x34: {  	[smem:$0x3FB6] =	sst s10  }
0x35: {  	s10 =	sld [smem:$0x3FB5];
	_ =	sdelay $0x3  }
0x36: {  	p1 =	seq.s32 s10, $0x1;
	s10 =	sld [smem:$0x3FB6];
	_ =	sdelay $0x3  }
0x37: {  	[smem:$0x3FB6] =	sst s10  }
0x38: {  	s10 =	sld [smem:$0x3FB7]  }
0x39: {  	_ = 	snop;
	(pc) =	sbr.ind lr, $3  }
0x3a: {  	_ = 	snop  }
0x3b: {  	_ = 	snop  }
0x3c: {  	p2 =	seq.s32 s10, $0x1;
	s10 =	sld [smem:$0x3FB6]  }
0x3d: {  	_ =	shalt  }
0x3e: {  	_ =	shalt  }
0x3f: {  	_ =	shalt  }
0x40: {  	_ =	shalt  }
0x41: {  	_ =	shalt  }
0x42: {  	_ =	shalt  }
0x43: {  	_ =	shalt  }
0x44: {  	_ =	shalt  }
0x45: {  	_ =	shalt  }
0x46: {  	_ =	shalt  }
0x47: {  	_ =	shalt  }
0x48: {  	_ =	shalt  }
0x49: {  	_ =	shalt  }
0x4a: {  	_ =	shalt  }
0x4b: {  	_ =	shalt  }
0x4c: {  	_ =	shalt  }
0x4d: {  	_ =	shalt  }
0x4e: {  	_ =	shalt  }
0x4f: {  	_ =	shalt  }
0x50: {  	_ =	shalt  }
0x51: {  	_ =	shalt  }
0x52: {  	_ =	shalt  }
0x53: {  	_ =	shalt  }
0x54: {  	_ =	shalt  }
0x55: {  	_ =	shalt  }
0x56: {  	_ =	shalt  }
0x57: {  	_ =	shalt  }
0x58: {  	_ =	shalt  }
0x59: {  	_ =	shalt  }
0x5a: {  	_ =	shalt  }
0x5b: {  	_ =	shalt  }
0x5c: {  	_ =	shalt  }
0x5d: {  	_ =	shalt  }
0x5e: {  	_ =	shalt  }
0x5f: {  	_ =	shalt  }
0x60: {  	_ =	shalt  }
0x61: {  	_ =	shalt  }
0x62: {  	_ =	shalt  }
0x63: {  	_ =	shalt  }
0x64: {  	_ =	shalt  }
0x65: {  	_ =	shalt  }
0x66: {  	_ =	shalt  }
0x67: {  	_ =	shalt  }
0x68: {  	_ =	shalt  }
0x69: {  	_ =	shalt  }
0x6a: {  	_ =	shalt  }
0x6b: {  	_ =	shalt  }
0x6c: {  	_ =	shalt  }
0x6d: {  	_ =	shalt  }
0x6e: {  	_ =	shalt  }
0x6f: {  	_ =	shalt  }
0x70: {  	_ =	shalt  }
0x71: {  	_ =	shalt  }
0x72: {  	_ =	shalt  }
0x73: {  	_ =	shalt  }
0x74: {  	_ =	shalt  }
0x75: {  	_ =	shalt  }
0x76: {  	_ =	shalt  }
0x77: {  	_ =	shalt  }
0x78: {  	_ =	shalt  }
0x79: {  	_ =	shalt  }
0x7a: {  	_ =	shalt  }
0x7b: {  	_ =	shalt  }
0x7c: {  	_ =	shalt  }
0x7d: {  	_ =	shalt  }
0x7e: {  	_ =	shalt  }
0x7f: {  	_ =	shalt  }
0x80: {  	_ =	shalt  }
0x81: {  	_ =	shalt  }
0x82: {  	_ =	shalt  }
0x83: {  	_ =	shalt  }
0x84: {  	_ =	shalt  }
0x85: {  	_ =	shalt  }
0x86: {  	_ =	shalt  }
0x87: {  	_ =	shalt  }
.Lfunc_end0:
.L_simem_size_0:
called_computation.1_lowered:
.L_overlay_start_0:
0x88: {  	s2 =	sld [smem:$0x3FD9]  }
0x89: {  	s3 =	sld [smem:$0x3FFE];
	_ =	sdelay $0x1  }
0x8a: {  	s1 =	srdreg.scid  }
0x8b: {  	s0 =	sand.u32 $0x1, s1  }
0x8c: {  	s17 =	sshll.u32 s0, $0xA;
	s2 =	sadd.s32 s3, s2  }
0x8d: {  	s2 =	sadd.s32 s2, s17  }
0x8e: {  	[smem:$0x3FC2] =	sst s2  }
0x8f: {  	_ = 	snop  }
0x90: {  	s2 =	sld [smem:$0x3FD0];
	(tm) =	ssettm $0x1  }
0x91: {  	s18 =	sld [smem:$0x3FFB];
	_ =	sdelay $0x3  }
0x92: {  	_ =	strace s18  }
0x93: {  	s3 =	sld [smem:$0x3FFC];
	_ =	sdelay $0x3  }
0x94: {  	_ =	strace s3  }
0x95: {  	s3 =	sld [smem:$0x3FFD];
	_ =	sdelay $0x3  }
0x96: {  	_ =	strace s3  }
0x97: {  	_ =	strace $0x8FFFFFFF  }
0x98: {  	s19 =	sld [smem:$0x3FDB];
	_ =	sdelay $0x1  }
0x99: {  	s4 =	simm.s32 $_scs_section_size  }
0x9a: {  	s5 =	simm.s32 $_size__tile_overlayer_lowered;
	s6 =	simm.s32 $_tile_overlayer_lowered  }
0x9b: {  	s22 =	simm.s32 $0x1BFF;
	s21 =	sshll.u32 s6, $0x1;
	s3 =	sadd.s32 s4, s19  }
0x9c: {  	s7 =	simm.s32 $0x0;
	s20 =	sshll.u32 s5, $0x1;
	s5 =	sadd.s32 s21, s3  }
0x9d: {  	[timem:s7], [sflag:s22] =	dma.local [hbm:s5], s20  }
0x9e: {  	_ =	swait.ge [sflag:s22], s20  }
0x9f: {  	s4 =	ssub.s32 $0x0, s20;
	[sflag:s22] =	ssyncset.done $0x0  }
0xa0: {  	[sflag:s22] =	ssyncadd.s32 s4;
	_ =	sdelay $0x1  }
0xa1: {  	s23 =	simm.s32 $0x1B8B  }
0xa2: {  	_ =	swait.ge [sflag:s23], $0x1  }
0xa3: {  	[sflag:s23] =	ssyncset.done $0x0  }
0xa4: {  	s25 =	simm.s32 $0x1B8E;
	s24 =	sld [smem:$0x3FFE];
	[sflag:s23] =	ssyncadd.s32 $0xFFFFFFFF  }
0xa5: {  	s26 =	simm.s32 $execute0_lowered;
	[smem:$0x3FD2] =	sst s25  }
0xa6: {  	s5 =	sshll.u32 s26, $0x1;
	_ =	strace $0x80000049;
	[dreg:$0x1] =	wrdreg $0xFFFFFFFF  }
0xa7: {  	s28 =	simm.s32 $_size_execute0_lowered;
	s3 =	sadd.s32 s3, s5;
	[dreg:$0x0] =	wrdreg $0x0  }
0xa8: {  	s5 =	sshll.u32 s28, $0x1;
	[dreg:$0x2] =	wrdreg s3  }
0xa9: {  	[dreg:$0x3] =	wrdreg s5  }
0xaa: {  	[dreg:$0x4] =	wrdreg $0xC0  }
0xab: {  	_ =	task [dreg:s7], $0x5FFFF  }
0xac: {  	[dreg:$0x1] =	wrdreg $0xFFFFFFFF  }
0xad: {  	[dreg:$0x0] =	wrdreg $0x60  }
0xae: {  	[dreg:$0x2] =	wrdreg s2  }
0xaf: {  	[dreg:$0x3] =	wrdreg s24  }
0xb0: {  	[dreg:$0x4] =	wrdreg $0xA8000  }
0xb1: {  	[dreg:$0x5] =	wrdreg $0x9  }
0xb2: {  	_ =	task.clear_ibuf [dreg:s7], $0x6FFFF;
	_ =	strace $0x90000049  }
0xb3: {  	s29 =	simm.s32 $0x9;
	_ =	strace $0x8000004B  }
0xb4: {  	_ =	swait.ge [sflag:s29], $0x1  }
0xb5: {  	[sflag:s29] =	ssyncadd.s32 $0xFFFFFFFF  }
0xb6: {  	_ =	strace $0x9000004B  }
0xb7: {  	_ =	sfence  }
0xb8: {  	s30 =	sld [smem:$0x0];
	_ =	sdelay $0x2  }
0xb9: {  	s31 =	sshll.u32 s1, $0xD;
	s1 =	sshrl.u32 s1, $0x2  }
0xba: {  	s3 =	sand.u32 $0x4000, s31;
	s1 =	sadd.s32 s1, s30  }
0xbb: {  	s0 =	sor.u32 s3, s0;
	s1 =	sshll.u32 s1, $0x11  }
0xbc: {  	s0 =	sor.u32 s1, s0  }
0xbd: {  	s0 =	sadd.s32 $0x8F2B, s0  }
0xbe: {  	[sflag:s0] =	ssyncadd.remote.s32 $0x1  }
0xbf: {  	_ =	sfence.sel $0xFFFF  }
0xc0: {  	[dreg:$0x0] =	wrdreg $0xFFFFFFFF;
	(pc) =	sbr.abs _section_cstart, $3  }
0xc1: {  	[dreg:$0x1] =	wrdreg $0xFFFFFFFF  }
0xc2: {  	_ =	task.clear_ibuf [dreg:s7], $0x2FFFF;
	_ =	strace $0x9FFFFFFF  }
0xc3: {  	(tm) =	ssettm $0x7FFFFFFF  }
tec
execute0_lowered:
.L_overlay_start_1:
0x0: {  	(tag) =	ssettag $0x1  }
0x1: {  	s1 =	rddreg [dreg:$0x0]  }
0x2: {  	s0 =	rddreg [dreg:$0x1]  }
0x3: {  	s2 =	rddreg [dreg:$0x2];
	s3 =	simm.s32 $0x0  }
0x4: {  	s4 =	srdreg.scid;
	s9 =	stileid.u32;
	s28 =	simm.s32 $0x1400  }
0x5: {  	s29 =	simm.s32 $0x80;
	s30 =	simm.s32 $0x6800;
	s31 =	simm.s32 $0x1  }
0x6: {  	[smem:$0x7FF] =	sst s3;
	s10 =	sadd.s32 $0x5CC00, s0;
	s7 =	smul.u32 $0x50000, s9  }
0x7: {  	s4 =	sand.u32 $0x1, s4;
	s11 =	sadd.s32 $0x2400, s0;
	s12 =	smul.u32 $0x14000, s9  }
0x8: {  	s5 =	sadd.s32 $0xC400, s0;
	s0 =	sadd.s32 $0xCC00, s0;
	s15 =	smul.u32 $0x5000, s9  }
0x9: {  	_ =	strace $0x8000004A;
	s6 =	ssub.s32 $0x2, s4;
	p0 =	seq.s32 s4, $0x1  }
0xa: {  	s4 =	smul.u32 $0x140000, s4;
	s8 =	sshrl.u32 s6, $0x1;
	s21 =	sshrl.u32 s7, $0x2  }
0xb: {  	s14 =	sadd.s32 $0x4000, s12;
	s18 =	sadd.s32 $0x8000, s12;
	s19 =	sadd.s32 $0xC000, s12  }
0xc: {  	s15 =	sshrl.u32 s15, $0x3;
	s13 =	ssub.s32 s6, s8;
	s6 =	sadd.s32 s21, s2  }
0xd: {  	s7 =	sadd.s32 s14, s2;
	s8 =	sadd.s32 s18, s2;
	s16 =	sadd.s32 s10, s15  }
0xe: {  	s22 =	sadd.s32 $0x280, s15;
	s17 =	sadd.s32 s11, s15;
	[dreg:$0x4] =	wrdreg s16  }
0xf: {  	s9 =	sadd.s32 s19, s2;
	[dreg:$0x5] =	wrdreg s17;
	s23 =	sadd.s32 s10, s22  }
0x10: {  	s24 =	sadd.s32 $0x500, s15;
	s16 =	sadd.s32 s11, s22;
	[dreg:$0x6] =	wrdreg s23  }
0x11: {  	s25 =	sadd.s32 $0x780, s15;
	s26 =	sadd.s32 s10, s24;
	[dreg:$0x7] =	wrdreg s16  }
0x12: {  	s20 =	sadd.s32 s11, s24;
	s10 =	sadd.s32 s10, s25;
	[dreg:$0x8] =	wrdreg s26  }
0x13: {  	s21 =	sadd.s32 s11, s25;
	s22 =	sadd.s32 s12, s4;
	[dreg:$0x9] =	wrdreg s20  }
0x14: {  	s12 =	sadd.s32 $0x10000, s12;
	s24 =	sadd.s32 s4, s18;
	[dreg:$0xa] =	wrdreg s10  }
0x15: {  	[dreg:$0xb] =	wrdreg s21;
	s23 =	sadd.s32 s4, s14;
	s10 =	sshrl.u32 s22, $0x3  }
0x16: {  	s21 =	sadd.s32 s4, s19;
	s4 =	sadd.s32 s4, s12;
	s18 =	sadd.s32 s12, s2  }
0x17: {  	s25 =	sshrl.u32 s24, $0x3;
	s24 =	smax.u32 s13, $0x1;
	s12 =	simm.s32 $0x0  }
.Ltmp0:
0x18: {  	s11 =	sshrl.u32 s23, $0x3;
	s19 =	sadd.s32 s0, s10;
	(pc) =	sbr.rel .LBB2_1-.Ltmp0, $4  }
0x19: {  	s26 =	sshrl.u32 s21, $0x3;
	s4 =	sshrl.u32 s4, $0x3;
	s21 =	sadd.s32 s0, s25  }
0x1a: {  	s25 =	simm.s32 $0x2800;
	s10 =	simm.s32 $0x2700;
	s20 =	sadd.s32 s0, s11  }
0x1b: {  	s22 =	sadd.s32 s0, s26;
	s23 =	sadd.s32 s0, s4;
	s26 =	simm.s32 $0x3  }
0x1c: {  	s0 =	simm.s32 $0x2;
	s4 =	simm.s32 $0x1380;
	s11 =	simm.s32 $0x2780  }
.LBB2_11:
0x1d: {  	s14 =	sadd.s32 $0x80, s13;
	[sflag:s26] =	ssyncadd.s32 $0xFFFFC000  }
0x1e: {  	[tilespmem:s30], [sflag:$0x2] =	stream.indirect.gather [hbm4b:s1+s29], $0x80, s14, s29, $0xb8;
	[tilespmem:$0x1E800] =	vst v63  }
0x1f: {  	_ =	swait.ge [sflag:s31], $0x4000  }
0x20: {  	[sflag:s31] =	ssyncset.done $0x0  }
0x21: {  	s15 =	sadd.s32 $0x1400, s13;
	[sflag:s31] =	ssyncadd.s32 $0xFFFFC000  }
0x22: {  	[spmem:s2] =	stream.indirect.scatter.add.f32 [tilespmem:s25], [sflag:$0x3], $0x80, s15, s29, $0xb8;
	[tilespmem:$0x1E800] =	vst v63  }
0x23: {  	_ =	swait.ge [sflag:s26], $0x4000  }
0x24: {  	[sflag:s26] =	ssyncset.done $0x0  }
0x25: {  	s16 =	sadd.s32 $0x100, s13;
	[sflag:s26] =	ssyncadd.s32 $0xFFFFC000  }
0x26: {  	[tilespmem:s25], [sflag:$0x1] =	stream.indirect.gather [hbm4b:s1+s29], $0x80, s16, s29, $0xb8;
	[tilespmem:$0x1E800] =	vst v63  }
0x27: {  	_ =	swait.ge [sflag:s0], $0x4000  }
0x28: {  	[sflag:s0] =	ssyncset.done $0x0  }
0x29: {  	s17 =	sadd.s32 $0x1480, s13;
	[sflag:s0] =	ssyncadd.s32 $0xFFFFC000  }
0x2a: {  	[spmem:s2] =	stream.indirect.scatter.add.f32 [tilespmem:s30], [sflag:$0x3], $0x80, s17, s29, $0xb8;
	[tilespmem:$0x1E800] =	vst v63  }
0x2b: {  	_ =	swait.ge [sflag:s26], $0x4000  }
0x2c: {  	[sflag:s26] =	ssyncset.done $0x0  }
0x2d: {  	[sflag:s26] =	ssyncadd.s32 $0xFFFFC000  }
.LBB2_12:
0x2e: {  	[tilespmem:s30], [sflag:$0x2] =	stream.indirect.gather [hbm4b:s1+s29], $0x80, s4, s29, $0xb8;
	[tilespmem:$0x1E800] =	vst v63  }
0x2f: {  	_ =	swait.ge [sflag:s31], $0x4000  }
0x30: {  	[sflag:s31] =	ssyncset.done $0x0  }
0x31: {  	[sflag:s31] =	ssyncadd.s32 $0xFFFFC000  }
0x32: {  	[spmem:s2] =	stream.indirect.scatter.add.f32 [tilespmem:s25], [sflag:$0x3], $0x80, s10, s29, $0xb8;
	[tilespmem:$0x1E800] =	vst v63  }
0x33: {  	_ =	swait.ge [sflag:s26], $0x4000  }
0x34: {  	[sflag:s26] =	ssyncset.done $0x0  }
0x35: {  	[sflag:s26] =	ssyncadd.s32 $0xFFFFC000  }
0x36: {  	_ =	swait.ge [sflag:s0], $0x4000  }
0x37: {  	[sflag:s0] =	ssyncset.done $0x0  }
0x38: {  	[sflag:s0] =	ssyncadd.s32 $0xFFFFC000  }
0x39: {  	[spmem:s2] =	stream.indirect.scatter.add.f32 [tilespmem:s30], [sflag:$0x3], $0x80, s11, s29, $0xb8;
	[tilespmem:$0x1E800] =	vst v63  }
0x3a: {  	_ =	swait.ge [sflag:s26], $0x4000  }
0x3b: {  	[sflag:s26] =	ssyncset.done $0x0  }
0x3c: {  	[sflag:s26] =	ssyncadd.s32 $0xFFFFC000  }
0x3d: {  	[bflag:$0x0] =	sbarrier.arrive $0xFFFF  }
0x3e: {  	[tilespmem:s25], [sflag:$0x3] =	stream.linear.gather [spmem:s6], $0x4000, $0x38;
	[tilespmem:$0x1E800] =	vst v63  }
0x3f: {  	_ =	swait.ge [sflag:s26], $0x4000  }
0x40: {  	[sflag:s26] =	ssyncset.done $0x0  }
0x41: {  	[sflag:s26] =	ssyncadd.s32 $0xFFFFC000  }
0x42: {  	[hbm4b:s19+s3] =	stream.linear.scatter [tilespmem:s25], [sflag:$0x3], $0x4000, $0x38;
	[tilespmem:$0x1E800] =	vst v63  }
0x43: {  	_ =	swait.ge [sflag:s26], $0x4000  }
0x44: {  	[sflag:s26] =	ssyncset.done $0x0  }
0x45: {  	[sflag:s26] =	ssyncadd.s32 $0xFFFFC000  }
0x46: {  	[tilespmem:s25], [sflag:$0x3] =	stream.linear.gather [spmem:s7], $0x4000, $0x38;
	[tilespmem:$0x1E800] =	vst v63  }
0x47: {  	_ =	swait.ge [sflag:s26], $0x4000  }
0x48: {  	[sflag:s26] =	ssyncset.done $0x0  }
0x49: {  	[sflag:s26] =	ssyncadd.s32 $0xFFFFC000  }
0x4a: {  	[hbm4b:s20+s3] =	stream.linear.scatter [tilespmem:s25], [sflag:$0x3], $0x4000, $0x38;
	[tilespmem:$0x1E800] =	vst v63  }
0x4b: {  	_ =	swait.ge [sflag:s26], $0x4000  }
0x4c: {  	[sflag:s26] =	ssyncset.done $0x0  }
0x4d: {  	[sflag:s26] =	ssyncadd.s32 $0xFFFFC000  }
0x4e: {  	[tilespmem:s25], [sflag:$0x3] =	stream.linear.gather [spmem:s8], $0x4000, $0x38;
	[tilespmem:$0x1E800] =	vst v63  }
0x4f: {  	_ =	swait.ge [sflag:s26], $0x4000  }
0x50: {  	[sflag:s26] =	ssyncset.done $0x0  }
0x51: {  	[sflag:s26] =	ssyncadd.s32 $0xFFFFC000  }
0x52: {  	[hbm4b:s21+s3] =	stream.linear.scatter [tilespmem:s25], [sflag:$0x3], $0x4000, $0x38;
	[tilespmem:$0x1E800] =	vst v63  }
0x53: {  	_ =	swait.ge [sflag:s26], $0x4000  }
0x54: {  	[sflag:s26] =	ssyncset.done $0x0  }
0x55: {  	[sflag:s26] =	ssyncadd.s32 $0xFFFFC000  }
0x56: {  	[tilespmem:s25], [sflag:$0x3] =	stream.linear.gather [spmem:s9], $0x4000, $0x38;
	[tilespmem:$0x1E800] =	vst v63  }
0x57: {  	_ =	swait.ge [sflag:s26], $0x4000  }
0x58: {  	[sflag:s26] =	ssyncset.done $0x0  }
0x59: {  	[sflag:s26] =	ssyncadd.s32 $0xFFFFC000  }
0x5a: {  	[hbm4b:s22+s3] =	stream.linear.scatter [tilespmem:s25], [sflag:$0x3], $0x4000, $0x38;
	[tilespmem:$0x1E800] =	vst v63  }
0x5b: {  	_ =	swait.ge [sflag:s26], $0x4000  }
0x5c: {  	[sflag:s26] =	ssyncset.done $0x0  }
0x5d: {  	[sflag:s26] =	ssyncadd.s32 $0xFFFFC000  }
0x5e: {  	[tilespmem:s25], [sflag:$0x3] =	stream.linear.gather [spmem:s18], $0x4000, $0x38;
	[tilespmem:$0x1E800] =	vst v63  }
0x5f: {  	s12 =	sadd.s32 $0x1, s12;
	_ =	swait.ge [sflag:s26], $0x4000  }
0x60: {  	p1 =	sne.s32 s12, s24;
	[sflag:s26] =	ssyncset.done $0x0  }
.Ltmp1:
0x61: {  	[sflag:s26] =	ssyncadd.s32 $0xFFFFC000;
	(pc) =	sbr.rel @!p1 .LBB2_13-.Ltmp1, $4  }
0x62: {  	[hbm4b:s23+s3] =	stream.linear.scatter [tilespmem:s25], [sflag:$0x3], $0x4000, $0x38;
	[tilespmem:$0x1E800] =	vst v63  }
0x63: {  	_ =	swait.ge [sflag:s26], $0x4000  }
0x64: {  	[sflag:s26] =	ssyncset.done $0x0  }
0x65: {  	[sflag:s26] =	ssyncadd.s32 $0xFFFFC000  }
.LBB2_1:
0x66: {  	[tilespmem:s25], [sflag:$0x3] =	stream.linear.gather [hbm4b:s5+s3], $0x4000, $0x38;
	[tilespmem:$0x1E800] =	vst v63  }
0x67: {  	_ =	swait.ge [sflag:s26], $0x4000  }
0x68: {  	[sflag:s26] =	ssyncset.done $0x0  }
0x69: {  	[sflag:s26] =	ssyncadd.s32 $0xFFFFC000  }
0x6a: {  	[spmem:s6] =	stream.linear.scatter [tilespmem:s25], [sflag:$0x3], $0x4000, $0x38;
	[tilespmem:$0x1E800] =	vst v63  }
0x6b: {  	_ =	swait.ge [sflag:s26], $0x4000  }
0x6c: {  	[sflag:s26] =	ssyncset.done $0x0  }
0x6d: {  	[sflag:s26] =	ssyncadd.s32 $0xFFFFC000  }
0x6e: {  	[spmem:s7] =	stream.linear.scatter [tilespmem:s25], [sflag:$0x3], $0x4000, $0x38;
	[tilespmem:$0x1E800] =	vst v63  }
0x6f: {  	_ =	swait.ge [sflag:s26], $0x4000  }
0x70: {  	[sflag:s26] =	ssyncset.done $0x0  }
0x71: {  	[sflag:s26] =	ssyncadd.s32 $0xFFFFC000  }
0x72: {  	[spmem:s8] =	stream.linear.scatter [tilespmem:s25], [sflag:$0x3], $0x4000, $0x38;
	[tilespmem:$0x1E800] =	vst v63  }
0x73: {  	_ =	swait.ge [sflag:s26], $0x4000  }
0x74: {  	[sflag:s26] =	ssyncset.done $0x0  }
0x75: {  	[sflag:s26] =	ssyncadd.s32 $0xFFFFC000  }
0x76: {  	[spmem:s9] =	stream.linear.scatter [tilespmem:s25], [sflag:$0x3], $0x4000, $0x38;
	[tilespmem:$0x1E800] =	vst v63  }
0x77: {  	_ =	swait.ge [sflag:s26], $0x4000  }
0x78: {  	[sflag:s26] =	ssyncset.done $0x0  }
0x79: {  	[sflag:s26] =	ssyncadd.s32 $0xFFFFC000  }
0x7a: {  	[spmem:s18] =	stream.linear.scatter [tilespmem:s25], [sflag:$0x3], $0x4000, $0x38;
	[tilespmem:$0x1E800] =	vst v63  }
.Ltmp2:
0x7b: {  	_ =	swait.ge [sflag:s26], $0x4000;
	(pc) =	sbr.rel @!p0 .LBB2_2-.Ltmp2, $4  }
0x7c: {  	[sflag:s26] =	ssyncset.done $0x0  }
0x7d: {  	[sflag:s26] =	ssyncadd.s32 $0xFFFFC000  }
0x7e: {  	[bflag:$0x0] =	sbarrier.arrive $0xFFFF  }
0x7f: {  	s13 =	simm.s32 $0x0  }
0x80: {  	s14 =	rddreg [dreg:$0xa]  }
0x81: {  	[tilespmem:s13], [sflag:$0x3] =	stream.linear.gather [hbm4b:s14+s13], $0x1400, $0x38;
	[tilespmem:$0x1E800] =	vst v63  }
0x82: {  	_ =	swait.ge [sflag:s26], $0x1400  }
0x83: {  	[sflag:s26] =	ssyncset.done $0x0  }
0x84: {  	s17 =	rddreg [dreg:$0xb];
	[sflag:s26] =	ssyncadd.s32 $0xFFFFEC00  }
0x85: {  	[tilespmem:s28], [sflag:$0x3] =	stream.linear.gather [hbm4b:s17+s13], $0x1400, $0x38;
	[tilespmem:$0x1E800] =	vst v63  }
0x86: {  	_ =	swait.ge [sflag:s26], $0x1400  }
0x87: {  	[sflag:s26] =	ssyncset.done $0x0  }
0x88: {  	[sflag:s26] =	ssyncadd.s32 $0xFFFFEC00  }
0x89: {  	[tilespmem:s25], [sflag:$0x1] =	stream.indirect.gather [hbm4b:s1+s29], $0x80, s13, s29, $0xb8;
	[tilespmem:$0x1E800] =	vst v63  }
0x8a: {  	s14 =	simm.s32 $0x80  }
0x8b: {  	[tilespmem:s30], [sflag:$0x2] =	stream.indirect.gather [hbm4b:s1+s29], $0x80, s14, s29, $0xb8;
	[tilespmem:$0x1E800] =	vst v63  }
0x8c: {  	_ =	swait.ge [sflag:s31], $0x4000  }
0x8d: {  	[sflag:s31] =	ssyncset.done $0x0  }
0x8e: {  	s15 =	simm.s32 $0x1400;
	[sflag:s31] =	ssyncadd.s32 $0xFFFFC000  }
0x8f: {  	[spmem:s2] =	stream.indirect.scatter.add.f32 [tilespmem:s25], [sflag:$0x3], $0x80, s15, s29, $0xb8;
	[tilespmem:$0x1E800] =	vst v63  }
0x90: {  	_ =	swait.ge [sflag:s26], $0x4000  }
0x91: {  	[sflag:s26] =	ssyncset.done $0x0  }
0x92: {  	s16 =	simm.s32 $0x100;
	[sflag:s26] =	ssyncadd.s32 $0xFFFFC000  }
0x93: {  	[tilespmem:s25], [sflag:$0x1] =	stream.indirect.gather [hbm4b:s1+s29], $0x80, s16, s29, $0xb8;
	[tilespmem:$0x1E800] =	vst v63  }
0x94: {  	_ =	swait.ge [sflag:s0], $0x4000  }
0x95: {  	[sflag:s0] =	ssyncset.done $0x0  }
0x96: {  	s17 =	simm.s32 $0x1480;
	[sflag:s0] =	ssyncadd.s32 $0xFFFFC000  }
0x97: {  	[spmem:s2] =	stream.indirect.scatter.add.f32 [tilespmem:s30], [sflag:$0x3], $0x80, s17, s29, $0xb8;
	[tilespmem:$0x1E800] =	vst v63  }
0x98: {  	_ =	swait.ge [sflag:s26], $0x4000  }
0x99: {  	s13 =	simm.s32 $0x100;
	s14 =	simm.s32 $0x800;
	[sflag:s26] =	ssyncset.done $0x0  }
.LBB2_10:
0x9a: {  	s15 =	sadd.s32 $0x80, s13  }
0x9b: {  	[sflag:s26] =	ssyncadd.s32 $0xFFFFC000;
	s16 =	smov.u32 s14;
	s17 =	sadd.s32 $0x400, s14  }
0x9c: {  	[tilespmem:s30], [sflag:$0x2] =	stream.indirect.gather [hbm4b:s1+s29], $0x80, s15, s29, $0xb8;
	[tilespmem:$0x1E800] =	vst v63  }
0x9d: {  	p1 =	sne.s32 s14, $0x4800;
	_ =	swait.ge [sflag:s31], $0x4000  }
0x9e: {  	[sflag:s31] =	ssyncset.done $0x0  }
0x9f: {  	s14 =	sadd.s32 $0x1400, s13;
	[sflag:s31] =	ssyncadd.s32 $0xFFFFC000  }
0xa0: {  	[spmem:s2] =	stream.indirect.scatter.add.f32 [tilespmem:s25], [sflag:$0x3], $0x80, s14, s29, $0xb8;
	[tilespmem:$0x1E800] =	vst v63  }
0xa1: {  	_ =	swait.ge [sflag:s26], $0x4000  }
0xa2: {  	[sflag:s26] =	ssyncset.done $0x0  }
0xa3: {  	s14 =	sadd.s32 $0x100, s13;
	[sflag:s26] =	ssyncadd.s32 $0xFFFFC000  }
0xa4: {  	[tilespmem:s25], [sflag:$0x1] =	stream.indirect.gather [hbm4b:s1+s29], $0x80, s14, s29, $0xb8;
	[tilespmem:$0x1E800] =	vst v63  }
0xa5: {  	_ =	swait.ge [sflag:s0], $0x4000  }
.Ltmp3:
0xa6: {  	[sflag:s0] =	ssyncset.done $0x0;
	(pc) =	sbr.rel @p1 .LBB2_10-.Ltmp3, $4  }
0xa7: {  	s13 =	sadd.s32 $0x1480, s13;
	[sflag:s0] =	ssyncadd.s32 $0xFFFFC000  }
0xa8: {  	[spmem:s2] =	stream.indirect.scatter.add.f32 [tilespmem:s30], [sflag:$0x3], $0x80, s13, s29, $0xb8;
	[tilespmem:$0x1E800] =	vst v63  }
0xa9: {  	_ =	swait.ge [sflag:s26], $0x4000  }
0xaa: {  	s14 =	smov.u32 s17;
	s13 =	sshra.s32 s16, $0x2;
	[sflag:s26] =	ssyncset.done $0x0  }
.Ltmp4:
0xab: {  	_ = 	snop;
	(pc) =	sbr.rel .LBB2_11-.Ltmp4, $1  }
0xac: {  	_ =	sdelay $0x3  }
.LBB2_2:
0xad: {  	s14 =	rddreg [dreg:$0x4]  }
0xae: {  	[tilespmem:s13], [sflag:$0x3] =	stream.linear.gather [hbm4b:s14+s13], $0x1400, $0x38;
	[tilespmem:$0x1E800] =	vst v63  }
0xaf: {  	_ =	swait.ge [sflag:s26], $0x1400  }
0xb0: {  	[sflag:s26] =	ssyncset.done $0x0  }
0xb1: {  	s17 =	rddreg [dreg:$0x5];
	[sflag:s26] =	ssyncadd.s32 $0xFFFFEC00  }
0xb2: {  	[tilespmem:s28], [sflag:$0x3] =	stream.linear.gather [hbm4b:s17+s13], $0x1400, $0x38;
	[tilespmem:$0x1E800] =	vst v63  }
0xb3: {  	_ =	swait.ge [sflag:s26], $0x1400  }
0xb4: {  	[sflag:s26] =	ssyncset.done $0x0  }
0xb5: {  	[sflag:s26] =	ssyncadd.s32 $0xFFFFEC00  }
0xb6: {  	[tilespmem:s25], [sflag:$0x1] =	stream.indirect.gather [hbm4b:s1+s29], $0x80, s13, s29, $0xb8;
	[tilespmem:$0x1E800] =	vst v63  }
0xb7: {  	s14 =	simm.s32 $0x80  }
0xb8: {  	[tilespmem:s30], [sflag:$0x2] =	stream.indirect.gather [hbm4b:s1+s29], $0x80, s14, s29, $0xb8;
	[tilespmem:$0x1E800] =	vst v63  }
0xb9: {  	_ =	swait.ge [sflag:s31], $0x4000  }
0xba: {  	[sflag:s31] =	ssyncset.done $0x0  }
0xbb: {  	s15 =	simm.s32 $0x1400;
	[sflag:s31] =	ssyncadd.s32 $0xFFFFC000  }
0xbc: {  	[spmem:s2] =	stream.indirect.scatter.add.f32 [tilespmem:s25], [sflag:$0x3], $0x80, s15, s29, $0xb8;
	[tilespmem:$0x1E800] =	vst v63  }
0xbd: {  	_ =	swait.ge [sflag:s26], $0x4000  }
0xbe: {  	[sflag:s26] =	ssyncset.done $0x0  }
0xbf: {  	s16 =	simm.s32 $0x100;
	[sflag:s26] =	ssyncadd.s32 $0xFFFFC000  }
0xc0: {  	[tilespmem:s25], [sflag:$0x1] =	stream.indirect.gather [hbm4b:s1+s29], $0x80, s16, s29, $0xb8;
	[tilespmem:$0x1E800] =	vst v63  }
0xc1: {  	_ =	swait.ge [sflag:s0], $0x4000  }
0xc2: {  	[sflag:s0] =	ssyncset.done $0x0  }
0xc3: {  	s17 =	simm.s32 $0x1480;
	[sflag:s0] =	ssyncadd.s32 $0xFFFFC000  }
0xc4: {  	[spmem:s2] =	stream.indirect.scatter.add.f32 [tilespmem:s30], [sflag:$0x3], $0x80, s17, s29, $0xb8;
	[tilespmem:$0x1E800] =	vst v63  }
0xc5: {  	_ =	swait.ge [sflag:s26], $0x4000  }
0xc6: {  	s13 =	simm.s32 $0x100;
	s14 =	simm.s32 $0x800;
	[sflag:s26] =	ssyncset.done $0x0  }
.LBB2_3:
0xc7: {  	s15 =	sadd.s32 $0x80, s13  }
0xc8: {  	[sflag:s26] =	ssyncadd.s32 $0xFFFFC000;
	s16 =	smov.u32 s14;
	s17 =	sadd.s32 $0x400, s14  }
0xc9: {  	[tilespmem:s30], [sflag:$0x2] =	stream.indirect.gather [hbm4b:s1+s29], $0x80, s15, s29, $0xb8;
	[tilespmem:$0x1E800] =	vst v63  }
0xca: {  	p1 =	sne.s32 s14, $0x4800;
	_ =	swait.ge [sflag:s31], $0x4000  }
0xcb: {  	[sflag:s31] =	ssyncset.done $0x0  }
0xcc: {  	s14 =	sadd.s32 $0x1400, s13;
	[sflag:s31] =	ssyncadd.s32 $0xFFFFC000  }
0xcd: {  	[spmem:s2] =	stream.indirect.scatter.add.f32 [tilespmem:s25], [sflag:$0x3], $0x80, s14, s29, $0xb8;
	[tilespmem:$0x1E800] =	vst v63  }
0xce: {  	_ =	swait.ge [sflag:s26], $0x4000  }
0xcf: {  	[sflag:s26] =	ssyncset.done $0x0  }
0xd0: {  	s14 =	sadd.s32 $0x100, s13;
	[sflag:s26] =	ssyncadd.s32 $0xFFFFC000  }
0xd1: {  	[tilespmem:s25], [sflag:$0x1] =	stream.indirect.gather [hbm4b:s1+s29], $0x80, s14, s29, $0xb8;
	[tilespmem:$0x1E800] =	vst v63  }
0xd2: {  	_ =	swait.ge [sflag:s0], $0x4000  }
.Ltmp5:
0xd3: {  	[sflag:s0] =	ssyncset.done $0x0;
	(pc) =	sbr.rel @p1 .LBB2_3-.Ltmp5, $4  }
0xd4: {  	s13 =	sadd.s32 $0x1480, s13;
	[sflag:s0] =	ssyncadd.s32 $0xFFFFC000  }
0xd5: {  	[spmem:s2] =	stream.indirect.scatter.add.f32 [tilespmem:s30], [sflag:$0x3], $0x80, s13, s29, $0xb8;
	[tilespmem:$0x1E800] =	vst v63  }
0xd6: {  	_ =	swait.ge [sflag:s26], $0x4000  }
0xd7: {  	s14 =	smov.u32 s17;
	s13 =	sshra.s32 s16, $0x2;
	[sflag:s26] =	ssyncset.done $0x0  }
0xd8: {  	s14 =	sadd.s32 $0x80, s13;
	[sflag:s26] =	ssyncadd.s32 $0xFFFFC000  }
0xd9: {  	[tilespmem:s30], [sflag:$0x2] =	stream.indirect.gather [hbm4b:s1+s29], $0x80, s14, s29, $0xb8;
	[tilespmem:$0x1E800] =	vst v63  }
0xda: {  	_ =	swait.ge [sflag:s31], $0x4000  }
0xdb: {  	[sflag:s31] =	ssyncset.done $0x0  }
0xdc: {  	s16 =	sadd.s32 $0x1400, s13;
	[sflag:s31] =	ssyncadd.s32 $0xFFFFC000  }
0xdd: {  	[spmem:s2] =	stream.indirect.scatter.add.f32 [tilespmem:s25], [sflag:$0x3], $0x80, s16, s29, $0xb8;
	[tilespmem:$0x1E800] =	vst v63  }
0xde: {  	_ =	swait.ge [sflag:s26], $0x4000  }
0xdf: {  	[sflag:s26] =	ssyncset.done $0x0  }
0xe0: {  	s17 =	sadd.s32 $0x100, s13;
	[sflag:s26] =	ssyncadd.s32 $0xFFFFC000  }
0xe1: {  	[tilespmem:s25], [sflag:$0x1] =	stream.indirect.gather [hbm4b:s1+s29], $0x80, s17, s29, $0xb8;
	[tilespmem:$0x1E800] =	vst v63  }
0xe2: {  	_ =	swait.ge [sflag:s0], $0x4000  }
0xe3: {  	[sflag:s0] =	ssyncset.done $0x0  }
0xe4: {  	s14 =	sadd.s32 $0x1480, s13;
	[sflag:s0] =	ssyncadd.s32 $0xFFFFC000  }
0xe5: {  	[spmem:s2] =	stream.indirect.scatter.add.f32 [tilespmem:s30], [sflag:$0x3], $0x80, s14, s29, $0xb8;
	[tilespmem:$0x1E800] =	vst v63  }
0xe6: {  	_ =	swait.ge [sflag:s26], $0x4000  }
0xe7: {  	[sflag:s26] =	ssyncset.done $0x0  }
0xe8: {  	[sflag:s26] =	ssyncadd.s32 $0xFFFFC000  }
0xe9: {  	[tilespmem:s30], [sflag:$0x2] =	stream.indirect.gather [hbm4b:s1+s29], $0x80, s4, s29, $0xb8;
	[tilespmem:$0x1E800] =	vst v63  }
0xea: {  	_ =	swait.ge [sflag:s31], $0x4000  }
0xeb: {  	[sflag:s31] =	ssyncset.done $0x0  }
0xec: {  	[sflag:s31] =	ssyncadd.s32 $0xFFFFC000  }
0xed: {  	[spmem:s2] =	stream.indirect.scatter.add.f32 [tilespmem:s25], [sflag:$0x3], $0x80, s10, s29, $0xb8;
	[tilespmem:$0x1E800] =	vst v63  }
0xee: {  	_ =	swait.ge [sflag:s26], $0x4000  }
0xef: {  	[sflag:s26] =	ssyncset.done $0x0  }
0xf0: {  	[sflag:s26] =	ssyncadd.s32 $0xFFFFC000  }
0xf1: {  	_ =	swait.ge [sflag:s0], $0x4000  }
0xf2: {  	[sflag:s0] =	ssyncset.done $0x0  }
0xf3: {  	[sflag:s0] =	ssyncadd.s32 $0xFFFFC000  }
0xf4: {  	[spmem:s2] =	stream.indirect.scatter.add.f32 [tilespmem:s30], [sflag:$0x3], $0x80, s11, s29, $0xb8;
	[tilespmem:$0x1E800] =	vst v63  }
0xf5: {  	_ =	swait.ge [sflag:s26], $0x4000  }
0xf6: {  	[sflag:s26] =	ssyncset.done $0x0  }
0xf7: {  	s15 =	simm.s32 $0x0;
	s16 =	rddreg [dreg:$0x6];
	[sflag:s26] =	ssyncadd.s32 $0xFFFFC000  }
0xf8: {  	[tilespmem:s15], [sflag:$0x3] =	stream.linear.gather [hbm4b:s16+s15], $0x1400, $0x38;
	[tilespmem:$0x1E800] =	vst v63  }
0xf9: {  	_ =	swait.ge [sflag:s26], $0x1400  }
0xfa: {  	[sflag:s26] =	ssyncset.done $0x0  }
0xfb: {  	s17 =	rddreg [dreg:$0x7];
	[sflag:s26] =	ssyncadd.s32 $0xFFFFEC00  }
0xfc: {  	[tilespmem:s28], [sflag:$0x3] =	stream.linear.gather [hbm4b:s17+s15], $0x1400, $0x38;
	[tilespmem:$0x1E800] =	vst v63  }
0xfd: {  	_ =	swait.ge [sflag:s26], $0x1400  }
0xfe: {  	[sflag:s26] =	ssyncset.done $0x0  }
0xff: {  	[sflag:s26] =	ssyncadd.s32 $0xFFFFEC00  }
0x100: {  	[tilespmem:s25], [sflag:$0x1] =	stream.indirect.gather [hbm4b:s1+s29], $0x80, s15, s29, $0xb8;
	[tilespmem:$0x1E800] =	vst v63  }
0x101: {  	s14 =	simm.s32 $0x80  }
0x102: {  	[tilespmem:s30], [sflag:$0x2] =	stream.indirect.gather [hbm4b:s1+s29], $0x80, s14, s29, $0xb8;
	[tilespmem:$0x1E800] =	vst v63  }
0x103: {  	_ =	swait.ge [sflag:s31], $0x4000  }
0x104: {  	[sflag:s31] =	ssyncset.done $0x0  }
0x105: {  	s15 =	simm.s32 $0x1400;
	[sflag:s31] =	ssyncadd.s32 $0xFFFFC000  }
0x106: {  	[spmem:s2] =	stream.indirect.scatter.add.f32 [tilespmem:s25], [sflag:$0x3], $0x80, s15, s29, $0xb8;
	[tilespmem:$0x1E800] =	vst v63  }
0x107: {  	_ =	swait.ge [sflag:s26], $0x4000  }
0x108: {  	[sflag:s26] =	ssyncset.done $0x0  }
0x109: {  	s16 =	simm.s32 $0x100;
	[sflag:s26] =	ssyncadd.s32 $0xFFFFC000  }
0x10a: {  	[tilespmem:s25], [sflag:$0x1] =	stream.indirect.gather [hbm4b:s1+s29], $0x80, s16, s29, $0xb8;
	[tilespmem:$0x1E800] =	vst v63  }
0x10b: {  	_ =	swait.ge [sflag:s0], $0x4000  }
0x10c: {  	[sflag:s0] =	ssyncset.done $0x0  }
0x10d: {  	s17 =	simm.s32 $0x1480;
	[sflag:s0] =	ssyncadd.s32 $0xFFFFC000  }
0x10e: {  	[spmem:s2] =	stream.indirect.scatter.add.f32 [tilespmem:s30], [sflag:$0x3], $0x80, s17, s29, $0xb8;
	[tilespmem:$0x1E800] =	vst v63  }
0x10f: {  	_ =	swait.ge [sflag:s26], $0x4000  }
0x110: {  	s13 =	simm.s32 $0x100;
	s14 =	simm.s32 $0x800;
	[sflag:s26] =	ssyncset.done $0x0  }
.LBB2_5:
0x111: {  	s15 =	sadd.s32 $0x80, s13  }
0x112: {  	[sflag:s26] =	ssyncadd.s32 $0xFFFFC000;
	s16 =	smov.u32 s14;
	s17 =	sadd.s32 $0x400, s14  }
0x113: {  	[tilespmem:s30], [sflag:$0x2] =	stream.indirect.gather [hbm4b:s1+s29], $0x80, s15, s29, $0xb8;
	[tilespmem:$0x1E800] =	vst v63  }
0x114: {  	p1 =	sne.s32 s14, $0x4800;
	_ =	swait.ge [sflag:s31], $0x4000  }
0x115: {  	[sflag:s31] =	ssyncset.done $0x0  }
0x116: {  	s14 =	sadd.s32 $0x1400, s13;
	[sflag:s31] =	ssyncadd.s32 $0xFFFFC000  }
0x117: {  	[spmem:s2] =	stream.indirect.scatter.add.f32 [tilespmem:s25], [sflag:$0x3], $0x80, s14, s29, $0xb8;
	[tilespmem:$0x1E800] =	vst v63  }
0x118: {  	_ =	swait.ge [sflag:s26], $0x4000  }
0x119: {  	[sflag:s26] =	ssyncset.done $0x0  }
0x11a: {  	s14 =	sadd.s32 $0x100, s13;
	[sflag:s26] =	ssyncadd.s32 $0xFFFFC000  }
0x11b: {  	[tilespmem:s25], [sflag:$0x1] =	stream.indirect.gather [hbm4b:s1+s29], $0x80, s14, s29, $0xb8;
	[tilespmem:$0x1E800] =	vst v63  }
0x11c: {  	_ =	swait.ge [sflag:s0], $0x4000  }
.Ltmp6:
0x11d: {  	[sflag:s0] =	ssyncset.done $0x0;
	(pc) =	sbr.rel @p1 .LBB2_5-.Ltmp6, $4  }
0x11e: {  	s13 =	sadd.s32 $0x1480, s13;
	[sflag:s0] =	ssyncadd.s32 $0xFFFFC000  }
0x11f: {  	[spmem:s2] =	stream.indirect.scatter.add.f32 [tilespmem:s30], [sflag:$0x3], $0x80, s13, s29, $0xb8;
	[tilespmem:$0x1E800] =	vst v63  }
0x120: {  	_ =	swait.ge [sflag:s26], $0x4000  }
0x121: {  	s14 =	smov.u32 s17;
	s13 =	sshra.s32 s16, $0x2;
	[sflag:s26] =	ssyncset.done $0x0  }
0x122: {  	s14 =	sadd.s32 $0x80, s13;
	[sflag:s26] =	ssyncadd.s32 $0xFFFFC000  }
0x123: {  	[tilespmem:s30], [sflag:$0x2] =	stream.indirect.gather [hbm4b:s1+s29], $0x80, s14, s29, $0xb8;
	[tilespmem:$0x1E800] =	vst v63  }
0x124: {  	_ =	swait.ge [sflag:s31], $0x4000  }
0x125: {  	[sflag:s31] =	ssyncset.done $0x0  }
0x126: {  	s16 =	sadd.s32 $0x1400, s13;
	[sflag:s31] =	ssyncadd.s32 $0xFFFFC000  }
0x127: {  	[spmem:s2] =	stream.indirect.scatter.add.f32 [tilespmem:s25], [sflag:$0x3], $0x80, s16, s29, $0xb8;
	[tilespmem:$0x1E800] =	vst v63  }
0x128: {  	_ =	swait.ge [sflag:s26], $0x4000  }
0x129: {  	[sflag:s26] =	ssyncset.done $0x0  }
0x12a: {  	s17 =	sadd.s32 $0x100, s13;
	[sflag:s26] =	ssyncadd.s32 $0xFFFFC000  }
0x12b: {  	[tilespmem:s25], [sflag:$0x1] =	stream.indirect.gather [hbm4b:s1+s29], $0x80, s17, s29, $0xb8;
	[tilespmem:$0x1E800] =	vst v63  }
0x12c: {  	_ =	swait.ge [sflag:s0], $0x4000  }
0x12d: {  	[sflag:s0] =	ssyncset.done $0x0  }
0x12e: {  	s14 =	sadd.s32 $0x1480, s13;
	[sflag:s0] =	ssyncadd.s32 $0xFFFFC000  }
0x12f: {  	[spmem:s2] =	stream.indirect.scatter.add.f32 [tilespmem:s30], [sflag:$0x3], $0x80, s14, s29, $0xb8;
	[tilespmem:$0x1E800] =	vst v63  }
0x130: {  	_ =	swait.ge [sflag:s26], $0x4000  }
0x131: {  	[sflag:s26] =	ssyncset.done $0x0  }
0x132: {  	[sflag:s26] =	ssyncadd.s32 $0xFFFFC000  }
0x133: {  	[tilespmem:s30], [sflag:$0x2] =	stream.indirect.gather [hbm4b:s1+s29], $0x80, s4, s29, $0xb8;
	[tilespmem:$0x1E800] =	vst v63  }
0x134: {  	_ =	swait.ge [sflag:s31], $0x4000  }
0x135: {  	[sflag:s31] =	ssyncset.done $0x0  }
0x136: {  	[sflag:s31] =	ssyncadd.s32 $0xFFFFC000  }
0x137: {  	[spmem:s2] =	stream.indirect.scatter.add.f32 [tilespmem:s25], [sflag:$0x3], $0x80, s10, s29, $0xb8;
	[tilespmem:$0x1E800] =	vst v63  }
0x138: {  	_ =	swait.ge [sflag:s26], $0x4000  }
0x139: {  	[sflag:s26] =	ssyncset.done $0x0  }
0x13a: {  	[sflag:s26] =	ssyncadd.s32 $0xFFFFC000  }
0x13b: {  	_ =	swait.ge [sflag:s0], $0x4000  }
0x13c: {  	[sflag:s0] =	ssyncset.done $0x0  }
0x13d: {  	[sflag:s0] =	ssyncadd.s32 $0xFFFFC000  }
0x13e: {  	[spmem:s2] =	stream.indirect.scatter.add.f32 [tilespmem:s30], [sflag:$0x3], $0x80, s11, s29, $0xb8;
	[tilespmem:$0x1E800] =	vst v63  }
0x13f: {  	_ =	swait.ge [sflag:s26], $0x4000  }
0x140: {  	[sflag:s26] =	ssyncset.done $0x0  }
0x141: {  	s15 =	simm.s32 $0x0;
	s16 =	rddreg [dreg:$0x8];
	[sflag:s26] =	ssyncadd.s32 $0xFFFFC000  }
0x142: {  	[tilespmem:s15], [sflag:$0x3] =	stream.linear.gather [hbm4b:s16+s15], $0x1400, $0x38;
	[tilespmem:$0x1E800] =	vst v63  }
0x143: {  	_ =	swait.ge [sflag:s26], $0x1400  }
0x144: {  	[sflag:s26] =	ssyncset.done $0x0  }
0x145: {  	s17 =	rddreg [dreg:$0x9];
	[sflag:s26] =	ssyncadd.s32 $0xFFFFEC00  }
0x146: {  	[tilespmem:s28], [sflag:$0x3] =	stream.linear.gather [hbm4b:s17+s15], $0x1400, $0x38;
	[tilespmem:$0x1E800] =	vst v63  }
0x147: {  	_ =	swait.ge [sflag:s26], $0x1400  }
0x148: {  	[sflag:s26] =	ssyncset.done $0x0  }
0x149: {  	[sflag:s26] =	ssyncadd.s32 $0xFFFFEC00  }
0x14a: {  	[tilespmem:s25], [sflag:$0x1] =	stream.indirect.gather [hbm4b:s1+s29], $0x80, s15, s29, $0xb8;
	[tilespmem:$0x1E800] =	vst v63  }
0x14b: {  	s14 =	simm.s32 $0x80  }
0x14c: {  	[tilespmem:s30], [sflag:$0x2] =	stream.indirect.gather [hbm4b:s1+s29], $0x80, s14, s29, $0xb8;
	[tilespmem:$0x1E800] =	vst v63  }
0x14d: {  	_ =	swait.ge [sflag:s31], $0x4000  }
0x14e: {  	[sflag:s31] =	ssyncset.done $0x0  }
0x14f: {  	s15 =	simm.s32 $0x1400;
	[sflag:s31] =	ssyncadd.s32 $0xFFFFC000  }
0x150: {  	[spmem:s2] =	stream.indirect.scatter.add.f32 [tilespmem:s25], [sflag:$0x3], $0x80, s15, s29, $0xb8;
	[tilespmem:$0x1E800] =	vst v63  }
0x151: {  	_ =	swait.ge [sflag:s26], $0x4000  }
0x152: {  	[sflag:s26] =	ssyncset.done $0x0  }
0x153: {  	s16 =	simm.s32 $0x100;
	[sflag:s26] =	ssyncadd.s32 $0xFFFFC000  }
0x154: {  	[tilespmem:s25], [sflag:$0x1] =	stream.indirect.gather [hbm4b:s1+s29], $0x80, s16, s29, $0xb8;
	[tilespmem:$0x1E800] =	vst v63  }
0x155: {  	_ =	swait.ge [sflag:s0], $0x4000  }
0x156: {  	[sflag:s0] =	ssyncset.done $0x0  }
0x157: {  	s17 =	simm.s32 $0x1480;
	[sflag:s0] =	ssyncadd.s32 $0xFFFFC000  }
0x158: {  	[spmem:s2] =	stream.indirect.scatter.add.f32 [tilespmem:s30], [sflag:$0x3], $0x80, s17, s29, $0xb8;
	[tilespmem:$0x1E800] =	vst v63  }
0x159: {  	_ =	swait.ge [sflag:s26], $0x4000  }
0x15a: {  	s13 =	simm.s32 $0x100;
	s14 =	simm.s32 $0x800;
	[sflag:s26] =	ssyncset.done $0x0  }
.LBB2_7:
0x15b: {  	s15 =	sadd.s32 $0x80, s13  }
0x15c: {  	[sflag:s26] =	ssyncadd.s32 $0xFFFFC000;
	s16 =	smov.u32 s14;
	s17 =	sadd.s32 $0x400, s14  }
0x15d: {  	[tilespmem:s30], [sflag:$0x2] =	stream.indirect.gather [hbm4b:s1+s29], $0x80, s15, s29, $0xb8;
	[tilespmem:$0x1E800] =	vst v63  }
0x15e: {  	p1 =	seq.s32 s14, $0x4800;
	_ =	swait.ge [sflag:s31], $0x4000  }
0x15f: {  	[sflag:s31] =	ssyncset.done $0x0  }
0x160: {  	s14 =	sadd.s32 $0x1400, s13;
	[sflag:s31] =	ssyncadd.s32 $0xFFFFC000  }
0x161: {  	[spmem:s2] =	stream.indirect.scatter.add.f32 [tilespmem:s25], [sflag:$0x3], $0x80, s14, s29, $0xb8;
	[tilespmem:$0x1E800] =	vst v63  }
0x162: {  	_ =	swait.ge [sflag:s26], $0x4000  }
0x163: {  	[sflag:s26] =	ssyncset.done $0x0  }
0x164: {  	s14 =	sadd.s32 $0x100, s13;
	[sflag:s26] =	ssyncadd.s32 $0xFFFFC000  }
0x165: {  	[tilespmem:s25], [sflag:$0x1] =	stream.indirect.gather [hbm4b:s1+s29], $0x80, s14, s29, $0xb8;
	[tilespmem:$0x1E800] =	vst v63  }
0x166: {  	_ =	swait.ge [sflag:s0], $0x4000  }
.Ltmp7:
0x167: {  	[sflag:s0] =	ssyncset.done $0x0;
	(pc) =	sbr.rel @!p1 .LBB2_7-.Ltmp7, $4  }
0x168: {  	s13 =	sadd.s32 $0x1480, s13;
	[sflag:s0] =	ssyncadd.s32 $0xFFFFC000  }
0x169: {  	[spmem:s2] =	stream.indirect.scatter.add.f32 [tilespmem:s30], [sflag:$0x3], $0x80, s13, s29, $0xb8;
	[tilespmem:$0x1E800] =	vst v63  }
0x16a: {  	_ =	swait.ge [sflag:s26], $0x4000  }
0x16b: {  	s14 =	smov.u32 s17;
	s13 =	sshra.s32 s16, $0x2;
	[sflag:s26] =	ssyncset.done $0x0  }
0x16c: {  	s14 =	sadd.s32 $0x80, s13;
	[sflag:s26] =	ssyncadd.s32 $0xFFFFC000  }
0x16d: {  	[tilespmem:s30], [sflag:$0x2] =	stream.indirect.gather [hbm4b:s1+s29], $0x80, s14, s29, $0xb8;
	[tilespmem:$0x1E800] =	vst v63  }
0x16e: {  	_ =	swait.ge [sflag:s31], $0x4000  }
0x16f: {  	[sflag:s31] =	ssyncset.done $0x0  }
0x170: {  	s15 =	sadd.s32 $0x1400, s13;
	[sflag:s31] =	ssyncadd.s32 $0xFFFFC000  }
0x171: {  	[spmem:s2] =	stream.indirect.scatter.add.f32 [tilespmem:s25], [sflag:$0x3], $0x80, s15, s29, $0xb8;
	[tilespmem:$0x1E800] =	vst v63  }
0x172: {  	_ =	swait.ge [sflag:s26], $0x4000  }
0x173: {  	[sflag:s26] =	ssyncset.done $0x0  }
0x174: {  	s16 =	sadd.s32 $0x100, s13;
	[sflag:s26] =	ssyncadd.s32 $0xFFFFC000  }
0x175: {  	[tilespmem:s25], [sflag:$0x1] =	stream.indirect.gather [hbm4b:s1+s29], $0x80, s16, s29, $0xb8;
	[tilespmem:$0x1E800] =	vst v63  }
0x176: {  	_ =	swait.ge [sflag:s0], $0x4000  }
0x177: {  	[sflag:s0] =	ssyncset.done $0x0  }
.Ltmp8:
0x178: {  	s17 =	sadd.s32 $0x1480, s13;
	[sflag:s0] =	ssyncadd.s32 $0xFFFFC000;
	(pc) =	sbr.rel .LBB2_12-.Ltmp8, $4  }
0x179: {  	[spmem:s2] =	stream.indirect.scatter.add.f32 [tilespmem:s30], [sflag:$0x3], $0x80, s17, s29, $0xb8;
	[tilespmem:$0x1E800] =	vst v63  }
0x17a: {  	_ =	swait.ge [sflag:s26], $0x4000  }
0x17b: {  	[sflag:s26] =	ssyncset.done $0x0  }
0x17c: {  	[sflag:s26] =	ssyncadd.s32 $0xFFFFC000  }
.LBB2_13:
0x17d: {  	_ =	sfence.sel $0x180000  }
0x17e: {  	[bflag:$0x0] =	sbarrier.arrive $0xFFFF  }
0x17f: {  	_ =	strace $0x9000004A  }
0x180: {  	s0 =	stileid.u32;
	[bflag:$0x2] =	sbarrier.arrive $0xFFFF  }
0x181: {  	p0 =	sne.s32 s0, $0x0;
	s0 =	rddreg [dreg:$0x3]  }
0x182: {  	s0 =	sadd.s32 @!p0 $0x100000, s0  }
0x183: {  	[sflag:s0] =	ssyncadd.tile.s32 @!p0 $0x1;
	_ =	shalt  }
.Lfunc_end2:
_tile_overlayer_lowered:
.L_overlay_start_2:
0x184: {  	(tag) =	ssettag $0x2  }
0x185: {  	s0 =	rddreg [dreg:$0x0];
	s2 =	stileid.u32  }
0x186: {  	s1 =	rddreg [dreg:$0x1];
	p0 =	sne.s32 s2, $0x0  }
0x187: {  	s3 =	rddreg [dreg:$0x2];
	[bflag:$0x3] =	sbarrier.arrive $0xFFFF;
	s2 =	simm.s32 @!p0 $0x1C03  }
0x188: {  	[timem:s3], [sflag:s2] =	dma.local @!p0 [hbm:s0], s1  }
0x189: {  	s0 =	simm.s32 @!p0 $0x3  }
0x18a: {  	_ =	swait.ge @!p0 [sflag:s0], s1  }
0x18b: {  	s1 =	ssub.s32 @!p0 $0x0, s1;
	[sflag:s0] =	ssyncset.done @!p0 $0x0  }
0x18c: {  	[sflag:s0] =	ssyncadd.s32 @!p0 s1  }
0x18d: {  	[bflag:$0x3] =	sbarrier.arrive $0xFFFF  }
0x18e: {  	_ =	shalt  }

// kernel: kernel.14.cloned.1.call-start
scs
__scs_entry_jumppad:
0x0: {  	(pc) =	sbr.rel $0x88, $3  }
0x1: {  	(tag) =	ssettag $0x0;
	lr =	simm.s32 $0x1  }
0x2: {  	[smem:$0x3F9B] =	sst lr;
	_ =	strace $0xD0000000  }
0x3: {  	_ = 	snop  }
0x4: {  	_ = 	snop  }
0x5: {  	_ = 	snop  }
0x6: {  	_ = 	snop  }
0x7: {  	_ = 	snop  }
__scs_overlays_trampoline_lowered:
0x8: {  	[smem:$0x3FAA] =	sst s0  }
0x9: {  	[smem:$0x3FAB] =	sst s1  }
0xa: {  	[smem:$0x3FAC] =	sst s2  }
0xb: {  	[smem:$0x3FAD] =	sst s3  }
0xc: {  	[smem:$0x3FAE] =	sst s4  }
0xd: {  	[smem:$0x3FAF] =	sst s5  }
0xe: {  	[smem:$0x3FB0] =	sst s6  }
0xf: {  	[smem:$0x3FB1] =	sst s7  }
0x10: {  	[smem:$0x3FB2] =	sst s8  }
0x11: {  	[smem:$0x3FB3] =	sst s9;
	s0 =	simm.s32 @!p0 $0x0  }
0x12: {  	s1 =	sld [smem:$0x3F99];
	s0 =	simm.s32 @p0 $0x1  }
0x13: {  	[smem:$0x3FB4] =	sst s0;
	s0 =	simm.s32 @!p1 $0x0  }
0x14: {  	s2 =	sld [smem:$0x3F98];
	s0 =	simm.s32 @p1 $0x1  }
0x15: {  	[smem:$0x3FB5] =	sst s0;
	s0 =	simm.s32 @!p2 $0x0  }
0x16: {  	s3 =	sld [smem:$0x3FDB];
	s0 =	simm.s32 @p2 $0x1  }
0x17: {  	s4 =	simm.s32 $0x1BF5;
	[smem:$0x3FB7] =	sst s0  }
0x18: {  	s0 =	sld [smem:$0x3F9A];
	_ =	swait.ge [sflag:s4], $0x0  }
0x19: {  	s7 =	sld [smem:$0x3F9B]  }
0x1a: {  	s8 =	sadd.s32 $0xFFFFE003, lr  }
0x1b: {  	s9 =	sadd.s32 $0xFFFFFEF7, lr;
	s5 =	simm.s32 $0xFFFFFFFF;
	p2 =	slt.u32 s8, $0xFFFFF086  }
0x1c: {  	p1 =	slt.u32 s9, $0xF7A;
	s5 =	simm.s32 @!p2 $0x0  }
0x1d: {  	s5 =	simm.s32 @p1 $0x1;
	p0 =	seq.s32 s7, s2  }
0x1e: {  	s7 =	smul.u32 @!p0 $0xF7A, s2;
	p2 =	seq.s32 @!p0 s5, $0x0  }
0x1f: {  	s9 =	smul.u32 $0xF7A, s1;
	s8 =	simm.s32 @!p0 $0x1BF5;
	p2 =	por !p2, p0  }
0x20: {  	[sflag:s8] =	ssyncset.s32 @!p0 $0xFFFFF086;
	s6 =	sadd.s32 @!p0 s3, s7;
	s7 =	simm.s32 @!p0 $0x108  }
0x21: {  	s3 =	sadd.s32 s3, s9;
	s6 =	sadd.s32 @!p0 $0x88, s6;
	s7 =	simm.s32 @p2 $0x1082  }
0x22: {  	[simem:s7], [sflag:s8] =	dma.local @!p0 [hbm:s6], $0xF7A  }
0x23: {  	s9 =	sor.u32 $0xD0000000, s2;
	s6 =	simm.s32 $0x108;
	_ =	swait.ge @!p0 [sflag:s8], $0x0  }
0x24: {  	s3 =	sadd.s32 $0x88, s3;
	s6 =	simm.s32 @!p1 $0x1082;
	[sflag:s4] =	ssyncset.s32 $0xFFFFF086  }
0x25: {  	[simem:s6], [sflag:s4] =	dma.local [hbm:s3], $0xF7A  }
0x26: {  	[smem:$0x3F9B] =	sst s1;
	(tag) =	ssettag s2;
	_ =	strace s9  }
0x27: {  	s1 =	sld [smem:$0x3FAB]  }
0x28: {  	s2 =	sld [smem:$0x3FAC]  }
0x29: {  	s4 =	sld [smem:$0x3FAE]  }
0x2a: {  	p0 =	seq.s32 s5, $0x0;
	s5 =	sld [smem:$0x3FAF]  }
0x2b: {  	s6 =	sld [smem:$0x3FB0]  }
0x2c: {  	s7 =	sld [smem:$0x3FB1]  }
0x2d: {  	s3 =	simm.s32 $0x108;
	s8 =	sld [smem:$0x3FB2]  }
0x2e: {  	s3 =	simm.s32 @!p0 $0x1082;
	s9 =	sld [smem:$0x3FB3]  }
0x2f: {  	lr =	sadd.s32 s0, s3;
	s0 =	sld [smem:$0x3FAA]  }
0x30: {  	s3 =	sld [smem:$0x3FAD]  }
0x31: {  	[smem:$0x3FB6] =	sst s10  }
0x32: {  	s10 =	sld [smem:$0x3FB4];
	_ =	sdelay $0x3  }
0x33: {  	p0 =	seq.s32 s10, $0x1;
	s10 =	sld [smem:$0x3FB6];
	_ =	sdelay $0x3  }
0x34: {  	[smem:$0x3FB6] =	sst s10  }
0x35: {  	s10 =	sld [smem:$0x3FB5];
	_ =	sdelay $0x3  }
0x36: {  	p1 =	seq.s32 s10, $0x1;
	s10 =	sld [smem:$0x3FB6];
	_ =	sdelay $0x3  }
0x37: {  	[smem:$0x3FB6] =	sst s10  }
0x38: {  	s10 =	sld [smem:$0x3FB7]  }
0x39: {  	_ = 	snop;
	(pc) =	sbr.ind lr, $3  }
0x3a: {  	_ = 	snop  }
0x3b: {  	_ = 	snop  }
0x3c: {  	p2 =	seq.s32 s10, $0x1;
	s10 =	sld [smem:$0x3FB6]  }
0x3d: {  	_ =	shalt  }
0x3e: {  	_ =	shalt  }
0x3f: {  	_ =	shalt  }
0x40: {  	_ =	shalt  }
0x41: {  	_ =	shalt  }
0x42: {  	_ =	shalt  }
0x43: {  	_ =	shalt  }
0x44: {  	_ =	shalt  }
0x45: {  	_ =	shalt  }
0x46: {  	_ =	shalt  }
0x47: {  	_ =	shalt  }
0x48: {  	_ =	shalt  }
0x49: {  	_ =	shalt  }
0x4a: {  	_ =	shalt  }
0x4b: {  	_ =	shalt  }
0x4c: {  	_ =	shalt  }
0x4d: {  	_ =	shalt  }
0x4e: {  	_ =	shalt  }
0x4f: {  	_ =	shalt  }
0x50: {  	_ =	shalt  }
0x51: {  	_ =	shalt  }
0x52: {  	_ =	shalt  }
0x53: {  	_ =	shalt  }
0x54: {  	_ =	shalt  }
0x55: {  	_ =	shalt  }
0x56: {  	_ =	shalt  }
0x57: {  	_ =	shalt  }
0x58: {  	_ =	shalt  }
0x59: {  	_ =	shalt  }
0x5a: {  	_ =	shalt  }
0x5b: {  	_ =	shalt  }
0x5c: {  	_ =	shalt  }
0x5d: {  	_ =	shalt  }
0x5e: {  	_ =	shalt  }
0x5f: {  	_ =	shalt  }
0x60: {  	_ =	shalt  }
0x61: {  	_ =	shalt  }
0x62: {  	_ =	shalt  }
0x63: {  	_ =	shalt  }
0x64: {  	_ =	shalt  }
0x65: {  	_ =	shalt  }
0x66: {  	_ =	shalt  }
0x67: {  	_ =	shalt  }
0x68: {  	_ =	shalt  }
0x69: {  	_ =	shalt  }
0x6a: {  	_ =	shalt  }
0x6b: {  	_ =	shalt  }
0x6c: {  	_ =	shalt  }
0x6d: {  	_ =	shalt  }
0x6e: {  	_ =	shalt  }
0x6f: {  	_ =	shalt  }
0x70: {  	_ =	shalt  }
0x71: {  	_ =	shalt  }
0x72: {  	_ =	shalt  }
0x73: {  	_ =	shalt  }
0x74: {  	_ =	shalt  }
0x75: {  	_ =	shalt  }
0x76: {  	_ =	shalt  }
0x77: {  	_ =	shalt  }
0x78: {  	_ =	shalt  }
0x79: {  	_ =	shalt  }
0x7a: {  	_ =	shalt  }
0x7b: {  	_ =	shalt  }
0x7c: {  	_ =	shalt  }
0x7d: {  	_ =	shalt  }
0x7e: {  	_ =	shalt  }
0x7f: {  	_ =	shalt  }
0x80: {  	_ =	shalt  }
0x81: {  	_ =	shalt  }
0x82: {  	_ =	shalt  }
0x83: {  	_ =	shalt  }
0x84: {  	_ =	shalt  }
0x85: {  	_ =	shalt  }
0x86: {  	_ =	shalt  }
0x87: {  	_ =	shalt  }
.Lfunc_end0:
.L_simem_size_0:
called_computation.2_lowered:
.L_overlay_start_0:
0x88: {  	s2 =	sld [smem:$0x3FD9]  }
0x89: {  	s3 =	sld [smem:$0x3FFE];
	_ =	sdelay $0x1  }
0x8a: {  	s1 =	srdreg.scid  }
0x8b: {  	s0 =	sand.u32 $0x1, s1  }
0x8c: {  	s17 =	sshll.u32 s0, $0xA;
	s2 =	sadd.s32 s3, s2  }
0x8d: {  	s2 =	sadd.s32 s2, s17  }
0x8e: {  	[smem:$0x3FC2] =	sst s2  }
0x8f: {  	_ = 	snop  }
0x90: {  	s2 =	sld [smem:$0x3FD0];
	(tm) =	ssettm $0x1  }
0x91: {  	s18 =	sld [smem:$0x3FFB];
	_ =	sdelay $0x3  }
0x92: {  	_ =	strace s18  }
0x93: {  	s3 =	sld [smem:$0x3FFC];
	_ =	sdelay $0x3  }
0x94: {  	_ =	strace s3  }
0x95: {  	s3 =	sld [smem:$0x3FFD];
	_ =	sdelay $0x3  }
0x96: {  	_ =	strace s3  }
0x97: {  	_ =	strace $0x8FFFFFFF  }
0x98: {  	s19 =	sld [smem:$0x3FDB];
	_ =	sdelay $0x1  }
0x99: {  	s4 =	simm.s32 $_scs_section_size  }
0x9a: {  	s5 =	simm.s32 $_size__tile_overlayer_lowered;
	s6 =	simm.s32 $_tile_overlayer_lowered  }
0x9b: {  	s22 =	simm.s32 $0x1BFF;
	s21 =	sshll.u32 s6, $0x1;
	s3 =	sadd.s32 s4, s19  }
0x9c: {  	s7 =	simm.s32 $0x0;
	s20 =	sshll.u32 s5, $0x1;
	s5 =	sadd.s32 s21, s3  }
0x9d: {  	[timem:s7], [sflag:s22] =	dma.local [hbm:s5], s20  }
0x9e: {  	_ =	swait.ge [sflag:s22], s20  }
0x9f: {  	s4 =	ssub.s32 $0x0, s20;
	[sflag:s22] =	ssyncset.done $0x0  }
0xa0: {  	[sflag:s22] =	ssyncadd.s32 s4;
	_ =	sdelay $0x1  }
0xa1: {  	s23 =	simm.s32 $0x1B8B  }
0xa2: {  	_ =	swait.ge [sflag:s23], $0x1  }
0xa3: {  	[sflag:s23] =	ssyncset.done $0x0  }
0xa4: {  	s25 =	simm.s32 $0x1B8E;
	s24 =	sld [smem:$0x3FFE];
	[sflag:s23] =	ssyncadd.s32 $0xFFFFFFFF  }
0xa5: {  	s26 =	simm.s32 $execute0_lowered;
	[smem:$0x3FD2] =	sst s25  }
0xa6: {  	s5 =	sshll.u32 s26, $0x1;
	_ =	strace $0x8000004C;
	[dreg:$0x1] =	wrdreg $0xFFFFFFFF  }
0xa7: {  	s28 =	simm.s32 $_size_execute0_lowered;
	s3 =	sadd.s32 s3, s5;
	[dreg:$0x0] =	wrdreg $0x0  }
0xa8: {  	s5 =	sshll.u32 s28, $0x1;
	[dreg:$0x2] =	wrdreg s3  }
0xa9: {  	[dreg:$0x3] =	wrdreg s5  }
0xaa: {  	[dreg:$0x4] =	wrdreg $0xC0  }
0xab: {  	_ =	task [dreg:s7], $0x5FFFF  }
0xac: {  	[dreg:$0x1] =	wrdreg $0xFFFFFFFF  }
0xad: {  	[dreg:$0x0] =	wrdreg $0x60  }
0xae: {  	[dreg:$0x2] =	wrdreg s2  }
0xaf: {  	[dreg:$0x3] =	wrdreg s24  }
0xb0: {  	[dreg:$0x4] =	wrdreg $0xA8000  }
0xb1: {  	[dreg:$0x5] =	wrdreg $0x9  }
0xb2: {  	_ =	task.clear_ibuf [dreg:s7], $0x6FFFF;
	_ =	strace $0x9000004C  }
0xb3: {  	s29 =	simm.s32 $0x9;
	_ =	strace $0x8000004E  }
0xb4: {  	_ =	swait.ge [sflag:s29], $0x1  }
0xb5: {  	[sflag:s29] =	ssyncadd.s32 $0xFFFFFFFF  }
0xb6: {  	_ =	strace $0x9000004E  }
0xb7: {  	_ =	sfence  }
0xb8: {  	s30 =	sld [smem:$0x0];
	_ =	sdelay $0x2  }
0xb9: {  	s31 =	sshll.u32 s1, $0xD;
	s1 =	sshrl.u32 s1, $0x2  }
0xba: {  	s3 =	sand.u32 $0x4000, s31;
	s1 =	sadd.s32 s1, s30  }
0xbb: {  	s0 =	sor.u32 s3, s0;
	s1 =	sshll.u32 s1, $0x11  }
0xbc: {  	s0 =	sor.u32 s1, s0  }
0xbd: {  	s0 =	sadd.s32 $0x8F2B, s0  }
0xbe: {  	[sflag:s0] =	ssyncadd.remote.s32 $0x1  }
0xbf: {  	_ =	sfence.sel $0xFFFF  }
0xc0: {  	[dreg:$0x0] =	wrdreg $0xFFFFFFFF;
	(pc) =	sbr.abs _section_cstart, $3  }
0xc1: {  	[dreg:$0x1] =	wrdreg $0xFFFFFFFF  }
0xc2: {  	_ =	task.clear_ibuf [dreg:s7], $0x2FFFF;
	_ =	strace $0x9FFFFFFF  }
0xc3: {  	(tm) =	ssettm $0x7FFFFFFF  }
tec
execute0_lowered:
.L_overlay_start_1:
0x0: {  	(tag) =	ssettag $0x1  }
0x1: {  	s1 =	rddreg [dreg:$0x0]  }
0x2: {  	s0 =	rddreg [dreg:$0x1]  }
0x3: {  	s2 =	rddreg [dreg:$0x2];
	s3 =	simm.s32 $0x0  }
0x4: {  	s4 =	srdreg.scid;
	s9 =	stileid.u32;
	s28 =	simm.s32 $0x1400  }
0x5: {  	s29 =	simm.s32 $0x80;
	s30 =	simm.s32 $0x6800;
	s31 =	simm.s32 $0x1  }
0x6: {  	[smem:$0x7FF] =	sst s3;
	s10 =	sadd.s32 $0x5CC00, s0;
	s7 =	smul.u32 $0x50000, s9  }
0x7: {  	s4 =	sand.u32 $0x1, s4;
	s11 =	sadd.s32 $0x2400, s0;
	s12 =	smul.u32 $0x14000, s9  }
0x8: {  	s5 =	sadd.s32 $0xC400, s0;
	s0 =	sadd.s32 $0xCC00, s0;
	s15 =	smul.u32 $0x5000, s9  }
0x9: {  	_ =	strace $0x8000004D;
	s6 =	ssub.s32 $0x2, s4;
	p0 =	seq.s32 s4, $0x1  }
0xa: {  	s4 =	smul.u32 $0x140000, s4;
	s8 =	sshrl.u32 s6, $0x1;
	s21 =	sshrl.u32 s7, $0x2  }
0xb: {  	s14 =	sadd.s32 $0x4000, s12;
	s18 =	sadd.s32 $0x8000, s12;
	s19 =	sadd.s32 $0xC000, s12  }
0xc: {  	s15 =	sshrl.u32 s15, $0x3;
	s13 =	ssub.s32 s6, s8;
	s6 =	sadd.s32 s21, s2  }
0xd: {  	s7 =	sadd.s32 s14, s2;
	s8 =	sadd.s32 s18, s2;
	s16 =	sadd.s32 s10, s15  }
0xe: {  	s22 =	sadd.s32 $0x280, s15;
	s17 =	sadd.s32 s11, s15;
	[dreg:$0x4] =	wrdreg s16  }
0xf: {  	s9 =	sadd.s32 s19, s2;
	[dreg:$0x5] =	wrdreg s17;
	s23 =	sadd.s32 s10, s22  }
0x10: {  	s24 =	sadd.s32 $0x500, s15;
	s16 =	sadd.s32 s11, s22;
	[dreg:$0x6] =	wrdreg s23  }
0x11: {  	s25 =	sadd.s32 $0x780, s15;
	s26 =	sadd.s32 s10, s24;
	[dreg:$0x7] =	wrdreg s16  }
0x12: {  	s20 =	sadd.s32 s11, s24;
	s10 =	sadd.s32 s10, s25;
	[dreg:$0x8] =	wrdreg s26  }
0x13: {  	s21 =	sadd.s32 s11, s25;
	s22 =	sadd.s32 s12, s4;
	[dreg:$0x9] =	wrdreg s20  }
0x14: {  	s12 =	sadd.s32 $0x10000, s12;
	s24 =	sadd.s32 s4, s18;
	[dreg:$0xa] =	wrdreg s10  }
0x15: {  	[dreg:$0xb] =	wrdreg s21;
	s23 =	sadd.s32 s4, s14;
	s10 =	sshrl.u32 s22, $0x3  }
0x16: {  	s21 =	sadd.s32 s4, s19;
	s4 =	sadd.s32 s4, s12;
	s18 =	sadd.s32 s12, s2  }
0x17: {  	s25 =	sshrl.u32 s24, $0x3;
	s24 =	smax.u32 s13, $0x1;
	s12 =	simm.s32 $0x0  }
.Ltmp0:
0x18: {  	s11 =	sshrl.u32 s23, $0x3;
	s19 =	sadd.s32 s0, s10;
	(pc) =	sbr.rel .LBB2_1-.Ltmp0, $4  }
0x19: {  	s26 =	sshrl.u32 s21, $0x3;
	s4 =	sshrl.u32 s4, $0x3;
	s21 =	sadd.s32 s0, s25  }
0x1a: {  	s25 =	simm.s32 $0x2800;
	s10 =	simm.s32 $0x2700;
	s20 =	sadd.s32 s0, s11  }
0x1b: {  	s22 =	sadd.s32 s0, s26;
	s23 =	sadd.s32 s0, s4;
	s26 =	simm.s32 $0x3  }
0x1c: {  	s0 =	simm.s32 $0x2;
	s4 =	simm.s32 $0x1380;
	s11 =	simm.s32 $0x2780  }
.LBB2_11:
0x1d: {  	s14 =	sadd.s32 $0x80, s13;
	[sflag:s26] =	ssyncadd.s32 $0xFFFFC000  }
0x1e: {  	[tilespmem:s30], [sflag:$0x2] =	stream.indirect.gather [hbm4b:s1+s29], $0x80, s14, s29, $0xb8;
	[tilespmem:$0x1E800] =	vst v63  }
0x1f: {  	_ =	swait.ge [sflag:s31], $0x4000  }
0x20: {  	[sflag:s31] =	ssyncset.done $0x0  }
0x21: {  	s15 =	sadd.s32 $0x1400, s13;
	[sflag:s31] =	ssyncadd.s32 $0xFFFFC000  }
0x22: {  	[spmem:s2] =	stream.indirect.scatter.add.f32 [tilespmem:s25], [sflag:$0x3], $0x80, s15, s29, $0xb8;
	[tilespmem:$0x1E800] =	vst v63  }
0x23: {  	_ =	swait.ge [sflag:s26], $0x4000  }
0x24: {  	[sflag:s26] =	ssyncset.done $0x0  }
0x25: {  	s16 =	sadd.s32 $0x100, s13;
	[sflag:s26] =	ssyncadd.s32 $0xFFFFC000  }
0x26: {  	[tilespmem:s25], [sflag:$0x1] =	stream.indirect.gather [hbm4b:s1+s29], $0x80, s16, s29, $0xb8;
	[tilespmem:$0x1E800] =	vst v63  }
0x27: {  	_ =	swait.ge [sflag:s0], $0x4000  }
0x28: {  	[sflag:s0] =	ssyncset.done $0x0  }
0x29: {  	s17 =	sadd.s32 $0x1480, s13;
	[sflag:s0] =	ssyncadd.s32 $0xFFFFC000  }
0x2a: {  	[spmem:s2] =	stream.indirect.scatter.add.f32 [tilespmem:s30], [sflag:$0x3], $0x80, s17, s29, $0xb8;
	[tilespmem:$0x1E800] =	vst v63  }
0x2b: {  	_ =	swait.ge [sflag:s26], $0x4000  }
0x2c: {  	[sflag:s26] =	ssyncset.done $0x0  }
0x2d: {  	[sflag:s26] =	ssyncadd.s32 $0xFFFFC000  }
.LBB2_12:
0x2e: {  	[tilespmem:s30], [sflag:$0x2] =	stream.indirect.gather [hbm4b:s1+s29], $0x80, s4, s29, $0xb8;
	[tilespmem:$0x1E800] =	vst v63  }
0x2f: {  	_ =	swait.ge [sflag:s31], $0x4000  }
0x30: {  	[sflag:s31] =	ssyncset.done $0x0  }
0x31: {  	[sflag:s31] =	ssyncadd.s32 $0xFFFFC000  }
0x32: {  	[spmem:s2] =	stream.indirect.scatter.add.f32 [tilespmem:s25], [sflag:$0x3], $0x80, s10, s29, $0xb8;
	[tilespmem:$0x1E800] =	vst v63  }
0x33: {  	_ =	swait.ge [sflag:s26], $0x4000  }
0x34: {  	[sflag:s26] =	ssyncset.done $0x0  }
0x35: {  	[sflag:s26] =	ssyncadd.s32 $0xFFFFC000  }
0x36: {  	_ =	swait.ge [sflag:s0], $0x4000  }
0x37: {  	[sflag:s0] =	ssyncset.done $0x0  }
0x38: {  	[sflag:s0] =	ssyncadd.s32 $0xFFFFC000  }
0x39: {  	[spmem:s2] =	stream.indirect.scatter.add.f32 [tilespmem:s30], [sflag:$0x3], $0x80, s11, s29, $0xb8;
	[tilespmem:$0x1E800] =	vst v63  }
0x3a: {  	_ =	swait.ge [sflag:s26], $0x4000  }
0x3b: {  	[sflag:s26] =	ssyncset.done $0x0  }
0x3c: {  	[sflag:s26] =	ssyncadd.s32 $0xFFFFC000  }
0x3d: {  	[bflag:$0x0] =	sbarrier.arrive $0xFFFF  }
0x3e: {  	[tilespmem:s25], [sflag:$0x3] =	stream.linear.gather [spmem:s6], $0x4000, $0x38;
	[tilespmem:$0x1E800] =	vst v63  }
0x3f: {  	_ =	swait.ge [sflag:s26], $0x4000  }
0x40: {  	[sflag:s26] =	ssyncset.done $0x0  }
0x41: {  	[sflag:s26] =	ssyncadd.s32 $0xFFFFC000  }
0x42: {  	[hbm4b:s19+s3] =	stream.linear.scatter [tilespmem:s25], [sflag:$0x3], $0x4000, $0x38;
	[tilespmem:$0x1E800] =	vst v63  }
0x43: {  	_ =	swait.ge [sflag:s26], $0x4000  }
0x44: {  	[sflag:s26] =	ssyncset.done $0x0  }
0x45: {  	[sflag:s26] =	ssyncadd.s32 $0xFFFFC000  }
0x46: {  	[tilespmem:s25], [sflag:$0x3] =	stream.linear.gather [spmem:s7], $0x4000, $0x38;
	[tilespmem:$0x1E800] =	vst v63  }
0x47: {  	_ =	swait.ge [sflag:s26], $0x4000  }
0x48: {  	[sflag:s26] =	ssyncset.done $0x0  }
0x49: {  	[sflag:s26] =	ssyncadd.s32 $0xFFFFC000  }
0x4a: {  	[hbm4b:s20+s3] =	stream.linear.scatter [tilespmem:s25], [sflag:$0x3], $0x4000, $0x38;
	[tilespmem:$0x1E800] =	vst v63  }
0x4b: {  	_ =	swait.ge [sflag:s26], $0x4000  }
0x4c: {  	[sflag:s26] =	ssyncset.done $0x0  }
0x4d: {  	[sflag:s26] =	ssyncadd.s32 $0xFFFFC000  }
0x4e: {  	[tilespmem:s25], [sflag:$0x3] =	stream.linear.gather [spmem:s8], $0x4000, $0x38;
	[tilespmem:$0x1E800] =	vst v63  }
0x4f: {  	_ =	swait.ge [sflag:s26], $0x4000  }
0x50: {  	[sflag:s26] =	ssyncset.done $0x0  }
0x51: {  	[sflag:s26] =	ssyncadd.s32 $0xFFFFC000  }
0x52: {  	[hbm4b:s21+s3] =	stream.linear.scatter [tilespmem:s25], [sflag:$0x3], $0x4000, $0x38;
	[tilespmem:$0x1E800] =	vst v63  }
0x53: {  	_ =	swait.ge [sflag:s26], $0x4000  }
0x54: {  	[sflag:s26] =	ssyncset.done $0x0  }
0x55: {  	[sflag:s26] =	ssyncadd.s32 $0xFFFFC000  }
0x56: {  	[tilespmem:s25], [sflag:$0x3] =	stream.linear.gather [spmem:s9], $0x4000, $0x38;
	[tilespmem:$0x1E800] =	vst v63  }
0x57: {  	_ =	swait.ge [sflag:s26], $0x4000  }
0x58: {  	[sflag:s26] =	ssyncset.done $0x0  }
0x59: {  	[sflag:s26] =	ssyncadd.s32 $0xFFFFC000  }
0x5a: {  	[hbm4b:s22+s3] =	stream.linear.scatter [tilespmem:s25], [sflag:$0x3], $0x4000, $0x38;
	[tilespmem:$0x1E800] =	vst v63  }
0x5b: {  	_ =	swait.ge [sflag:s26], $0x4000  }
0x5c: {  	[sflag:s26] =	ssyncset.done $0x0  }
0x5d: {  	[sflag:s26] =	ssyncadd.s32 $0xFFFFC000  }
0x5e: {  	[tilespmem:s25], [sflag:$0x3] =	stream.linear.gather [spmem:s18], $0x4000, $0x38;
	[tilespmem:$0x1E800] =	vst v63  }
0x5f: {  	s12 =	sadd.s32 $0x1, s12;
	_ =	swait.ge [sflag:s26], $0x4000  }
0x60: {  	p1 =	sne.s32 s12, s24;
	[sflag:s26] =	ssyncset.done $0x0  }
.Ltmp1:
0x61: {  	[sflag:s26] =	ssyncadd.s32 $0xFFFFC000;
	(pc) =	sbr.rel @!p1 .LBB2_13-.Ltmp1, $4  }
0x62: {  	[hbm4b:s23+s3] =	stream.linear.scatter [tilespmem:s25], [sflag:$0x3], $0x4000, $0x38;
	[tilespmem:$0x1E800] =	vst v63  }
0x63: {  	_ =	swait.ge [sflag:s26], $0x4000  }
0x64: {  	[sflag:s26] =	ssyncset.done $0x0  }
0x65: {  	[sflag:s26] =	ssyncadd.s32 $0xFFFFC000  }
.LBB2_1:
0x66: {  	[tilespmem:s25], [sflag:$0x3] =	stream.linear.gather [hbm4b:s5+s3], $0x4000, $0x38;
	[tilespmem:$0x1E800] =	vst v63  }
0x67: {  	_ =	swait.ge [sflag:s26], $0x4000  }
0x68: {  	[sflag:s26] =	ssyncset.done $0x0  }
0x69: {  	[sflag:s26] =	ssyncadd.s32 $0xFFFFC000  }
0x6a: {  	[spmem:s6] =	stream.linear.scatter [tilespmem:s25], [sflag:$0x3], $0x4000, $0x38;
	[tilespmem:$0x1E800] =	vst v63  }
0x6b: {  	_ =	swait.ge [sflag:s26], $0x4000  }
0x6c: {  	[sflag:s26] =	ssyncset.done $0x0  }
0x6d: {  	[sflag:s26] =	ssyncadd.s32 $0xFFFFC000  }
0x6e: {  	[spmem:s7] =	stream.linear.scatter [tilespmem:s25], [sflag:$0x3], $0x4000, $0x38;
	[tilespmem:$0x1E800] =	vst v63  }
0x6f: {  	_ =	swait.ge [sflag:s26], $0x4000  }
0x70: {  	[sflag:s26] =	ssyncset.done $0x0  }
0x71: {  	[sflag:s26] =	ssyncadd.s32 $0xFFFFC000  }
0x72: {  	[spmem:s8] =	stream.linear.scatter [tilespmem:s25], [sflag:$0x3], $0x4000, $0x38;
	[tilespmem:$0x1E800] =	vst v63  }
0x73: {  	_ =	swait.ge [sflag:s26], $0x4000  }
0x74: {  	[sflag:s26] =	ssyncset.done $0x0  }
0x75: {  	[sflag:s26] =	ssyncadd.s32 $0xFFFFC000  }
0x76: {  	[spmem:s9] =	stream.linear.scatter [tilespmem:s25], [sflag:$0x3], $0x4000, $0x38;
	[tilespmem:$0x1E800] =	vst v63  }
0x77: {  	_ =	swait.ge [sflag:s26], $0x4000  }
0x78: {  	[sflag:s26] =	ssyncset.done $0x0  }
0x79: {  	[sflag:s26] =	ssyncadd.s32 $0xFFFFC000  }
0x7a: {  	[spmem:s18] =	stream.linear.scatter [tilespmem:s25], [sflag:$0x3], $0x4000, $0x38;
	[tilespmem:$0x1E800] =	vst v63  }
.Ltmp2:
0x7b: {  	_ =	swait.ge [sflag:s26], $0x4000;
	(pc) =	sbr.rel @!p0 .LBB2_2-.Ltmp2, $4  }
0x7c: {  	[sflag:s26] =	ssyncset.done $0x0  }
0x7d: {  	[sflag:s26] =	ssyncadd.s32 $0xFFFFC000  }
0x7e: {  	[bflag:$0x0] =	sbarrier.arrive $0xFFFF  }
0x7f: {  	s13 =	simm.s32 $0x0  }
0x80: {  	s14 =	rddreg [dreg:$0xa]  }
0x81: {  	[tilespmem:s13], [sflag:$0x3] =	stream.linear.gather [hbm4b:s14+s13], $0x1400, $0x38;
	[tilespmem:$0x1E800] =	vst v63  }
0x82: {  	_ =	swait.ge [sflag:s26], $0x1400  }
0x83: {  	[sflag:s26] =	ssyncset.done $0x0  }
0x84: {  	s17 =	rddreg [dreg:$0xb];
	[sflag:s26] =	ssyncadd.s32 $0xFFFFEC00  }
0x85: {  	[tilespmem:s28], [sflag:$0x3] =	stream.linear.gather [hbm4b:s17+s13], $0x1400, $0x38;
	[tilespmem:$0x1E800] =	vst v63  }
0x86: {  	_ =	swait.ge [sflag:s26], $0x1400  }
0x87: {  	[sflag:s26] =	ssyncset.done $0x0  }
0x88: {  	[sflag:s26] =	ssyncadd.s32 $0xFFFFEC00  }
0x89: {  	[tilespmem:s25], [sflag:$0x1] =	stream.indirect.gather [hbm4b:s1+s29], $0x80, s13, s29, $0xb8;
	[tilespmem:$0x1E800] =	vst v63  }
0x8a: {  	s14 =	simm.s32 $0x80  }
0x8b: {  	[tilespmem:s30], [sflag:$0x2] =	stream.indirect.gather [hbm4b:s1+s29], $0x80, s14, s29, $0xb8;
	[tilespmem:$0x1E800] =	vst v63  }
0x8c: {  	_ =	swait.ge [sflag:s31], $0x4000  }
0x8d: {  	[sflag:s31] =	ssyncset.done $0x0  }
0x8e: {  	s15 =	simm.s32 $0x1400;
	[sflag:s31] =	ssyncadd.s32 $0xFFFFC000  }
0x8f: {  	[spmem:s2] =	stream.indirect.scatter.add.f32 [tilespmem:s25], [sflag:$0x3], $0x80, s15, s29, $0xb8;
	[tilespmem:$0x1E800] =	vst v63  }
0x90: {  	_ =	swait.ge [sflag:s26], $0x4000  }
0x91: {  	[sflag:s26] =	ssyncset.done $0x0  }
0x92: {  	s16 =	simm.s32 $0x100;
	[sflag:s26] =	ssyncadd.s32 $0xFFFFC000  }
0x93: {  	[tilespmem:s25], [sflag:$0x1] =	stream.indirect.gather [hbm4b:s1+s29], $0x80, s16, s29, $0xb8;
	[tilespmem:$0x1E800] =	vst v63  }
0x94: {  	_ =	swait.ge [sflag:s0], $0x4000  }
0x95: {  	[sflag:s0] =	ssyncset.done $0x0  }
0x96: {  	s17 =	simm.s32 $0x1480;
	[sflag:s0] =	ssyncadd.s32 $0xFFFFC000  }
0x97: {  	[spmem:s2] =	stream.indirect.scatter.add.f32 [tilespmem:s30], [sflag:$0x3], $0x80, s17, s29, $0xb8;
	[tilespmem:$0x1E800] =	vst v63  }
0x98: {  	_ =	swait.ge [sflag:s26], $0x4000  }
0x99: {  	s13 =	simm.s32 $0x100;
	s14 =	simm.s32 $0x800;
	[sflag:s26] =	ssyncset.done $0x0  }
.LBB2_10:
0x9a: {  	s15 =	sadd.s32 $0x80, s13  }
0x9b: {  	[sflag:s26] =	ssyncadd.s32 $0xFFFFC000;
	s16 =	smov.u32 s14;
	s17 =	sadd.s32 $0x400, s14  }
0x9c: {  	[tilespmem:s30], [sflag:$0x2] =	stream.indirect.gather [hbm4b:s1+s29], $0x80, s15, s29, $0xb8;
	[tilespmem:$0x1E800] =	vst v63  }
0x9d: {  	p1 =	sne.s32 s14, $0x4800;
	_ =	swait.ge [sflag:s31], $0x4000  }
0x9e: {  	[sflag:s31] =	ssyncset.done $0x0  }
0x9f: {  	s14 =	sadd.s32 $0x1400, s13;
	[sflag:s31] =	ssyncadd.s32 $0xFFFFC000  }
0xa0: {  	[spmem:s2] =	stream.indirect.scatter.add.f32 [tilespmem:s25], [sflag:$0x3], $0x80, s14, s29, $0xb8;
	[tilespmem:$0x1E800] =	vst v63  }
0xa1: {  	_ =	swait.ge [sflag:s26], $0x4000  }
0xa2: {  	[sflag:s26] =	ssyncset.done $0x0  }
0xa3: {  	s14 =	sadd.s32 $0x100, s13;
	[sflag:s26] =	ssyncadd.s32 $0xFFFFC000  }
0xa4: {  	[tilespmem:s25], [sflag:$0x1] =	stream.indirect.gather [hbm4b:s1+s29], $0x80, s14, s29, $0xb8;
	[tilespmem:$0x1E800] =	vst v63  }
0xa5: {  	_ =	swait.ge [sflag:s0], $0x4000  }
.Ltmp3:
0xa6: {  	[sflag:s0] =	ssyncset.done $0x0;
	(pc) =	sbr.rel @p1 .LBB2_10-.Ltmp3, $4  }
0xa7: {  	s13 =	sadd.s32 $0x1480, s13;
	[sflag:s0] =	ssyncadd.s32 $0xFFFFC000  }
0xa8: {  	[spmem:s2] =	stream.indirect.scatter.add.f32 [tilespmem:s30], [sflag:$0x3], $0x80, s13, s29, $0xb8;
	[tilespmem:$0x1E800] =	vst v63  }
0xa9: {  	_ =	swait.ge [sflag:s26], $0x4000  }
0xaa: {  	s14 =	smov.u32 s17;
	s13 =	sshra.s32 s16, $0x2;
	[sflag:s26] =	ssyncset.done $0x0  }
.Ltmp4:
0xab: {  	_ = 	snop;
	(pc) =	sbr.rel .LBB2_11-.Ltmp4, $1  }
0xac: {  	_ =	sdelay $0x3  }
.LBB2_2:
0xad: {  	s14 =	rddreg [dreg:$0x4]  }
0xae: {  	[tilespmem:s13], [sflag:$0x3] =	stream.linear.gather [hbm4b:s14+s13], $0x1400, $0x38;
	[tilespmem:$0x1E800] =	vst v63  }
0xaf: {  	_ =	swait.ge [sflag:s26], $0x1400  }
0xb0: {  	[sflag:s26] =	ssyncset.done $0x0  }
0xb1: {  	s17 =	rddreg [dreg:$0x5];
	[sflag:s26] =	ssyncadd.s32 $0xFFFFEC00  }
0xb2: {  	[tilespmem:s28], [sflag:$0x3] =	stream.linear.gather [hbm4b:s17+s13], $0x1400, $0x38;
	[tilespmem:$0x1E800] =	vst v63  }
0xb3: {  	_ =	swait.ge [sflag:s26], $0x1400  }
0xb4: {  	[sflag:s26] =	ssyncset.done $0x0  }
0xb5: {  	[sflag:s26] =	ssyncadd.s32 $0xFFFFEC00  }
0xb6: {  	[tilespmem:s25], [sflag:$0x1] =	stream.indirect.gather [hbm4b:s1+s29], $0x80, s13, s29, $0xb8;
	[tilespmem:$0x1E800] =	vst v63  }
0xb7: {  	s14 =	simm.s32 $0x80  }
0xb8: {  	[tilespmem:s30], [sflag:$0x2] =	stream.indirect.gather [hbm4b:s1+s29], $0x80, s14, s29, $0xb8;
	[tilespmem:$0x1E800] =	vst v63  }
0xb9: {  	_ =	swait.ge [sflag:s31], $0x4000  }
0xba: {  	[sflag:s31] =	ssyncset.done $0x0  }
0xbb: {  	s15 =	simm.s32 $0x1400;
	[sflag:s31] =	ssyncadd.s32 $0xFFFFC000  }
0xbc: {  	[spmem:s2] =	stream.indirect.scatter.add.f32 [tilespmem:s25], [sflag:$0x3], $0x80, s15, s29, $0xb8;
	[tilespmem:$0x1E800] =	vst v63  }
0xbd: {  	_ =	swait.ge [sflag:s26], $0x4000  }
0xbe: {  	[sflag:s26] =	ssyncset.done $0x0  }
0xbf: {  	s16 =	simm.s32 $0x100;
	[sflag:s26] =	ssyncadd.s32 $0xFFFFC000  }
0xc0: {  	[tilespmem:s25], [sflag:$0x1] =	stream.indirect.gather [hbm4b:s1+s29], $0x80, s16, s29, $0xb8;
	[tilespmem:$0x1E800] =	vst v63  }
0xc1: {  	_ =	swait.ge [sflag:s0], $0x4000  }
0xc2: {  	[sflag:s0] =	ssyncset.done $0x0  }
0xc3: {  	s17 =	simm.s32 $0x1480;
	[sflag:s0] =	ssyncadd.s32 $0xFFFFC000  }
0xc4: {  	[spmem:s2] =	stream.indirect.scatter.add.f32 [tilespmem:s30], [sflag:$0x3], $0x80, s17, s29, $0xb8;
	[tilespmem:$0x1E800] =	vst v63  }
0xc5: {  	_ =	swait.ge [sflag:s26], $0x4000  }
0xc6: {  	s13 =	simm.s32 $0x100;
	s14 =	simm.s32 $0x800;
	[sflag:s26] =	ssyncset.done $0x0  }
.LBB2_3:
0xc7: {  	s15 =	sadd.s32 $0x80, s13  }
0xc8: {  	[sflag:s26] =	ssyncadd.s32 $0xFFFFC000;
	s16 =	smov.u32 s14;
	s17 =	sadd.s32 $0x400, s14  }
0xc9: {  	[tilespmem:s30], [sflag:$0x2] =	stream.indirect.gather [hbm4b:s1+s29], $0x80, s15, s29, $0xb8;
	[tilespmem:$0x1E800] =	vst v63  }
0xca: {  	p1 =	sne.s32 s14, $0x4800;
	_ =	swait.ge [sflag:s31], $0x4000  }
0xcb: {  	[sflag:s31] =	ssyncset.done $0x0  }
0xcc: {  	s14 =	sadd.s32 $0x1400, s13;
	[sflag:s31] =	ssyncadd.s32 $0xFFFFC000  }
0xcd: {  	[spmem:s2] =	stream.indirect.scatter.add.f32 [tilespmem:s25], [sflag:$0x3], $0x80, s14, s29, $0xb8;
	[tilespmem:$0x1E800] =	vst v63  }
0xce: {  	_ =	swait.ge [sflag:s26], $0x4000  }
0xcf: {  	[sflag:s26] =	ssyncset.done $0x0  }
0xd0: {  	s14 =	sadd.s32 $0x100, s13;
	[sflag:s26] =	ssyncadd.s32 $0xFFFFC000  }
0xd1: {  	[tilespmem:s25], [sflag:$0x1] =	stream.indirect.gather [hbm4b:s1+s29], $0x80, s14, s29, $0xb8;
	[tilespmem:$0x1E800] =	vst v63  }
0xd2: {  	_ =	swait.ge [sflag:s0], $0x4000  }
.Ltmp5:
0xd3: {  	[sflag:s0] =	ssyncset.done $0x0;
	(pc) =	sbr.rel @p1 .LBB2_3-.Ltmp5, $4  }
0xd4: {  	s13 =	sadd.s32 $0x1480, s13;
	[sflag:s0] =	ssyncadd.s32 $0xFFFFC000  }
0xd5: {  	[spmem:s2] =	stream.indirect.scatter.add.f32 [tilespmem:s30], [sflag:$0x3], $0x80, s13, s29, $0xb8;
	[tilespmem:$0x1E800] =	vst v63  }
0xd6: {  	_ =	swait.ge [sflag:s26], $0x4000  }
0xd7: {  	s14 =	smov.u32 s17;
	s13 =	sshra.s32 s16, $0x2;
	[sflag:s26] =	ssyncset.done $0x0  }
0xd8: {  	s14 =	sadd.s32 $0x80, s13;
	[sflag:s26] =	ssyncadd.s32 $0xFFFFC000  }
0xd9: {  	[tilespmem:s30], [sflag:$0x2] =	stream.indirect.gather [hbm4b:s1+s29], $0x80, s14, s29, $0xb8;
	[tilespmem:$0x1E800] =	vst v63  }
0xda: {  	_ =	swait.ge [sflag:s31], $0x4000  }
0xdb: {  	[sflag:s31] =	ssyncset.done $0x0  }
0xdc: {  	s16 =	sadd.s32 $0x1400, s13;
	[sflag:s31] =	ssyncadd.s32 $0xFFFFC000  }
0xdd: {  	[spmem:s2] =	stream.indirect.scatter.add.f32 [tilespmem:s25], [sflag:$0x3], $0x80, s16, s29, $0xb8;
	[tilespmem:$0x1E800] =	vst v63  }
0xde: {  	_ =	swait.ge [sflag:s26], $0x4000  }
0xdf: {  	[sflag:s26] =	ssyncset.done $0x0  }
0xe0: {  	s17 =	sadd.s32 $0x100, s13;
	[sflag:s26] =	ssyncadd.s32 $0xFFFFC000  }
0xe1: {  	[tilespmem:s25], [sflag:$0x1] =	stream.indirect.gather [hbm4b:s1+s29], $0x80, s17, s29, $0xb8;
	[tilespmem:$0x1E800] =	vst v63  }
0xe2: {  	_ =	swait.ge [sflag:s0], $0x4000  }
0xe3: {  	[sflag:s0] =	ssyncset.done $0x0  }
0xe4: {  	s14 =	sadd.s32 $0x1480, s13;
	[sflag:s0] =	ssyncadd.s32 $0xFFFFC000  }
0xe5: {  	[spmem:s2] =	stream.indirect.scatter.add.f32 [tilespmem:s30], [sflag:$0x3], $0x80, s14, s29, $0xb8;
	[tilespmem:$0x1E800] =	vst v63  }
0xe6: {  	_ =	swait.ge [sflag:s26], $0x4000  }
0xe7: {  	[sflag:s26] =	ssyncset.done $0x0  }
0xe8: {  	[sflag:s26] =	ssyncadd.s32 $0xFFFFC000  }
0xe9: {  	[tilespmem:s30], [sflag:$0x2] =	stream.indirect.gather [hbm4b:s1+s29], $0x80, s4, s29, $0xb8;
	[tilespmem:$0x1E800] =	vst v63  }
0xea: {  	_ =	swait.ge [sflag:s31], $0x4000  }
0xeb: {  	[sflag:s31] =	ssyncset.done $0x0  }
0xec: {  	[sflag:s31] =	ssyncadd.s32 $0xFFFFC000  }
0xed: {  	[spmem:s2] =	stream.indirect.scatter.add.f32 [tilespmem:s25], [sflag:$0x3], $0x80, s10, s29, $0xb8;
	[tilespmem:$0x1E800] =	vst v63  }
0xee: {  	_ =	swait.ge [sflag:s26], $0x4000  }
0xef: {  	[sflag:s26] =	ssyncset.done $0x0  }
0xf0: {  	[sflag:s26] =	ssyncadd.s32 $0xFFFFC000  }
0xf1: {  	_ =	swait.ge [sflag:s0], $0x4000  }
0xf2: {  	[sflag:s0] =	ssyncset.done $0x0  }
0xf3: {  	[sflag:s0] =	ssyncadd.s32 $0xFFFFC000  }
0xf4: {  	[spmem:s2] =	stream.indirect.scatter.add.f32 [tilespmem:s30], [sflag:$0x3], $0x80, s11, s29, $0xb8;
	[tilespmem:$0x1E800] =	vst v63  }
0xf5: {  	_ =	swait.ge [sflag:s26], $0x4000  }
0xf6: {  	[sflag:s26] =	ssyncset.done $0x0  }
0xf7: {  	s15 =	simm.s32 $0x0;
	s16 =	rddreg [dreg:$0x6];
	[sflag:s26] =	ssyncadd.s32 $0xFFFFC000  }
0xf8: {  	[tilespmem:s15], [sflag:$0x3] =	stream.linear.gather [hbm4b:s16+s15], $0x1400, $0x38;
	[tilespmem:$0x1E800] =	vst v63  }
0xf9: {  	_ =	swait.ge [sflag:s26], $0x1400  }
0xfa: {  	[sflag:s26] =	ssyncset.done $0x0  }
0xfb: {  	s17 =	rddreg [dreg:$0x7];
	[sflag:s26] =	ssyncadd.s32 $0xFFFFEC00  }
0xfc: {  	[tilespmem:s28], [sflag:$0x3] =	stream.linear.gather [hbm4b:s17+s15], $0x1400, $0x38;
	[tilespmem:$0x1E800] =	vst v63  }
0xfd: {  	_ =	swait.ge [sflag:s26], $0x1400  }
0xfe: {  	[sflag:s26] =	ssyncset.done $0x0  }
0xff: {  	[sflag:s26] =	ssyncadd.s32 $0xFFFFEC00  }
0x100: {  	[tilespmem:s25], [sflag:$0x1] =	stream.indirect.gather [hbm4b:s1+s29], $0x80, s15, s29, $0xb8;
	[tilespmem:$0x1E800] =	vst v63  }
0x101: {  	s14 =	simm.s32 $0x80  }
0x102: {  	[tilespmem:s30], [sflag:$0x2] =	stream.indirect.gather [hbm4b:s1+s29], $0x80, s14, s29, $0xb8;
	[tilespmem:$0x1E800] =	vst v63  }
0x103: {  	_ =	swait.ge [sflag:s31], $0x4000  }
0x104: {  	[sflag:s31] =	ssyncset.done $0x0  }
0x105: {  	s15 =	simm.s32 $0x1400;
	[sflag:s31] =	ssyncadd.s32 $0xFFFFC000  }
0x106: {  	[spmem:s2] =	stream.indirect.scatter.add.f32 [tilespmem:s25], [sflag:$0x3], $0x80, s15, s29, $0xb8;
	[tilespmem:$0x1E800] =	vst v63  }
0x107: {  	_ =	swait.ge [sflag:s26], $0x4000  }
0x108: {  	[sflag:s26] =	ssyncset.done $0x0  }
0x109: {  	s16 =	simm.s32 $0x100;
	[sflag:s26] =	ssyncadd.s32 $0xFFFFC000  }
0x10a: {  	[tilespmem:s25], [sflag:$0x1] =	stream.indirect.gather [hbm4b:s1+s29], $0x80, s16, s29, $0xb8;
	[tilespmem:$0x1E800] =	vst v63  }
0x10b: {  	_ =	swait.ge [sflag:s0], $0x4000  }
0x10c: {  	[sflag:s0] =	ssyncset.done $0x0  }
0x10d: {  	s17 =	simm.s32 $0x1480;
	[sflag:s0] =	ssyncadd.s32 $0xFFFFC000  }
0x10e: {  	[spmem:s2] =	stream.indirect.scatter.add.f32 [tilespmem:s30], [sflag:$0x3], $0x80, s17, s29, $0xb8;
	[tilespmem:$0x1E800] =	vst v63  }
0x10f: {  	_ =	swait.ge [sflag:s26], $0x4000  }
0x110: {  	s13 =	simm.s32 $0x100;
	s14 =	simm.s32 $0x800;
	[sflag:s26] =	ssyncset.done $0x0  }
.LBB2_5:
0x111: {  	s15 =	sadd.s32 $0x80, s13  }
0x112: {  	[sflag:s26] =	ssyncadd.s32 $0xFFFFC000;
	s16 =	smov.u32 s14;
	s17 =	sadd.s32 $0x400, s14  }
0x113: {  	[tilespmem:s30], [sflag:$0x2] =	stream.indirect.gather [hbm4b:s1+s29], $0x80, s15, s29, $0xb8;
	[tilespmem:$0x1E800] =	vst v63  }
0x114: {  	p1 =	sne.s32 s14, $0x4800;
	_ =	swait.ge [sflag:s31], $0x4000  }
0x115: {  	[sflag:s31] =	ssyncset.done $0x0  }
0x116: {  	s14 =	sadd.s32 $0x1400, s13;
	[sflag:s31] =	ssyncadd.s32 $0xFFFFC000  }
0x117: {  	[spmem:s2] =	stream.indirect.scatter.add.f32 [tilespmem:s25], [sflag:$0x3], $0x80, s14, s29, $0xb8;
	[tilespmem:$0x1E800] =	vst v63  }
0x118: {  	_ =	swait.ge [sflag:s26], $0x4000  }
0x119: {  	[sflag:s26] =	ssyncset.done $0x0  }
0x11a: {  	s14 =	sadd.s32 $0x100, s13;
	[sflag:s26] =	ssyncadd.s32 $0xFFFFC000  }
0x11b: {  	[tilespmem:s25], [sflag:$0x1] =	stream.indirect.gather [hbm4b:s1+s29], $0x80, s14, s29, $0xb8;
	[tilespmem:$0x1E800] =	vst v63  }
0x11c: {  	_ =	swait.ge [sflag:s0], $0x4000  }
.Ltmp6:
0x11d: {  	[sflag:s0] =	ssyncset.done $0x0;
	(pc) =	sbr.rel @p1 .LBB2_5-.Ltmp6, $4  }
0x11e: {  	s13 =	sadd.s32 $0x1480, s13;
	[sflag:s0] =	ssyncadd.s32 $0xFFFFC000  }
0x11f: {  	[spmem:s2] =	stream.indirect.scatter.add.f32 [tilespmem:s30], [sflag:$0x3], $0x80, s13, s29, $0xb8;
	[tilespmem:$0x1E800] =	vst v63  }
0x120: {  	_ =	swait.ge [sflag:s26], $0x4000  }
0x121: {  	s14 =	smov.u32 s17;
	s13 =	sshra.s32 s16, $0x2;
	[sflag:s26] =	ssyncset.done $0x0  }
0x122: {  	s14 =	sadd.s32 $0x80, s13;
	[sflag:s26] =	ssyncadd.s32 $0xFFFFC000  }
0x123: {  	[tilespmem:s30], [sflag:$0x2] =	stream.indirect.gather [hbm4b:s1+s29], $0x80, s14, s29, $0xb8;
	[tilespmem:$0x1E800] =	vst v63  }
0x124: {  	_ =	swait.ge [sflag:s31], $0x4000  }
0x125: {  	[sflag:s31] =	ssyncset.done $0x0  }
0x126: {  	s16 =	sadd.s32 $0x1400, s13;
	[sflag:s31] =	ssyncadd.s32 $0xFFFFC000  }
0x127: {  	[spmem:s2] =	stream.indirect.scatter.add.f32 [tilespmem:s25], [sflag:$0x3], $0x80, s16, s29, $0xb8;
	[tilespmem:$0x1E800] =	vst v63  }
0x128: {  	_ =	swait.ge [sflag:s26], $0x4000  }
0x129: {  	[sflag:s26] =	ssyncset.done $0x0  }
0x12a: {  	s17 =	sadd.s32 $0x100, s13;
	[sflag:s26] =	ssyncadd.s32 $0xFFFFC000  }
0x12b: {  	[tilespmem:s25], [sflag:$0x1] =	stream.indirect.gather [hbm4b:s1+s29], $0x80, s17, s29, $0xb8;
	[tilespmem:$0x1E800] =	vst v63  }
0x12c: {  	_ =	swait.ge [sflag:s0], $0x4000  }
0x12d: {  	[sflag:s0] =	ssyncset.done $0x0  }
0x12e: {  	s14 =	sadd.s32 $0x1480, s13;
	[sflag:s0] =	ssyncadd.s32 $0xFFFFC000  }
0x12f: {  	[spmem:s2] =	stream.indirect.scatter.add.f32 [tilespmem:s30], [sflag:$0x3], $0x80, s14, s29, $0xb8;
	[tilespmem:$0x1E800] =	vst v63  }
0x130: {  	_ =	swait.ge [sflag:s26], $0x4000  }
0x131: {  	[sflag:s26] =	ssyncset.done $0x0  }
0x132: {  	[sflag:s26] =	ssyncadd.s32 $0xFFFFC000  }
0x133: {  	[tilespmem:s30], [sflag:$0x2] =	stream.indirect.gather [hbm4b:s1+s29], $0x80, s4, s29, $0xb8;
	[tilespmem:$0x1E800] =	vst v63  }
0x134: {  	_ =	swait.ge [sflag:s31], $0x4000  }
0x135: {  	[sflag:s31] =	ssyncset.done $0x0  }
0x136: {  	[sflag:s31] =	ssyncadd.s32 $0xFFFFC000  }
0x137: {  	[spmem:s2] =	stream.indirect.scatter.add.f32 [tilespmem:s25], [sflag:$0x3], $0x80, s10, s29, $0xb8;
	[tilespmem:$0x1E800] =	vst v63  }
0x138: {  	_ =	swait.ge [sflag:s26], $0x4000  }
0x139: {  	[sflag:s26] =	ssyncset.done $0x0  }
0x13a: {  	[sflag:s26] =	ssyncadd.s32 $0xFFFFC000  }
0x13b: {  	_ =	swait.ge [sflag:s0], $0x4000  }
0x13c: {  	[sflag:s0] =	ssyncset.done $0x0  }
0x13d: {  	[sflag:s0] =	ssyncadd.s32 $0xFFFFC000  }
0x13e: {  	[spmem:s2] =	stream.indirect.scatter.add.f32 [tilespmem:s30], [sflag:$0x3], $0x80, s11, s29, $0xb8;
	[tilespmem:$0x1E800] =	vst v63  }
0x13f: {  	_ =	swait.ge [sflag:s26], $0x4000  }
0x140: {  	[sflag:s26] =	ssyncset.done $0x0  }
0x141: {  	s15 =	simm.s32 $0x0;
	s16 =	rddreg [dreg:$0x8];
	[sflag:s26] =	ssyncadd.s32 $0xFFFFC000  }
0x142: {  	[tilespmem:s15], [sflag:$0x3] =	stream.linear.gather [hbm4b:s16+s15], $0x1400, $0x38;
	[tilespmem:$0x1E800] =	vst v63  }
0x143: {  	_ =	swait.ge [sflag:s26], $0x1400  }
0x144: {  	[sflag:s26] =	ssyncset.done $0x0  }
0x145: {  	s17 =	rddreg [dreg:$0x9];
	[sflag:s26] =	ssyncadd.s32 $0xFFFFEC00  }
0x146: {  	[tilespmem:s28], [sflag:$0x3] =	stream.linear.gather [hbm4b:s17+s15], $0x1400, $0x38;
	[tilespmem:$0x1E800] =	vst v63  }
0x147: {  	_ =	swait.ge [sflag:s26], $0x1400  }
0x148: {  	[sflag:s26] =	ssyncset.done $0x0  }
0x149: {  	[sflag:s26] =	ssyncadd.s32 $0xFFFFEC00  }
0x14a: {  	[tilespmem:s25], [sflag:$0x1] =	stream.indirect.gather [hbm4b:s1+s29], $0x80, s15, s29, $0xb8;
	[tilespmem:$0x1E800] =	vst v63  }
0x14b: {  	s14 =	simm.s32 $0x80  }
0x14c: {  	[tilespmem:s30], [sflag:$0x2] =	stream.indirect.gather [hbm4b:s1+s29], $0x80, s14, s29, $0xb8;
	[tilespmem:$0x1E800] =	vst v63  }
0x14d: {  	_ =	swait.ge [sflag:s31], $0x4000  }
0x14e: {  	[sflag:s31] =	ssyncset.done $0x0  }
0x14f: {  	s15 =	simm.s32 $0x1400;
	[sflag:s31] =	ssyncadd.s32 $0xFFFFC000  }
0x150: {  	[spmem:s2] =	stream.indirect.scatter.add.f32 [tilespmem:s25], [sflag:$0x3], $0x80, s15, s29, $0xb8;
	[tilespmem:$0x1E800] =	vst v63  }
0x151: {  	_ =	swait.ge [sflag:s26], $0x4000  }
0x152: {  	[sflag:s26] =	ssyncset.done $0x0  }
0x153: {  	s16 =	simm.s32 $0x100;
	[sflag:s26] =	ssyncadd.s32 $0xFFFFC000  }
0x154: {  	[tilespmem:s25], [sflag:$0x1] =	stream.indirect.gather [hbm4b:s1+s29], $0x80, s16, s29, $0xb8;
	[tilespmem:$0x1E800] =	vst v63  }
0x155: {  	_ =	swait.ge [sflag:s0], $0x4000  }
0x156: {  	[sflag:s0] =	ssyncset.done $0x0  }
0x157: {  	s17 =	simm.s32 $0x1480;
	[sflag:s0] =	ssyncadd.s32 $0xFFFFC000  }
0x158: {  	[spmem:s2] =	stream.indirect.scatter.add.f32 [tilespmem:s30], [sflag:$0x3], $0x80, s17, s29, $0xb8;
	[tilespmem:$0x1E800] =	vst v63  }
0x159: {  	_ =	swait.ge [sflag:s26], $0x4000  }
0x15a: {  	s13 =	simm.s32 $0x100;
	s14 =	simm.s32 $0x800;
	[sflag:s26] =	ssyncset.done $0x0  }
.LBB2_7:
0x15b: {  	s15 =	sadd.s32 $0x80, s13  }
0x15c: {  	[sflag:s26] =	ssyncadd.s32 $0xFFFFC000;
	s16 =	smov.u32 s14;
	s17 =	sadd.s32 $0x400, s14  }
0x15d: {  	[tilespmem:s30], [sflag:$0x2] =	stream.indirect.gather [hbm4b:s1+s29], $0x80, s15, s29, $0xb8;
	[tilespmem:$0x1E800] =	vst v63  }
0x15e: {  	p1 =	seq.s32 s14, $0x4800;
	_ =	swait.ge [sflag:s31], $0x4000  }
0x15f: {  	[sflag:s31] =	ssyncset.done $0x0  }
0x160: {  	s14 =	sadd.s32 $0x1400, s13;
	[sflag:s31] =	ssyncadd.s32 $0xFFFFC000  }
0x161: {  	[spmem:s2] =	stream.indirect.scatter.add.f32 [tilespmem:s25], [sflag:$0x3], $0x80, s14, s29, $0xb8;
	[tilespmem:$0x1E800] =	vst v63  }
0x162: {  	_ =	swait.ge [sflag:s26], $0x4000  }
0x163: {  	[sflag:s26] =	ssyncset.done $0x0  }
0x164: {  	s14 =	sadd.s32 $0x100, s13;
	[sflag:s26] =	ssyncadd.s32 $0xFFFFC000  }
0x165: {  	[tilespmem:s25], [sflag:$0x1] =	stream.indirect.gather [hbm4b:s1+s29], $0x80, s14, s29, $0xb8;
	[tilespmem:$0x1E800] =	vst v63  }
0x166: {  	_ =	swait.ge [sflag:s0], $0x4000  }
.Ltmp7:
0x167: {  	[sflag:s0] =	ssyncset.done $0x0;
	(pc) =	sbr.rel @!p1 .LBB2_7-.Ltmp7, $4  }
0x168: {  	s13 =	sadd.s32 $0x1480, s13;
	[sflag:s0] =	ssyncadd.s32 $0xFFFFC000  }
0x169: {  	[spmem:s2] =	stream.indirect.scatter.add.f32 [tilespmem:s30], [sflag:$0x3], $0x80, s13, s29, $0xb8;
	[tilespmem:$0x1E800] =	vst v63  }
0x16a: {  	_ =	swait.ge [sflag:s26], $0x4000  }
0x16b: {  	s14 =	smov.u32 s17;
	s13 =	sshra.s32 s16, $0x2;
	[sflag:s26] =	ssyncset.done $0x0  }
0x16c: {  	s14 =	sadd.s32 $0x80, s13;
	[sflag:s26] =	ssyncadd.s32 $0xFFFFC000  }
0x16d: {  	[tilespmem:s30], [sflag:$0x2] =	stream.indirect.gather [hbm4b:s1+s29], $0x80, s14, s29, $0xb8;
	[tilespmem:$0x1E800] =	vst v63  }
0x16e: {  	_ =	swait.ge [sflag:s31], $0x4000  }
0x16f: {  	[sflag:s31] =	ssyncset.done $0x0  }
0x170: {  	s15 =	sadd.s32 $0x1400, s13;
	[sflag:s31] =	ssyncadd.s32 $0xFFFFC000  }
0x171: {  	[spmem:s2] =	stream.indirect.scatter.add.f32 [tilespmem:s25], [sflag:$0x3], $0x80, s15, s29, $0xb8;
	[tilespmem:$0x1E800] =	vst v63  }
0x172: {  	_ =	swait.ge [sflag:s26], $0x4000  }
0x173: {  	[sflag:s26] =	ssyncset.done $0x0  }
0x174: {  	s16 =	sadd.s32 $0x100, s13;
	[sflag:s26] =	ssyncadd.s32 $0xFFFFC000  }
0x175: {  	[tilespmem:s25], [sflag:$0x1] =	stream.indirect.gather [hbm4b:s1+s29], $0x80, s16, s29, $0xb8;
	[tilespmem:$0x1E800] =	vst v63  }
0x176: {  	_ =	swait.ge [sflag:s0], $0x4000  }
0x177: {  	[sflag:s0] =	ssyncset.done $0x0  }
.Ltmp8:
0x178: {  	s17 =	sadd.s32 $0x1480, s13;
	[sflag:s0] =	ssyncadd.s32 $0xFFFFC000;
	(pc) =	sbr.rel .LBB2_12-.Ltmp8, $4  }
0x179: {  	[spmem:s2] =	stream.indirect.scatter.add.f32 [tilespmem:s30], [sflag:$0x3], $0x80, s17, s29, $0xb8;
	[tilespmem:$0x1E800] =	vst v63  }
0x17a: {  	_ =	swait.ge [sflag:s26], $0x4000  }
0x17b: {  	[sflag:s26] =	ssyncset.done $0x0  }
0x17c: {  	[sflag:s26] =	ssyncadd.s32 $0xFFFFC000  }
.LBB2_13:
0x17d: {  	_ =	sfence.sel $0x180000  }
0x17e: {  	[bflag:$0x0] =	sbarrier.arrive $0xFFFF  }
0x17f: {  	_ =	strace $0x9000004D  }
0x180: {  	s0 =	stileid.u32;
	[bflag:$0x2] =	sbarrier.arrive $0xFFFF  }
0x181: {  	p0 =	sne.s32 s0, $0x0;
	s0 =	rddreg [dreg:$0x3]  }
0x182: {  	s0 =	sadd.s32 @!p0 $0x100000, s0  }
0x183: {  	[sflag:s0] =	ssyncadd.tile.s32 @!p0 $0x1;
	_ =	shalt  }
.Lfunc_end2:
_tile_overlayer_lowered:
.L_overlay_start_2:
0x184: {  	(tag) =	ssettag $0x2  }
0x185: {  	s0 =	rddreg [dreg:$0x0];
	s2 =	stileid.u32  }
0x186: {  	s1 =	rddreg [dreg:$0x1];
	p0 =	sne.s32 s2, $0x0  }
0x187: {  	s3 =	rddreg [dreg:$0x2];
	[bflag:$0x3] =	sbarrier.arrive $0xFFFF;
	s2 =	simm.s32 @!p0 $0x1C03  }
0x188: {  	[timem:s3], [sflag:s2] =	dma.local @!p0 [hbm:s0], s1  }
0x189: {  	s0 =	simm.s32 @!p0 $0x3  }
0x18a: {  	_ =	swait.ge @!p0 [sflag:s0], s1  }
0x18b: {  	s1 =	ssub.s32 @!p0 $0x0, s1;
	[sflag:s0] =	ssyncset.done @!p0 $0x0  }
0x18c: {  	[sflag:s0] =	ssyncadd.s32 @!p0 s1  }
0x18d: {  	[bflag:$0x3] =	sbarrier.arrive $0xFFFF  }
0x18e: {  	_ =	shalt  }

// kernel: kernel.8.cloned.1.call-start
scs
__scs_entry_jumppad:
0x0: {  	(pc) =	sbr.rel $0x88, $3  }
0x1: {  	(tag) =	ssettag $0x0;
	lr =	simm.s32 $0x1  }
0x2: {  	[smem:$0x3F9B] =	sst lr;
	_ =	strace $0xD0000000  }
0x3: {  	_ = 	snop  }
0x4: {  	_ = 	snop  }
0x5: {  	_ = 	snop  }
0x6: {  	_ = 	snop  }
0x7: {  	_ = 	snop  }
__scs_overlays_trampoline_lowered:
0x8: {  	[smem:$0x3FAA] =	sst s0  }
0x9: {  	[smem:$0x3FAB] =	sst s1  }
0xa: {  	[smem:$0x3FAC] =	sst s2  }
0xb: {  	[smem:$0x3FAD] =	sst s3  }
0xc: {  	[smem:$0x3FAE] =	sst s4  }
0xd: {  	[smem:$0x3FAF] =	sst s5  }
0xe: {  	[smem:$0x3FB0] =	sst s6  }
0xf: {  	[smem:$0x3FB1] =	sst s7  }
0x10: {  	[smem:$0x3FB2] =	sst s8  }
0x11: {  	[smem:$0x3FB3] =	sst s9;
	s0 =	simm.s32 @!p0 $0x0  }
0x12: {  	s1 =	sld [smem:$0x3F99];
	s0 =	simm.s32 @p0 $0x1  }
0x13: {  	[smem:$0x3FB4] =	sst s0;
	s0 =	simm.s32 @!p1 $0x0  }
0x14: {  	s2 =	sld [smem:$0x3F98];
	s0 =	simm.s32 @p1 $0x1  }
0x15: {  	[smem:$0x3FB5] =	sst s0;
	s0 =	simm.s32 @!p2 $0x0  }
0x16: {  	s3 =	sld [smem:$0x3FDB];
	s0 =	simm.s32 @p2 $0x1  }
0x17: {  	s4 =	simm.s32 $0x1BF5;
	[smem:$0x3FB7] =	sst s0  }
0x18: {  	s0 =	sld [smem:$0x3F9A];
	_ =	swait.ge [sflag:s4], $0x0  }
0x19: {  	s7 =	sld [smem:$0x3F9B]  }
0x1a: {  	s8 =	sadd.s32 $0xFFFFE003, lr  }
0x1b: {  	s9 =	sadd.s32 $0xFFFFFEF7, lr;
	s5 =	simm.s32 $0xFFFFFFFF;
	p2 =	slt.u32 s8, $0xFFFFF086  }
0x1c: {  	p1 =	slt.u32 s9, $0xF7A;
	s5 =	simm.s32 @!p2 $0x0  }
0x1d: {  	s5 =	simm.s32 @p1 $0x1;
	p0 =	seq.s32 s7, s2  }
0x1e: {  	s7 =	smul.u32 @!p0 $0xF7A, s2;
	p2 =	seq.s32 @!p0 s5, $0x0  }
0x1f: {  	s9 =	smul.u32 $0xF7A, s1;
	s8 =	simm.s32 @!p0 $0x1BF5;
	p2 =	por !p2, p0  }
0x20: {  	[sflag:s8] =	ssyncset.s32 @!p0 $0xFFFFF086;
	s6 =	sadd.s32 @!p0 s3, s7;
	s7 =	simm.s32 @!p0 $0x108  }
0x21: {  	s3 =	sadd.s32 s3, s9;
	s6 =	sadd.s32 @!p0 $0x88, s6;
	s7 =	simm.s32 @p2 $0x1082  }
0x22: {  	[simem:s7], [sflag:s8] =	dma.local @!p0 [hbm:s6], $0xF7A  }
0x23: {  	s9 =	sor.u32 $0xD0000000, s2;
	s6 =	simm.s32 $0x108;
	_ =	swait.ge @!p0 [sflag:s8], $0x0  }
0x24: {  	s3 =	sadd.s32 $0x88, s3;
	s6 =	simm.s32 @!p1 $0x1082;
	[sflag:s4] =	ssyncset.s32 $0xFFFFF086  }
0x25: {  	[simem:s6], [sflag:s4] =	dma.local [hbm:s3], $0xF7A  }
0x26: {  	[smem:$0x3F9B] =	sst s1;
	(tag) =	ssettag s2;
	_ =	strace s9  }
0x27: {  	s1 =	sld [smem:$0x3FAB]  }
0x28: {  	s2 =	sld [smem:$0x3FAC]  }
0x29: {  	s4 =	sld [smem:$0x3FAE]  }
0x2a: {  	p0 =	seq.s32 s5, $0x0;
	s5 =	sld [smem:$0x3FAF]  }
0x2b: {  	s6 =	sld [smem:$0x3FB0]  }
0x2c: {  	s7 =	sld [smem:$0x3FB1]  }
0x2d: {  	s3 =	simm.s32 $0x108;
	s8 =	sld [smem:$0x3FB2]  }
0x2e: {  	s3 =	simm.s32 @!p0 $0x1082;
	s9 =	sld [smem:$0x3FB3]  }
0x2f: {  	lr =	sadd.s32 s0, s3;
	s0 =	sld [smem:$0x3FAA]  }
0x30: {  	s3 =	sld [smem:$0x3FAD]  }
0x31: {  	[smem:$0x3FB6] =	sst s10  }
0x32: {  	s10 =	sld [smem:$0x3FB4];
	_ =	sdelay $0x3  }
0x33: {  	p0 =	seq.s32 s10, $0x1;
	s10 =	sld [smem:$0x3FB6];
	_ =	sdelay $0x3  }
0x34: {  	[smem:$0x3FB6] =	sst s10  }
0x35: {  	s10 =	sld [smem:$0x3FB5];
	_ =	sdelay $0x3  }
0x36: {  	p1 =	seq.s32 s10, $0x1;
	s10 =	sld [smem:$0x3FB6];
	_ =	sdelay $0x3  }
0x37: {  	[smem:$0x3FB6] =	sst s10  }
0x38: {  	s10 =	sld [smem:$0x3FB7]  }
0x39: {  	_ = 	snop;
	(pc) =	sbr.ind lr, $3  }
0x3a: {  	_ = 	snop  }
0x3b: {  	_ = 	snop  }
0x3c: {  	p2 =	seq.s32 s10, $0x1;
	s10 =	sld [smem:$0x3FB6]  }
0x3d: {  	_ =	shalt  }
0x3e: {  	_ =	shalt  }
0x3f: {  	_ =	shalt  }
0x40: {  	_ =	shalt  }
0x41: {  	_ =	shalt  }
0x42: {  	_ =	shalt  }
0x43: {  	_ =	shalt  }
0x44: {  	_ =	shalt  }
0x45: {  	_ =	shalt  }
0x46: {  	_ =	shalt  }
0x47: {  	_ =	shalt  }
0x48: {  	_ =	shalt  }
0x49: {  	_ =	shalt  }
0x4a: {  	_ =	shalt  }
0x4b: {  	_ =	shalt  }
0x4c: {  	_ =	shalt  }
0x4d: {  	_ =	shalt  }
0x4e: {  	_ =	shalt  }
0x4f: {  	_ =	shalt  }
0x50: {  	_ =	shalt  }
0x51: {  	_ =	shalt  }
0x52: {  	_ =	shalt  }
0x53: {  	_ =	shalt  }
0x54: {  	_ =	shalt  }
0x55: {  	_ =	shalt  }
0x56: {  	_ =	shalt  }
0x57: {  	_ =	shalt  }
0x58: {  	_ =	shalt  }
0x59: {  	_ =	shalt  }
0x5a: {  	_ =	shalt  }
0x5b: {  	_ =	shalt  }
0x5c: {  	_ =	shalt  }
0x5d: {  	_ =	shalt  }
0x5e: {  	_ =	shalt  }
0x5f: {  	_ =	shalt  }
0x60: {  	_ =	shalt  }
0x61: {  	_ =	shalt  }
0x62: {  	_ =	shalt  }
0x63: {  	_ =	shalt  }
0x64: {  	_ =	shalt  }
0x65: {  	_ =	shalt  }
0x66: {  	_ =	shalt  }
0x67: {  	_ =	shalt  }
0x68: {  	_ =	shalt  }
0x69: {  	_ =	shalt  }
0x6a: {  	_ =	shalt  }
0x6b: {  	_ =	shalt  }
0x6c: {  	_ =	shalt  }
0x6d: {  	_ =	shalt  }
0x6e: {  	_ =	shalt  }
0x6f: {  	_ =	shalt  }
0x70: {  	_ =	shalt  }
0x71: {  	_ =	shalt  }
0x72: {  	_ =	shalt  }
0x73: {  	_ =	shalt  }
0x74: {  	_ =	shalt  }
0x75: {  	_ =	shalt  }
0x76: {  	_ =	shalt  }
0x77: {  	_ =	shalt  }
0x78: {  	_ =	shalt  }
0x79: {  	_ =	shalt  }
0x7a: {  	_ =	shalt  }
0x7b: {  	_ =	shalt  }
0x7c: {  	_ =	shalt  }
0x7d: {  	_ =	shalt  }
0x7e: {  	_ =	shalt  }
0x7f: {  	_ =	shalt  }
0x80: {  	_ =	shalt  }
0x81: {  	_ =	shalt  }
0x82: {  	_ =	shalt  }
0x83: {  	_ =	shalt  }
0x84: {  	_ =	shalt  }
0x85: {  	_ =	shalt  }
0x86: {  	_ =	shalt  }
0x87: {  	_ =	shalt  }
.Lfunc_end0:
.L_simem_size_0:
called_computation_lowered:
.L_overlay_start_0:
0x88: {  	s2 =	sld [smem:$0x3FD9]  }
0x89: {  	s3 =	sld [smem:$0x3FFE];
	_ =	sdelay $0x1  }
0x8a: {  	s1 =	srdreg.scid  }
0x8b: {  	s0 =	sand.u32 $0x1, s1  }
0x8c: {  	s17 =	sshll.u32 s0, $0xA;
	s2 =	sadd.s32 s3, s2  }
0x8d: {  	s2 =	sadd.s32 s2, s17  }
0x8e: {  	[smem:$0x3FC2] =	sst s2  }
0x8f: {  	_ = 	snop  }
0x90: {  	s2 =	sld [smem:$0x3FD0];
	(tm) =	ssettm $0x1  }
0x91: {  	s18 =	sld [smem:$0x3FFB];
	_ =	sdelay $0x3  }
0x92: {  	_ =	strace s18  }
0x93: {  	s3 =	sld [smem:$0x3FFC];
	_ =	sdelay $0x3  }
0x94: {  	_ =	strace s3  }
0x95: {  	s3 =	sld [smem:$0x3FFD];
	_ =	sdelay $0x3  }
0x96: {  	_ =	strace s3  }
0x97: {  	_ =	strace $0x8FFFFFFF  }
0x98: {  	s19 =	sld [smem:$0x3FDB];
	_ =	sdelay $0x1  }
0x99: {  	s4 =	simm.s32 $_scs_section_size  }
0x9a: {  	s5 =	simm.s32 $_size__tile_overlayer_lowered;
	s6 =	simm.s32 $_tile_overlayer_lowered  }
0x9b: {  	s22 =	simm.s32 $0x1BFF;
	s21 =	sshll.u32 s6, $0x1;
	s3 =	sadd.s32 s4, s19  }
0x9c: {  	s7 =	simm.s32 $0x0;
	s20 =	sshll.u32 s5, $0x1;
	s5 =	sadd.s32 s21, s3  }
0x9d: {  	[timem:s7], [sflag:s22] =	dma.local [hbm:s5], s20  }
0x9e: {  	_ =	swait.ge [sflag:s22], s20  }
0x9f: {  	s4 =	ssub.s32 $0x0, s20;
	[sflag:s22] =	ssyncset.done $0x0  }
0xa0: {  	[sflag:s22] =	ssyncadd.s32 s4;
	_ =	sdelay $0x1  }
0xa1: {  	s23 =	simm.s32 $0x1B8B  }
0xa2: {  	_ =	swait.ge [sflag:s23], $0x1  }
0xa3: {  	[sflag:s23] =	ssyncset.done $0x0  }
0xa4: {  	s25 =	simm.s32 $0x1B8E;
	s24 =	sld [smem:$0x3FFE];
	[sflag:s23] =	ssyncadd.s32 $0xFFFFFFFF  }
0xa5: {  	s26 =	simm.s32 $execute0_lowered;
	[smem:$0x3FD2] =	sst s25  }
0xa6: {  	s5 =	sshll.u32 s26, $0x1;
	_ =	strace $0x80000046;
	[dreg:$0x1] =	wrdreg $0xFFFFFFFF  }
0xa7: {  	s28 =	simm.s32 $_size_execute0_lowered;
	s3 =	sadd.s32 s3, s5;
	[dreg:$0x0] =	wrdreg $0x0  }
0xa8: {  	s5 =	sshll.u32 s28, $0x1;
	[dreg:$0x2] =	wrdreg s3  }
0xa9: {  	[dreg:$0x3] =	wrdreg s5  }
0xaa: {  	[dreg:$0x4] =	wrdreg $0xC0  }
0xab: {  	_ =	task [dreg:s7], $0x5FFFF  }
0xac: {  	[dreg:$0x1] =	wrdreg $0xFFFFFFFF  }
0xad: {  	[dreg:$0x0] =	wrdreg $0x60  }
0xae: {  	[dreg:$0x2] =	wrdreg s2  }
0xaf: {  	[dreg:$0x3] =	wrdreg s24  }
0xb0: {  	[dreg:$0x4] =	wrdreg $0x54000  }
0xb1: {  	[dreg:$0x5] =	wrdreg $0x9  }
0xb2: {  	_ =	task.clear_ibuf [dreg:s7], $0x6FFFF;
	_ =	strace $0x90000046  }
0xb3: {  	s29 =	simm.s32 $0x9;
	_ =	strace $0x80000048  }
0xb4: {  	_ =	swait.ge [sflag:s29], $0x1  }
0xb5: {  	[sflag:s29] =	ssyncadd.s32 $0xFFFFFFFF  }
0xb6: {  	_ =	strace $0x90000048  }
0xb7: {  	_ =	sfence  }
0xb8: {  	s30 =	sld [smem:$0x0];
	_ =	sdelay $0x2  }
0xb9: {  	s31 =	sshll.u32 s1, $0xD;
	s1 =	sshrl.u32 s1, $0x2  }
0xba: {  	s3 =	sand.u32 $0x4000, s31;
	s1 =	sadd.s32 s1, s30  }
0xbb: {  	s0 =	sor.u32 s3, s0;
	s1 =	sshll.u32 s1, $0x11  }
0xbc: {  	s0 =	sor.u32 s1, s0  }
0xbd: {  	s0 =	sadd.s32 $0x8F2B, s0  }
0xbe: {  	[sflag:s0] =	ssyncadd.remote.s32 $0x1  }
0xbf: {  	_ =	sfence.sel $0xFFFF  }
0xc0: {  	[dreg:$0x0] =	wrdreg $0xFFFFFFFF;
	(pc) =	sbr.abs _section_cstart, $3  }
0xc1: {  	[dreg:$0x1] =	wrdreg $0xFFFFFFFF  }
0xc2: {  	_ =	task.clear_ibuf [dreg:s7], $0x2FFFF;
	_ =	strace $0x9FFFFFFF  }
0xc3: {  	(tm) =	ssettm $0x7FFFFFFF  }
tec
execute0_lowered:
.L_overlay_start_1:
0x0: {  	(tag) =	ssettag $0x1  }
0x1: {  	s1 =	rddreg [dreg:$0x0]  }
0x2: {  	s6 =	rddreg [dreg:$0x1]  }
0x3: {  	s3 =	rddreg [dreg:$0x2]  }
0x4: {  	s0 =	rddreg [dreg:$0x3];
	s4 =	simm.s32 $0x0;
	s2 =	stileid.u32  }
0x5: {  	s7 =	srdreg.scid;
	s24 =	simm.s32 $0x0;
	s5 =	smul.u32 $0x5000, s2  }
0x6: {  	[smem:$0x7FF] =	sst s4;
	s11 =	sand.u32 $0x1, s7;
	s8 =	smul.u32 $0x50000, s2  }
0x7: {  	s13 =	smul.u32 $0x14000, s2;
	s19 =	sadd.s32 $0xCC00, s6;
	_ =	strace $0x80000047  }
0x8: {  	s7 =	ssub.s32 $0x2, s11;
	s22 =	smul.u32 $0x140000, s11;
	p0 =	seq.s32 s11, $0x1  }
0x9: {  	s5 =	sshrl.u32 s5, $0x3;
	s9 =	sshrl.u32 s7, $0x1;
	s30 =	sshrl.u32 s8, $0x2  }
0xa: {  	s15 =	sadd.s32 $0x4000, s13;
	s17 =	sadd.s32 $0x8000, s13;
	s18 =	sadd.s32 $0xC000, s13  }
0xb: {  	s21 =	sadd.s32 $0x10000, s13;
	s14 =	sadd.s32 s5, s6;
	s5 =	sadd.s32 $0xC400, s6  }
0xc: {  	s20 =	ssub.s32 s7, s9;
	s6 =	sadd.s32 s30, s3;
	s7 =	sadd.s32 s15, s3  }
0xd: {  	s8 =	sadd.s32 s17, s3;
	s9 =	sadd.s32 s18, s3;
	s10 =	sadd.s32 s21, s3  }
0xe: {  	s16 =	sadd.s32 s13, s22;
	s23 =	sadd.s32 s22, s15;
	s17 =	sadd.s32 s22, s17  }
0xf: {  	s18 =	sadd.s32 s22, s18;
	s21 =	sadd.s32 s22, s21;
	s22 =	simm.s32 $0x1  }
0x10: {  	s11 =	sadd.s32 $0x2400, s14;
	s12 =	sadd.s32 $0x2680, s14;
	s13 =	sadd.s32 $0x2900, s14  }
.Ltmp0:
0x11: {  	s16 =	sshrl.u32 s16, $0x3;
	s14 =	sadd.s32 $0x2B80, s14;
	(pc) =	sbr.rel .LBB2_1-.Ltmp0, $4  }
0x12: {  	s31 =	sshrl.u32 s23, $0x3;
	s17 =	sshrl.u32 s17, $0x3;
	s18 =	sshrl.u32 s18, $0x3  }
0x13: {  	s21 =	sshrl.u32 s21, $0x3;
	s20 =	smax.u32 s20, $0x1;
	s23 =	simm.s32 $0x80  }
0x14: {  	s15 =	sadd.s32 s19, s16;
	s16 =	sadd.s32 s19, s31;
	s17 =	sadd.s32 s19, s17  }
0x15: {  	s18 =	sadd.s32 s19, s18;
	s19 =	sadd.s32 s19, s21;
	s21 =	simm.s32 $0x1400  }
.LBB2_11:
0x16: {  	[sflag:s22] =	ssyncadd.s32 $0xFFFFC000  }
.LBB2_12:
0x17: {  	[bflag:$0x0] =	sbarrier.arrive $0xFFFF  }
0x18: {  	[tilespmem:s21], [sflag:$0x1] =	stream.linear.gather [spmem:s6], $0x4000, $0x38;
	[tilespmem:$0x19400] =	vst v63  }
0x19: {  	_ =	swait.ge [sflag:s22], $0x4000  }
0x1a: {  	[sflag:s22] =	ssyncset.done $0x0  }
0x1b: {  	[sflag:s22] =	ssyncadd.s32 $0xFFFFC000  }
0x1c: {  	[hbm4b:s15+s4] =	stream.linear.scatter [tilespmem:s21], [sflag:$0x1], $0x4000, $0x38;
	[tilespmem:$0x19400] =	vst v63  }
0x1d: {  	_ =	swait.ge [sflag:s22], $0x4000  }
0x1e: {  	[sflag:s22] =	ssyncset.done $0x0  }
0x1f: {  	[sflag:s22] =	ssyncadd.s32 $0xFFFFC000  }
0x20: {  	[tilespmem:s21], [sflag:$0x1] =	stream.linear.gather [spmem:s7], $0x4000, $0x38;
	[tilespmem:$0x19400] =	vst v63  }
0x21: {  	_ =	swait.ge [sflag:s22], $0x4000  }
0x22: {  	[sflag:s22] =	ssyncset.done $0x0  }
0x23: {  	[sflag:s22] =	ssyncadd.s32 $0xFFFFC000  }
0x24: {  	[hbm4b:s16+s4] =	stream.linear.scatter [tilespmem:s21], [sflag:$0x1], $0x4000, $0x38;
	[tilespmem:$0x19400] =	vst v63  }
0x25: {  	_ =	swait.ge [sflag:s22], $0x4000  }
0x26: {  	[sflag:s22] =	ssyncset.done $0x0  }
0x27: {  	[sflag:s22] =	ssyncadd.s32 $0xFFFFC000  }
0x28: {  	[tilespmem:s21], [sflag:$0x1] =	stream.linear.gather [spmem:s8], $0x4000, $0x38;
	[tilespmem:$0x19400] =	vst v63  }
0x29: {  	_ =	swait.ge [sflag:s22], $0x4000  }
0x2a: {  	[sflag:s22] =	ssyncset.done $0x0  }
0x2b: {  	[sflag:s22] =	ssyncadd.s32 $0xFFFFC000  }
0x2c: {  	[hbm4b:s17+s4] =	stream.linear.scatter [tilespmem:s21], [sflag:$0x1], $0x4000, $0x38;
	[tilespmem:$0x19400] =	vst v63  }
0x2d: {  	_ =	swait.ge [sflag:s22], $0x4000  }
0x2e: {  	[sflag:s22] =	ssyncset.done $0x0  }
0x2f: {  	[sflag:s22] =	ssyncadd.s32 $0xFFFFC000  }
0x30: {  	[tilespmem:s21], [sflag:$0x1] =	stream.linear.gather [spmem:s9], $0x4000, $0x38;
	[tilespmem:$0x19400] =	vst v63  }
0x31: {  	_ =	swait.ge [sflag:s22], $0x4000  }
0x32: {  	[sflag:s22] =	ssyncset.done $0x0  }
0x33: {  	[sflag:s22] =	ssyncadd.s32 $0xFFFFC000  }
0x34: {  	[hbm4b:s18+s4] =	stream.linear.scatter [tilespmem:s21], [sflag:$0x1], $0x4000, $0x38;
	[tilespmem:$0x19400] =	vst v63  }
0x35: {  	_ =	swait.ge [sflag:s22], $0x4000  }
0x36: {  	[sflag:s22] =	ssyncset.done $0x0  }
0x37: {  	[sflag:s22] =	ssyncadd.s32 $0xFFFFC000  }
0x38: {  	[tilespmem:s21], [sflag:$0x1] =	stream.linear.gather [spmem:s10], $0x4000, $0x38;
	[tilespmem:$0x19400] =	vst v63  }
0x39: {  	s24 =	sadd.s32 $0x1, s24;
	_ =	swait.ge [sflag:s22], $0x4000  }
0x3a: {  	p1 =	sne.s32 s24, s20;
	[sflag:s22] =	ssyncset.done $0x0  }
.Ltmp1:
0x3b: {  	[sflag:s22] =	ssyncadd.s32 $0xFFFFC000;
	(pc) =	sbr.rel @!p1 .LBB2_13-.Ltmp1, $4  }
0x3c: {  	[hbm4b:s19+s4] =	stream.linear.scatter [tilespmem:s21], [sflag:$0x1], $0x4000, $0x38;
	[tilespmem:$0x19400] =	vst v63  }
0x3d: {  	_ =	swait.ge [sflag:s22], $0x4000  }
0x3e: {  	[sflag:s22] =	ssyncset.done $0x0  }
0x3f: {  	[sflag:s22] =	ssyncadd.s32 $0xFFFFC000  }
.LBB2_1:
0x40: {  	[tilespmem:s21], [sflag:$0x1] =	stream.linear.gather [hbm4b:s5+s4], $0x4000, $0x38;
	[tilespmem:$0x19400] =	vst v63  }
0x41: {  	_ =	swait.ge [sflag:s22], $0x4000  }
0x42: {  	[sflag:s22] =	ssyncset.done $0x0  }
0x43: {  	[sflag:s22] =	ssyncadd.s32 $0xFFFFC000  }
0x44: {  	[spmem:s6] =	stream.linear.scatter [tilespmem:s21], [sflag:$0x1], $0x4000, $0x38;
	[tilespmem:$0x19400] =	vst v63  }
0x45: {  	_ =	swait.ge [sflag:s22], $0x4000  }
0x46: {  	[sflag:s22] =	ssyncset.done $0x0  }
0x47: {  	[sflag:s22] =	ssyncadd.s32 $0xFFFFC000  }
0x48: {  	[spmem:s7] =	stream.linear.scatter [tilespmem:s21], [sflag:$0x1], $0x4000, $0x38;
	[tilespmem:$0x19400] =	vst v63  }
0x49: {  	_ =	swait.ge [sflag:s22], $0x4000  }
0x4a: {  	[sflag:s22] =	ssyncset.done $0x0  }
0x4b: {  	[sflag:s22] =	ssyncadd.s32 $0xFFFFC000  }
0x4c: {  	[spmem:s8] =	stream.linear.scatter [tilespmem:s21], [sflag:$0x1], $0x4000, $0x38;
	[tilespmem:$0x19400] =	vst v63  }
0x4d: {  	_ =	swait.ge [sflag:s22], $0x4000  }
0x4e: {  	[sflag:s22] =	ssyncset.done $0x0  }
0x4f: {  	[sflag:s22] =	ssyncadd.s32 $0xFFFFC000  }
0x50: {  	[spmem:s9] =	stream.linear.scatter [tilespmem:s21], [sflag:$0x1], $0x4000, $0x38;
	[tilespmem:$0x19400] =	vst v63  }
0x51: {  	_ =	swait.ge [sflag:s22], $0x4000  }
0x52: {  	[sflag:s22] =	ssyncset.done $0x0  }
0x53: {  	[sflag:s22] =	ssyncadd.s32 $0xFFFFC000  }
0x54: {  	[spmem:s10] =	stream.linear.scatter [tilespmem:s21], [sflag:$0x1], $0x4000, $0x38;
	[tilespmem:$0x19400] =	vst v63  }
0x55: {  	_ =	swait.ge [sflag:s22], $0x4000  }
0x56: {  	[sflag:s22] =	ssyncset.done $0x0  }
0x57: {  	[sflag:s22] =	ssyncadd.s32 $0xFFFFC000  }
.Ltmp2:
0x58: {  	[bflag:$0x0] =	sbarrier.arrive $0xFFFF;
	(pc) =	sbr.rel @!p0 .LBB2_2-.Ltmp2, $4  }
0x59: {  	[tilespmem:s21], [sflag:$0x1] =	stream.linear.gather [hbm4b:s1+s4], $0x4000, $0x38;
	[tilespmem:$0x19400] =	vst v63  }
0x5a: {  	_ =	swait.ge [sflag:s22], $0x4000  }
0x5b: {  	[sflag:s22] =	ssyncset.done $0x0  }
0x5c: {  	s25 =	simm.s32 $0x0;
	[sflag:s22] =	ssyncadd.s32 $0xFFFFC000  }
0x5d: {  	[tilespmem:s25], [sflag:$0x1] =	stream.linear.gather [hbm4b:s14+s25], $0x1400, $0x38;
	[tilespmem:$0x19400] =	vst v63  }
0x5e: {  	_ =	swait.ge [sflag:s22], $0x1400  }
0x5f: {  	[sflag:s22] =	ssyncset.done $0x0  }
0x60: {  	s31 =	simm.s32 $0x0;
	[sflag:s22] =	ssyncadd.s32 $0xFFFFEC00  }
0x61: {  	[spmem:s3] =	stream.indirect.scatter.add.f32 [tilespmem:s21], [sflag:$0x1], $0x80, s31, s23, $0xb8;
	[tilespmem:$0x19400] =	vst v63  }
0x62: {  	_ =	swait.ge [sflag:s22], $0x4000  }
0x63: {  	s25 =	simm.s32 $0x200;
	[sflag:s22] =	ssyncset.done $0x0  }
.LBB2_10:
0x64: {  	s26 =	sshra.s32 s25, $0x2;
	[sflag:s22] =	ssyncadd.s32 $0xFFFFC000;
	p1 =	sne.s32 s25, $0x4E00  }
0x65: {  	[spmem:s3] =	stream.indirect.scatter.add.f32 [tilespmem:s21], [sflag:$0x1], $0x80, s26, s23, $0xb8;
	[tilespmem:$0x19400] =	vst v63  }
.Ltmp3:
0x66: {  	_ = 	snop;
	(pc) =	sbr.rel @p1 .LBB2_10-.Ltmp3, $4  }
0x67: {  	_ = 	snop  }
0x68: {  	s25 =	sadd.s32 $0x200, s25  }
0x69: {  	_ =	swait.ge [sflag:s22], $0x4000  }
0x6a: {  	[sflag:s22] =	ssyncset.done $0x0  }
.Ltmp4:
0x6b: {  	_ = 	snop;
	(pc) =	sbr.rel .LBB2_11-.Ltmp4, $1  }
0x6c: {  	_ =	sdelay $0x3  }
.LBB2_2:
0x6d: {  	[tilespmem:s25], [sflag:$0x1] =	stream.linear.gather [hbm4b:s11+s25], $0x1400, $0x38;
	[tilespmem:$0x19400] =	vst v63  }
0x6e: {  	_ =	swait.ge [sflag:s22], $0x1400  }
0x6f: {  	[sflag:s22] =	ssyncset.done $0x0  }
0x70: {  	s31 =	simm.s32 $0x0;
	[sflag:s22] =	ssyncadd.s32 $0xFFFFEC00  }
0x71: {  	[spmem:s3] =	stream.indirect.scatter.add.f32 [tilespmem:s21], [sflag:$0x1], $0x80, s31, s23, $0xb8;
	[tilespmem:$0x19400] =	vst v63  }
0x72: {  	_ =	swait.ge [sflag:s22], $0x4000  }
0x73: {  	s25 =	simm.s32 $0x200;
	[sflag:s22] =	ssyncset.done $0x0  }
.LBB2_3:
0x74: {  	s26 =	sshra.s32 s25, $0x2;
	[sflag:s22] =	ssyncadd.s32 $0xFFFFC000;
	p1 =	sne.s32 s25, $0x4E00  }
0x75: {  	[spmem:s3] =	stream.indirect.scatter.add.f32 [tilespmem:s21], [sflag:$0x1], $0x80, s26, s23, $0xb8;
	[tilespmem:$0x19400] =	vst v63  }
.Ltmp5:
0x76: {  	_ = 	snop;
	(pc) =	sbr.rel @p1 .LBB2_3-.Ltmp5, $4  }
0x77: {  	_ = 	snop  }
0x78: {  	s25 =	sadd.s32 $0x200, s25  }
0x79: {  	_ =	swait.ge [sflag:s22], $0x4000  }
0x7a: {  	[sflag:s22] =	ssyncset.done $0x0  }
0x7b: {  	[sflag:s22] =	ssyncadd.s32 $0xFFFFC000;
	s25 =	simm.s32 $0x0  }
0x7c: {  	[tilespmem:s25], [sflag:$0x1] =	stream.linear.gather [hbm4b:s12+s25], $0x1400, $0x38;
	[tilespmem:$0x19400] =	vst v63  }
0x7d: {  	_ =	swait.ge [sflag:s22], $0x1400  }
0x7e: {  	[sflag:s22] =	ssyncset.done $0x0  }
0x7f: {  	s31 =	simm.s32 $0x0;
	[sflag:s22] =	ssyncadd.s32 $0xFFFFEC00  }
0x80: {  	[spmem:s3] =	stream.indirect.scatter.add.f32 [tilespmem:s21], [sflag:$0x1], $0x80, s31, s23, $0xb8;
	[tilespmem:$0x19400] =	vst v63  }
0x81: {  	_ =	swait.ge [sflag:s22], $0x4000  }
0x82: {  	s25 =	simm.s32 $0x200;
	[sflag:s22] =	ssyncset.done $0x0  }
.LBB2_5:
0x83: {  	s26 =	sshra.s32 s25, $0x2;
	[sflag:s22] =	ssyncadd.s32 $0xFFFFC000;
	p1 =	sne.s32 s25, $0x4E00  }
0x84: {  	[spmem:s3] =	stream.indirect.scatter.add.f32 [tilespmem:s21], [sflag:$0x1], $0x80, s26, s23, $0xb8;
	[tilespmem:$0x19400] =	vst v63  }
.Ltmp6:
0x85: {  	_ = 	snop;
	(pc) =	sbr.rel @p1 .LBB2_5-.Ltmp6, $4  }
0x86: {  	_ = 	snop  }
0x87: {  	s25 =	sadd.s32 $0x200, s25  }
0x88: {  	_ =	swait.ge [sflag:s22], $0x4000  }
0x89: {  	[sflag:s22] =	ssyncset.done $0x0  }
0x8a: {  	[sflag:s22] =	ssyncadd.s32 $0xFFFFC000;
	s25 =	simm.s32 $0x0  }
0x8b: {  	[tilespmem:s25], [sflag:$0x1] =	stream.linear.gather [hbm4b:s13+s25], $0x1400, $0x38;
	[tilespmem:$0x19400] =	vst v63  }
0x8c: {  	_ =	swait.ge [sflag:s22], $0x1400  }
0x8d: {  	[sflag:s22] =	ssyncset.done $0x0  }
0x8e: {  	s31 =	simm.s32 $0x0;
	[sflag:s22] =	ssyncadd.s32 $0xFFFFEC00  }
0x8f: {  	[spmem:s3] =	stream.indirect.scatter.add.f32 [tilespmem:s21], [sflag:$0x1], $0x80, s31, s23, $0xb8;
	[tilespmem:$0x19400] =	vst v63  }
0x90: {  	_ =	swait.ge [sflag:s22], $0x4000  }
0x91: {  	s25 =	simm.s32 $0x200;
	[sflag:s22] =	ssyncset.done $0x0  }
.LBB2_7:
0x92: {  	s26 =	sshra.s32 s25, $0x2;
	[sflag:s22] =	ssyncadd.s32 $0xFFFFC000;
	p1 =	seq.s32 s25, $0x4E00  }
0x93: {  	[spmem:s3] =	stream.indirect.scatter.add.f32 [tilespmem:s21], [sflag:$0x1], $0x80, s26, s23, $0xb8;
	[tilespmem:$0x19400] =	vst v63  }
.Ltmp7:
0x94: {  	_ = 	snop;
	(pc) =	sbr.rel @!p1 .LBB2_7-.Ltmp7, $4  }
0x95: {  	_ = 	snop  }
0x96: {  	s25 =	sadd.s32 $0x200, s25  }
0x97: {  	_ =	swait.ge [sflag:s22], $0x4000  }
0x98: {  	[sflag:s22] =	ssyncset.done $0x0  }
.Ltmp8:
0x99: {  	(pc) =	sbr.rel .LBB2_12-.Ltmp8, $2  }
0x9a: {  	_ =	sdelay $0x2  }
0x9b: {  	[sflag:s22] =	ssyncadd.s32 $0xFFFFC000  }
.LBB2_13:
0x9c: {  	_ =	sfence.sel $0x180000  }
0x9d: {  	[bflag:$0x0] =	sbarrier.arrive $0xFFFF  }
0x9e: {  	p0 =	sne.s32 s2, $0x0;
	_ =	strace $0x90000047  }
0x9f: {  	s0 =	sadd.s32 @!p0 $0x100000, s0;
	[bflag:$0x2] =	sbarrier.arrive $0xFFFF  }
0xa0: {  	[sflag:s0] =	ssyncadd.tile.s32 @!p0 $0x1;
	_ =	shalt  }
.Lfunc_end2:
_tile_overlayer_lowered:
.L_overlay_start_2:
0xa1: {  	(tag) =	ssettag $0x2  }
0xa2: {  	s0 =	rddreg [dreg:$0x0];
	s2 =	stileid.u32  }
0xa3: {  	s1 =	rddreg [dreg:$0x1];
	p0 =	sne.s32 s2, $0x0  }
0xa4: {  	s3 =	rddreg [dreg:$0x2];
	[bflag:$0x3] =	sbarrier.arrive $0xFFFF;
	s2 =	simm.s32 @!p0 $0x1C01  }
0xa5: {  	[timem:s3], [sflag:s2] =	dma.local @!p0 [hbm:s0], s1  }
0xa6: {  	s0 =	simm.s32 @!p0 $0x1  }
0xa7: {  	_ =	swait.ge @!p0 [sflag:s0], s1  }
0xa8: {  	s1 =	ssub.s32 @!p0 $0x0, s1;
	[sflag:s0] =	ssyncset.done @!p0 $0x0  }
0xa9: {  	[sflag:s0] =	ssyncadd.s32 @!p0 s1  }
0xaa: {  	[bflag:$0x3] =	sbarrier.arrive $0xFFFF  }
0xab: {  	_ =	shalt  }

</sc_bundles>
